<compile_context>
chip_gen: v7x
topology: tpu7x:2x2x1
jax: 0.10.2.dev20260603
libtpu: 0.0.44.dev20260713+nightly
codegen_flags: <defaults>
</compile_context>

<pallas_src>
import functools
import jax
import jax.numpy as jnp
from jax import lax
from jax.experimental import pallas as pl
from jax.experimental.pallas import tpu as pltpu
from jax.experimental.pallas import tpu_sc as plsc

N = 10000
E = 320000
D = 128
R = 8

NS = 16
NHALF = 5120
EPT = 20480
EPAD = NS * EPT
GB = 64
NSH = 5632
STRIDE = NSH // NS
NPEL = 10256
NB_TC = 10
BN = N // NB_TC
EROWS = 2500


def _tc_pre_body(x_ref, w_ref, al_ref, ar_ref, xr_ref, s2_ref, el_ref):
    xb = x_ref[...]
    w = w_ref[0]
    xr = jnp.dot(xb, w, preferred_element_type=jnp.float32)
    xr_ref[...] = xr
    s2_ref[...] = jnp.dot(xr, ar_ref[...]).reshape(BN, 1)
    el_ref[...] = jnp.dot(xb, al_ref[...]).reshape(BN, 1)


def _phase_a(x, Wrel, attn_l, attn_r):
    return pl.pallas_call(
        _tc_pre_body,
        grid=(R, NB_TC),
        in_specs=[
            pl.BlockSpec((BN, D), lambda r, n: (n, 0)),
            pl.BlockSpec((1, D, D), lambda r, n: (r, 0, 0)),
            pl.BlockSpec((D,), lambda r, n: (0,)),
            pl.BlockSpec((D,), lambda r, n: (0,)),
        ],
        out_specs=[
            pl.BlockSpec((BN, D), lambda r, n: (r * NB_TC + n, 0)),
            pl.BlockSpec((BN, 1), lambda r, n: (r * NB_TC + n, 0)),
            pl.BlockSpec((BN, 1), lambda r, n: (n, 0)),
        ],
        out_shape=[
            jax.ShapeDtypeStruct((R * N, D), jnp.float32),
            jax.ShapeDtypeStruct((R * N, 1), jnp.float32),
            jax.ShapeDtypeStruct((N, 1), jnp.float32),
        ],
    )(x, Wrel, attn_l, attn_r)


def _tc_pack_body(src_ref, dst_ref, rt_ref, pk_ref):
    key = rt_ref[...] * N + src_ref[...]
    pk_ref[...] = key * 16384 + dst_ref[...]


def _phase_pack(src2, dst2, rt2):
    full = pl.BlockSpec((EROWS, 128), lambda: (0, 0))
    return pl.pallas_call(
        _tc_pack_body,
        grid=(),
        in_specs=[full, full, full],
        out_specs=full,
        out_shape=jax.ShapeDtypeStruct((EROWS, 128), jnp.int32),
    )(src2, dst2, rt2)


def _sc_body(xr_h, s2_h, el_h, pk_h, U_h, den_h,
             el_t, pk_t, mpk, rows, srows, kb0, kb1, lb0, lb1, pb0, pb1,
             s2b0, s2b1, zbuf,
             semr0, semr1, sems0, sems1, semu0, semu1, semd0, semd1,
             U_sh, den_sh):
    c = lax.axis_index("c")
    sid = lax.axis_index("s")
    nlo = c * NHALF
    eb = sid * EPT

    zf = jnp.zeros((16,), jnp.float32)
    zi = jnp.zeros((16,), jnp.int32)
    iota16 = lax.iota(jnp.int32, 16)
    m14 = zi + 16383
    s14 = zi + 14
    vH = zi + NHALF
    vE = zi + E
    vT = zi + NHALF
    f02 = zf + 0.2

    pltpu.sync_copy(el_h.at[pl.ds(nlo, NPEL // 2)], el_t)
    pltpu.sync_copy(pk_h.at[pl.ds(eb, EPT)], pk_t)

    @pl.loop(0, 64, unroll=8)
    def _zs(i):
        for j in range(8):
            srows[i, pl.ds(j * 16, 16)] = zf

    @pl.loop(0, STRIDE // 16, unroll=8)
    def _zb(i):
        zbuf[pl.ds(i * 16, 16)] = zf

    pltpu.sync_copy(zbuf, den_sh.at[pl.ds(sid * STRIDE, STRIDE)])
    for k in range(5):
        pltpu.sync_copy(srows.at[pl.ds(0, 64)],
                        U_sh.at[pl.ds(sid * STRIDE + k * 64, 64)])
    pltpu.sync_copy(srows.at[pl.ds(0, 32)],
                    U_sh.at[pl.ds(sid * STRIDE + 320, 32)])
    plsc.subcore_barrier()

    def fbody(i, cnt):
        pk = pk_t[pl.ds(i * 16, 16)]
        ld = (pk & m14) - nlo
        gv = (zi + (eb + i * 16)) + iota16
        msk = (ld >= zi) & (ld < vH) & (gv < vE)
        plsc.store_compressed(mpk.at[pl.ds(cnt, 16)], pk, mask=msk)
        pc = plsc.all_reduce_population_count(msk)[0]
        return cnt + pc

    m = lax.fori_loop(0, EPT // 16, fbody, jnp.int32(0))
    nb = (m + GB - 1) // GB
    mv = jnp.broadcast_to(m, (16,))

    @pl.loop(0, 9)
    def _ztail(i):
        mpk[pl.ds(m + i * 16, 16)] = zi

    def prep_issue(b, kb, rb, semr, sems, s2b):
        boff = b * GB
        for t in range(GB // 16):
            pk = mpk[pl.ds(boff + t * 16, 16)]
            kb[pl.ds(t * 16, 16)] = lax.shift_right_logical(pk, s14)
        pltpu.async_copy(xr_h.at[kb], rows.at[pl.ds(rb, GB)], semr)
        pltpu.async_copy(s2_h.at[kb], s2b, sems)

    def process(b, rb, kb, lb, pb, s2b, semr, sems, semu, semd):
        @pl.when(b >= 2)
        def _():
            pltpu.make_async_copy(srows.at[pl.ds(rb, GB)], U_sh.at[lb],
                                  semu).wait()
            pltpu.make_async_copy(pb.at[pl.ds(0, GB)], den_sh.at[lb],
                                  semd).wait()
        boff = b * GB
        pltpu.make_async_copy(s2_h.at[kb], s2b, sems).wait()
        for t in range(GB // 16):
            pk = mpk[pl.ds(boff + t * 16, 16)]
            ld = (pk & m14) - nlo
            gv = (zi + (boff + t * 16)) + iota16
            ldm = jnp.where(gv < mv, ld, vT)
            lb[pl.ds(t * 16, 16)] = ldm
            eld = plsc.load_gather(el_t, [ldm])
            lg = eld + s2b[pl.ds(t * 16, 16)]
            lr = jnp.where(lg >= zf, lg, lg * f02)
            pb[pl.ds(t * 16, 16)] = jnp.exp(lr)
        pltpu.make_async_copy(xr_h.at[kb], rows.at[pl.ds(rb, GB)],
                              semr).wait()

        @pl.loop(0, GB // 2, unroll=2)
        def _scale(i):
            i2 = 2 * i
            pva = jnp.broadcast_to(pb[pl.ds(i2, 16)][0], (16,))
            pvb = jnp.broadcast_to(pb[pl.ds(i2 + 1, 16)][0], (16,))
            va = [rows[rb + i2, pl.ds(j * 16, 16)] for j in range(8)]
            vb = [rows[rb + i2 + 1, pl.ds(j * 16, 16)] for j in range(8)]
            pa = [pva * v for v in va]
            pb2 = [pvb * v for v in vb]
            for j in range(8):
                srows[rb + i2, pl.ds(j * 16, 16)] = pa[j]
            for j in range(8):
                srows[rb + i2 + 1, pl.ds(j * 16, 16)] = pb2[j]

        pltpu.async_copy(srows.at[pl.ds(rb, GB)], U_sh.at[lb], semu,
                         add=True)
        pltpu.async_copy(pb.at[pl.ds(0, GB)], den_sh.at[lb], semd, add=True)

        @pl.when(b + 2 < nb)
        def _():
            prep_issue(b + 2, kb, rb, semr, sems, s2b)

    @pl.when(nb > 0)
    def _():
        prep_issue(0, kb0, 0, semr0, sems0, s2b0)

    @pl.when(nb > 1)
    def _():
        prep_issue(1, kb1, GB, semr1, sems1, s2b1)

    @pl.loop(0, (nb + 1) // 2)
    def _pairs(u):
        b0 = 2 * u
        b1 = 2 * u + 1
        process(b0, 0, kb0, lb0, pb0, s2b0, semr0, sems0, semu0, semd0)

        @pl.when(b1 < nb)
        def _():
            process(b1, GB, kb1, lb1, pb1, s2b1, semr1, sems1, semu1, semd1)

    @pl.when(nb > 0)
    def _():
        pltpu.make_async_copy(srows.at[pl.ds(0, GB)], U_sh.at[lb0],
                              semu0).wait()
        pltpu.make_async_copy(pb0.at[pl.ds(0, GB)], den_sh.at[lb0],
                              semd0).wait()

    @pl.when(nb > 1)
    def _():
        pltpu.make_async_copy(srows.at[pl.ds(GB, GB)], U_sh.at[lb1],
                              semu1).wait()
        pltpu.make_async_copy(pb1.at[pl.ds(0, GB)], den_sh.at[lb1],
                              semd1).wait()

    plsc.subcore_barrier()

    ob = c * NSH + sid * STRIDE
    pltpu.sync_copy(U_sh.at[pl.ds(sid * STRIDE, STRIDE)],
                    U_h.at[pl.ds(ob, STRIDE)])
    pltpu.sync_copy(den_sh.at[pl.ds(sid * STRIDE, STRIDE)], zbuf)
    pltpu.sync_copy(zbuf, den_h.at[pl.ds(ob, STRIDE)])


_sc_phase = functools.partial(
    pl.kernel,
    out_type=(
        jax.ShapeDtypeStruct((2 * NSH, D), jnp.float32),
        jax.ShapeDtypeStruct((2 * NSH,), jnp.float32),
    ),
    mesh=plsc.VectorSubcoreMesh(core_axis_name="c", subcore_axis_name="s"),
    compiler_params=pltpu.CompilerParams(needs_layout_passes=False,
                                        use_tc_tiling_on_sc=False),
    scratch_types=(
        pltpu.VMEM((NPEL // 2,), jnp.float32),
        pltpu.VMEM((EPT,), jnp.int32),
        pltpu.VMEM((EPT + 160,), jnp.int32),
        pltpu.VMEM((2 * GB, D), jnp.float32),
        pltpu.VMEM((2 * GB, D), jnp.float32),
        pltpu.VMEM((GB,), jnp.int32),
        pltpu.VMEM((GB,), jnp.int32),
        pltpu.VMEM((GB,), jnp.int32),
        pltpu.VMEM((GB,), jnp.int32),
        pltpu.VMEM((GB + 16,), jnp.float32),
        pltpu.VMEM((GB + 16,), jnp.float32),
        pltpu.VMEM((GB,), jnp.float32),
        pltpu.VMEM((GB,), jnp.float32),
        pltpu.VMEM((STRIDE,), jnp.float32),
        pltpu.SemaphoreType.DMA,
        pltpu.SemaphoreType.DMA,
        pltpu.SemaphoreType.DMA,
        pltpu.SemaphoreType.DMA,
        pltpu.SemaphoreType.DMA,
        pltpu.SemaphoreType.DMA,
        pltpu.SemaphoreType.DMA,
        pltpu.SemaphoreType.DMA,
        pltpu.VMEM_SHARED((NSH, D), jnp.float32),
        pltpu.VMEM_SHARED((NSH,), jnp.float32),
    ),
)(_sc_body)


def _tc_gru_body(x_ref, U_ref, den_ref, dm_ref, Wz_ref, Uz_ref, bz_ref,
                 Wr_ref, Ur_ref, br_ref, Wh_ref, Uh_ref, bh_ref, h_ref):
    xb = x_ref[...]
    red = U_ref[...] / (den_ref[...] + 1e-9)
    xm = xb * dm_ref[...]
    dot = lambda a, b: jnp.dot(a, b, preferred_element_type=jnp.float32)
    z = jax.nn.sigmoid(dot(xm, Wz_ref[...]) + dot(red, Uz_ref[...]) + bz_ref[...])
    r = jax.nn.sigmoid(dot(xm, Wr_ref[...]) + dot(red, Ur_ref[...]) + br_ref[...])
    htil = jnp.tanh(dot(xm * r, Wh_ref[...]) + dot(red, Uh_ref[...]) + bh_ref[...])
    h_ref[...] = (1.0 - z) * xb + z * htil


def _phase_c(x, U, den2, dm, Wz, Uz, bz, Wr, Ur, br, Wh, Uh, bh):
    mat = pl.BlockSpec((D, D), lambda n: (0, 0))
    vec = pl.BlockSpec((1, D), lambda n: (0, 0))
    big = pl.BlockSpec((BN, D), lambda n: (n, 0))
    return pl.pallas_call(
        _tc_gru_body,
        grid=(NB_TC,),
        in_specs=[big, big, pl.BlockSpec((BN, 1), lambda n: (n, 0)), vec,
                  mat, mat, vec, mat, mat, vec, mat, mat, vec],
        out_specs=big,
        out_shape=jax.ShapeDtypeStruct((N, D), jnp.float32),
    )(x, U, den2, dm, Wz, Uz, bz, Wr, Ur, br, Wh, Uh, bh)


def kernel(x, edge_index, edge_type, Wrel, attn_l, attn_r, Wz, Uz, bz,
           Wr, Ur, br, Wh, Uh, bh, dropout_mask, step):
    xr_flat, s2_rn, el_n1 = _phase_a(x, Wrel, attn_l, attn_r)
    s2_flat = s2_rn.reshape(-1)
    el_pad = jnp.pad(el_n1.reshape(-1), (0, NPEL - N))
    src2 = edge_index[0].reshape(EROWS, 128)
    dst2 = edge_index[1].reshape(EROWS, 128)
    rt2 = edge_type.reshape(EROWS, 128)
    pk = _phase_pack(src2, dst2, rt2).reshape(-1)
    pk_pad = jnp.pad(pk, (0, EPAD - E))
    U_pair, den_pair = _sc_phase(xr_flat, s2_flat, el_pad, pk_pad)
    U = jnp.concatenate(
        [U_pair[:NHALF], U_pair[NSH:NSH + N - NHALF]], axis=0)
    den = jnp.concatenate(
        [den_pair[:NHALF], den_pair[NSH:NSH + N - NHALF]])
    den2 = den[:, None]
    return _phase_c(x, U, den2, dropout_mask.reshape(1, D), Wz, Uz,
                    bz.reshape(1, D), Wr, Ur, br.reshape(1, D), Wh, Uh,
                    bh.reshape(1, D))

# --- scband reference (transcript-rebuilt; emitter-appended) ---
"""Pipeline reference for scband-rgatcell-stack-59210419143207 (READ-ONLY COPY).

The authoritative reference and input builder live on the scoring server;
editing this copy changes nothing except your own understanding.
"""

import jax, jax.numpy as jnp
import numpy as np

N = 10000
E = 320000
D = 128
R = 8

def setup_inputs(seed: int = 0) -> dict:
    key = jax.random.key(seed)
    ks = jax.random.split(key, 16)
    s = 1.0 / np.sqrt(D)
    x = jax.random.normal(ks[0], (N, D), dtype=jnp.float32)
    edge_index = jax.random.randint(ks[1], (2, E), 0, N, dtype=jnp.int32)
    edge_type = jax.random.randint(ks[2], (E,), 0, R, dtype=jnp.int32)
    Wrel = jax.random.normal(ks[3], (R, D, D), dtype=jnp.float32) * s
    attn_l = jax.random.normal(ks[4], (D,), dtype=jnp.float32) * s
    attn_r = jax.random.normal(ks[5], (D,), dtype=jnp.float32) * s
    Wz = jax.random.normal(ks[6], (D, D), dtype=jnp.float32) * s
    Uz = jax.random.normal(ks[7], (D, D), dtype=jnp.float32) * s
    bz = jnp.zeros((D,), dtype=jnp.float32)
    Wr = jax.random.normal(ks[8], (D, D), dtype=jnp.float32) * s
    Ur = jax.random.normal(ks[9], (D, D), dtype=jnp.float32) * s
    br = jnp.zeros((D,), dtype=jnp.float32)
    Wh = jax.random.normal(ks[10], (D, D), dtype=jnp.float32) * s
    Uh = jax.random.normal(ks[11], (D, D), dtype=jnp.float32) * s
    bh = jnp.zeros((D,), dtype=jnp.float32)
    dropout_mask = jnp.ones((D,), dtype=jnp.float32)
    return {"x": x, "edge_index": edge_index, "edge_type": edge_type, "Wrel": Wrel,
            "attn_l": attn_l, "attn_r": attn_r, "Wz": Wz, "Uz": Uz, "bz": bz,
            "Wr": Wr, "Ur": Ur, "br": br, "Wh": Wh, "Uh": Uh, "bh": bh,
            "dropout_mask": dropout_mask, "step": 0}


def reference(x, edge_index, edge_type, Wrel, attn_l, attn_r, Wz, Uz, bz, Wr, Ur, br, Wh, Uh, bh, dropout_mask, step=0):
    src = edge_index[0]
    dst = edge_index[1]
    # message_func: relation-specific transform of source node states (RGAT cell for this step)
    xr = jnp.einsum('nd,rdk->rnk', x, Wrel)          # [R, N, D]
    msg = xr[edge_type, src]                          # [E, D] gather by (rel, src)
    # attention logits (GAT-style, per destination)
    el = jnp.sum(x * attn_l, axis=-1)                 # [N]
    er = jnp.sum(msg * attn_r, axis=-1)               # [E]
    logits = jax.nn.leaky_relu(el[dst] + er, negative_slope=0.2)
    # reduce_func: segment softmax over incoming edges + weighted sum
    m = jax.ops.segment_max(logits, dst, num_segments=N)
    m = jnp.where(jnp.isneginf(m), 0.0, m)
    p = jnp.exp(logits - m[dst])
    denom = jax.ops.segment_sum(p, dst, num_segments=N)
    alpha = p / (denom[dst] + 1e-9)
    red = jax.ops.segment_sum(alpha[:, None] * msg, dst, num_segments=N)  # [N, D]
    # apply_node_func: GRU-style node state update with shared dropout mask
    xm = x * dropout_mask
    z = jax.nn.sigmoid(xm @ Wz + red @ Uz + bz)
    r = jax.nn.sigmoid(xm @ Wr + red @ Ur + br)
    htil = jnp.tanh((xm * r) @ Wh + red @ Uh + bh)
    h_new = (1.0 - z) * x + z * htil
    return h_new

if __name__ == "__main__":
    import jax
    _d = setup_inputs()
    print(jax.jit(kernel)(*tuple(_d.values())))

</pallas_src>

<mosaic_0001>
#map = affine_map<(d0, d1) -> (0, 0)>
#map1 = affine_map<(d0, d1) -> (0)>
module attributes {stable_mosaic.version = 14 : i64} {
  func.func @_sc_body(%arg0: i32, %arg1: i32, %arg2: memref<80000x128xf32, #tpu.memory_space<hbm>>, %arg3: memref<80000xf32, #tpu.memory_space<hbm>>, %arg4: memref<10256xf32, #tpu.memory_space<hbm>>, %arg5: memref<327680xi32, #tpu.memory_space<hbm>>, %arg6: memref<11264x128xf32, #tpu.memory_space<hbm>>, %arg7: memref<11264xf32, #tpu.memory_space<hbm>>, %arg8: memref<5128xf32, #tpu.memory_space<vmem>>, %arg9: memref<20480xi32, #tpu.memory_space<vmem>>, %arg10: memref<20640xi32, #tpu.memory_space<vmem>>, %arg11: memref<128x128xf32, #tpu.memory_space<vmem>>, %arg12: memref<128x128xf32, #tpu.memory_space<vmem>>, %arg13: memref<64xi32, #tpu.memory_space<vmem>>, %arg14: memref<64xi32, #tpu.memory_space<vmem>>, %arg15: memref<64xi32, #tpu.memory_space<vmem>>, %arg16: memref<64xi32, #tpu.memory_space<vmem>>, %arg17: memref<80xf32, #tpu.memory_space<vmem>>, %arg18: memref<80xf32, #tpu.memory_space<vmem>>, %arg19: memref<64xf32, #tpu.memory_space<vmem>>, %arg20: memref<64xf32, #tpu.memory_space<vmem>>, %arg21: memref<352xf32, #tpu.memory_space<vmem>>, %arg22: memref<!tpu.dma_semaphore, #tpu.memory_space<semaphore_mem>>, %arg23: memref<!tpu.dma_semaphore, #tpu.memory_space<semaphore_mem>>, %arg24: memref<!tpu.dma_semaphore, #tpu.memory_space<semaphore_mem>>, %arg25: memref<!tpu.dma_semaphore, #tpu.memory_space<semaphore_mem>>, %arg26: memref<!tpu.dma_semaphore, #tpu.memory_space<semaphore_mem>>, %arg27: memref<!tpu.dma_semaphore, #tpu.memory_space<semaphore_mem>>, %arg28: memref<!tpu.dma_semaphore, #tpu.memory_space<semaphore_mem>>, %arg29: memref<!tpu.dma_semaphore, #tpu.memory_space<semaphore_mem>>, %arg30: memref<5632x128xf32, #tpu.memory_space<vmem_shared>>, %arg31: memref<5632xf32, #tpu.memory_space<vmem_shared>>) attributes {dimension_semantics = [#tpu.dimension_semantics<core_parallel>, #tpu.dimension_semantics<subcore_parallel>], iteration_bounds = array<i64: 2, 16>, scalar_prefetch = 0 : i64, scratch_operands = 24 : i64, tpu.core_type = #tpu.core_type<sc_vector_subcore>, window_params = [{transform_indices = #map}, {transform_indices = #map1}, {transform_indices = #map1}, {transform_indices = #map1}, {transform_indices = #map}, {transform_indices = #map1}]} {
    %mul3A = arith.constant 5120 : i32
    %mul3A_0 = arith.muli %arg0, %mul3A : i32
    %mul3A_1 = arith.constant 20480 : i32
    %mul3A_2 = arith.muli %arg1, %mul3A_1 : i32
    %broadcast_in_dim3A = arith.constant 0.000000e+00 : f32
    %broadcast_in_dim3A_3 = vector.broadcast %broadcast_in_dim3A : f32 to vector<16xf32>
    %broadcast_in_dim3A_4 = arith.constant 0 : i32
    %broadcast_in_dim3A_5 = vector.broadcast %broadcast_in_dim3A_4 : i32 to vector<16xi32>
    %iota3A = tpu.iota {dimensions = array<i32: 0>} : vector<16xi32>
    %add3A = arith.constant 16383 : i32
    %add3A_6 = vector.broadcast %add3A : i32 to vector<16xi32>
    %add3A_7 = arith.addi %broadcast_in_dim3A_5, %add3A_6 : vector<16xi32>
    %add3A_8 = arith.constant 14 : i32
    %add3A_9 = vector.broadcast %add3A_8 : i32 to vector<16xi32>
    %add3A_10 = arith.addi %broadcast_in_dim3A_5, %add3A_9 : vector<16xi32>
    %add3A_11 = arith.constant 5120 : i32
    %add3A_12 = vector.broadcast %add3A_11 : i32 to vector<16xi32>
    %add3A_13 = arith.addi %broadcast_in_dim3A_5, %add3A_12 : vector<16xi32>
    %add3A_14 = arith.constant 320000 : i32
    %add3A_15 = vector.broadcast %add3A_14 : i32 to vector<16xi32>
    %add3A_16 = arith.addi %broadcast_in_dim3A_5, %add3A_15 : vector<16xi32>
    %add3A_17 = arith.constant 5120 : i32
    %add3A_18 = vector.broadcast %add3A_17 : i32 to vector<16xi32>
    %add3A_19 = arith.addi %broadcast_in_dim3A_5, %add3A_18 : vector<16xi32>
    %add3A_20 = arith.constant 2.000000e-01 : f32
    %add3A_21 = vector.broadcast %add3A_20 : f32 to vector<16xf32>
    %add3A_22 = arith.addf %broadcast_in_dim3A_3, %add3A_21 : vector<16xf32>
    "tpu.region"() ({
      %run_scoped3A = tpu.sem_alloc : memref<!tpu.dma_semaphore, #tpu.memory_space<semaphore_mem>>
      %dma_start3A = tpu.memref_slice %arg4[%mul3A_0] : memref<10256xf32, #tpu.memory_space<hbm>> -> memref<5128xf32, #tpu.memory_space<hbm>>
      %dma_start3A_221 = tpu.memref_slice %arg4[%mul3A_0] : memref<10256xf32, #tpu.memory_space<hbm>> -> memref<5128xf32, #tpu.memory_space<hbm>>
      tpu.enqueue_dma source(%dma_start3A_221 : memref<5128xf32, #tpu.memory_space<hbm>>) target(%arg8 : memref<5128xf32, #tpu.memory_space<vmem>>) target_semaphore(%run_scoped3A : memref<!tpu.dma_semaphore, #tpu.memory_space<semaphore_mem>>)
      %dma_wait3A = tpu.memref_slice %arg4[%mul3A_0] : memref<10256xf32, #tpu.memory_space<hbm>> -> memref<5128xf32, #tpu.memory_space<hbm>>
      %dma_wait3A_222 = tpu.memref_slice %arg4[%mul3A_0] : memref<10256xf32, #tpu.memory_space<hbm>> -> memref<5128xf32, #tpu.memory_space<hbm>>
      tpu.wait_dma2 semaphore(%run_scoped3A : memref<!tpu.dma_semaphore, #tpu.memory_space<semaphore_mem>>) src(%dma_wait3A_222 : memref<5128xf32, #tpu.memory_space<hbm>>) dst(%arg8 : memref<5128xf32, #tpu.memory_space<vmem>>)
      tpu.yield
    }) : () -> ()
    "tpu.region"() ({
      %run_scoped3A = tpu.sem_alloc : memref<!tpu.dma_semaphore, #tpu.memory_space<semaphore_mem>>
      %dma_start3A = tpu.memref_slice %arg5[%mul3A_2] : memref<327680xi32, #tpu.memory_space<hbm>> -> memref<20480xi32, #tpu.memory_space<hbm>>
      %dma_start3A_221 = tpu.memref_slice %arg5[%mul3A_2] : memref<327680xi32, #tpu.memory_space<hbm>> -> memref<20480xi32, #tpu.memory_space<hbm>>
      tpu.enqueue_dma source(%dma_start3A_221 : memref<20480xi32, #tpu.memory_space<hbm>>) target(%arg9 : memref<20480xi32, #tpu.memory_space<vmem>>) target_semaphore(%run_scoped3A : memref<!tpu.dma_semaphore, #tpu.memory_space<semaphore_mem>>)
      %dma_wait3A = tpu.memref_slice %arg5[%mul3A_2] : memref<327680xi32, #tpu.memory_space<hbm>> -> memref<20480xi32, #tpu.memory_space<hbm>>
      %dma_wait3A_222 = tpu.memref_slice %arg5[%mul3A_2] : memref<327680xi32, #tpu.memory_space<hbm>> -> memref<20480xi32, #tpu.memory_space<hbm>>
      tpu.wait_dma2 semaphore(%run_scoped3A : memref<!tpu.dma_semaphore, #tpu.memory_space<semaphore_mem>>) src(%dma_wait3A_222 : memref<20480xi32, #tpu.memory_space<hbm>>) dst(%arg9 : memref<20480xi32, #tpu.memory_space<vmem>>)
      tpu.yield
    }) : () -> ()
    %scan3A = arith.constant 0 : i32
    %scan3A_23 = arith.constant 64 : i32
    %scan3A_24 = arith.addi %scan3A, %scan3A_23 : i32
    %scan3A_25 = arith.constant 8 : i32
    scf.for %scan3A_221 = %scan3A to %scan3A_24 step %scan3A_25  : i32 {
      %mul3A_222 = arith.constant 1 : i32
      %mul3A_223 = arith.muli %scan3A_221, %mul3A_222 : i32
      %add3A_224 = arith.constant 0 : i32
      %add3A_225 = arith.addi %add3A_224, %mul3A_223 : i32
      %swap3A_226 = arith.index_cast %add3A_225 : i32 to index
      %swap3A_227 = arith.constant 0 : index
      %swap3A_228 = tpu.vector_load %arg12[%swap3A_226, %swap3A_227] {strides = array<i32>} : memref<128x128xf32, #tpu.memory_space<vmem>>, vector<16xf32>,
      tpu.vector_store %arg12[%swap3A_226, %swap3A_227], %broadcast_in_dim3A_3 {strides = array<i32>} : memref<128x128xf32, #tpu.memory_space<vmem>>, vector<16xf32>,
      %swap3A_229 = arith.index_cast %add3A_225 : i32 to index
      %swap3A_230 = arith.constant 16 : index
      %swap3A_231 = tpu.vector_load %arg12[%swap3A_229, %swap3A_230] {strides = array<i32>} : memref<128x128xf32, #tpu.memory_space<vmem>>, vector<16xf32>,
      tpu.vector_store %arg12[%swap3A_229, %swap3A_230], %broadcast_in_dim3A_3 {strides = array<i32>} : memref<128x128xf32, #tpu.memory_space<vmem>>, vector<16xf32>,
      %swap3A_232 = arith.index_cast %add3A_225 : i32 to index
      %swap3A_233 = arith.constant 32 : index
      %swap3A_234 = tpu.vector_load %arg12[%swap3A_232, %swap3A_233] {strides = array<i32>} : memref<128x128xf32, #tpu.memory_space<vmem>>, vector<16xf32>,
      tpu.vector_store %arg12[%swap3A_232, %swap3A_233], %broadcast_in_dim3A_3 {strides = array<i32>} : memref<128x128xf32, #tpu.memory_space<vmem>>, vector<16xf32>,
      %swap3A_235 = arith.index_cast %add3A_225 : i32 to index
      %swap3A_236 = arith.constant 48 : index
      %swap3A_237 = tpu.vector_load %arg12[%swap3A_235, %swap3A_236] {strides = array<i32>} : memref<128x128xf32, #tpu.memory_space<vmem>>, vector<16xf32>,
      tpu.vector_store %arg12[%swap3A_235, %swap3A_236], %broadcast_in_dim3A_3 {strides = array<i32>} : memref<128x128xf32, #tpu.memory_space<vmem>>, vector<16xf32>,
      %swap3A_238 = arith.index_cast %add3A_225 : i32 to index
      %swap3A_239 = arith.constant 64 : index
      %swap3A_240 = tpu.vector_load %arg12[%swap3A_238, %swap3A_239] {strides = array<i32>} : memref<128x128xf32, #tpu.memory_space<vmem>>, vector<16xf32>,
      tpu.vector_store %arg12[%swap3A_238, %swap3A_239], %broadcast_in_dim3A_3 {strides = array<i32>} : memref<128x128xf32, #tpu.memory_space<vmem>>, vector<16xf32>,
      %swap3A_241 = arith.index_cast %add3A_225 : i32 to index
      %swap3A_242 = arith.constant 80 : index
      %swap3A_243 = tpu.vector_load %arg12[%swap3A_241, %swap3A_242] {strides = array<i32>} : memref<128x128xf32, #tpu.memory_space<vmem>>, vector<16xf32>,
      tpu.vector_store %arg12[%swap3A_241, %swap3A_242], %broadcast_in_dim3A_3 {strides = array<i32>} : memref<128x128xf32, #tpu.memory_space<vmem>>, vector<16xf32>,
      %swap3A_244 = arith.index_cast %add3A_225 : i32 to index
      %swap3A_245 = arith.constant 96 : index
      %swap3A_246 = tpu.vector_load %arg12[%swap3A_244, %swap3A_245] {strides = array<i32>} : memref<128x128xf32, #tpu.memory_space<vmem>>, vector<16xf32>,
      tpu.vector_store %arg12[%swap3A_244, %swap3A_245], %broadcast_in_dim3A_3 {strides = array<i32>} : memref<128x128xf32, #tpu.memory_space<vmem>>, vector<16xf32>,
      %swap3A_247 = arith.index_cast %add3A_225 : i32 to index
      %swap3A_248 = arith.constant 112 : index
      %swap3A_249 = tpu.vector_load %arg12[%swap3A_247, %swap3A_248] {strides = array<i32>} : memref<128x128xf32, #tpu.memory_space<vmem>>, vector<16xf32>,
      tpu.vector_store %arg12[%swap3A_247, %swap3A_248], %broadcast_in_dim3A_3 {strides = array<i32>} : memref<128x128xf32, #tpu.memory_space<vmem>>, vector<16xf32>,
      %scan3A_250 = arith.constant 1 : i32
      %scan3A_251 = arith.addi %scan3A_221, %scan3A_250 : i32
      %mul3A_252 = arith.constant 1 : i32
      %mul3A_253 = arith.muli %scan3A_251, %mul3A_252 : i32
      %add3A_254 = arith.constant 0 : i32
      %add3A_255 = arith.addi %add3A_254, %mul3A_253 : i32
      %swap3A_256 = arith.index_cast %add3A_255 : i32 to index
      %swap3A_257 = arith.constant 0 : index
      %swap3A_258 = tpu.vector_load %arg12[%swap3A_256, %swap3A_257] {strides = array<i32>} : memref<128x128xf32, #tpu.memory_space<vmem>>, vector<16xf32>,
      tpu.vector_store %arg12[%swap3A_256, %swap3A_257], %broadcast_in_dim3A_3 {strides = array<i32>} : memref<128x128xf32, #tpu.memory_space<vmem>>, vector<16xf32>,
      %swap3A_259 = arith.index_cast %add3A_255 : i32 to index
      %swap3A_260 = arith.constant 16 : index
      %swap3A_261 = tpu.vector_load %arg12[%swap3A_259, %swap3A_260] {strides = array<i32>} : memref<128x128xf32, #tpu.memory_space<vmem>>, vector<16xf32>,
      tpu.vector_store %arg12[%swap3A_259, %swap3A_260], %broadcast_in_dim3A_3 {strides = array<i32>} : memref<128x128xf32, #tpu.memory_space<vmem>>, vector<16xf32>,
      %swap3A_262 = arith.index_cast %add3A_255 : i32 to index
      %swap3A_263 = arith.constant 32 : index
      %swap3A_264 = tpu.vector_load %arg12[%swap3A_262, %swap3A_263] {strides = array<i32>} : memref<128x128xf32, #tpu.memory_space<vmem>>, vector<16xf32>,
      tpu.vector_store %arg12[%swap3A_262, %swap3A_263], %broadcast_in_dim3A_3 {strides = array<i32>} : memref<128x128xf32, #tpu.memory_space<vmem>>, vector<16xf32>,
      %swap3A_265 = arith.index_cast %add3A_255 : i32 to index
      %swap3A_266 = arith.constant 48 : index
      %swap3A_267 = tpu.vector_load %arg12[%swap3A_265, %swap3A_266] {strides = array<i32>} : memref<128x128xf32, #tpu.memory_space<vmem>>, vector<16xf32>,
      tpu.vector_store %arg12[%swap3A_265, %swap3A_266], %broadcast_in_dim3A_3 {strides = array<i32>} : memref<128x128xf32, #tpu.memory_space<vmem>>, vector<16xf32>,
      %swap3A_268 = arith.index_cast %add3A_255 : i32 to index
      %swap3A_269 = arith.constant 64 : index
      %swap3A_270 = tpu.vector_load %arg12[%swap3A_268, %swap3A_269] {strides = array<i32>} : memref<128x128xf32, #tpu.memory_space<vmem>>, vector<16xf32>,
      tpu.vector_store %arg12[%swap3A_268, %swap3A_269], %broadcast_in_dim3A_3 {strides = array<i32>} : memref<128x128xf32, #tpu.memory_space<vmem>>, vector<16xf32>,
      %swap3A_271 = arith.index_cast %add3A_255 : i32 to index
      %swap3A_272 = arith.constant 80 : index
      %swap3A_273 = tpu.vector_load %arg12[%swap3A_271, %swap3A_272] {strides = array<i32>} : memref<128x128xf32, #tpu.memory_space<vmem>>, vector<16xf32>,
      tpu.vector_store %arg12[%swap3A_271, %swap3A_272], %broadcast_in_dim3A_3 {strides = array<i32>} : memref<128x128xf32, #tpu.memory_space<vmem>>, vector<16xf32>,
      %swap3A_274 = arith.index_cast %add3A_255 : i32 to index
      %swap3A_275 = arith.constant 96 : index
      %swap3A_276 = tpu.vector_load %arg12[%swap3A_274, %swap3A_275] {strides = array<i32>} : memref<128x128xf32, #tpu.memory_space<vmem>>, vector<16xf32>,
      tpu.vector_store %arg12[%swap3A_274, %swap3A_275], %broadcast_in_dim3A_3 {strides = array<i32>} : memref<128x128xf32, #tpu.memory_space<vmem>>, vector<16xf32>,
      %swap3A_277 = arith.index_cast %add3A_255 : i32 to index
      %swap3A_278 = arith.constant 112 : index
      %swap3A_279 = tpu.vector_load %arg12[%swap3A_277, %swap3A_278] {strides = array<i32>} : memref<128x128xf32, #tpu.memory_space<vmem>>, vector<16xf32>,
      tpu.vector_store %arg12[%swap3A_277, %swap3A_278], %broadcast_in_dim3A_3 {strides = array<i32>} : memref<128x128xf32, #tpu.memory_space<vmem>>, vector<16xf32>,
      %scan3A_280 = arith.constant 2 : i32
      %scan3A_281 = arith.addi %scan3A_221, %scan3A_280 : i32
      %mul3A_282 = arith.constant 1 : i32
      %mul3A_283 = arith.muli %scan3A_281, %mul3A_282 : i32
      %add3A_284 = arith.constant 0 : i32
      %add3A_285 = arith.addi %add3A_284, %mul3A_283 : i32
      %swap3A_286 = arith.index_cast %add3A_285 : i32 to index
      %swap3A_287 = arith.constant 0 : index
      %swap3A_288 = tpu.vector_load %arg12[%swap3A_286, %swap3A_287] {strides = array<i32>} : memref<128x128xf32, #tpu.memory_space<vmem>>, vector<16xf32>,
      tpu.vector_store %arg12[%swap3A_286, %swap3A_287], %broadcast_in_dim3A_3 {strides = array<i32>} : memref<128x128xf32, #tpu.memory_space<vmem>>, vector<16xf32>,
      %swap3A_289 = arith.index_cast %add3A_285 : i32 to index
      %swap3A_290 = arith.constant 16 : index
      %swap3A_291 = tpu.vector_load %arg12[%swap3A_289, %swap3A_290] {strides = array<i32>} : memref<128x128xf32, #tpu.memory_space<vmem>>, vector<16xf32>,
      tpu.vector_store %arg12[%swap3A_289, %swap3A_290], %broadcast_in_dim3A_3 {strides = array<i32>} : memref<128x128xf32, #tpu.memory_space<vmem>>, vector<16xf32>,
      %swap3A_292 = arith.index_cast %add3A_285 : i32 to index
      %swap3A_293 = arith.constant 32 : index
      %swap3A_294 = tpu.vector_load %arg12[%swap3A_292, %swap3A_293] {strides = array<i32>} : memref<128x128xf32, #tpu.memory_space<vmem>>, vector<16xf32>,
      tpu.vector_store %arg12[%swap3A_292, %swap3A_293], %broadcast_in_dim3A_3 {strides = array<i32>} : memref<128x128xf32, #tpu.memory_space<vmem>>, vector<16xf32>,
      %swap3A_295 = arith.index_cast %add3A_285 : i32 to index
      %swap3A_296 = arith.constant 48 : index
      %swap3A_297 = tpu.vector_load %arg12[%swap3A_295, %swap3A_296] {strides = array<i32>} : memref<128x128xf32, #tpu.memory_space<vmem>>, vector<16xf32>,
      tpu.vector_store %arg12[%swap3A_295, %swap3A_296], %broadcast_in_dim3A_3 {strides = array<i32>} : memref<128x128xf32, #tpu.memory_space<vmem>>, vector<16xf32>,
      %swap3A_298 = arith.index_cast %add3A_285 : i32 to index
      %swap3A_299 = arith.constant 64 : index
      %swap3A_300 = tpu.vector_load %arg12[%swap3A_298, %swap3A_299] {strides = array<i32>} : memref<128x128xf32, #tpu.memory_space<vmem>>, vector<16xf32>,
      tpu.vector_store %arg12[%swap3A_298, %swap3A_299], %broadcast_in_dim3A_3 {strides = array<i32>} : memref<128x128xf32, #tpu.memory_space<vmem>>, vector<16xf32>,
      %swap3A_301 = arith.index_cast %add3A_285 : i32 to index
      %swap3A_302 = arith.constant 80 : index
      %swap3A_303 = tpu.vector_load %arg12[%swap3A_301, %swap3A_302] {strides = array<i32>} : memref<128x128xf32, #tpu.memory_space<vmem>>, vector<16xf32>,
      tpu.vector_store %arg12[%swap3A_301, %swap3A_302], %broadcast_in_dim3A_3 {strides = array<i32>} : memref<128x128xf32, #tpu.memory_space<vmem>>, vector<16xf32>,
      %swap3A_304 = arith.index_cast %add3A_285 : i32 to index
      %swap3A_305 = arith.constant 96 : index
      %swap3A_306 = tpu.vector_load %arg12[%swap3A_304, %swap3A_305] {strides = array<i32>} : memref<128x128xf32, #tpu.memory_space<vmem>>, vector<16xf32>,
      tpu.vector_store %arg12[%swap3A_304, %swap3A_305], %broadcast_in_dim3A_3 {strides = array<i32>} : memref<128x128xf32, #tpu.memory_space<vmem>>, vector<16xf32>,
      %swap3A_307 = arith.index_cast %add3A_285 : i32 to index
      %swap3A_308 = arith.constant 112 : index
      %swap3A_309 = tpu.vector_load %arg12[%swap3A_307, %swap3A_308] {strides = array<i32>} : memref<128x128xf32, #tpu.memory_space<vmem>>, vector<16xf32>,
      tpu.vector_store %arg12[%swap3A_307, %swap3A_308], %broadcast_in_dim3A_3 {strides = array<i32>} : memref<128x128xf32, #tpu.memory_space<vmem>>, vector<16xf32>,
      %scan3A_310 = arith.constant 3 : i32
      %scan3A_311 = arith.addi %scan3A_221, %scan3A_310 : i32
      %mul3A_312 = arith.constant 1 : i32
      %mul3A_313 = arith.muli %scan3A_311, %mul3A_312 : i32
      %add3A_314 = arith.constant 0 : i32
      %add3A_315 = arith.addi %add3A_314, %mul3A_313 : i32
      %swap3A_316 = arith.index_cast %add3A_315 : i32 to index
      %swap3A_317 = arith.constant 0 : index
      %swap3A_318 = tpu.vector_load %arg12[%swap3A_316, %swap3A_317] {strides = array<i32>} : memref<128x128xf32, #tpu.memory_space<vmem>>, vector<16xf32>,
      tpu.vector_store %arg12[%swap3A_316, %swap3A_317], %broadcast_in_dim3A_3 {strides = array<i32>} : memref<128x128xf32, #tpu.memory_space<vmem>>, vector<16xf32>,
      %swap3A_319 = arith.index_cast %add3A_315 : i32 to index
      %swap3A_320 = arith.constant 16 : index
      %swap3A_321 = tpu.vector_load %arg12[%swap3A_319, %swap3A_320] {strides = array<i32>} : memref<128x128xf32, #tpu.memory_space<vmem>>, vector<16xf32>,
      tpu.vector_store %arg12[%swap3A_319, %swap3A_320], %broadcast_in_dim3A_3 {strides = array<i32>} : memref<128x128xf32, #tpu.memory_space<vmem>>, vector<16xf32>,
      %swap3A_322 = arith.index_cast %add3A_315 : i32 to index
      %swap3A_323 = arith.constant 32 : index
      %swap3A_324 = tpu.vector_load %arg12[%swap3A_322, %swap3A_323] {strides = array<i32>} : memref<128x128xf32, #tpu.memory_space<vmem>>, vector<16xf32>,
      tpu.vector_store %arg12[%swap3A_322, %swap3A_323], %broadcast_in_dim3A_3 {strides = array<i32>} : memref<128x128xf32, #tpu.memory_space<vmem>>, vector<16xf32>,
      %swap3A_325 = arith.index_cast %add3A_315 : i32 to index
      %swap3A_326 = arith.constant 48 : index
      %swap3A_327 = tpu.vector_load %arg12[%swap3A_325, %swap3A_326] {strides = array<i32>} : memref<128x128xf32, #tpu.memory_space<vmem>>, vector<16xf32>,
      tpu.vector_store %arg12[%swap3A_325, %swap3A_326], %broadcast_in_dim3A_3 {strides = array<i32>} : memref<128x128xf32, #tpu.memory_space<vmem>>, vector<16xf32>,
      %swap3A_328 = arith.index_cast %add3A_315 : i32 to index
      %swap3A_329 = arith.constant 64 : index
      %swap3A_330 = tpu.vector_load %arg12[%swap3A_328, %swap3A_329] {strides = array<i32>} : memref<128x128xf32, #tpu.memory_space<vmem>>, vector<16xf32>,
      tpu.vector_store %arg12[%swap3A_328, %swap3A_329], %broadcast_in_dim3A_3 {strides = array<i32>} : memref<128x128xf32, #tpu.memory_space<vmem>>, vector<16xf32>,
      %swap3A_331 = arith.index_cast %add3A_315 : i32 to index
      %swap3A_332 = arith.constant 80 : index
      %swap3A_333 = tpu.vector_load %arg12[%swap3A_331, %swap3A_332] {strides = array<i32>} : memref<128x128xf32, #tpu.memory_space<vmem>>, vector<16xf32>,
      tpu.vector_store %arg12[%swap3A_331, %swap3A_332], %broadcast_in_dim3A_3 {strides = array<i32>} : memref<128x128xf32, #tpu.memory_space<vmem>>, vector<16xf32>,
      %swap3A_334 = arith.index_cast %add3A_315 : i32 to index
      %swap3A_335 = arith.constant 96 : index
      %swap3A_336 = tpu.vector_load %arg12[%swap3A_334, %swap3A_335] {strides = array<i32>} : memref<128x128xf32, #tpu.memory_space<vmem>>, vector<16xf32>,
      tpu.vector_store %arg12[%swap3A_334, %swap3A_335], %broadcast_in_dim3A_3 {strides = array<i32>} : memref<128x128xf32, #tpu.memory_space<vmem>>, vector<16xf32>,
      %swap3A_337 = arith.index_cast %add3A_315 : i32 to index
      %swap3A_338 = arith.constant 112 : index
      %swap3A_339 = tpu.vector_load %arg12[%swap3A_337, %swap3A_338] {strides = array<i32>} : memref<128x128xf32, #tpu.memory_space<vmem>>, vector<16xf32>,
      tpu.vector_store %arg12[%swap3A_337, %swap3A_338], %broadcast_in_dim3A_3 {strides = array<i32>} : memref<128x128xf32, #tpu.memory_space<vmem>>, vector<16xf32>,
      %scan3A_340 = arith.constant 4 : i32
      %scan3A_341 = arith.addi %scan3A_221, %scan3A_340 : i32
      %mul3A_342 = arith.constant 1 : i32
      %mul3A_343 = arith.muli %scan3A_341, %mul3A_342 : i32
      %add3A_344 = arith.constant 0 : i32
      %add3A_345 = arith.addi %add3A_344, %mul3A_343 : i32
      %swap3A_346 = arith.index_cast %add3A_345 : i32 to index
      %swap3A_347 = arith.constant 0 : index
      %swap3A_348 = tpu.vector_load %arg12[%swap3A_346, %swap3A_347] {strides = array<i32>} : memref<128x128xf32, #tpu.memory_space<vmem>>, vector<16xf32>,
      tpu.vector_store %arg12[%swap3A_346, %swap3A_347], %broadcast_in_dim3A_3 {strides = array<i32>} : memref<128x128xf32, #tpu.memory_space<vmem>>, vector<16xf32>,
      %swap3A_349 = arith.index_cast %add3A_345 : i32 to index
      %swap3A_350 = arith.constant 16 : index
      %swap3A_351 = tpu.vector_load %arg12[%swap3A_349, %swap3A_350] {strides = array<i32>} : memref<128x128xf32, #tpu.memory_space<vmem>>, vector<16xf32>,
      tpu.vector_store %arg12[%swap3A_349, %swap3A_350], %broadcast_in_dim3A_3 {strides = array<i32>} : memref<128x128xf32, #tpu.memory_space<vmem>>, vector<16xf32>,
      %swap3A_352 = arith.index_cast %add3A_345 : i32 to index
      %swap3A_353 = arith.constant 32 : index
      %swap3A_354 = tpu.vector_load %arg12[%swap3A_352, %swap3A_353] {strides = array<i32>} : memref<128x128xf32, #tpu.memory_space<vmem>>, vector<16xf32>,
      tpu.vector_store %arg12[%swap3A_352, %swap3A_353], %broadcast_in_dim3A_3 {strides = array<i32>} : memref<128x128xf32, #tpu.memory_space<vmem>>, vector<16xf32>,
      %swap3A_355 = arith.index_cast %add3A_345 : i32 to index
      %swap3A_356 = arith.constant 48 : index
      %swap3A_357 = tpu.vector_load %arg12[%swap3A_355, %swap3A_356] {strides = array<i32>} : memref<128x128xf32, #tpu.memory_space<vmem>>, vector<16xf32>,
      tpu.vector_store %arg12[%swap3A_355, %swap3A_356], %broadcast_in_dim3A_3 {strides = array<i32>} : memref<128x128xf32, #tpu.memory_space<vmem>>, vector<16xf32>,
      %swap3A_358 = arith.index_cast %add3A_345 : i32 to index
      %swap3A_359 = arith.constant 64 : index
      %swap3A_360 = tpu.vector_load %arg12[%swap3A_358, %swap3A_359] {strides = array<i32>} : memref<128x128xf32, #tpu.memory_space<vmem>>, vector<16xf32>,
      tpu.vector_store %arg12[%swap3A_358, %swap3A_359], %broadcast_in_dim3A_3 {strides = array<i32>} : memref<128x128xf32, #tpu.memory_space<vmem>>, vector<16xf32>,
      %swap3A_361 = arith.index_cast %add3A_345 : i32 to index
      %swap3A_362 = arith.constant 80 : index
      %swap3A_363 = tpu.vector_load %arg12[%swap3A_361, %swap3A_362] {strides = array<i32>} : memref<128x128xf32, #tpu.memory_space<vmem>>, vector<16xf32>,
      tpu.vector_store %arg12[%swap3A_361, %swap3A_362], %broadcast_in_dim3A_3 {strides = array<i32>} : memref<128x128xf32, #tpu.memory_space<vmem>>, vector<16xf32>,
      %swap3A_364 = arith.index_cast %add3A_345 : i32 to index
      %swap3A_365 = arith.constant 96 : index
      %swap3A_366 = tpu.vector_load %arg12[%swap3A_364, %swap3A_365] {strides = array<i32>} : memref<128x128xf32, #tpu.memory_space<vmem>>, vector<16xf32>,
      tpu.vector_store %arg12[%swap3A_364, %swap3A_365], %broadcast_in_dim3A_3 {strides = array<i32>} : memref<128x128xf32, #tpu.memory_space<vmem>>, vector<16xf32>,
      %swap3A_367 = arith.index_cast %add3A_345 : i32 to index
      %swap3A_368 = arith.constant 112 : index
      %swap3A_369 = tpu.vector_load %arg12[%swap3A_367, %swap3A_368] {strides = array<i32>} : memref<128x128xf32, #tpu.memory_space<vmem>>, vector<16xf32>,
      tpu.vector_store %arg12[%swap3A_367, %swap3A_368], %broadcast_in_dim3A_3 {strides = array<i32>} : memref<128x128xf32, #tpu.memory_space<vmem>>, vector<16xf32>,
      %scan3A_370 = arith.constant 5 : i32
      %scan3A_371 = arith.addi %scan3A_221, %scan3A_370 : i32
      %mul3A_372 = arith.constant 1 : i32
      %mul3A_373 = arith.muli %scan3A_371, %mul3A_372 : i32
      %add3A_374 = arith.constant 0 : i32
      %add3A_375 = arith.addi %add3A_374, %mul3A_373 : i32
      %swap3A_376 = arith.index_cast %add3A_375 : i32 to index
      %swap3A_377 = arith.constant 0 : index
      %swap3A_378 = tpu.vector_load %arg12[%swap3A_376, %swap3A_377] {strides = array<i32>} : memref<128x128xf32, #tpu.memory_space<vmem>>, vector<16xf32>,
      tpu.vector_store %arg12[%swap3A_376, %swap3A_377], %broadcast_in_dim3A_3 {strides = array<i32>} : memref<128x128xf32, #tpu.memory_space<vmem>>, vector<16xf32>,
      %swap3A_379 = arith.index_cast %add3A_375 : i32 to index
      %swap3A_380 = arith.constant 16 : index
      %swap3A_381 = tpu.vector_load %arg12[%swap3A_379, %swap3A_380] {strides = array<i32>} : memref<128x128xf32, #tpu.memory_space<vmem>>, vector<16xf32>,
      tpu.vector_store %arg12[%swap3A_379, %swap3A_380], %broadcast_in_dim3A_3 {strides = array<i32>} : memref<128x128xf32, #tpu.memory_space<vmem>>, vector<16xf32>,
      %swap3A_382 = arith.index_cast %add3A_375 : i32 to index
      %swap3A_383 = arith.constant 32 : index
      %swap3A_384 = tpu.vector_load %arg12[%swap3A_382, %swap3A_383] {strides = array<i32>} : memref<128x128xf32, #tpu.memory_space<vmem>>, vector<16xf32>,
      tpu.vector_store %arg12[%swap3A_382, %swap3A_383], %broadcast_in_dim3A_3 {strides = array<i32>} : memref<128x128xf32, #tpu.memory_space<vmem>>, vector<16xf32>,
      %swap3A_385 = arith.index_cast %add3A_375 : i32 to index
      %swap3A_386 = arith.constant 48 : index
      %swap3A_387 = tpu.vector_load %arg12[%swap3A_385, %swap3A_386] {strides = array<i32>} : memref<128x128xf32, #tpu.memory_space<vmem>>, vector<16xf32>,
      tpu.vector_store %arg12[%swap3A_385, %swap3A_386], %broadcast_in_dim3A_3 {strides = array<i32>} : memref<128x128xf32, #tpu.memory_space<vmem>>, vector<16xf32>,
      %swap3A_388 = arith.index_cast %add3A_375 : i32 to index
      %swap3A_389 = arith.constant 64 : index
      %swap3A_390 = tpu.vector_load %arg12[%swap3A_388, %swap3A_389] {strides = array<i32>} : memref<128x128xf32, #tpu.memory_space<vmem>>, vector<16xf32>,
      tpu.vector_store %arg12[%swap3A_388, %swap3A_389], %broadcast_in_dim3A_3 {strides = array<i32>} : memref<128x128xf32, #tpu.memory_space<vmem>>, vector<16xf32>,
      %swap3A_391 = arith.index_cast %add3A_375 : i32 to index
      %swap3A_392 = arith.constant 80 : index
      %swap3A_393 = tpu.vector_load %arg12[%swap3A_391, %swap3A_392] {strides = array<i32>} : memref<128x128xf32, #tpu.memory_space<vmem>>, vector<16xf32>,
      tpu.vector_store %arg12[%swap3A_391, %swap3A_392], %broadcast_in_dim3A_3 {strides = array<i32>} : memref<128x128xf32, #tpu.memory_space<vmem>>, vector<16xf32>,
      %swap3A_394 = arith.index_cast %add3A_375 : i32 to index
      %swap3A_395 = arith.constant 96 : index
      %swap3A_396 = tpu.vector_load %arg12[%swap3A_394, %swap3A_395] {strides = array<i32>} : memref<128x128xf32, #tpu.memory_space<vmem>>, vector<16xf32>,
      tpu.vector_store %arg12[%swap3A_394, %swap3A_395], %broadcast_in_dim3A_3 {strides = array<i32>} : memref<128x128xf32, #tpu.memory_space<vmem>>, vector<16xf32>,
      %swap3A_397 = arith.index_cast %add3A_375 : i32 to index
      %swap3A_398 = arith.constant 112 : index
      %swap3A_399 = tpu.vector_load %arg12[%swap3A_397, %swap3A_398] {strides = array<i32>} : memref<128x128xf32, #tpu.memory_space<vmem>>, vector<16xf32>,
      tpu.vector_store %arg12[%swap3A_397, %swap3A_398], %broadcast_in_dim3A_3 {strides = array<i32>} : memref<128x128xf32, #tpu.memory_space<vmem>>, vector<16xf32>,
      %scan3A_400 = arith.constant 6 : i32
      %scan3A_401 = arith.addi %scan3A_221, %scan3A_400 : i32
      %mul3A_402 = arith.constant 1 : i32
      %mul3A_403 = arith.muli %scan3A_401, %mul3A_402 : i32
      %add3A_404 = arith.constant 0 : i32
      %add3A_405 = arith.addi %add3A_404, %mul3A_403 : i32
      %swap3A_406 = arith.index_cast %add3A_405 : i32 to index
      %swap3A_407 = arith.constant 0 : index
      %swap3A_408 = tpu.vector_load %arg12[%swap3A_406, %swap3A_407] {strides = array<i32>} : memref<128x128xf32, #tpu.memory_space<vmem>>, vector<16xf32>,
      tpu.vector_store %arg12[%swap3A_406, %swap3A_407], %broadcast_in_dim3A_3 {strides = array<i32>} : memref<128x128xf32, #tpu.memory_space<vmem>>, vector<16xf32>,
      %swap3A_409 = arith.index_cast %add3A_405 : i32 to index
      %swap3A_410 = arith.constant 16 : index
      %swap3A_411 = tpu.vector_load %arg12[%swap3A_409, %swap3A_410] {strides = array<i32>} : memref<128x128xf32, #tpu.memory_space<vmem>>, vector<16xf32>,
      tpu.vector_store %arg12[%swap3A_409, %swap3A_410], %broadcast_in_dim3A_3 {strides = array<i32>} : memref<128x128xf32, #tpu.memory_space<vmem>>, vector<16xf32>,
      %swap3A_412 = arith.index_cast %add3A_405 : i32 to index
      %swap3A_413 = arith.constant 32 : index
      %swap3A_414 = tpu.vector_load %arg12[%swap3A_412, %swap3A_413] {strides = array<i32>} : memref<128x128xf32, #tpu.memory_space<vmem>>, vector<16xf32>,
      tpu.vector_store %arg12[%swap3A_412, %swap3A_413], %broadcast_in_dim3A_3 {strides = array<i32>} : memref<128x128xf32, #tpu.memory_space<vmem>>, vector<16xf32>,
      %swap3A_415 = arith.index_cast %add3A_405 : i32 to index
      %swap3A_416 = arith.constant 48 : index
      %swap3A_417 = tpu.vector_load %arg12[%swap3A_415, %swap3A_416] {strides = array<i32>} : memref<128x128xf32, #tpu.memory_space<vmem>>, vector<16xf32>,
      tpu.vector_store %arg12[%swap3A_415, %swap3A_416], %broadcast_in_dim3A_3 {strides = array<i32>} : memref<128x128xf32, #tpu.memory_space<vmem>>, vector<16xf32>,
      %swap3A_418 = arith.index_cast %add3A_405 : i32 to index
      %swap3A_419 = arith.constant 64 : index
      %swap3A_420 = tpu.vector_load %arg12[%swap3A_418, %swap3A_419] {strides = array<i32>} : memref<128x128xf32, #tpu.memory_space<vmem>>, vector<16xf32>,
      tpu.vector_store %arg12[%swap3A_418, %swap3A_419], %broadcast_in_dim3A_3 {strides = array<i32>} : memref<128x128xf32, #tpu.memory_space<vmem>>, vector<16xf32>,
      %swap3A_421 = arith.index_cast %add3A_405 : i32 to index
      %swap3A_422 = arith.constant 80 : index
      %swap3A_423 = tpu.vector_load %arg12[%swap3A_421, %swap3A_422] {strides = array<i32>} : memref<128x128xf32, #tpu.memory_space<vmem>>, vector<16xf32>,
      tpu.vector_store %arg12[%swap3A_421, %swap3A_422], %broadcast_in_dim3A_3 {strides = array<i32>} : memref<128x128xf32, #tpu.memory_space<vmem>>, vector<16xf32>,
      %swap3A_424 = arith.index_cast %add3A_405 : i32 to index
      %swap3A_425 = arith.constant 96 : index
      %swap3A_426 = tpu.vector_load %arg12[%swap3A_424, %swap3A_425] {strides = array<i32>} : memref<128x128xf32, #tpu.memory_space<vmem>>, vector<16xf32>,
      tpu.vector_store %arg12[%swap3A_424, %swap3A_425], %broadcast_in_dim3A_3 {strides = array<i32>} : memref<128x128xf32, #tpu.memory_space<vmem>>, vector<16xf32>,
      %swap3A_427 = arith.index_cast %add3A_405 : i32 to index
      %swap3A_428 = arith.constant 112 : index
      %swap3A_429 = tpu.vector_load %arg12[%swap3A_427, %swap3A_428] {strides = array<i32>} : memref<128x128xf32, #tpu.memory_space<vmem>>, vector<16xf32>,
      tpu.vector_store %arg12[%swap3A_427, %swap3A_428], %broadcast_in_dim3A_3 {strides = array<i32>} : memref<128x128xf32, #tpu.memory_space<vmem>>, vector<16xf32>,
      %scan3A_430 = arith.constant 7 : i32
      %scan3A_431 = arith.addi %scan3A_221, %scan3A_430 : i32
      %mul3A_432 = arith.constant 1 : i32
      %mul3A_433 = arith.muli %scan3A_431, %mul3A_432 : i32
      %add3A_434 = arith.constant 0 : i32
      %add3A_435 = arith.addi %add3A_434, %mul3A_433 : i32
      %swap3A_436 = arith.index_cast %add3A_435 : i32 to index
      %swap3A_437 = arith.constant 0 : index
      %swap3A_438 = tpu.vector_load %arg12[%swap3A_436, %swap3A_437] {strides = array<i32>} : memref<128x128xf32, #tpu.memory_space<vmem>>, vector<16xf32>,
      tpu.vector_store %arg12[%swap3A_436, %swap3A_437], %broadcast_in_dim3A_3 {strides = array<i32>} : memref<128x128xf32, #tpu.memory_space<vmem>>, vector<16xf32>,
      %swap3A_439 = arith.index_cast %add3A_435 : i32 to index
      %swap3A_440 = arith.constant 16 : index
      %swap3A_441 = tpu.vector_load %arg12[%swap3A_439, %swap3A_440] {strides = array<i32>} : memref<128x128xf32, #tpu.memory_space<vmem>>, vector<16xf32>,
      tpu.vector_store %arg12[%swap3A_439, %swap3A_440], %broadcast_in_dim3A_3 {strides = array<i32>} : memref<128x128xf32, #tpu.memory_space<vmem>>, vector<16xf32>,
      %swap3A_442 = arith.index_cast %add3A_435 : i32 to index
      %swap3A_443 = arith.constant 32 : index
      %swap3A_444 = tpu.vector_load %arg12[%swap3A_442, %swap3A_443] {strides = array<i32>} : memref<128x128xf32, #tpu.memory_space<vmem>>, vector<16xf32>,
      tpu.vector_store %arg12[%swap3A_442, %swap3A_443], %broadcast_in_dim3A_3 {strides = array<i32>} : memref<128x128xf32, #tpu.memory_space<vmem>>, vector<16xf32>,
      %swap3A_445 = arith.index_cast %add3A_435 : i32 to index
      %swap3A_446 = arith.constant 48 : index
      %swap3A_447 = tpu.vector_load %arg12[%swap3A_445, %swap3A_446] {strides = array<i32>} : memref<128x128xf32, #tpu.memory_space<vmem>>, vector<16xf32>,
      tpu.vector_store %arg12[%swap3A_445, %swap3A_446], %broadcast_in_dim3A_3 {strides = array<i32>} : memref<128x128xf32, #tpu.memory_space<vmem>>, vector<16xf32>,
      %swap3A_448 = arith.index_cast %add3A_435 : i32 to index
      %swap3A_449 = arith.constant 64 : index
      %swap3A_450 = tpu.vector_load %arg12[%swap3A_448, %swap3A_449] {strides = array<i32>} : memref<128x128xf32, #tpu.memory_space<vmem>>, vector<16xf32>,
      tpu.vector_store %arg12[%swap3A_448, %swap3A_449], %broadcast_in_dim3A_3 {strides = array<i32>} : memref<128x128xf32, #tpu.memory_space<vmem>>, vector<16xf32>,
      %swap3A_451 = arith.index_cast %add3A_435 : i32 to index
      %swap3A_452 = arith.constant 80 : index
      %swap3A_453 = tpu.vector_load %arg12[%swap3A_451, %swap3A_452] {strides = array<i32>} : memref<128x128xf32, #tpu.memory_space<vmem>>, vector<16xf32>,
      tpu.vector_store %arg12[%swap3A_451, %swap3A_452], %broadcast_in_dim3A_3 {strides = array<i32>} : memref<128x128xf32, #tpu.memory_space<vmem>>, vector<16xf32>,
      %swap3A_454 = arith.index_cast %add3A_435 : i32 to index
      %swap3A_455 = arith.constant 96 : index
      %swap3A_456 = tpu.vector_load %arg12[%swap3A_454, %swap3A_455] {strides = array<i32>} : memref<128x128xf32, #tpu.memory_space<vmem>>, vector<16xf32>,
      tpu.vector_store %arg12[%swap3A_454, %swap3A_455], %broadcast_in_dim3A_3 {strides = array<i32>} : memref<128x128xf32, #tpu.memory_space<vmem>>, vector<16xf32>,
      %swap3A_457 = arith.index_cast %add3A_435 : i32 to index
      %swap3A_458 = arith.constant 112 : index
      %swap3A_459 = tpu.vector_load %arg12[%swap3A_457, %swap3A_458] {strides = array<i32>} : memref<128x128xf32, #tpu.memory_space<vmem>>, vector<16xf32>,
      tpu.vector_store %arg12[%swap3A_457, %swap3A_458], %broadcast_in_dim3A_3 {strides = array<i32>} : memref<128x128xf32, #tpu.memory_space<vmem>>, vector<16xf32>,
    }
    %scan3A_26 = arith.constant 64 : i32
    %scan3A_27 = arith.constant 0 : i32
    %scan3A_28 = arith.constant 16 : i32
    %scan3A_29 = arith.addi %scan3A_27, %scan3A_28 : i32
    %scan3A_30 = arith.constant 8 : i32
    scf.for %scan3A_221 = %scan3A_27 to %scan3A_29 step %scan3A_30  : i32 {
      %mul3A_222 = arith.constant 1 : i32
      %mul3A_223 = arith.muli %scan3A_221, %mul3A_222 : i32
      %add3A_224 = arith.constant 0 : i32
      %add3A_225 = arith.addi %add3A_224, %mul3A_223 : i32
      %mul3A_226 = arith.constant 16 : i32
      %mul3A_227 = arith.muli %add3A_225, %mul3A_226 : i32
      %swap3A_228 = arith.index_cast %mul3A_227 : i32 to index
      %swap3A_229 = tpu.vector_load %arg21[%swap3A_228] {strides = array<i32>} : memref<352xf32, #tpu.memory_space<vmem>>, vector<16xf32>,
      tpu.vector_store %arg21[%swap3A_228], %broadcast_in_dim3A_3 {strides = array<i32>} : memref<352xf32, #tpu.memory_space<vmem>>, vector<16xf32>,
      %scan3A_230 = arith.constant 1 : i32
      %scan3A_231 = arith.addi %scan3A_221, %scan3A_230 : i32
      %mul3A_232 = arith.constant 1 : i32
      %mul3A_233 = arith.muli %scan3A_231, %mul3A_232 : i32
      %add3A_234 = arith.constant 0 : i32
      %add3A_235 = arith.addi %add3A_234, %mul3A_233 : i32
      %mul3A_236 = arith.constant 16 : i32
      %mul3A_237 = arith.muli %add3A_235, %mul3A_236 : i32
      %swap3A_238 = arith.index_cast %mul3A_237 : i32 to index
      %swap3A_239 = tpu.vector_load %arg21[%swap3A_238] {strides = array<i32>} : memref<352xf32, #tpu.memory_space<vmem>>, vector<16xf32>,
      tpu.vector_store %arg21[%swap3A_238], %broadcast_in_dim3A_3 {strides = array<i32>} : memref<352xf32, #tpu.memory_space<vmem>>, vector<16xf32>,
      %scan3A_240 = arith.constant 2 : i32
      %scan3A_241 = arith.addi %scan3A_221, %scan3A_240 : i32
      %mul3A_242 = arith.constant 1 : i32
      %mul3A_243 = arith.muli %scan3A_241, %mul3A_242 : i32
      %add3A_244 = arith.constant 0 : i32
      %add3A_245 = arith.addi %add3A_244, %mul3A_243 : i32
      %mul3A_246 = arith.constant 16 : i32
      %mul3A_247 = arith.muli %add3A_245, %mul3A_246 : i32
      %swap3A_248 = arith.index_cast %mul3A_247 : i32 to index
      %swap3A_249 = tpu.vector_load %arg21[%swap3A_248] {strides = array<i32>} : memref<352xf32, #tpu.memory_space<vmem>>, vector<16xf32>,
      tpu.vector_store %arg21[%swap3A_248], %broadcast_in_dim3A_3 {strides = array<i32>} : memref<352xf32, #tpu.memory_space<vmem>>, vector<16xf32>,
      %scan3A_250 = arith.constant 3 : i32
      %scan3A_251 = arith.addi %scan3A_221, %scan3A_250 : i32
      %mul3A_252 = arith.constant 1 : i32
      %mul3A_253 = arith.muli %scan3A_251, %mul3A_252 : i32
      %add3A_254 = arith.constant 0 : i32
      %add3A_255 = arith.addi %add3A_254, %mul3A_253 : i32
      %mul3A_256 = arith.constant 16 : i32
      %mul3A_257 = arith.muli %add3A_255, %mul3A_256 : i32
      %swap3A_258 = arith.index_cast %mul3A_257 : i32 to index
      %swap3A_259 = tpu.vector_load %arg21[%swap3A_258] {strides = array<i32>} : memref<352xf32, #tpu.memory_space<vmem>>, vector<16xf32>,
      tpu.vector_store %arg21[%swap3A_258], %broadcast_in_dim3A_3 {strides = array<i32>} : memref<352xf32, #tpu.memory_space<vmem>>, vector<16xf32>,
      %scan3A_260 = arith.constant 4 : i32
      %scan3A_261 = arith.addi %scan3A_221, %scan3A_260 : i32
      %mul3A_262 = arith.constant 1 : i32
      %mul3A_263 = arith.muli %scan3A_261, %mul3A_262 : i32
      %add3A_264 = arith.constant 0 : i32
      %add3A_265 = arith.addi %add3A_264, %mul3A_263 : i32
      %mul3A_266 = arith.constant 16 : i32
      %mul3A_267 = arith.muli %add3A_265, %mul3A_266 : i32
      %swap3A_268 = arith.index_cast %mul3A_267 : i32 to index
      %swap3A_269 = tpu.vector_load %arg21[%swap3A_268] {strides = array<i32>} : memref<352xf32, #tpu.memory_space<vmem>>, vector<16xf32>,
      tpu.vector_store %arg21[%swap3A_268], %broadcast_in_dim3A_3 {strides = array<i32>} : memref<352xf32, #tpu.memory_space<vmem>>, vector<16xf32>,
      %scan3A_270 = arith.constant 5 : i32
      %scan3A_271 = arith.addi %scan3A_221, %scan3A_270 : i32
      %mul3A_272 = arith.constant 1 : i32
      %mul3A_273 = arith.muli %scan3A_271, %mul3A_272 : i32
      %add3A_274 = arith.constant 0 : i32
      %add3A_275 = arith.addi %add3A_274, %mul3A_273 : i32
      %mul3A_276 = arith.constant 16 : i32
      %mul3A_277 = arith.muli %add3A_275, %mul3A_276 : i32
      %swap3A_278 = arith.index_cast %mul3A_277 : i32 to index
      %swap3A_279 = tpu.vector_load %arg21[%swap3A_278] {strides = array<i32>} : memref<352xf32, #tpu.memory_space<vmem>>, vector<16xf32>,
      tpu.vector_store %arg21[%swap3A_278], %broadcast_in_dim3A_3 {strides = array<i32>} : memref<352xf32, #tpu.memory_space<vmem>>, vector<16xf32>,
      %scan3A_280 = arith.constant 6 : i32
      %scan3A_281 = arith.addi %scan3A_221, %scan3A_280 : i32
      %mul3A_282 = arith.constant 1 : i32
      %mul3A_283 = arith.muli %scan3A_281, %mul3A_282 : i32
      %add3A_284 = arith.constant 0 : i32
      %add3A_285 = arith.addi %add3A_284, %mul3A_283 : i32
      %mul3A_286 = arith.constant 16 : i32
      %mul3A_287 = arith.muli %add3A_285, %mul3A_286 : i32
      %swap3A_288 = arith.index_cast %mul3A_287 : i32 to index
      %swap3A_289 = tpu.vector_load %arg21[%swap3A_288] {strides = array<i32>} : memref<352xf32, #tpu.memory_space<vmem>>, vector<16xf32>,
      tpu.vector_store %arg21[%swap3A_288], %broadcast_in_dim3A_3 {strides = array<i32>} : memref<352xf32, #tpu.memory_space<vmem>>, vector<16xf32>,
      %scan3A_290 = arith.constant 7 : i32
      %scan3A_291 = arith.addi %scan3A_221, %scan3A_290 : i32
      %mul3A_292 = arith.constant 1 : i32
      %mul3A_293 = arith.muli %scan3A_291, %mul3A_292 : i32
      %add3A_294 = arith.constant 0 : i32
      %add3A_295 = arith.addi %add3A_294, %mul3A_293 : i32
      %mul3A_296 = arith.constant 16 : i32
      %mul3A_297 = arith.muli %add3A_295, %mul3A_296 : i32
      %swap3A_298 = arith.index_cast %mul3A_297 : i32 to index
      %swap3A_299 = tpu.vector_load %arg21[%swap3A_298] {strides = array<i32>} : memref<352xf32, #tpu.memory_space<vmem>>, vector<16xf32>,
      tpu.vector_store %arg21[%swap3A_298], %broadcast_in_dim3A_3 {strides = array<i32>} : memref<352xf32, #tpu.memory_space<vmem>>, vector<16xf32>,
    }
    %scan3A_31 = arith.constant 16 : i32
    %scan3A_32 = arith.addi %scan3A_27, %scan3A_31 : i32
    %mul3A_33 = arith.constant 1 : i32
    %mul3A_34 = arith.muli %scan3A_32, %mul3A_33 : i32
    %add3A_35 = arith.constant 0 : i32
    %add3A_36 = arith.addi %add3A_35, %mul3A_34 : i32
    %mul3A_37 = arith.constant 16 : i32
    %mul3A_38 = arith.muli %add3A_36, %mul3A_37 : i32
    %swap3A = arith.index_cast %mul3A_38 : i32 to index
    %swap3A_39 = tpu.vector_load %arg21[%swap3A] {strides = array<i32>} : memref<352xf32, #tpu.memory_space<vmem>>, vector<16xf32>,
    tpu.vector_store %arg21[%swap3A], %broadcast_in_dim3A_3 {strides = array<i32>} : memref<352xf32, #tpu.memory_space<vmem>>, vector<16xf32>,
    %scan3A_40 = arith.constant 17 : i32
    %scan3A_41 = arith.addi %scan3A_27, %scan3A_40 : i32
    %mul3A_42 = arith.constant 1 : i32
    %mul3A_43 = arith.muli %scan3A_41, %mul3A_42 : i32
    %add3A_44 = arith.constant 0 : i32
    %add3A_45 = arith.addi %add3A_44, %mul3A_43 : i32
    %mul3A_46 = arith.constant 16 : i32
    %mul3A_47 = arith.muli %add3A_45, %mul3A_46 : i32
    %swap3A_48 = arith.index_cast %mul3A_47 : i32 to index
    %swap3A_49 = tpu.vector_load %arg21[%swap3A_48] {strides = array<i32>} : memref<352xf32, #tpu.memory_space<vmem>>, vector<16xf32>,
    tpu.vector_store %arg21[%swap3A_48], %broadcast_in_dim3A_3 {strides = array<i32>} : memref<352xf32, #tpu.memory_space<vmem>>, vector<16xf32>,
    %scan3A_50 = arith.constant 18 : i32
    %scan3A_51 = arith.addi %scan3A_27, %scan3A_50 : i32
    %mul3A_52 = arith.constant 1 : i32
    %mul3A_53 = arith.muli %scan3A_51, %mul3A_52 : i32
    %add3A_54 = arith.constant 0 : i32
    %add3A_55 = arith.addi %add3A_54, %mul3A_53 : i32
    %mul3A_56 = arith.constant 16 : i32
    %mul3A_57 = arith.muli %add3A_55, %mul3A_56 : i32
    %swap3A_58 = arith.index_cast %mul3A_57 : i32 to index
    %swap3A_59 = tpu.vector_load %arg21[%swap3A_58] {strides = array<i32>} : memref<352xf32, #tpu.memory_space<vmem>>, vector<16xf32>,
    tpu.vector_store %arg21[%swap3A_58], %broadcast_in_dim3A_3 {strides = array<i32>} : memref<352xf32, #tpu.memory_space<vmem>>, vector<16xf32>,
    %scan3A_60 = arith.constant 19 : i32
    %scan3A_61 = arith.addi %scan3A_27, %scan3A_60 : i32
    %mul3A_62 = arith.constant 1 : i32
    %mul3A_63 = arith.muli %scan3A_61, %mul3A_62 : i32
    %add3A_64 = arith.constant 0 : i32
    %add3A_65 = arith.addi %add3A_64, %mul3A_63 : i32
    %mul3A_66 = arith.constant 16 : i32
    %mul3A_67 = arith.muli %add3A_65, %mul3A_66 : i32
    %swap3A_68 = arith.index_cast %mul3A_67 : i32 to index
    %swap3A_69 = tpu.vector_load %arg21[%swap3A_68] {strides = array<i32>} : memref<352xf32, #tpu.memory_space<vmem>>, vector<16xf32>,
    tpu.vector_store %arg21[%swap3A_68], %broadcast_in_dim3A_3 {strides = array<i32>} : memref<352xf32, #tpu.memory_space<vmem>>, vector<16xf32>,
    %scan3A_70 = arith.constant 20 : i32
    %scan3A_71 = arith.addi %scan3A_27, %scan3A_70 : i32
    %mul3A_72 = arith.constant 1 : i32
    %mul3A_73 = arith.muli %scan3A_71, %mul3A_72 : i32
    %add3A_74 = arith.constant 0 : i32
    %add3A_75 = arith.addi %add3A_74, %mul3A_73 : i32
    %mul3A_76 = arith.constant 16 : i32
    %mul3A_77 = arith.muli %add3A_75, %mul3A_76 : i32
    %swap3A_78 = arith.index_cast %mul3A_77 : i32 to index
    %swap3A_79 = tpu.vector_load %arg21[%swap3A_78] {strides = array<i32>} : memref<352xf32, #tpu.memory_space<vmem>>, vector<16xf32>,
    tpu.vector_store %arg21[%swap3A_78], %broadcast_in_dim3A_3 {strides = array<i32>} : memref<352xf32, #tpu.memory_space<vmem>>, vector<16xf32>,
    %scan3A_80 = arith.constant 21 : i32
    %scan3A_81 = arith.addi %scan3A_27, %scan3A_80 : i32
    %mul3A_82 = arith.constant 1 : i32
    %mul3A_83 = arith.muli %scan3A_81, %mul3A_82 : i32
    %add3A_84 = arith.constant 0 : i32
    %add3A_85 = arith.addi %add3A_84, %mul3A_83 : i32
    %mul3A_86 = arith.constant 16 : i32
    %mul3A_87 = arith.muli %add3A_85, %mul3A_86 : i32
    %swap3A_88 = arith.index_cast %mul3A_87 : i32 to index
    %swap3A_89 = tpu.vector_load %arg21[%swap3A_88] {strides = array<i32>} : memref<352xf32, #tpu.memory_space<vmem>>, vector<16xf32>,
    tpu.vector_store %arg21[%swap3A_88], %broadcast_in_dim3A_3 {strides = array<i32>} : memref<352xf32, #tpu.memory_space<vmem>>, vector<16xf32>,
    %scan3A_90 = arith.constant 22 : i32
    %mul3A_91 = arith.constant 352 : i32
    %mul3A_92 = arith.muli %arg1, %mul3A_91 : i32
    "tpu.region"() ({
      %run_scoped3A = tpu.sem_alloc : memref<!tpu.dma_semaphore, #tpu.memory_space<semaphore_mem>>
      %dma_start3A = tpu.memref_slice %arg31[%mul3A_92] : memref<5632xf32, #tpu.memory_space<vmem_shared>> -> memref<352xf32, #tpu.memory_space<vmem_shared>>
      %dma_start3A_221 = tpu.memref_slice %arg31[%mul3A_92] : memref<5632xf32, #tpu.memory_space<vmem_shared>> -> memref<352xf32, #tpu.memory_space<vmem_shared>>
      tpu.enqueue_dma source(%arg21 : memref<352xf32, #tpu.memory_space<vmem>>) target(%dma_start3A_221 : memref<352xf32, #tpu.memory_space<vmem_shared>>) target_semaphore(%run_scoped3A : memref<!tpu.dma_semaphore, #tpu.memory_space<semaphore_mem>>)
      %dma_wait3A = tpu.memref_slice %arg31[%mul3A_92] : memref<5632xf32, #tpu.memory_space<vmem_shared>> -> memref<352xf32, #tpu.memory_space<vmem_shared>>
      %dma_wait3A_222 = tpu.memref_slice %arg31[%mul3A_92] : memref<5632xf32, #tpu.memory_space<vmem_shared>> -> memref<352xf32, #tpu.memory_space<vmem_shared>>
      tpu.wait_dma2 semaphore(%run_scoped3A : memref<!tpu.dma_semaphore, #tpu.memory_space<semaphore_mem>>) src(%arg21 : memref<352xf32, #tpu.memory_space<vmem>>) dst(%dma_wait3A_222 : memref<352xf32, #tpu.memory_space<vmem_shared>>)
      tpu.yield
    }) : () -> ()
    %mul3A_93 = arith.constant 352 : i32
    %mul3A_94 = arith.muli %arg1, %mul3A_93 : i32
    %add3A_95 = arith.constant 0 : i32
    %add3A_96 = arith.addi %mul3A_94, %add3A_95 : i32
    "tpu.region"() ({
      %run_scoped3A = tpu.sem_alloc : memref<!tpu.dma_semaphore, #tpu.memory_space<semaphore_mem>>
      %dma_start3A = arith.constant 0 : i32
      %dma_start3A_221 = arith.constant 0 : i32
      %dma_start3A_222 = tpu.memref_slice %arg12[%dma_start3A, %dma_start3A_221] : memref<128x128xf32, #tpu.memory_space<vmem>> -> memref<64x128xf32, #tpu.memory_space<vmem>>
      %dma_start3A_223 = arith.constant 0 : i32
      %dma_start3A_224 = tpu.memref_slice %arg30[%add3A_96, %dma_start3A_223] : memref<5632x128xf32, #tpu.memory_space<vmem_shared>> -> memref<64x128xf32, #tpu.memory_space<vmem_shared>>
      %dma_start3A_225 = arith.constant 0 : i32
      %dma_start3A_226 = tpu.memref_slice %arg30[%add3A_96, %dma_start3A_225] : memref<5632x128xf32, #tpu.memory_space<vmem_shared>> -> memref<64x128xf32, #tpu.memory_space<vmem_shared>>
      %dma_start3A_227 = arith.constant 0 : i32
      %dma_start3A_228 = arith.constant 0 : i32
      %dma_start3A_229 = tpu.memref_slice %arg12[%dma_start3A_227, %dma_start3A_228] : memref<128x128xf32, #tpu.memory_space<vmem>> -> memref<64x128xf32, #tpu.memory_space<vmem>>
      tpu.enqueue_dma source(%dma_start3A_229 : memref<64x128xf32, #tpu.memory_space<vmem>>) target(%dma_start3A_226 : memref<64x128xf32, #tpu.memory_space<vmem_shared>>) target_semaphore(%run_scoped3A : memref<!tpu.dma_semaphore, #tpu.memory_space<semaphore_mem>>)
      %dma_wait3A = arith.constant 0 : i32
      %dma_wait3A_230 = arith.constant 0 : i32
      %dma_wait3A_231 = tpu.memref_slice %arg12[%dma_wait3A, %dma_wait3A_230] : memref<128x128xf32, #tpu.memory_space<vmem>> -> memref<64x128xf32, #tpu.memory_space<vmem>>
      %dma_wait3A_232 = arith.constant 0 : i32
      %dma_wait3A_233 = tpu.memref_slice %arg30[%add3A_96, %dma_wait3A_232] : memref<5632x128xf32, #tpu.memory_space<vmem_shared>> -> memref<64x128xf32, #tpu.memory_space<vmem_shared>>
      %dma_wait3A_234 = arith.constant 0 : i32
      %dma_wait3A_235 = tpu.memref_slice %arg30[%add3A_96, %dma_wait3A_234] : memref<5632x128xf32, #tpu.memory_space<vmem_shared>> -> memref<64x128xf32, #tpu.memory_space<vmem_shared>>
      %dma_wait3A_236 = arith.constant 0 : i32
      %dma_wait3A_237 = arith.constant 0 : i32
      %dma_wait3A_238 = tpu.memref_slice %arg12[%dma_wait3A_236, %dma_wait3A_237] : memref<128x128xf32, #tpu.memory_space<vmem>> -> memref<64x128xf32, #tpu.memory_space<vmem>>
      tpu.wait_dma2 semaphore(%run_scoped3A : memref<!tpu.dma_semaphore, #tpu.memory_space<semaphore_mem>>) src(%dma_wait3A_238 : memref<64x128xf32, #tpu.memory_space<vmem>>) dst(%dma_wait3A_235 : memref<64x128xf32, #tpu.memory_space<vmem_shared>>)
      tpu.yield
    }) : () -> ()
    %mul3A_97 = arith.constant 352 : i32
    %mul3A_98 = arith.muli %arg1, %mul3A_97 : i32
    %add3A_99 = arith.constant 64 : i32
    %add3A_100 = arith.addi %mul3A_98, %add3A_99 : i32
    "tpu.region"() ({
      %run_scoped3A = tpu.sem_alloc : memref<!tpu.dma_semaphore, #tpu.memory_space<semaphore_mem>>
      %dma_start3A = arith.constant 0 : i32
      %dma_start3A_221 = arith.constant 0 : i32
      %dma_start3A_222 = tpu.memref_slice %arg12[%dma_start3A, %dma_start3A_221] : memref<128x128xf32, #tpu.memory_space<vmem>> -> memref<64x128xf32, #tpu.memory_space<vmem>>
      %dma_start3A_223 = arith.constant 0 : i32
      %dma_start3A_224 = tpu.memref_slice %arg30[%add3A_100, %dma_start3A_223] : memref<5632x128xf32, #tpu.memory_space<vmem_shared>> -> memref<64x128xf32, #tpu.memory_space<vmem_shared>>
      %dma_start3A_225 = arith.constant 0 : i32
      %dma_start3A_226 = tpu.memref_slice %arg30[%add3A_100, %dma_start3A_225] : memref<5632x128xf32, #tpu.memory_space<vmem_shared>> -> memref<64x128xf32, #tpu.memory_space<vmem_shared>>
      %dma_start3A_227 = arith.constant 0 : i32
      %dma_start3A_228 = arith.constant 0 : i32
      %dma_start3A_229 = tpu.memref_slice %arg12[%dma_start3A_227, %dma_start3A_228] : memref<128x128xf32, #tpu.memory_space<vmem>> -> memref<64x128xf32, #tpu.memory_space<vmem>>
      tpu.enqueue_dma source(%dma_start3A_229 : memref<64x128xf32, #tpu.memory_space<vmem>>) target(%dma_start3A_226 : memref<64x128xf32, #tpu.memory_space<vmem_shared>>) target_semaphore(%run_scoped3A : memref<!tpu.dma_semaphore, #tpu.memory_space<semaphore_mem>>)
      %dma_wait3A = arith.constant 0 : i32
      %dma_wait3A_230 = arith.constant 0 : i32
      %dma_wait3A_231 = tpu.memref_slice %arg12[%dma_wait3A, %dma_wait3A_230] : memref<128x128xf32, #tpu.memory_space<vmem>> -> memref<64x128xf32, #tpu.memory_space<vmem>>
      %dma_wait3A_232 = arith.constant 0 : i32
      %dma_wait3A_233 = tpu.memref_slice %arg30[%add3A_100, %dma_wait3A_232] : memref<5632x128xf32, #tpu.memory_space<vmem_shared>> -> memref<64x128xf32, #tpu.memory_space<vmem_shared>>
      %dma_wait3A_234 = arith.constant 0 : i32
      %dma_wait3A_235 = tpu.memref_slice %arg30[%add3A_100, %dma_wait3A_234] : memref<5632x128xf32, #tpu.memory_space<vmem_shared>> -> memref<64x128xf32, #tpu.memory_space<vmem_shared>>
      %dma_wait3A_236 = arith.constant 0 : i32
      %dma_wait3A_237 = arith.constant 0 : i32
      %dma_wait3A_238 = tpu.memref_slice %arg12[%dma_wait3A_236, %dma_wait3A_237] : memref<128x128xf32, #tpu.memory_space<vmem>> -> memref<64x128xf32, #tpu.memory_space<vmem>>
      tpu.wait_dma2 semaphore(%run_scoped3A : memref<!tpu.dma_semaphore, #tpu.memory_space<semaphore_mem>>) src(%dma_wait3A_238 : memref<64x128xf32, #tpu.memory_space<vmem>>) dst(%dma_wait3A_235 : memref<64x128xf32, #tpu.memory_space<vmem_shared>>)
      tpu.yield
    }) : () -> ()
    %mul3A_101 = arith.constant 352 : i32
    %mul3A_102 = arith.muli %arg1, %mul3A_101 : i32
    %add3A_103 = arith.constant 128 : i32
    %add3A_104 = arith.addi %mul3A_102, %add3A_103 : i32
    "tpu.region"() ({
      %run_scoped3A = tpu.sem_alloc : memref<!tpu.dma_semaphore, #tpu.memory_space<semaphore_mem>>
      %dma_start3A = arith.constant 0 : i32
      %dma_start3A_221 = arith.constant 0 : i32
      %dma_start3A_222 = tpu.memref_slice %arg12[%dma_start3A, %dma_start3A_221] : memref<128x128xf32, #tpu.memory_space<vmem>> -> memref<64x128xf32, #tpu.memory_space<vmem>>
      %dma_start3A_223 = arith.constant 0 : i32
      %dma_start3A_224 = tpu.memref_slice %arg30[%add3A_104, %dma_start3A_223] : memref<5632x128xf32, #tpu.memory_space<vmem_shared>> -> memref<64x128xf32, #tpu.memory_space<vmem_shared>>
      %dma_start3A_225 = arith.constant 0 : i32
      %dma_start3A_226 = tpu.memref_slice %arg30[%add3A_104, %dma_start3A_225] : memref<5632x128xf32, #tpu.memory_space<vmem_shared>> -> memref<64x128xf32, #tpu.memory_space<vmem_shared>>
      %dma_start3A_227 = arith.constant 0 : i32
      %dma_start3A_228 = arith.constant 0 : i32
      %dma_start3A_229 = tpu.memref_slice %arg12[%dma_start3A_227, %dma_start3A_228] : memref<128x128xf32, #tpu.memory_space<vmem>> -> memref<64x128xf32, #tpu.memory_space<vmem>>
      tpu.enqueue_dma source(%dma_start3A_229 : memref<64x128xf32, #tpu.memory_space<vmem>>) target(%dma_start3A_226 : memref<64x128xf32, #tpu.memory_space<vmem_shared>>) target_semaphore(%run_scoped3A : memref<!tpu.dma_semaphore, #tpu.memory_space<semaphore_mem>>)
      %dma_wait3A = arith.constant 0 : i32
      %dma_wait3A_230 = arith.constant 0 : i32
      %dma_wait3A_231 = tpu.memref_slice %arg12[%dma_wait3A, %dma_wait3A_230] : memref<128x128xf32, #tpu.memory_space<vmem>> -> memref<64x128xf32, #tpu.memory_space<vmem>>
      %dma_wait3A_232 = arith.constant 0 : i32
      %dma_wait3A_233 = tpu.memref_slice %arg30[%add3A_104, %dma_wait3A_232] : memref<5632x128xf32, #tpu.memory_space<vmem_shared>> -> memref<64x128xf32, #tpu.memory_space<vmem_shared>>
      %dma_wait3A_234 = arith.constant 0 : i32
      %dma_wait3A_235 = tpu.memref_slice %arg30[%add3A_104, %dma_wait3A_234] : memref<5632x128xf32, #tpu.memory_space<vmem_shared>> -> memref<64x128xf32, #tpu.memory_space<vmem_shared>>
      %dma_wait3A_236 = arith.constant 0 : i32
      %dma_wait3A_237 = arith.constant 0 : i32
      %dma_wait3A_238 = tpu.memref_slice %arg12[%dma_wait3A_236, %dma_wait3A_237] : memref<128x128xf32, #tpu.memory_space<vmem>> -> memref<64x128xf32, #tpu.memory_space<vmem>>
      tpu.wait_dma2 semaphore(%run_scoped3A : memref<!tpu.dma_semaphore, #tpu.memory_space<semaphore_mem>>) src(%dma_wait3A_238 : memref<64x128xf32, #tpu.memory_space<vmem>>) dst(%dma_wait3A_235 : memref<64x128xf32, #tpu.memory_space<vmem_shared>>)
      tpu.yield
    }) : () -> ()
    %mul3A_105 = arith.constant 352 : i32
    %mul3A_106 = arith.muli %arg1, %mul3A_105 : i32
    %add3A_107 = arith.constant 192 : i32
    %add3A_108 = arith.addi %mul3A_106, %add3A_107 : i32
    "tpu.region"() ({
      %run_scoped3A = tpu.sem_alloc : memref<!tpu.dma_semaphore, #tpu.memory_space<semaphore_mem>>
      %dma_start3A = arith.constant 0 : i32
      %dma_start3A_221 = arith.constant 0 : i32
      %dma_start3A_222 = tpu.memref_slice %arg12[%dma_start3A, %dma_start3A_221] : memref<128x128xf32, #tpu.memory_space<vmem>> -> memref<64x128xf32, #tpu.memory_space<vmem>>
      %dma_start3A_223 = arith.constant 0 : i32
      %dma_start3A_224 = tpu.memref_slice %arg30[%add3A_108, %dma_start3A_223] : memref<5632x128xf32, #tpu.memory_space<vmem_shared>> -> memref<64x128xf32, #tpu.memory_space<vmem_shared>>
      %dma_start3A_225 = arith.constant 0 : i32
      %dma_start3A_226 = tpu.memref_slice %arg30[%add3A_108, %dma_start3A_225] : memref<5632x128xf32, #tpu.memory_space<vmem_shared>> -> memref<64x128xf32, #tpu.memory_space<vmem_shared>>
      %dma_start3A_227 = arith.constant 0 : i32
      %dma_start3A_228 = arith.constant 0 : i32
      %dma_start3A_229 = tpu.memref_slice %arg12[%dma_start3A_227, %dma_start3A_228] : memref<128x128xf32, #tpu.memory_space<vmem>> -> memref<64x128xf32, #tpu.memory_space<vmem>>
      tpu.enqueue_dma source(%dma_start3A_229 : memref<64x128xf32, #tpu.memory_space<vmem>>) target(%dma_start3A_226 : memref<64x128xf32, #tpu.memory_space<vmem_shared>>) target_semaphore(%run_scoped3A : memref<!tpu.dma_semaphore, #tpu.memory_space<semaphore_mem>>)
      %dma_wait3A = arith.constant 0 : i32
      %dma_wait3A_230 = arith.constant 0 : i32
      %dma_wait3A_231 = tpu.memref_slice %arg12[%dma_wait3A, %dma_wait3A_230] : memref<128x128xf32, #tpu.memory_space<vmem>> -> memref<64x128xf32, #tpu.memory_space<vmem>>
      %dma_wait3A_232 = arith.constant 0 : i32
      %dma_wait3A_233 = tpu.memref_slice %arg30[%add3A_108, %dma_wait3A_232] : memref<5632x128xf32, #tpu.memory_space<vmem_shared>> -> memref<64x128xf32, #tpu.memory_space<vmem_shared>>
      %dma_wait3A_234 = arith.constant 0 : i32
      %dma_wait3A_235 = tpu.memref_slice %arg30[%add3A_108, %dma_wait3A_234] : memref<5632x128xf32, #tpu.memory_space<vmem_shared>> -> memref<64x128xf32, #tpu.memory_space<vmem_shared>>
      %dma_wait3A_236 = arith.constant 0 : i32
      %dma_wait3A_237 = arith.constant 0 : i32
      %dma_wait3A_238 = tpu.memref_slice %arg12[%dma_wait3A_236, %dma_wait3A_237] : memref<128x128xf32, #tpu.memory_space<vmem>> -> memref<64x128xf32, #tpu.memory_space<vmem>>
      tpu.wait_dma2 semaphore(%run_scoped3A : memref<!tpu.dma_semaphore, #tpu.memory_space<semaphore_mem>>) src(%dma_wait3A_238 : memref<64x128xf32, #tpu.memory_space<vmem>>) dst(%dma_wait3A_235 : memref<64x128xf32, #tpu.memory_space<vmem_shared>>)
      tpu.yield
    }) : () -> ()
    %mul3A_109 = arith.constant 352 : i32
    %mul3A_110 = arith.muli %arg1, %mul3A_109 : i32
    %add3A_111 = arith.constant 256 : i32
    %add3A_112 = arith.addi %mul3A_110, %add3A_111 : i32
    "tpu.region"() ({
      %run_scoped3A = tpu.sem_alloc : memref<!tpu.dma_semaphore, #tpu.memory_space<semaphore_mem>>
      %dma_start3A = arith.constant 0 : i32
      %dma_start3A_221 = arith.constant 0 : i32
      %dma_start3A_222 = tpu.memref_slice %arg12[%dma_start3A, %dma_start3A_221] : memref<128x128xf32, #tpu.memory_space<vmem>> -> memref<64x128xf32, #tpu.memory_space<vmem>>
      %dma_start3A_223 = arith.constant 0 : i32
      %dma_start3A_224 = tpu.memref_slice %arg30[%add3A_112, %dma_start3A_223] : memref<5632x128xf32, #tpu.memory_space<vmem_shared>> -> memref<64x128xf32, #tpu.memory_space<vmem_shared>>
      %dma_start3A_225 = arith.constant 0 : i32
      %dma_start3A_226 = tpu.memref_slice %arg30[%add3A_112, %dma_start3A_225] : memref<5632x128xf32, #tpu.memory_space<vmem_shared>> -> memref<64x128xf32, #tpu.memory_space<vmem_shared>>
      %dma_start3A_227 = arith.constant 0 : i32
      %dma_start3A_228 = arith.constant 0 : i32
      %dma_start3A_229 = tpu.memref_slice %arg12[%dma_start3A_227, %dma_start3A_228] : memref<128x128xf32, #tpu.memory_space<vmem>> -> memref<64x128xf32, #tpu.memory_space<vmem>>
      tpu.enqueue_dma source(%dma_start3A_229 : memref<64x128xf32, #tpu.memory_space<vmem>>) target(%dma_start3A_226 : memref<64x128xf32, #tpu.memory_space<vmem_shared>>) target_semaphore(%run_scoped3A : memref<!tpu.dma_semaphore, #tpu.memory_space<semaphore_mem>>)
      %dma_wait3A = arith.constant 0 : i32
      %dma_wait3A_230 = arith.constant 0 : i32
      %dma_wait3A_231 = tpu.memref_slice %arg12[%dma_wait3A, %dma_wait3A_230] : memref<128x128xf32, #tpu.memory_space<vmem>> -> memref<64x128xf32, #tpu.memory_space<vmem>>
      %dma_wait3A_232 = arith.constant 0 : i32
      %dma_wait3A_233 = tpu.memref_slice %arg30[%add3A_112, %dma_wait3A_232] : memref<5632x128xf32, #tpu.memory_space<vmem_shared>> -> memref<64x128xf32, #tpu.memory_space<vmem_shared>>
      %dma_wait3A_234 = arith.constant 0 : i32
      %dma_wait3A_235 = tpu.memref_slice %arg30[%add3A_112, %dma_wait3A_234] : memref<5632x128xf32, #tpu.memory_space<vmem_shared>> -> memref<64x128xf32, #tpu.memory_space<vmem_shared>>
      %dma_wait3A_236 = arith.constant 0 : i32
      %dma_wait3A_237 = arith.constant 0 : i32
      %dma_wait3A_238 = tpu.memref_slice %arg12[%dma_wait3A_236, %dma_wait3A_237] : memref<128x128xf32, #tpu.memory_space<vmem>> -> memref<64x128xf32, #tpu.memory_space<vmem>>
      tpu.wait_dma2 semaphore(%run_scoped3A : memref<!tpu.dma_semaphore, #tpu.memory_space<semaphore_mem>>) src(%dma_wait3A_238 : memref<64x128xf32, #tpu.memory_space<vmem>>) dst(%dma_wait3A_235 : memref<64x128xf32, #tpu.memory_space<vmem_shared>>)
      tpu.yield
    }) : () -> ()
    %mul3A_113 = arith.constant 352 : i32
    %mul3A_114 = arith.muli %arg1, %mul3A_113 : i32
    %add3A_115 = arith.constant 320 : i32
    %add3A_116 = arith.addi %mul3A_114, %add3A_115 : i32
    "tpu.region"() ({
      %run_scoped3A = tpu.sem_alloc : memref<!tpu.dma_semaphore, #tpu.memory_space<semaphore_mem>>
      %dma_start3A = arith.constant 0 : i32
      %dma_start3A_221 = arith.constant 0 : i32
      %dma_start3A_222 = tpu.memref_slice %arg12[%dma_start3A, %dma_start3A_221] : memref<128x128xf32, #tpu.memory_space<vmem>> -> memref<32x128xf32, #tpu.memory_space<vmem>>
      %dma_start3A_223 = arith.constant 0 : i32
      %dma_start3A_224 = tpu.memref_slice %arg30[%add3A_116, %dma_start3A_223] : memref<5632x128xf32, #tpu.memory_space<vmem_shared>> -> memref<32x128xf32, #tpu.memory_space<vmem_shared>>
      %dma_start3A_225 = arith.constant 0 : i32
      %dma_start3A_226 = tpu.memref_slice %arg30[%add3A_116, %dma_start3A_225] : memref<5632x128xf32, #tpu.memory_space<vmem_shared>> -> memref<32x128xf32, #tpu.memory_space<vmem_shared>>
      %dma_start3A_227 = arith.constant 0 : i32
      %dma_start3A_228 = arith.constant 0 : i32
      %dma_start3A_229 = tpu.memref_slice %arg12[%dma_start3A_227, %dma_start3A_228] : memref<128x128xf32, #tpu.memory_space<vmem>> -> memref<32x128xf32, #tpu.memory_space<vmem>>
      tpu.enqueue_dma source(%dma_start3A_229 : memref<32x128xf32, #tpu.memory_space<vmem>>) target(%dma_start3A_226 : memref<32x128xf32, #tpu.memory_space<vmem_shared>>) target_semaphore(%run_scoped3A : memref<!tpu.dma_semaphore, #tpu.memory_space<semaphore_mem>>)
      %dma_wait3A = arith.constant 0 : i32
      %dma_wait3A_230 = arith.constant 0 : i32
      %dma_wait3A_231 = tpu.memref_slice %arg12[%dma_wait3A, %dma_wait3A_230] : memref<128x128xf32, #tpu.memory_space<vmem>> -> memref<32x128xf32, #tpu.memory_space<vmem>>
      %dma_wait3A_232 = arith.constant 0 : i32
      %dma_wait3A_233 = tpu.memref_slice %arg30[%add3A_116, %dma_wait3A_232] : memref<5632x128xf32, #tpu.memory_space<vmem_shared>> -> memref<32x128xf32, #tpu.memory_space<vmem_shared>>
      %dma_wait3A_234 = arith.constant 0 : i32
      %dma_wait3A_235 = tpu.memref_slice %arg30[%add3A_116, %dma_wait3A_234] : memref<5632x128xf32, #tpu.memory_space<vmem_shared>> -> memref<32x128xf32, #tpu.memory_space<vmem_shared>>
      %dma_wait3A_236 = arith.constant 0 : i32
      %dma_wait3A_237 = arith.constant 0 : i32
      %dma_wait3A_238 = tpu.memref_slice %arg12[%dma_wait3A_236, %dma_wait3A_237] : memref<128x128xf32, #tpu.memory_space<vmem>> -> memref<32x128xf32, #tpu.memory_space<vmem>>
      tpu.wait_dma2 semaphore(%run_scoped3A : memref<!tpu.dma_semaphore, #tpu.memory_space<semaphore_mem>>) src(%dma_wait3A_238 : memref<32x128xf32, #tpu.memory_space<vmem>>) dst(%dma_wait3A_235 : memref<32x128xf32, #tpu.memory_space<vmem_shared>>)
      tpu.yield
    }) : () -> ()
    %barrier3A = arith.constant 0 : index
    tpu.barrier barrier_id(%barrier3A)
    %scan3A_117 = arith.constant 0 : i32
    %scan3A_118 = arith.constant 0 : i32
    %scan3A_119 = arith.constant 1280 : i32
    %scan3A_120 = arith.addi %scan3A_118, %scan3A_119 : i32
    %scan3A_121 = arith.constant 1 : i32
    %scan3A_122 = scf.for %scan3A_221 = %scan3A_118 to %scan3A_120 step %scan3A_121 iter_args(%scan3A_222 = %scan3A_117) -> (i32)  : i32 {
      %mul3A_223 = arith.constant 16 : i32
      %mul3A_224 = arith.muli %scan3A_221, %mul3A_223 : i32
      %get3A = arith.index_cast %mul3A_224 : i32 to index
      %get3A_225 = tpu.vector_load %arg9[%get3A] {strides = array<i32>} : memref<20480xi32, #tpu.memory_space<vmem>>, vector<16xi32>,
      %and3A_226 = arith.andi %get3A_225, %add3A_7 : vector<16xi32>
      %sub3A_227 = vector.broadcast %mul3A_0 : i32 to vector<16xi32>
      %sub3A_228 = arith.subi %and3A_226, %sub3A_227 : vector<16xi32>
      %mul3A_229 = arith.constant 16 : i32
      %mul3A_230 = arith.muli %scan3A_221, %mul3A_229 : i32
      %add3A_231 = arith.addi %mul3A_2, %mul3A_230 : i32
      %add3A_232 = vector.broadcast %add3A_231 : i32 to vector<16xi32>
      %add3A_233 = arith.addi %broadcast_in_dim3A_5, %add3A_232 : vector<16xi32>
      %add3A_234 = arith.addi %add3A_233, %iota3A : vector<16xi32>
      %ge3A = arith.cmpi sge, %sub3A_228, %broadcast_in_dim3A_5 : vector<16xi32>
      %lt3A = arith.cmpi slt, %sub3A_228, %add3A_13 : vector<16xi32>
      %and3A_235 = arith.andi %ge3A, %lt3A : vector<16xi1>
      %lt3A_236 = arith.cmpi slt, %add3A_234, %add3A_16 : vector<16xi32>
      %and3A_237 = arith.andi %and3A_235, %lt3A_236 : vector<16xi1>
      %swap3A_238 = arith.index_cast %scan3A_222 : i32 to index
      %swap3A_239 = tpu.vector_load %arg10[%swap3A_238] masked %and3A_237 {strides = array<i32>} : memref<20640xi32, #tpu.memory_space<vmem>>, vector<16xi32>, vector<16xi1>
      tpu.vector_store %arg10[%swap3A_238], %get3A_225 masked %and3A_237 {strides = array<i32>} : memref<20640xi32, #tpu.memory_space<vmem>>, vector<16xi32>, vector<16xi1>
      %all_reduce_population_count3A = tpu.all_reduce %and3A_237 {dim = 0 : i64, kind = #tpu.reduction_kind<sum>} : vector<16xi1> -> vector<16xi32>
      %slice3A = vector.extract_strided_slice %all_reduce_population_count3A {offsets = [0], sizes = [1], strides = [1]} : vector<16xi32> to vector<1xi32>
      %squeeze3A = vector.extract %slice3A[0] : i32 from vector<1xi32>
      %add3A_240 = arith.addi %scan3A_222, %squeeze3A : i32
      scf.yield %add3A_240 : i32
    }
    %scan3A_123 = arith.constant 1280 : i32
    %add3A_124 = arith.constant 64 : i32
    %add3A_125 = arith.addi %scan3A_122, %add3A_124 : i32
    %sub3A = arith.constant 1 : i32
    %sub3A_126 = arith.subi %add3A_125, %sub3A : i32
    %jit3A = arith.constant 64 : i32
    %div3A = arith.divsi %sub3A_126, %jit3A : i32
    %sign3A = arith.constant 0 : i32
    %sign3A_127 = arith.cmpi sgt, %sub3A_126, %sign3A : i32
    %sign3A_128 = arith.extui %sign3A_127 : i1 to i32
    %sign3A_129 = arith.constant 0 : i32
    %sign3A_130 = arith.cmpi slt, %sub3A_126, %sign3A_129 : i32
    %sign3A_131 = arith.extui %sign3A_130 : i1 to i32
    %sign3A_132 = arith.subi %sign3A_128, %sign3A_131 : i32
    %sign3A_133 = arith.constant 0 : i32
    %sign3A_134 = arith.cmpi sgt, %jit3A, %sign3A_133 : i32
    %sign3A_135 = arith.extui %sign3A_134 : i1 to i32
    %sign3A_136 = arith.constant 0 : i32
    %sign3A_137 = arith.cmpi slt, %jit3A, %sign3A_136 : i32
    %sign3A_138 = arith.extui %sign3A_137 : i1 to i32
    %sign3A_139 = arith.subi %sign3A_135, %sign3A_138 : i32
    %ne3A = arith.cmpi ne, %sign3A_132, %sign3A_139 : i32
    %rem3A = arith.remsi %sub3A_126, %jit3A : i32
    %ne3A_140 = arith.constant 0 : i32
    %ne3A_141 = arith.cmpi ne, %rem3A, %ne3A_140 : i32
    %and3A = arith.andi %ne3A, %ne3A_141 : i1
    %sub3A_142 = arith.constant 1 : i32
    %sub3A_143 = arith.subi %div3A, %sub3A_142 : i32
    %select_n3A = arith.select %and3A, %sub3A_143, %div3A : i32
    %broadcast_in_dim3A_144 = vector.broadcast %scan3A_122 : i32 to vector<16xi32>
    %scan3A_145 = arith.constant 0 : i32
    %scan3A_146 = arith.constant 9 : i32
    %scan3A_147 = arith.addi %scan3A_145, %scan3A_146 : i32
    %scan3A_148 = arith.constant 1 : i32
    scf.for %scan3A_221 = %scan3A_145 to %scan3A_147 step %scan3A_148  : i32 {
      %mul3A_222 = arith.constant 1 : i32
      %mul3A_223 = arith.muli %scan3A_221, %mul3A_222 : i32
      %add3A_224 = arith.constant 0 : i32
      %add3A_225 = arith.addi %add3A_224, %mul3A_223 : i32
      %mul3A_226 = arith.constant 16 : i32
      %mul3A_227 = arith.muli %add3A_225, %mul3A_226 : i32
      %add3A_228 = arith.addi %scan3A_122, %mul3A_227 : i32
      %swap3A_229 = arith.index_cast %add3A_228 : i32 to index
      %swap3A_230 = tpu.vector_load %arg10[%swap3A_229] {strides = array<i32>} : memref<20640xi32, #tpu.memory_space<vmem>>, vector<16xi32>,
      tpu.vector_store %arg10[%swap3A_229], %broadcast_in_dim3A_5 {strides = array<i32>} : memref<20640xi32, #tpu.memory_space<vmem>>, vector<16xi32>,
    }
    %scan3A_149 = arith.constant 9 : i32
    %gt3A = arith.constant 0 : i32
    %gt3A_150 = arith.cmpi sgt, %select_n3A, %gt3A : i32
    %convert_element_type3A = arith.extui %gt3A_150 : i1 to i32
    %cond3A = arith.constant 0 : i32
    %cond3A_151 = arith.cmpi ne, %convert_element_type3A, %cond3A : i32
    scf.if %cond3A_151 {
      %get3A = arith.constant 0 : index
      %get3A_221 = tpu.vector_load %arg10[%get3A] {strides = array<i32>} : memref<20640xi32, #tpu.memory_space<vmem>>, vector<16xi32>,
      %shift_right_logical3A = arith.shrui %get3A_221, %add3A_10 : vector<16xi32>
      %swap3A_222 = arith.constant 0 : index
      %swap3A_223 = tpu.vector_load %arg13[%swap3A_222] {strides = array<i32>} : memref<64xi32, #tpu.memory_space<vmem>>, vector<16xi32>,
      tpu.vector_store %arg13[%swap3A_222], %shift_right_logical3A {strides = array<i32>} : memref<64xi32, #tpu.memory_space<vmem>>, vector<16xi32>,
      %get3A_224 = arith.constant 16 : index
      %get3A_225 = tpu.vector_load %arg10[%get3A_224] {strides = array<i32>} : memref<20640xi32, #tpu.memory_space<vmem>>, vector<16xi32>,
      %shift_right_logical3A_226 = arith.shrui %get3A_225, %add3A_10 : vector<16xi32>
      %swap3A_227 = arith.constant 16 : index
      %swap3A_228 = tpu.vector_load %arg13[%swap3A_227] {strides = array<i32>} : memref<64xi32, #tpu.memory_space<vmem>>, vector<16xi32>,
      tpu.vector_store %arg13[%swap3A_227], %shift_right_logical3A_226 {strides = array<i32>} : memref<64xi32, #tpu.memory_space<vmem>>, vector<16xi32>,
      %get3A_229 = arith.constant 32 : index
      %get3A_230 = tpu.vector_load %arg10[%get3A_229] {strides = array<i32>} : memref<20640xi32, #tpu.memory_space<vmem>>, vector<16xi32>,
      %shift_right_logical3A_231 = arith.shrui %get3A_230, %add3A_10 : vector<16xi32>
      %swap3A_232 = arith.constant 32 : index
      %swap3A_233 = tpu.vector_load %arg13[%swap3A_232] {strides = array<i32>} : memref<64xi32, #tpu.memory_space<vmem>>, vector<16xi32>,
      tpu.vector_store %arg13[%swap3A_232], %shift_right_logical3A_231 {strides = array<i32>} : memref<64xi32, #tpu.memory_space<vmem>>, vector<16xi32>,
      %get3A_234 = arith.constant 48 : index
      %get3A_235 = tpu.vector_load %arg10[%get3A_234] {strides = array<i32>} : memref<20640xi32, #tpu.memory_space<vmem>>, vector<16xi32>,
      %shift_right_logical3A_236 = arith.shrui %get3A_235, %add3A_10 : vector<16xi32>
      %swap3A_237 = arith.constant 48 : index
      %swap3A_238 = tpu.vector_load %arg13[%swap3A_237] {strides = array<i32>} : memref<64xi32, #tpu.memory_space<vmem>>, vector<16xi32>,
      tpu.vector_store %arg13[%swap3A_237], %shift_right_logical3A_236 {strides = array<i32>} : memref<64xi32, #tpu.memory_space<vmem>>, vector<16xi32>,
      %dma_start3A = arith.constant 0 : i32
      %dma_start3A_239 = arith.constant 0 : i32
      %dma_start3A_240 = tpu.memref_slice %arg11[%dma_start3A, %dma_start3A_239] : memref<128x128xf32, #tpu.memory_space<vmem>> -> memref<64x128xf32, #tpu.memory_space<vmem>>
      %dma_start3A_241 = arith.constant 0 : i32
      %dma_start3A_242 = arith.constant 0 : i32
      %dma_start3A_243 = tpu.memref_slice %arg2[%dma_start3A_241, %dma_start3A_242] : memref<80000x128xf32, #tpu.memory_space<hbm>> -> memref<80000x128xf32, #tpu.memory_space<hbm>>
      tpu.enqueue_indirect_dma source(%dma_start3A_243 : memref<80000x128xf32, #tpu.memory_space<hbm>>) target(%dma_start3A_240 : memref<64x128xf32, #tpu.memory_space<vmem>>) offsets(%arg13 : memref<64xi32, #tpu.memory_space<vmem>>) semaphore(%arg22 : memref<!tpu.dma_semaphore, #tpu.memory_space<semaphore_mem>>)
      %dma_start3A_244 = arith.constant 0 : i32
      %dma_start3A_245 = tpu.memref_slice %arg3[%dma_start3A_244] : memref<80000xf32, #tpu.memory_space<hbm>> -> memref<80000xf32, #tpu.memory_space<hbm>>
      tpu.enqueue_indirect_dma source(%dma_start3A_245 : memref<80000xf32, #tpu.memory_space<hbm>>) target(%arg19 : memref<64xf32, #tpu.memory_space<vmem>>) offsets(%arg13 : memref<64xi32, #tpu.memory_space<vmem>>) semaphore(%arg24 : memref<!tpu.dma_semaphore, #tpu.memory_space<semaphore_mem>>)
    } else {
    }
    %gt3A_152 = arith.constant 1 : i32
    %gt3A_153 = arith.cmpi sgt, %select_n3A, %gt3A_152 : i32
    %convert_element_type3A_154 = arith.extui %gt3A_153 : i1 to i32
    %cond3A_155 = arith.constant 0 : i32
    %cond3A_156 = arith.cmpi ne, %convert_element_type3A_154, %cond3A_155 : i32
    scf.if %cond3A_156 {
      %get3A = arith.constant 64 : index
      %get3A_221 = tpu.vector_load %arg10[%get3A] {strides = array<i32>} : memref<20640xi32, #tpu.memory_space<vmem>>, vector<16xi32>,
      %shift_right_logical3A = arith.shrui %get3A_221, %add3A_10 : vector<16xi32>
      %swap3A_222 = arith.constant 0 : index
      %swap3A_223 = tpu.vector_load %arg14[%swap3A_222] {strides = array<i32>} : memref<64xi32, #tpu.memory_space<vmem>>, vector<16xi32>,
      tpu.vector_store %arg14[%swap3A_222], %shift_right_logical3A {strides = array<i32>} : memref<64xi32, #tpu.memory_space<vmem>>, vector<16xi32>,
      %get3A_224 = arith.constant 80 : index
      %get3A_225 = tpu.vector_load %arg10[%get3A_224] {strides = array<i32>} : memref<20640xi32, #tpu.memory_space<vmem>>, vector<16xi32>,
      %shift_right_logical3A_226 = arith.shrui %get3A_225, %add3A_10 : vector<16xi32>
      %swap3A_227 = arith.constant 16 : index
      %swap3A_228 = tpu.vector_load %arg14[%swap3A_227] {strides = array<i32>} : memref<64xi32, #tpu.memory_space<vmem>>, vector<16xi32>,
      tpu.vector_store %arg14[%swap3A_227], %shift_right_logical3A_226 {strides = array<i32>} : memref<64xi32, #tpu.memory_space<vmem>>, vector<16xi32>,
      %get3A_229 = arith.constant 96 : index
      %get3A_230 = tpu.vector_load %arg10[%get3A_229] {strides = array<i32>} : memref<20640xi32, #tpu.memory_space<vmem>>, vector<16xi32>,
      %shift_right_logical3A_231 = arith.shrui %get3A_230, %add3A_10 : vector<16xi32>
      %swap3A_232 = arith.constant 32 : index
      %swap3A_233 = tpu.vector_load %arg14[%swap3A_232] {strides = array<i32>} : memref<64xi32, #tpu.memory_space<vmem>>, vector<16xi32>,
      tpu.vector_store %arg14[%swap3A_232], %shift_right_logical3A_231 {strides = array<i32>} : memref<64xi32, #tpu.memory_space<vmem>>, vector<16xi32>,
      %get3A_234 = arith.constant 112 : index
      %get3A_235 = tpu.vector_load %arg10[%get3A_234] {strides = array<i32>} : memref<20640xi32, #tpu.memory_space<vmem>>, vector<16xi32>,
      %shift_right_logical3A_236 = arith.shrui %get3A_235, %add3A_10 : vector<16xi32>
      %swap3A_237 = arith.constant 48 : index
      %swap3A_238 = tpu.vector_load %arg14[%swap3A_237] {strides = array<i32>} : memref<64xi32, #tpu.memory_space<vmem>>, vector<16xi32>,
      tpu.vector_store %arg14[%swap3A_237], %shift_right_logical3A_236 {strides = array<i32>} : memref<64xi32, #tpu.memory_space<vmem>>, vector<16xi32>,
      %dma_start3A = arith.constant 64 : i32
      %dma_start3A_239 = arith.constant 0 : i32
      %dma_start3A_240 = tpu.memref_slice %arg11[%dma_start3A, %dma_start3A_239] : memref<128x128xf32, #tpu.memory_space<vmem>> -> memref<64x128xf32, #tpu.memory_space<vmem>>
      %dma_start3A_241 = arith.constant 0 : i32
      %dma_start3A_242 = arith.constant 0 : i32
      %dma_start3A_243 = tpu.memref_slice %arg2[%dma_start3A_241, %dma_start3A_242] : memref<80000x128xf32, #tpu.memory_space<hbm>> -> memref<80000x128xf32, #tpu.memory_space<hbm>>
      tpu.enqueue_indirect_dma source(%dma_start3A_243 : memref<80000x128xf32, #tpu.memory_space<hbm>>) target(%dma_start3A_240 : memref<64x128xf32, #tpu.memory_space<vmem>>) offsets(%arg14 : memref<64xi32, #tpu.memory_space<vmem>>) semaphore(%arg23 : memref<!tpu.dma_semaphore, #tpu.memory_space<semaphore_mem>>)
      %dma_start3A_244 = arith.constant 0 : i32
      %dma_start3A_245 = tpu.memref_slice %arg3[%dma_start3A_244] : memref<80000xf32, #tpu.memory_space<hbm>> -> memref<80000xf32, #tpu.memory_space<hbm>>
      tpu.enqueue_indirect_dma source(%dma_start3A_245 : memref<80000xf32, #tpu.memory_space<hbm>>) target(%arg20 : memref<64xf32, #tpu.memory_space<vmem>>) offsets(%arg14 : memref<64xi32, #tpu.memory_space<vmem>>) semaphore(%arg25 : memref<!tpu.dma_semaphore, #tpu.memory_space<semaphore_mem>>)
    } else {
    }
    %add3A_157 = arith.constant 1 : i32
    %add3A_158 = arith.addi %select_n3A, %add3A_157 : i32
    %jit3A_159 = arith.constant 2 : i32
    %div3A_160 = arith.divsi %add3A_158, %jit3A_159 : i32
    %sign3A_161 = arith.constant 0 : i32
    %sign3A_162 = arith.cmpi sgt, %add3A_158, %sign3A_161 : i32
    %sign3A_163 = arith.extui %sign3A_162 : i1 to i32
    %sign3A_164 = arith.constant 0 : i32
    %sign3A_165 = arith.cmpi slt, %add3A_158, %sign3A_164 : i32
    %sign3A_166 = arith.extui %sign3A_165 : i1 to i32
    %sign3A_167 = arith.subi %sign3A_163, %sign3A_166 : i32
    %sign3A_168 = arith.constant 0 : i32
    %sign3A_169 = arith.cmpi sgt, %jit3A_159, %sign3A_168 : i32
    %sign3A_170 = arith.extui %sign3A_169 : i1 to i32
    %sign3A_171 = arith.constant 0 : i32
    %sign3A_172 = arith.cmpi slt, %jit3A_159, %sign3A_171 : i32
    %sign3A_173 = arith.extui %sign3A_172 : i1 to i32
    %sign3A_174 = arith.subi %sign3A_170, %sign3A_173 : i32
    %ne3A_175 = arith.cmpi ne, %sign3A_167, %sign3A_174 : i32
    %rem3A_176 = arith.remsi %add3A_158, %jit3A_159 : i32
    %ne3A_177 = arith.constant 0 : i32
    %ne3A_178 = arith.cmpi ne, %rem3A_176, %ne3A_177 : i32
    %and3A_179 = arith.andi %ne3A_175, %ne3A_178 : i1
    %sub3A_180 = arith.constant 1 : i32
    %sub3A_181 = arith.subi %div3A_160, %sub3A_180 : i32
    %select_n3A_182 = arith.select %and3A_179, %sub3A_181, %div3A_160 : i32
    %sub3A_183 = arith.constant 0 : i32
    %sub3A_184 = arith.subi %select_n3A_182, %sub3A_183 : i32
    %sub3A_185 = arith.constant 1 : i32
    %sub3A_186 = arith.constant 1 : i32
    %sub3A_187 = arith.subi %sub3A_185, %sub3A_186 : i32
    %add3A_188 = arith.addi %sub3A_184, %sub3A_187 : i32
    %div3A_189 = arith.constant 1 : i32
    %div3A_190 = arith.divsi %add3A_188, %div3A_189 : i32
    %while3A = arith.constant 1 : i32
    %while3A_191 = arith.constant 0 : i32
    %while3A_192 = arith.constant 0 : i32
    %while3A_193 = arith.subi %div3A_190, %while3A_192 : i32
    %while3A_194 = arith.addi %while3A_192, %while3A_193 : i32
    %while3A_195 = arith.constant 1 : i32
    %while3A_196 = arith.divsi %while3A_193, %while3A_195 : i32
    %while3A_197 = arith.muli %while3A_196, %while3A_195 : i32
    %while3A_198 = arith.addi %while3A_192, %while3A_197 : i32
    %while3A_199 = arith.constant 1 : i32
    scf.for %while3A_221 = %while3A_192 to %while3A_198 step %while3A_199  : i32 {
      %mul3A_222 = arith.muli %while3A_221, %while3A : i32
      %add3A_223 = arith.addi %while3A_191, %mul3A_222 : i32
      %mul3A_224 = arith.constant 2 : i32
      %mul3A_225 = arith.muli %mul3A_224, %add3A_223 : i32
      %mul3A_226 = arith.constant 2 : i32
      %mul3A_227 = arith.muli %mul3A_226, %add3A_223 : i32
      %add3A_228 = arith.constant 1 : i32
      %add3A_229 = arith.addi %mul3A_227, %add3A_228 : i32
      %ge3A = arith.constant 2 : i32
      %ge3A_230 = arith.cmpi sge, %mul3A_225, %ge3A : i32
      %convert_element_type3A_231 = arith.extui %ge3A_230 : i1 to i32
      %cond3A_232 = arith.constant 0 : i32
      %cond3A_233 = arith.cmpi ne, %convert_element_type3A_231, %cond3A_232 : i32
      scf.if %cond3A_233 {
        %dma_wait3A_367 = arith.constant 0 : i32
        %dma_wait3A_368 = arith.constant 0 : i32
        %dma_wait3A_369 = tpu.memref_slice %arg12[%dma_wait3A_367, %dma_wait3A_368] : memref<128x128xf32, #tpu.memory_space<vmem>> -> memref<64x128xf32, #tpu.memory_space<vmem>>
        %dma_wait3A_370 = arith.constant 0 : i32
        %dma_wait3A_371 = arith.constant 0 : i32
        %dma_wait3A_372 = tpu.memref_slice %arg30[%dma_wait3A_370, %dma_wait3A_371] : memref<5632x128xf32, #tpu.memory_space<vmem_shared>> -> memref<5632x128xf32, #tpu.memory_space<vmem_shared>>
        tpu.wait_indirect_dma semaphore(%arg26 : memref<!tpu.dma_semaphore, #tpu.memory_space<semaphore_mem>>) src(%dma_wait3A_369 : memref<64x128xf32, #tpu.memory_space<vmem>>) dst(%dma_wait3A_372 : memref<5632x128xf32, #tpu.memory_space<vmem_shared>>)
        %dma_wait3A_373 = arith.constant 0 : i32
        %dma_wait3A_374 = tpu.memref_slice %arg17[%dma_wait3A_373] : memref<80xf32, #tpu.memory_space<vmem>> -> memref<64xf32, #tpu.memory_space<vmem>>
        %dma_wait3A_375 = arith.constant 0 : i32
        %dma_wait3A_376 = tpu.memref_slice %arg31[%dma_wait3A_375] : memref<5632xf32, #tpu.memory_space<vmem_shared>> -> memref<5632xf32, #tpu.memory_space<vmem_shared>>
        tpu.wait_indirect_dma semaphore(%arg28 : memref<!tpu.dma_semaphore, #tpu.memory_space<semaphore_mem>>) src(%dma_wait3A_374 : memref<64xf32, #tpu.memory_space<vmem>>) dst(%dma_wait3A_376 : memref<5632xf32, #tpu.memory_space<vmem_shared>>)
      } else {
      }
      %mul3A_234 = arith.constant 64 : i32
      %mul3A_235 = arith.muli %mul3A_225, %mul3A_234 : i32
      %dma_wait3A = arith.constant 0 : i32
      %dma_wait3A_236 = tpu.memref_slice %arg3[%dma_wait3A] : memref<80000xf32, #tpu.memory_space<hbm>> -> memref<80000xf32, #tpu.memory_space<hbm>>
      tpu.wait_indirect_dma semaphore(%arg24 : memref<!tpu.dma_semaphore, #tpu.memory_space<semaphore_mem>>) src(%dma_wait3A_236 : memref<80000xf32, #tpu.memory_space<hbm>>) dst(%arg19 : memref<64xf32, #tpu.memory_space<vmem>>)
      %add3A_237 = arith.constant 0 : i32
      %add3A_238 = arith.addi %mul3A_235, %add3A_237 : i32
      %get3A = arith.index_cast %add3A_238 : i32 to index
      %get3A_239 = tpu.vector_load %arg10[%get3A] {strides = array<i32>} : memref<20640xi32, #tpu.memory_space<vmem>>, vector<16xi32>,
      %and3A_240 = arith.andi %get3A_239, %add3A_7 : vector<16xi32>
      %sub3A_241 = vector.broadcast %mul3A_0 : i32 to vector<16xi32>
      %sub3A_242 = arith.subi %and3A_240, %sub3A_241 : vector<16xi32>
      %add3A_243 = arith.constant 0 : i32
      %add3A_244 = arith.addi %mul3A_235, %add3A_243 : i32
      %add3A_245 = vector.broadcast %add3A_244 : i32 to vector<16xi32>
      %add3A_246 = arith.addi %broadcast_in_dim3A_5, %add3A_245 : vector<16xi32>
      %add3A_247 = arith.addi %add3A_246, %iota3A : vector<16xi32>
      %lt3A = arith.cmpi slt, %add3A_247, %broadcast_in_dim3A_144 : vector<16xi32>
      %select_n3A_248 = arith.select %lt3A, %sub3A_242, %add3A_19 : vector<16xi1>, vector<16xi32>
      %swap3A_249 = arith.constant 0 : index
      %swap3A_250 = tpu.vector_load %arg15[%swap3A_249] {strides = array<i32>} : memref<64xi32, #tpu.memory_space<vmem>>, vector<16xi32>,
      tpu.vector_store %arg15[%swap3A_249], %select_n3A_248 {strides = array<i32>} : memref<64xi32, #tpu.memory_space<vmem>>, vector<16xi32>,
      %gather3A = tpu.vector_load_idx %arg8[%select_n3A_248] : memref<5128xf32, #tpu.memory_space<vmem>>[vector<16xi32>], vector<16xf32>,
      %get3A_251 = arith.constant 0 : index
      %get3A_252 = tpu.vector_load %arg19[%get3A_251] {strides = array<i32>} : memref<64xf32, #tpu.memory_space<vmem>>, vector<16xf32>,
      %add3A_253 = arith.addf %gather3A, %get3A_252 : vector<16xf32>
      %ge3A_254 = arith.cmpf oge, %add3A_253, %broadcast_in_dim3A_3 : vector<16xf32>
      %mul3A_255 = arith.mulf %add3A_253, %add3A_22 : vector<16xf32>
      %select_n3A_256 = arith.select %ge3A_254, %add3A_253, %mul3A_255 : vector<16xi1>, vector<16xf32>
      %exp3A = math.exp %select_n3A_256 : vector<16xf32>
      %swap3A_257 = arith.constant 0 : index
      %swap3A_258 = tpu.vector_load %arg17[%swap3A_257] {strides = array<i32>} : memref<80xf32, #tpu.memory_space<vmem>>, vector<16xf32>,
      tpu.vector_store %arg17[%swap3A_257], %exp3A {strides = array<i32>} : memref<80xf32, #tpu.memory_space<vmem>>, vector<16xf32>,
      %add3A_259 = arith.constant 16 : i32
      %add3A_260 = arith.addi %mul3A_235, %add3A_259 : i32
      %get3A_261 = arith.index_cast %add3A_260 : i32 to index
      %get3A_262 = tpu.vector_load %arg10[%get3A_261] {strides = array<i32>} : memref<20640xi32, #tpu.memory_space<vmem>>, vector<16xi32>,
      %and3A_263 = arith.andi %get3A_262, %add3A_7 : vector<16xi32>
      %sub3A_264 = vector.broadcast %mul3A_0 : i32 to vector<16xi32>
      %sub3A_265 = arith.subi %and3A_263, %sub3A_264 : vector<16xi32>
      %add3A_266 = arith.constant 16 : i32
      %add3A_267 = arith.addi %mul3A_235, %add3A_266 : i32
      %add3A_268 = vector.broadcast %add3A_267 : i32 to vector<16xi32>
      %add3A_269 = arith.addi %broadcast_in_dim3A_5, %add3A_268 : vector<16xi32>
      %add3A_270 = arith.addi %add3A_269, %iota3A : vector<16xi32>
      %lt3A_271 = arith.cmpi slt, %add3A_270, %broadcast_in_dim3A_144 : vector<16xi32>
      %select_n3A_272 = arith.select %lt3A_271, %sub3A_265, %add3A_19 : vector<16xi1>, vector<16xi32>
      %swap3A_273 = arith.constant 16 : index
      %swap3A_274 = tpu.vector_load %arg15[%swap3A_273] {strides = array<i32>} : memref<64xi32, #tpu.memory_space<vmem>>, vector<16xi32>,
      tpu.vector_store %arg15[%swap3A_273], %select_n3A_272 {strides = array<i32>} : memref<64xi32, #tpu.memory_space<vmem>>, vector<16xi32>,
      %gather3A_275 = tpu.vector_load_idx %arg8[%select_n3A_272] : memref<5128xf32, #tpu.memory_space<vmem>>[vector<16xi32>], vector<16xf32>,
      %get3A_276 = arith.constant 16 : index
      %get3A_277 = tpu.vector_load %arg19[%get3A_276] {strides = array<i32>} : memref<64xf32, #tpu.memory_space<vmem>>, vector<16xf32>,
      %add3A_278 = arith.addf %gather3A_275, %get3A_277 : vector<16xf32>
      %ge3A_279 = arith.cmpf oge, %add3A_278, %broadcast_in_dim3A_3 : vector<16xf32>
      %mul3A_280 = arith.mulf %add3A_278, %add3A_22 : vector<16xf32>
      %select_n3A_281 = arith.select %ge3A_279, %add3A_278, %mul3A_280 : vector<16xi1>, vector<16xf32>
      %exp3A_282 = math.exp %select_n3A_281 : vector<16xf32>
      %swap3A_283 = arith.constant 16 : index
      %swap3A_284 = tpu.vector_load %arg17[%swap3A_283] {strides = array<i32>} : memref<80xf32, #tpu.memory_space<vmem>>, vector<16xf32>,
      tpu.vector_store %arg17[%swap3A_283], %exp3A_282 {strides = array<i32>} : memref<80xf32, #tpu.memory_space<vmem>>, vector<16xf32>,
      %add3A_285 = arith.constant 32 : i32
      %add3A_286 = arith.addi %mul3A_235, %add3A_285 : i32
      %get3A_287 = arith.index_cast %add3A_286 : i32 to index
      %get3A_288 = tpu.vector_load %arg10[%get3A_287] {strides = array<i32>} : memref<20640xi32, #tpu.memory_space<vmem>>, vector<16xi32>,
      %and3A_289 = arith.andi %get3A_288, %add3A_7 : vector<16xi32>
      %sub3A_290 = vector.broadcast %mul3A_0 : i32 to vector<16xi32>
      %sub3A_291 = arith.subi %and3A_289, %sub3A_290 : vector<16xi32>
      %add3A_292 = arith.constant 32 : i32
      %add3A_293 = arith.addi %mul3A_235, %add3A_292 : i32
      %add3A_294 = vector.broadcast %add3A_293 : i32 to vector<16xi32>
      %add3A_295 = arith.addi %broadcast_in_dim3A_5, %add3A_294 : vector<16xi32>
      %add3A_296 = arith.addi %add3A_295, %iota3A : vector<16xi32>
      %lt3A_297 = arith.cmpi slt, %add3A_296, %broadcast_in_dim3A_144 : vector<16xi32>
      %select_n3A_298 = arith.select %lt3A_297, %sub3A_291, %add3A_19 : vector<16xi1>, vector<16xi32>
      %swap3A_299 = arith.constant 32 : index
      %swap3A_300 = tpu.vector_load %arg15[%swap3A_299] {strides = array<i32>} : memref<64xi32, #tpu.memory_space<vmem>>, vector<16xi32>,
      tpu.vector_store %arg15[%swap3A_299], %select_n3A_298 {strides = array<i32>} : memref<64xi32, #tpu.memory_space<vmem>>, vector<16xi32>,
      %gather3A_301 = tpu.vector_load_idx %arg8[%select_n3A_298] : memref<5128xf32, #tpu.memory_space<vmem>>[vector<16xi32>], vector<16xf32>,
      %get3A_302 = arith.constant 32 : index
      %get3A_303 = tpu.vector_load %arg19[%get3A_302] {strides = array<i32>} : memref<64xf32, #tpu.memory_space<vmem>>, vector<16xf32>,
      %add3A_304 = arith.addf %gather3A_301, %get3A_303 : vector<16xf32>
      %ge3A_305 = arith.cmpf oge, %add3A_304, %broadcast_in_dim3A_3 : vector<16xf32>
      %mul3A_306 = arith.mulf %add3A_304, %add3A_22 : vector<16xf32>
      %select_n3A_307 = arith.select %ge3A_305, %add3A_304, %mul3A_306 : vector<16xi1>, vector<16xf32>
      %exp3A_308 = math.exp %select_n3A_307 : vector<16xf32>
      %swap3A_309 = arith.constant 32 : index
      %swap3A_310 = tpu.vector_load %arg17[%swap3A_309] {strides = array<i32>} : memref<80xf32, #tpu.memory_space<vmem>>, vector<16xf32>,
      tpu.vector_store %arg17[%swap3A_309], %exp3A_308 {strides = array<i32>} : memref<80xf32, #tpu.memory_space<vmem>>, vector<16xf32>,
      %add3A_311 = arith.constant 48 : i32
      %add3A_312 = arith.addi %mul3A_235, %add3A_311 : i32
      %get3A_313 = arith.index_cast %add3A_312 : i32 to index
      %get3A_314 = tpu.vector_load %arg10[%get3A_313] {strides = array<i32>} : memref<20640xi32, #tpu.memory_space<vmem>>, vector<16xi32>,
      %and3A_315 = arith.andi %get3A_314, %add3A_7 : vector<16xi32>
      %sub3A_316 = vector.broadcast %mul3A_0 : i32 to vector<16xi32>
      %sub3A_317 = arith.subi %and3A_315, %sub3A_316 : vector<16xi32>
      %add3A_318 = arith.constant 48 : i32
      %add3A_319 = arith.addi %mul3A_235, %add3A_318 : i32
      %add3A_320 = vector.broadcast %add3A_319 : i32 to vector<16xi32>
      %add3A_321 = arith.addi %broadcast_in_dim3A_5, %add3A_320 : vector<16xi32>
      %add3A_322 = arith.addi %add3A_321, %iota3A : vector<16xi32>
      %lt3A_323 = arith.cmpi slt, %add3A_322, %broadcast_in_dim3A_144 : vector<16xi32>
      %select_n3A_324 = arith.select %lt3A_323, %sub3A_317, %add3A_19 : vector<16xi1>, vector<16xi32>
      %swap3A_325 = arith.constant 48 : index
      %swap3A_326 = tpu.vector_load %arg15[%swap3A_325] {strides = array<i32>} : memref<64xi32, #tpu.memory_space<vmem>>, vector<16xi32>,
      tpu.vector_store %arg15[%swap3A_325], %select_n3A_324 {strides = array<i32>} : memref<64xi32, #tpu.memory_space<vmem>>, vector<16xi32>,
      %gather3A_327 = tpu.vector_load_idx %arg8[%select_n3A_324] : memref<5128xf32, #tpu.memory_space<vmem>>[vector<16xi32>], vector<16xf32>,
      %get3A_328 = arith.constant 48 : index
      %get3A_329 = tpu.vector_load %arg19[%get3A_328] {strides = array<i32>} : memref<64xf32, #tpu.memory_space<vmem>>, vector<16xf32>,
      %add3A_330 = arith.addf %gather3A_327, %get3A_329 : vector<16xf32>
      %ge3A_331 = arith.cmpf oge, %add3A_330, %broadcast_in_dim3A_3 : vector<16xf32>
      %mul3A_332 = arith.mulf %add3A_330, %add3A_22 : vector<16xf32>
      %select_n3A_333 = arith.select %ge3A_331, %add3A_330, %mul3A_332 : vector<16xi1>, vector<16xf32>
      %exp3A_334 = math.exp %select_n3A_333 : vector<16xf32>
      %swap3A_335 = arith.constant 48 : index
      %swap3A_336 = tpu.vector_load %arg17[%swap3A_335] {strides = array<i32>} : memref<80xf32, #tpu.memory_space<vmem>>, vector<16xf32>,
      tpu.vector_store %arg17[%swap3A_335], %exp3A_334 {strides = array<i32>} : memref<80xf32, #tpu.memory_space<vmem>>, vector<16xf32>,
      %dma_wait3A_337 = arith.constant 0 : i32
      %dma_wait3A_338 = arith.constant 0 : i32
      %dma_wait3A_339 = tpu.memref_slice %arg11[%dma_wait3A_337, %dma_wait3A_338] : memref<128x128xf32, #tpu.memory_space<vmem>> -> memref<64x128xf32, #tpu.memory_space<vmem>>
      %dma_wait3A_340 = arith.constant 0 : i32
      %dma_wait3A_341 = arith.constant 0 : i32
      %dma_wait3A_342 = tpu.memref_slice %arg2[%dma_wait3A_340, %dma_wait3A_341] : memref<80000x128xf32, #tpu.memory_space<hbm>> -> memref<80000x128xf32, #tpu.memory_space<hbm>>
      tpu.wait_indirect_dma semaphore(%arg22 : memref<!tpu.dma_semaphore, #tpu.memory_space<semaphore_mem>>) src(%dma_wait3A_342 : memref<80000x128xf32, #tpu.memory_space<hbm>>) dst(%dma_wait3A_339 : memref<64x128xf32, #tpu.memory_space<vmem>>)
      %scan3A_343 = arith.constant 0 : i32
      %scan3A_344 = arith.constant 32 : i32
      %scan3A_345 = arith.addi %scan3A_343, %scan3A_344 : i32
      %scan3A_346 = arith.constant 2 : i32
      scf.for %scan3A_367 = %scan3A_343 to %scan3A_345 step %scan3A_346  : i32 {
        %mul3A_368 = arith.constant 1 : i32
        %mul3A_369 = arith.muli %scan3A_367, %mul3A_368 : i32
        %add3A_370 = arith.constant 0 : i32
        %add3A_371 = arith.addi %add3A_370, %mul3A_369 : i32
        %mul3A_372 = arith.constant 2 : i32
        %mul3A_373 = arith.muli %mul3A_372, %add3A_371 : i32
        %get3A_374 = arith.index_cast %mul3A_373 : i32 to index
        %get3A_375 = tpu.vector_load %arg17[%get3A_374] {strides = array<i32>} : memref<80xf32, #tpu.memory_space<vmem>>, vector<16xf32>,
        %slice3A = vector.extract_strided_slice %get3A_375 {offsets = [0], sizes = [1], strides = [1]} : vector<16xf32> to vector<1xf32>
        %squeeze3A = vector.extract %slice3A[0] : f32 from vector<1xf32>
        %broadcast_in_dim3A_376 = vector.broadcast %squeeze3A : f32 to vector<16xf32>
        %add3A_377 = arith.constant 1 : i32
        %add3A_378 = arith.addi %mul3A_373, %add3A_377 : i32
        %get3A_379 = arith.index_cast %add3A_378 : i32 to index
        %get3A_380 = tpu.vector_load %arg17[%get3A_379] {strides = array<i32>} : memref<80xf32, #tpu.memory_space<vmem>>, vector<16xf32>,
        %slice3A_381 = vector.extract_strided_slice %get3A_380 {offsets = [0], sizes = [1], strides = [1]} : vector<16xf32> to vector<1xf32>
        %squeeze3A_382 = vector.extract %slice3A_381[0] : f32 from vector<1xf32>
        %broadcast_in_dim3A_383 = vector.broadcast %squeeze3A_382 : f32 to vector<16xf32>
        %add3A_384 = arith.constant 0 : i32
        %add3A_385 = arith.addi %add3A_384, %mul3A_373 : i32
        %get3A_386 = arith.index_cast %add3A_385 : i32 to index
        %get3A_387 = arith.constant 0 : index
        %get3A_388 = tpu.vector_load %arg11[%get3A_386, %get3A_387] {strides = array<i32>} : memref<128x128xf32, #tpu.memory_space<vmem>>, vector<16xf32>,
        %add3A_389 = arith.constant 0 : i32
        %add3A_390 = arith.addi %add3A_389, %mul3A_373 : i32
        %get3A_391 = arith.index_cast %add3A_390 : i32 to index
        %get3A_392 = arith.constant 16 : index
        %get3A_393 = tpu.vector_load %arg11[%get3A_391, %get3A_392] {strides = array<i32>} : memref<128x128xf32, #tpu.memory_space<vmem>>, vector<16xf32>,
        %add3A_394 = arith.constant 0 : i32
        %add3A_395 = arith.addi %add3A_394, %mul3A_373 : i32
        %get3A_396 = arith.index_cast %add3A_395 : i32 to index
        %get3A_397 = arith.constant 32 : index
        %get3A_398 = tpu.vector_load %arg11[%get3A_396, %get3A_397] {strides = array<i32>} : memref<128x128xf32, #tpu.memory_space<vmem>>, vector<16xf32>,
        %add3A_399 = arith.constant 0 : i32
        %add3A_400 = arith.addi %add3A_399, %mul3A_373 : i32
        %get3A_401 = arith.index_cast %add3A_400 : i32 to index
        %get3A_402 = arith.constant 48 : index
        %get3A_403 = tpu.vector_load %arg11[%get3A_401, %get3A_402] {strides = array<i32>} : memref<128x128xf32, #tpu.memory_space<vmem>>, vector<16xf32>,
        %add3A_404 = arith.constant 0 : i32
        %add3A_405 = arith.addi %add3A_404, %mul3A_373 : i32
        %get3A_406 = arith.index_cast %add3A_405 : i32 to index
        %get3A_407 = arith.constant 64 : index
        %get3A_408 = tpu.vector_load %arg11[%get3A_406, %get3A_407] {strides = array<i32>} : memref<128x128xf32, #tpu.memory_space<vmem>>, vector<16xf32>,
        %add3A_409 = arith.constant 0 : i32
        %add3A_410 = arith.addi %add3A_409, %mul3A_373 : i32
        %get3A_411 = arith.index_cast %add3A_410 : i32 to index
        %get3A_412 = arith.constant 80 : index
        %get3A_413 = tpu.vector_load %arg11[%get3A_411, %get3A_412] {strides = array<i32>} : memref<128x128xf32, #tpu.memory_space<vmem>>, vector<16xf32>,
        %add3A_414 = arith.constant 0 : i32
        %add3A_415 = arith.addi %add3A_414, %mul3A_373 : i32
        %get3A_416 = arith.index_cast %add3A_415 : i32 to index
        %get3A_417 = arith.constant 96 : index
        %get3A_418 = tpu.vector_load %arg11[%get3A_416, %get3A_417] {strides = array<i32>} : memref<128x128xf32, #tpu.memory_space<vmem>>, vector<16xf32>,
        %add3A_419 = arith.constant 0 : i32
        %add3A_420 = arith.addi %add3A_419, %mul3A_373 : i32
        %get3A_421 = arith.index_cast %add3A_420 : i32 to index
        %get3A_422 = arith.constant 112 : index
        %get3A_423 = tpu.vector_load %arg11[%get3A_421, %get3A_422] {strides = array<i32>} : memref<128x128xf32, #tpu.memory_space<vmem>>, vector<16xf32>,
        %add3A_424 = arith.constant 0 : i32
        %add3A_425 = arith.addi %add3A_424, %mul3A_373 : i32
        %add3A_426 = arith.constant 1 : i32
        %add3A_427 = arith.addi %add3A_425, %add3A_426 : i32
        %get3A_428 = arith.index_cast %add3A_427 : i32 to index
        %get3A_429 = arith.constant 0 : index
        %get3A_430 = tpu.vector_load %arg11[%get3A_428, %get3A_429] {strides = array<i32>} : memref<128x128xf32, #tpu.memory_space<vmem>>, vector<16xf32>,
        %add3A_431 = arith.constant 0 : i32
        %add3A_432 = arith.addi %add3A_431, %mul3A_373 : i32
        %add3A_433 = arith.constant 1 : i32
        %add3A_434 = arith.addi %add3A_432, %add3A_433 : i32
        %get3A_435 = arith.index_cast %add3A_434 : i32 to index
        %get3A_436 = arith.constant 16 : index
        %get3A_437 = tpu.vector_load %arg11[%get3A_435, %get3A_436] {strides = array<i32>} : memref<128x128xf32, #tpu.memory_space<vmem>>, vector<16xf32>,
        %add3A_438 = arith.constant 0 : i32
        %add3A_439 = arith.addi %add3A_438, %mul3A_373 : i32
        %add3A_440 = arith.constant 1 : i32
        %add3A_441 = arith.addi %add3A_439, %add3A_440 : i32
        %get3A_442 = arith.index_cast %add3A_441 : i32 to index
        %get3A_443 = arith.constant 32 : index
        %get3A_444 = tpu.vector_load %arg11[%get3A_442, %get3A_443] {strides = array<i32>} : memref<128x128xf32, #tpu.memory_space<vmem>>, vector<16xf32>,
        %add3A_445 = arith.constant 0 : i32
        %add3A_446 = arith.addi %add3A_445, %mul3A_373 : i32
        %add3A_447 = arith.constant 1 : i32
        %add3A_448 = arith.addi %add3A_446, %add3A_447 : i32
        %get3A_449 = arith.index_cast %add3A_448 : i32 to index
        %get3A_450 = arith.constant 48 : index
        %get3A_451 = tpu.vector_load %arg11[%get3A_449, %get3A_450] {strides = array<i32>} : memref<128x128xf32, #tpu.memory_space<vmem>>, vector<16xf32>,
        %add3A_452 = arith.constant 0 : i32
        %add3A_453 = arith.addi %add3A_452, %mul3A_373 : i32
        %add3A_454 = arith.constant 1 : i32
        %add3A_455 = arith.addi %add3A_453, %add3A_454 : i32
        %get3A_456 = arith.index_cast %add3A_455 : i32 to index
        %get3A_457 = arith.constant 64 : index
        %get3A_458 = tpu.vector_load %arg11[%get3A_456, %get3A_457] {strides = array<i32>} : memref<128x128xf32, #tpu.memory_space<vmem>>, vector<16xf32>,
        %add3A_459 = arith.constant 0 : i32
        %add3A_460 = arith.addi %add3A_459, %mul3A_373 : i32
        %add3A_461 = arith.constant 1 : i32
        %add3A_462 = arith.addi %add3A_460, %add3A_461 : i32
        %get3A_463 = arith.index_cast %add3A_462 : i32 to index
        %get3A_464 = arith.constant 80 : index
        %get3A_465 = tpu.vector_load %arg11[%get3A_463, %get3A_464] {strides = array<i32>} : memref<128x128xf32, #tpu.memory_space<vmem>>, vector<16xf32>,
        %add3A_466 = arith.constant 0 : i32
        %add3A_467 = arith.addi %add3A_466, %mul3A_373 : i32
        %add3A_468 = arith.constant 1 : i32
        %add3A_469 = arith.addi %add3A_467, %add3A_468 : i32
        %get3A_470 = arith.index_cast %add3A_469 : i32 to index
        %get3A_471 = arith.constant 96 : index
        %get3A_472 = tpu.vector_load %arg11[%get3A_470, %get3A_471] {strides = array<i32>} : memref<128x128xf32, #tpu.memory_space<vmem>>, vector<16xf32>,
        %add3A_473 = arith.constant 0 : i32
        %add3A_474 = arith.addi %add3A_473, %mul3A_373 : i32
        %add3A_475 = arith.constant 1 : i32
        %add3A_476 = arith.addi %add3A_474, %add3A_475 : i32
        %get3A_477 = arith.index_cast %add3A_476 : i32 to index
        %get3A_478 = arith.constant 112 : index
        %get3A_479 = tpu.vector_load %arg11[%get3A_477, %get3A_478] {strides = array<i32>} : memref<128x128xf32, #tpu.memory_space<vmem>>, vector<16xf32>,
        %mul3A_480 = arith.mulf %broadcast_in_dim3A_376, %get3A_388 : vector<16xf32>
        %mul3A_481 = arith.mulf %broadcast_in_dim3A_376, %get3A_393 : vector<16xf32>
        %mul3A_482 = arith.mulf %broadcast_in_dim3A_376, %get3A_398 : vector<16xf32>
        %mul3A_483 = arith.mulf %broadcast_in_dim3A_376, %get3A_403 : vector<16xf32>
        %mul3A_484 = arith.mulf %broadcast_in_dim3A_376, %get3A_408 : vector<16xf32>
        %mul3A_485 = arith.mulf %broadcast_in_dim3A_376, %get3A_413 : vector<16xf32>
        %mul3A_486 = arith.mulf %broadcast_in_dim3A_376, %get3A_418 : vector<16xf32>
        %mul3A_487 = arith.mulf %broadcast_in_dim3A_376, %get3A_423 : vector<16xf32>
        %mul3A_488 = arith.mulf %broadcast_in_dim3A_383, %get3A_430 : vector<16xf32>
        %mul3A_489 = arith.mulf %broadcast_in_dim3A_383, %get3A_437 : vector<16xf32>
        %mul3A_490 = arith.mulf %broadcast_in_dim3A_383, %get3A_444 : vector<16xf32>
        %mul3A_491 = arith.mulf %broadcast_in_dim3A_383, %get3A_451 : vector<16xf32>
        %mul3A_492 = arith.mulf %broadcast_in_dim3A_383, %get3A_458 : vector<16xf32>
        %mul3A_493 = arith.mulf %broadcast_in_dim3A_383, %get3A_465 : vector<16xf32>
        %mul3A_494 = arith.mulf %broadcast_in_dim3A_383, %get3A_472 : vector<16xf32>
        %mul3A_495 = arith.mulf %broadcast_in_dim3A_383, %get3A_479 : vector<16xf32>
        %add3A_496 = arith.constant 0 : i32
        %add3A_497 = arith.addi %add3A_496, %mul3A_373 : i32
        %swap3A_498 = arith.index_cast %add3A_497 : i32 to index
        %swap3A_499 = arith.constant 0 : index
        %swap3A_500 = tpu.vector_load %arg12[%swap3A_498, %swap3A_499] {strides = array<i32>} : memref<128x128xf32, #tpu.memory_space<vmem>>, vector<16xf32>,
        tpu.vector_store %arg12[%swap3A_498, %swap3A_499], %mul3A_480 {strides = array<i32>} : memref<128x128xf32, #tpu.memory_space<vmem>>, vector<16xf32>,
        %add3A_501 = arith.constant 0 : i32
        %add3A_502 = arith.addi %add3A_501, %mul3A_373 : i32
        %swap3A_503 = arith.index_cast %add3A_502 : i32 to index
        %swap3A_504 = arith.constant 16 : index
        %swap3A_505 = tpu.vector_load %arg12[%swap3A_503, %swap3A_504] {strides = array<i32>} : memref<128x128xf32, #tpu.memory_space<vmem>>, vector<16xf32>,
        tpu.vector_store %arg12[%swap3A_503, %swap3A_504], %mul3A_481 {strides = array<i32>} : memref<128x128xf32, #tpu.memory_space<vmem>>, vector<16xf32>,
        %add3A_506 = arith.constant 0 : i32
        %add3A_507 = arith.addi %add3A_506, %mul3A_373 : i32
        %swap3A_508 = arith.index_cast %add3A_507 : i32 to index
        %swap3A_509 = arith.constant 32 : index
        %swap3A_510 = tpu.vector_load %arg12[%swap3A_508, %swap3A_509] {strides = array<i32>} : memref<128x128xf32, #tpu.memory_space<vmem>>, vector<16xf32>,
        tpu.vector_store %arg12[%swap3A_508, %swap3A_509], %mul3A_482 {strides = array<i32>} : memref<128x128xf32, #tpu.memory_space<vmem>>, vector<16xf32>,
        %add3A_511 = arith.constant 0 : i32
        %add3A_512 = arith.addi %add3A_511, %mul3A_373 : i32
        %swap3A_513 = arith.index_cast %add3A_512 : i32 to index
        %swap3A_514 = arith.constant 48 : index
        %swap3A_515 = tpu.vector_load %arg12[%swap3A_513, %swap3A_514] {strides = array<i32>} : memref<128x128xf32, #tpu.memory_space<vmem>>, vector<16xf32>,
        tpu.vector_store %arg12[%swap3A_513, %swap3A_514], %mul3A_483 {strides = array<i32>} : memref<128x128xf32, #tpu.memory_space<vmem>>, vector<16xf32>,
        %add3A_516 = arith.constant 0 : i32
        %add3A_517 = arith.addi %add3A_516, %mul3A_373 : i32
        %swap3A_518 = arith.index_cast %add3A_517 : i32 to index
        %swap3A_519 = arith.constant 64 : index
        %swap3A_520 = tpu.vector_load %arg12[%swap3A_518, %swap3A_519] {strides = array<i32>} : memref<128x128xf32, #tpu.memory_space<vmem>>, vector<16xf32>,
        tpu.vector_store %arg12[%swap3A_518, %swap3A_519], %mul3A_484 {strides = array<i32>} : memref<128x128xf32, #tpu.memory_space<vmem>>, vector<16xf32>,
        %add3A_521 = arith.constant 0 : i32
        %add3A_522 = arith.addi %add3A_521, %mul3A_373 : i32
        %swap3A_523 = arith.index_cast %add3A_522 : i32 to index
        %swap3A_524 = arith.constant 80 : index
        %swap3A_525 = tpu.vector_load %arg12[%swap3A_523, %swap3A_524] {strides = array<i32>} : memref<128x128xf32, #tpu.memory_space<vmem>>, vector<16xf32>,
        tpu.vector_store %arg12[%swap3A_523, %swap3A_524], %mul3A_485 {strides = array<i32>} : memref<128x128xf32, #tpu.memory_space<vmem>>, vector<16xf32>,
        %add3A_526 = arith.constant 0 : i32
        %add3A_527 = arith.addi %add3A_526, %mul3A_373 : i32
        %swap3A_528 = arith.index_cast %add3A_527 : i32 to index
        %swap3A_529 = arith.constant 96 : index
        %swap3A_530 = tpu.vector_load %arg12[%swap3A_528, %swap3A_529] {strides = array<i32>} : memref<128x128xf32, #tpu.memory_space<vmem>>, vector<16xf32>,
        tpu.vector_store %arg12[%swap3A_528, %swap3A_529], %mul3A_486 {strides = array<i32>} : memref<128x128xf32, #tpu.memory_space<vmem>>, vector<16xf32>,
        %add3A_531 = arith.constant 0 : i32
        %add3A_532 = arith.addi %add3A_531, %mul3A_373 : i32
        %swap3A_533 = arith.index_cast %add3A_532 : i32 to index
        %swap3A_534 = arith.constant 112 : index
        %swap3A_535 = tpu.vector_load %arg12[%swap3A_533, %swap3A_534] {strides = array<i32>} : memref<128x128xf32, #tpu.memory_space<vmem>>, vector<16xf32>,
        tpu.vector_store %arg12[%swap3A_533, %swap3A_534], %mul3A_487 {strides = array<i32>} : memref<128x128xf32, #tpu.memory_space<vmem>>, vector<16xf32>,
        %add3A_536 = arith.constant 0 : i32
        %add3A_537 = arith.addi %add3A_536, %mul3A_373 : i32
        %add3A_538 = arith.constant 1 : i32
        %add3A_539 = arith.addi %add3A_537, %add3A_538 : i32
        %swap3A_540 = arith.index_cast %add3A_539 : i32 to index
        %swap3A_541 = arith.constant 0 : index
        %swap3A_542 = tpu.vector_load %arg12[%swap3A_540, %swap3A_541] {strides = array<i32>} : memref<128x128xf32, #tpu.memory_space<vmem>>, vector<16xf32>,
        tpu.vector_store %arg12[%swap3A_540, %swap3A_541], %mul3A_488 {strides = array<i32>} : memref<128x128xf32, #tpu.memory_space<vmem>>, vector<16xf32>,
        %add3A_543 = arith.constant 0 : i32
        %add3A_544 = arith.addi %add3A_543, %mul3A_373 : i32
        %add3A_545 = arith.constant 1 : i32
        %add3A_546 = arith.addi %add3A_544, %add3A_545 : i32
        %swap3A_547 = arith.index_cast %add3A_546 : i32 to index
        %swap3A_548 = arith.constant 16 : index
        %swap3A_549 = tpu.vector_load %arg12[%swap3A_547, %swap3A_548] {strides = array<i32>} : memref<128x128xf32, #tpu.memory_space<vmem>>, vector<16xf32>,
        tpu.vector_store %arg12[%swap3A_547, %swap3A_548], %mul3A_489 {strides = array<i32>} : memref<128x128xf32, #tpu.memory_space<vmem>>, vector<16xf32>,
        %add3A_550 = arith.constant 0 : i32
        %add3A_551 = arith.addi %add3A_550, %mul3A_373 : i32
        %add3A_552 = arith.constant 1 : i32
        %add3A_553 = arith.addi %add3A_551, %add3A_552 : i32
        %swap3A_554 = arith.index_cast %add3A_553 : i32 to index
        %swap3A_555 = arith.constant 32 : index
        %swap3A_556 = tpu.vector_load %arg12[%swap3A_554, %swap3A_555] {strides = array<i32>} : memref<128x128xf32, #tpu.memory_space<vmem>>, vector<16xf32>,
        tpu.vector_store %arg12[%swap3A_554, %swap3A_555], %mul3A_490 {strides = array<i32>} : memref<128x128xf32, #tpu.memory_space<vmem>>, vector<16xf32>,
        %add3A_557 = arith.constant 0 : i32
        %add3A_558 = arith.addi %add3A_557, %mul3A_373 : i32
        %add3A_559 = arith.constant 1 : i32
        %add3A_560 = arith.addi %add3A_558, %add3A_559 : i32
        %swap3A_561 = arith.index_cast %add3A_560 : i32 to index
        %swap3A_562 = arith.constant 48 : index
        %swap3A_563 = tpu.vector_load %arg12[%swap3A_561, %swap3A_562] {strides = array<i32>} : memref<128x128xf32, #tpu.memory_space<vmem>>, vector<16xf32>,
        tpu.vector_store %arg12[%swap3A_561, %swap3A_562], %mul3A_491 {strides = array<i32>} : memref<128x128xf32, #tpu.memory_space<vmem>>, vector<16xf32>,
        %add3A_564 = arith.constant 0 : i32
        %add3A_565 = arith.addi %add3A_564, %mul3A_373 : i32
        %add3A_566 = arith.constant 1 : i32
        %add3A_567 = arith.addi %add3A_565, %add3A_566 : i32
        %swap3A_568 = arith.index_cast %add3A_567 : i32 to index
        %swap3A_569 = arith.constant 64 : index
        %swap3A_570 = tpu.vector_load %arg12[%swap3A_568, %swap3A_569] {strides = array<i32>} : memref<128x128xf32, #tpu.memory_space<vmem>>, vector<16xf32>,
        tpu.vector_store %arg12[%swap3A_568, %swap3A_569], %mul3A_492 {strides = array<i32>} : memref<128x128xf32, #tpu.memory_space<vmem>>, vector<16xf32>,
        %add3A_571 = arith.constant 0 : i32
        %add3A_572 = arith.addi %add3A_571, %mul3A_373 : i32
        %add3A_573 = arith.constant 1 : i32
        %add3A_574 = arith.addi %add3A_572, %add3A_573 : i32
        %swap3A_575 = arith.index_cast %add3A_574 : i32 to index
        %swap3A_576 = arith.constant 80 : index
        %swap3A_577 = tpu.vector_load %arg12[%swap3A_575, %swap3A_576] {strides = array<i32>} : memref<128x128xf32, #tpu.memory_space<vmem>>, vector<16xf32>,
        tpu.vector_store %arg12[%swap3A_575, %swap3A_576], %mul3A_493 {strides = array<i32>} : memref<128x128xf32, #tpu.memory_space<vmem>>, vector<16xf32>,
        %add3A_578 = arith.constant 0 : i32
        %add3A_579 = arith.addi %add3A_578, %mul3A_373 : i32
        %add3A_580 = arith.constant 1 : i32
        %add3A_581 = arith.addi %add3A_579, %add3A_580 : i32
        %swap3A_582 = arith.index_cast %add3A_581 : i32 to index
        %swap3A_583 = arith.constant 96 : index
        %swap3A_584 = tpu.vector_load %arg12[%swap3A_582, %swap3A_583] {strides = array<i32>} : memref<128x128xf32, #tpu.memory_space<vmem>>, vector<16xf32>,
        tpu.vector_store %arg12[%swap3A_582, %swap3A_583], %mul3A_494 {strides = array<i32>} : memref<128x128xf32, #tpu.memory_space<vmem>>, vector<16xf32>,
        %add3A_585 = arith.constant 0 : i32
        %add3A_586 = arith.addi %add3A_585, %mul3A_373 : i32
        %add3A_587 = arith.constant 1 : i32
        %add3A_588 = arith.addi %add3A_586, %add3A_587 : i32
        %swap3A_589 = arith.index_cast %add3A_588 : i32 to index
        %swap3A_590 = arith.constant 112 : index
        %swap3A_591 = tpu.vector_load %arg12[%swap3A_589, %swap3A_590] {strides = array<i32>} : memref<128x128xf32, #tpu.memory_space<vmem>>, vector<16xf32>,
        tpu.vector_store %arg12[%swap3A_589, %swap3A_590], %mul3A_495 {strides = array<i32>} : memref<128x128xf32, #tpu.memory_space<vmem>>, vector<16xf32>,
        %scan3A_592 = arith.constant 1 : i32
        %scan3A_593 = arith.addi %scan3A_367, %scan3A_592 : i32
        %mul3A_594 = arith.constant 1 : i32
        %mul3A_595 = arith.muli %scan3A_593, %mul3A_594 : i32
        %add3A_596 = arith.constant 0 : i32
        %add3A_597 = arith.addi %add3A_596, %mul3A_595 : i32
        %mul3A_598 = arith.constant 2 : i32
        %mul3A_599 = arith.muli %mul3A_598, %add3A_597 : i32
        %get3A_600 = arith.index_cast %mul3A_599 : i32 to index
        %get3A_601 = tpu.vector_load %arg17[%get3A_600] {strides = array<i32>} : memref<80xf32, #tpu.memory_space<vmem>>, vector<16xf32>,
        %slice3A_602 = vector.extract_strided_slice %get3A_601 {offsets = [0], sizes = [1], strides = [1]} : vector<16xf32> to vector<1xf32>
        %squeeze3A_603 = vector.extract %slice3A_602[0] : f32 from vector<1xf32>
        %broadcast_in_dim3A_604 = vector.broadcast %squeeze3A_603 : f32 to vector<16xf32>
        %add3A_605 = arith.constant 1 : i32
        %add3A_606 = arith.addi %mul3A_599, %add3A_605 : i32
        %get3A_607 = arith.index_cast %add3A_606 : i32 to index
        %get3A_608 = tpu.vector_load %arg17[%get3A_607] {strides = array<i32>} : memref<80xf32, #tpu.memory_space<vmem>>, vector<16xf32>,
        %slice3A_609 = vector.extract_strided_slice %get3A_608 {offsets = [0], sizes = [1], strides = [1]} : vector<16xf32> to vector<1xf32>
        %squeeze3A_610 = vector.extract %slice3A_609[0] : f32 from vector<1xf32>
        %broadcast_in_dim3A_611 = vector.broadcast %squeeze3A_610 : f32 to vector<16xf32>
        %add3A_612 = arith.constant 0 : i32
        %add3A_613 = arith.addi %add3A_612, %mul3A_599 : i32
        %get3A_614 = arith.index_cast %add3A_613 : i32 to index
        %get3A_615 = arith.constant 0 : index
        %get3A_616 = tpu.vector_load %arg11[%get3A_614, %get3A_615] {strides = array<i32>} : memref<128x128xf32, #tpu.memory_space<vmem>>, vector<16xf32>,
        %add3A_617 = arith.constant 0 : i32
        %add3A_618 = arith.addi %add3A_617, %mul3A_599 : i32
        %get3A_619 = arith.index_cast %add3A_618 : i32 to index
        %get3A_620 = arith.constant 16 : index
        %get3A_621 = tpu.vector_load %arg11[%get3A_619, %get3A_620] {strides = array<i32>} : memref<128x128xf32, #tpu.memory_space<vmem>>, vector<16xf32>,
        %add3A_622 = arith.constant 0 : i32
        %add3A_623 = arith.addi %add3A_622, %mul3A_599 : i32
        %get3A_624 = arith.index_cast %add3A_623 : i32 to index
        %get3A_625 = arith.constant 32 : index
        %get3A_626 = tpu.vector_load %arg11[%get3A_624, %get3A_625] {strides = array<i32>} : memref<128x128xf32, #tpu.memory_space<vmem>>, vector<16xf32>,
        %add3A_627 = arith.constant 0 : i32
        %add3A_628 = arith.addi %add3A_627, %mul3A_599 : i32
        %get3A_629 = arith.index_cast %add3A_628 : i32 to index
        %get3A_630 = arith.constant 48 : index
        %get3A_631 = tpu.vector_load %arg11[%get3A_629, %get3A_630] {strides = array<i32>} : memref<128x128xf32, #tpu.memory_space<vmem>>, vector<16xf32>,
        %add3A_632 = arith.constant 0 : i32
        %add3A_633 = arith.addi %add3A_632, %mul3A_599 : i32
        %get3A_634 = arith.index_cast %add3A_633 : i32 to index
        %get3A_635 = arith.constant 64 : index
        %get3A_636 = tpu.vector_load %arg11[%get3A_634, %get3A_635] {strides = array<i32>} : memref<128x128xf32, #tpu.memory_space<vmem>>, vector<16xf32>,
        %add3A_637 = arith.constant 0 : i32
        %add3A_638 = arith.addi %add3A_637, %mul3A_599 : i32
        %get3A_639 = arith.index_cast %add3A_638 : i32 to index
        %get3A_640 = arith.constant 80 : index
        %get3A_641 = tpu.vector_load %arg11[%get3A_639, %get3A_640] {strides = array<i32>} : memref<128x128xf32, #tpu.memory_space<vmem>>, vector<16xf32>,
        %add3A_642 = arith.constant 0 : i32
        %add3A_643 = arith.addi %add3A_642, %mul3A_599 : i32
        %get3A_644 = arith.index_cast %add3A_643 : i32 to index
        %get3A_645 = arith.constant 96 : index
        %get3A_646 = tpu.vector_load %arg11[%get3A_644, %get3A_645] {strides = array<i32>} : memref<128x128xf32, #tpu.memory_space<vmem>>, vector<16xf32>,
        %add3A_647 = arith.constant 0 : i32
        %add3A_648 = arith.addi %add3A_647, %mul3A_599 : i32
        %get3A_649 = arith.index_cast %add3A_648 : i32 to index
        %get3A_650 = arith.constant 112 : index
        %get3A_651 = tpu.vector_load %arg11[%get3A_649, %get3A_650] {strides = array<i32>} : memref<128x128xf32, #tpu.memory_space<vmem>>, vector<16xf32>,
        %add3A_652 = arith.constant 0 : i32
        %add3A_653 = arith.addi %add3A_652, %mul3A_599 : i32
        %add3A_654 = arith.constant 1 : i32
        %add3A_655 = arith.addi %add3A_653, %add3A_654 : i32
        %get3A_656 = arith.index_cast %add3A_655 : i32 to index
        %get3A_657 = arith.constant 0 : index
        %get3A_658 = tpu.vector_load %arg11[%get3A_656, %get3A_657] {strides = array<i32>} : memref<128x128xf32, #tpu.memory_space<vmem>>, vector<16xf32>,
        %add3A_659 = arith.constant 0 : i32
        %add3A_660 = arith.addi %add3A_659, %mul3A_599 : i32
        %add3A_661 = arith.constant 1 : i32
        %add3A_662 = arith.addi %add3A_660, %add3A_661 : i32
        %get3A_663 = arith.index_cast %add3A_662 : i32 to index
        %get3A_664 = arith.constant 16 : index
        %get3A_665 = tpu.vector_load %arg11[%get3A_663, %get3A_664] {strides = array<i32>} : memref<128x128xf32, #tpu.memory_space<vmem>>, vector<16xf32>,
        %add3A_666 = arith.constant 0 : i32
        %add3A_667 = arith.addi %add3A_666, %mul3A_599 : i32
        %add3A_668 = arith.constant 1 : i32
        %add3A_669 = arith.addi %add3A_667, %add3A_668 : i32
        %get3A_670 = arith.index_cast %add3A_669 : i32 to index
        %get3A_671 = arith.constant 32 : index
        %get3A_672 = tpu.vector_load %arg11[%get3A_670, %get3A_671] {strides = array<i32>} : memref<128x128xf32, #tpu.memory_space<vmem>>, vector<16xf32>,
        %add3A_673 = arith.constant 0 : i32
        %add3A_674 = arith.addi %add3A_673, %mul3A_599 : i32
        %add3A_675 = arith.constant 1 : i32
        %add3A_676 = arith.addi %add3A_674, %add3A_675 : i32
        %get3A_677 = arith.index_cast %add3A_676 : i32 to index
        %get3A_678 = arith.constant 48 : index
        %get3A_679 = tpu.vector_load %arg11[%get3A_677, %get3A_678] {strides = array<i32>} : memref<128x128xf32, #tpu.memory_space<vmem>>, vector<16xf32>,
        %add3A_680 = arith.constant 0 : i32
        %add3A_681 = arith.addi %add3A_680, %mul3A_599 : i32
        %add3A_682 = arith.constant 1 : i32
        %add3A_683 = arith.addi %add3A_681, %add3A_682 : i32
        %get3A_684 = arith.index_cast %add3A_683 : i32 to index
        %get3A_685 = arith.constant 64 : index
        %get3A_686 = tpu.vector_load %arg11[%get3A_684, %get3A_685] {strides = array<i32>} : memref<128x128xf32, #tpu.memory_space<vmem>>, vector<16xf32>,
        %add3A_687 = arith.constant 0 : i32
        %add3A_688 = arith.addi %add3A_687, %mul3A_599 : i32
        %add3A_689 = arith.constant 1 : i32
        %add3A_690 = arith.addi %add3A_688, %add3A_689 : i32
        %get3A_691 = arith.index_cast %add3A_690 : i32 to index
        %get3A_692 = arith.constant 80 : index
        %get3A_693 = tpu.vector_load %arg11[%get3A_691, %get3A_692] {strides = array<i32>} : memref<128x128xf32, #tpu.memory_space<vmem>>, vector<16xf32>,
        %add3A_694 = arith.constant 0 : i32
        %add3A_695 = arith.addi %add3A_694, %mul3A_599 : i32
        %add3A_696 = arith.constant 1 : i32
        %add3A_697 = arith.addi %add3A_695, %add3A_696 : i32
        %get3A_698 = arith.index_cast %add3A_697 : i32 to index
        %get3A_699 = arith.constant 96 : index
        %get3A_700 = tpu.vector_load %arg11[%get3A_698, %get3A_699] {strides = array<i32>} : memref<128x128xf32, #tpu.memory_space<vmem>>, vector<16xf32>,
        %add3A_701 = arith.constant 0 : i32
        %add3A_702 = arith.addi %add3A_701, %mul3A_599 : i32
        %add3A_703 = arith.constant 1 : i32
        %add3A_704 = arith.addi %add3A_702, %add3A_703 : i32
        %get3A_705 = arith.index_cast %add3A_704 : i32 to index
        %get3A_706 = arith.constant 112 : index
        %get3A_707 = tpu.vector_load %arg11[%get3A_705, %get3A_706] {strides = array<i32>} : memref<128x128xf32, #tpu.memory_space<vmem>>, vector<16xf32>,
        %mul3A_708 = arith.mulf %broadcast_in_dim3A_604, %get3A_616 : vector<16xf32>
        %mul3A_709 = arith.mulf %broadcast_in_dim3A_604, %get3A_621 : vector<16xf32>
        %mul3A_710 = arith.mulf %broadcast_in_dim3A_604, %get3A_626 : vector<16xf32>
        %mul3A_711 = arith.mulf %broadcast_in_dim3A_604, %get3A_631 : vector<16xf32>
        %mul3A_712 = arith.mulf %broadcast_in_dim3A_604, %get3A_636 : vector<16xf32>
        %mul3A_713 = arith.mulf %broadcast_in_dim3A_604, %get3A_641 : vector<16xf32>
        %mul3A_714 = arith.mulf %broadcast_in_dim3A_604, %get3A_646 : vector<16xf32>
        %mul3A_715 = arith.mulf %broadcast_in_dim3A_604, %get3A_651 : vector<16xf32>
        %mul3A_716 = arith.mulf %broadcast_in_dim3A_611, %get3A_658 : vector<16xf32>
        %mul3A_717 = arith.mulf %broadcast_in_dim3A_611, %get3A_665 : vector<16xf32>
        %mul3A_718 = arith.mulf %broadcast_in_dim3A_611, %get3A_672 : vector<16xf32>
        %mul3A_719 = arith.mulf %broadcast_in_dim3A_611, %get3A_679 : vector<16xf32>
        %mul3A_720 = arith.mulf %broadcast_in_dim3A_611, %get3A_686 : vector<16xf32>
        %mul3A_721 = arith.mulf %broadcast_in_dim3A_611, %get3A_693 : vector<16xf32>
        %mul3A_722 = arith.mulf %broadcast_in_dim3A_611, %get3A_700 : vector<16xf32>
        %mul3A_723 = arith.mulf %broadcast_in_dim3A_611, %get3A_707 : vector<16xf32>
        %add3A_724 = arith.constant 0 : i32
        %add3A_725 = arith.addi %add3A_724, %mul3A_599 : i32
        %swap3A_726 = arith.index_cast %add3A_725 : i32 to index
        %swap3A_727 = arith.constant 0 : index
        %swap3A_728 = tpu.vector_load %arg12[%swap3A_726, %swap3A_727] {strides = array<i32>} : memref<128x128xf32, #tpu.memory_space<vmem>>, vector<16xf32>,
        tpu.vector_store %arg12[%swap3A_726, %swap3A_727], %mul3A_708 {strides = array<i32>} : memref<128x128xf32, #tpu.memory_space<vmem>>, vector<16xf32>,
        %add3A_729 = arith.constant 0 : i32
        %add3A_730 = arith.addi %add3A_729, %mul3A_599 : i32
        %swap3A_731 = arith.index_cast %add3A_730 : i32 to index
        %swap3A_732 = arith.constant 16 : index
        %swap3A_733 = tpu.vector_load %arg12[%swap3A_731, %swap3A_732] {strides = array<i32>} : memref<128x128xf32, #tpu.memory_space<vmem>>, vector<16xf32>,
        tpu.vector_store %arg12[%swap3A_731, %swap3A_732], %mul3A_709 {strides = array<i32>} : memref<128x128xf32, #tpu.memory_space<vmem>>, vector<16xf32>,
        %add3A_734 = arith.constant 0 : i32
        %add3A_735 = arith.addi %add3A_734, %mul3A_599 : i32
        %swap3A_736 = arith.index_cast %add3A_735 : i32 to index
        %swap3A_737 = arith.constant 32 : index
        %swap3A_738 = tpu.vector_load %arg12[%swap3A_736, %swap3A_737] {strides = array<i32>} : memref<128x128xf32, #tpu.memory_space<vmem>>, vector<16xf32>,
        tpu.vector_store %arg12[%swap3A_736, %swap3A_737], %mul3A_710 {strides = array<i32>} : memref<128x128xf32, #tpu.memory_space<vmem>>, vector<16xf32>,
        %add3A_739 = arith.constant 0 : i32
        %add3A_740 = arith.addi %add3A_739, %mul3A_599 : i32
        %swap3A_741 = arith.index_cast %add3A_740 : i32 to index
        %swap3A_742 = arith.constant 48 : index
        %swap3A_743 = tpu.vector_load %arg12[%swap3A_741, %swap3A_742] {strides = array<i32>} : memref<128x128xf32, #tpu.memory_space<vmem>>, vector<16xf32>,
        tpu.vector_store %arg12[%swap3A_741, %swap3A_742], %mul3A_711 {strides = array<i32>} : memref<128x128xf32, #tpu.memory_space<vmem>>, vector<16xf32>,
        %add3A_744 = arith.constant 0 : i32
        %add3A_745 = arith.addi %add3A_744, %mul3A_599 : i32
        %swap3A_746 = arith.index_cast %add3A_745 : i32 to index
        %swap3A_747 = arith.constant 64 : index
        %swap3A_748 = tpu.vector_load %arg12[%swap3A_746, %swap3A_747] {strides = array<i32>} : memref<128x128xf32, #tpu.memory_space<vmem>>, vector<16xf32>,
        tpu.vector_store %arg12[%swap3A_746, %swap3A_747], %mul3A_712 {strides = array<i32>} : memref<128x128xf32, #tpu.memory_space<vmem>>, vector<16xf32>,
        %add3A_749 = arith.constant 0 : i32
        %add3A_750 = arith.addi %add3A_749, %mul3A_599 : i32
        %swap3A_751 = arith.index_cast %add3A_750 : i32 to index
        %swap3A_752 = arith.constant 80 : index
        %swap3A_753 = tpu.vector_load %arg12[%swap3A_751, %swap3A_752] {strides = array<i32>} : memref<128x128xf32, #tpu.memory_space<vmem>>, vector<16xf32>,
        tpu.vector_store %arg12[%swap3A_751, %swap3A_752], %mul3A_713 {strides = array<i32>} : memref<128x128xf32, #tpu.memory_space<vmem>>, vector<16xf32>,
        %add3A_754 = arith.constant 0 : i32
        %add3A_755 = arith.addi %add3A_754, %mul3A_599 : i32
        %swap3A_756 = arith.index_cast %add3A_755 : i32 to index
        %swap3A_757 = arith.constant 96 : index
        %swap3A_758 = tpu.vector_load %arg12[%swap3A_756, %swap3A_757] {strides = array<i32>} : memref<128x128xf32, #tpu.memory_space<vmem>>, vector<16xf32>,
        tpu.vector_store %arg12[%swap3A_756, %swap3A_757], %mul3A_714 {strides = array<i32>} : memref<128x128xf32, #tpu.memory_space<vmem>>, vector<16xf32>,
        %add3A_759 = arith.constant 0 : i32
        %add3A_760 = arith.addi %add3A_759, %mul3A_599 : i32
        %swap3A_761 = arith.index_cast %add3A_760 : i32 to index
        %swap3A_762 = arith.constant 112 : index
        %swap3A_763 = tpu.vector_load %arg12[%swap3A_761, %swap3A_762] {strides = array<i32>} : memref<128x128xf32, #tpu.memory_space<vmem>>, vector<16xf32>,
        tpu.vector_store %arg12[%swap3A_761, %swap3A_762], %mul3A_715 {strides = array<i32>} : memref<128x128xf32, #tpu.memory_space<vmem>>, vector<16xf32>,
        %add3A_764 = arith.constant 0 : i32
        %add3A_765 = arith.addi %add3A_764, %mul3A_599 : i32
        %add3A_766 = arith.constant 1 : i32
        %add3A_767 = arith.addi %add3A_765, %add3A_766 : i32
        %swap3A_768 = arith.index_cast %add3A_767 : i32 to index
        %swap3A_769 = arith.constant 0 : index
        %swap3A_770 = tpu.vector_load %arg12[%swap3A_768, %swap3A_769] {strides = array<i32>} : memref<128x128xf32, #tpu.memory_space<vmem>>, vector<16xf32>,
        tpu.vector_store %arg12[%swap3A_768, %swap3A_769], %mul3A_716 {strides = array<i32>} : memref<128x128xf32, #tpu.memory_space<vmem>>, vector<16xf32>,
        %add3A_771 = arith.constant 0 : i32
        %add3A_772 = arith.addi %add3A_771, %mul3A_599 : i32
        %add3A_773 = arith.constant 1 : i32
        %add3A_774 = arith.addi %add3A_772, %add3A_773 : i32
        %swap3A_775 = arith.index_cast %add3A_774 : i32 to index
        %swap3A_776 = arith.constant 16 : index
        %swap3A_777 = tpu.vector_load %arg12[%swap3A_775, %swap3A_776] {strides = array<i32>} : memref<128x128xf32, #tpu.memory_space<vmem>>, vector<16xf32>,
        tpu.vector_store %arg12[%swap3A_775, %swap3A_776], %mul3A_717 {strides = array<i32>} : memref<128x128xf32, #tpu.memory_space<vmem>>, vector<16xf32>,
        %add3A_778 = arith.constant 0 : i32
        %add3A_779 = arith.addi %add3A_778, %mul3A_599 : i32
        %add3A_780 = arith.constant 1 : i32
        %add3A_781 = arith.addi %add3A_779, %add3A_780 : i32
        %swap3A_782 = arith.index_cast %add3A_781 : i32 to index
        %swap3A_783 = arith.constant 32 : index
        %swap3A_784 = tpu.vector_load %arg12[%swap3A_782, %swap3A_783] {strides = array<i32>} : memref<128x128xf32, #tpu.memory_space<vmem>>, vector<16xf32>,
        tpu.vector_store %arg12[%swap3A_782, %swap3A_783], %mul3A_718 {strides = array<i32>} : memref<128x128xf32, #tpu.memory_space<vmem>>, vector<16xf32>,
        %add3A_785 = arith.constant 0 : i32
        %add3A_786 = arith.addi %add3A_785, %mul3A_599 : i32
        %add3A_787 = arith.constant 1 : i32
        %add3A_788 = arith.addi %add3A_786, %add3A_787 : i32
        %swap3A_789 = arith.index_cast %add3A_788 : i32 to index
        %swap3A_790 = arith.constant 48 : index
        %swap3A_791 = tpu.vector_load %arg12[%swap3A_789, %swap3A_790] {strides = array<i32>} : memref<128x128xf32, #tpu.memory_space<vmem>>, vector<16xf32>,
        tpu.vector_store %arg12[%swap3A_789, %swap3A_790], %mul3A_719 {strides = array<i32>} : memref<128x128xf32, #tpu.memory_space<vmem>>, vector<16xf32>,
        %add3A_792 = arith.constant 0 : i32
        %add3A_793 = arith.addi %add3A_792, %mul3A_599 : i32
        %add3A_794 = arith.constant 1 : i32
        %add3A_795 = arith.addi %add3A_793, %add3A_794 : i32
        %swap3A_796 = arith.index_cast %add3A_795 : i32 to index
        %swap3A_797 = arith.constant 64 : index
        %swap3A_798 = tpu.vector_load %arg12[%swap3A_796, %swap3A_797] {strides = array<i32>} : memref<128x128xf32, #tpu.memory_space<vmem>>, vector<16xf32>,
        tpu.vector_store %arg12[%swap3A_796, %swap3A_797], %mul3A_720 {strides = array<i32>} : memref<128x128xf32, #tpu.memory_space<vmem>>, vector<16xf32>,
        %add3A_799 = arith.constant 0 : i32
        %add3A_800 = arith.addi %add3A_799, %mul3A_599 : i32
        %add3A_801 = arith.constant 1 : i32
        %add3A_802 = arith.addi %add3A_800, %add3A_801 : i32
        %swap3A_803 = arith.index_cast %add3A_802 : i32 to index
        %swap3A_804 = arith.constant 80 : index
        %swap3A_805 = tpu.vector_load %arg12[%swap3A_803, %swap3A_804] {strides = array<i32>} : memref<128x128xf32, #tpu.memory_space<vmem>>, vector<16xf32>,
        tpu.vector_store %arg12[%swap3A_803, %swap3A_804], %mul3A_721 {strides = array<i32>} : memref<128x128xf32, #tpu.memory_space<vmem>>, vector<16xf32>,
        %add3A_806 = arith.constant 0 : i32
        %add3A_807 = arith.addi %add3A_806, %mul3A_599 : i32
        %add3A_808 = arith.constant 1 : i32
        %add3A_809 = arith.addi %add3A_807, %add3A_808 : i32
        %swap3A_810 = arith.index_cast %add3A_809 : i32 to index
        %swap3A_811 = arith.constant 96 : index
        %swap3A_812 = tpu.vector_load %arg12[%swap3A_810, %swap3A_811] {strides = array<i32>} : memref<128x128xf32, #tpu.memory_space<vmem>>, vector<16xf32>,
        tpu.vector_store %arg12[%swap3A_810, %swap3A_811], %mul3A_722 {strides = array<i32>} : memref<128x128xf32, #tpu.memory_space<vmem>>, vector<16xf32>,
        %add3A_813 = arith.constant 0 : i32
        %add3A_814 = arith.addi %add3A_813, %mul3A_599 : i32
        %add3A_815 = arith.constant 1 : i32
        %add3A_816 = arith.addi %add3A_814, %add3A_815 : i32
        %swap3A_817 = arith.index_cast %add3A_816 : i32 to index
        %swap3A_818 = arith.constant 112 : index
        %swap3A_819 = tpu.vector_load %arg12[%swap3A_817, %swap3A_818] {strides = array<i32>} : memref<128x128xf32, #tpu.memory_space<vmem>>, vector<16xf32>,
        tpu.vector_store %arg12[%swap3A_817, %swap3A_818], %mul3A_723 {strides = array<i32>} : memref<128x128xf32, #tpu.memory_space<vmem>>, vector<16xf32>,
      }
      %scan3A_347 = arith.constant 32 : i32
      %dma_start3A = arith.constant 0 : i32
      %dma_start3A_348 = arith.constant 0 : i32
      %dma_start3A_349 = tpu.memref_slice %arg12[%dma_start3A, %dma_start3A_348] : memref<128x128xf32, #tpu.memory_space<vmem>> -> memref<64x128xf32, #tpu.memory_space<vmem>>
      %dma_start3A_350 = arith.constant 0 : i32
      %dma_start3A_351 = arith.constant 0 : i32
      %dma_start3A_352 = tpu.memref_slice %arg30[%dma_start3A_350, %dma_start3A_351] : memref<5632x128xf32, #tpu.memory_space<vmem_shared>> -> memref<5632x128xf32, #tpu.memory_space<vmem_shared>>
      tpu.enqueue_indirect_dma source(%dma_start3A_349 : memref<64x128xf32, #tpu.memory_space<vmem>>) target(%dma_start3A_352 : memref<5632x128xf32, #tpu.memory_space<vmem_shared>>) offsets(%arg15 : memref<64xi32, #tpu.memory_space<vmem>>) semaphore(%arg26 : memref<!tpu.dma_semaphore, #tpu.memory_space<semaphore_mem>>) {add = true}
      %dma_start3A_353 = arith.constant 0 : i32
      %dma_start3A_354 = tpu.memref_slice %arg17[%dma_start3A_353] : memref<80xf32, #tpu.memory_space<vmem>> -> memref<64xf32, #tpu.memory_space<vmem>>
      %dma_start3A_355 = arith.constant 0 : i32
      %dma_start3A_356 = tpu.memref_slice %arg31[%dma_start3A_355] : memref<5632xf32, #tpu.memory_space<vmem_shared>> -> memref<5632xf32, #tpu.memory_space<vmem_shared>>
      tpu.enqueue_indirect_dma source(%dma_start3A_354 : memref<64xf32, #tpu.memory_space<vmem>>) target(%dma_start3A_356 : memref<5632xf32, #tpu.memory_space<vmem_shared>>) offsets(%arg15 : memref<64xi32, #tpu.memory_space<vmem>>) semaphore(%arg28 : memref<!tpu.dma_semaphore, #tpu.memory_space<semaphore_mem>>) {add = true}
      %add3A_357 = arith.constant 2 : i32
      %add3A_358 = arith.addi %mul3A_225, %add3A_357 : i32
      %lt3A_359 = arith.cmpi slt, %add3A_358, %select_n3A : i32
      %convert_element_type3A_360 = arith.extui %lt3A_359 : i1 to i32
      %cond3A_361 = arith.constant 0 : i32
      %cond3A_362 = arith.cmpi ne, %convert_element_type3A_360, %cond3A_361 : i32
      scf.if %cond3A_362 {
        %add3A_367 = arith.constant 2 : i32
        %add3A_368 = arith.addi %mul3A_225, %add3A_367 : i32
        %mul3A_369 = arith.constant 64 : i32
        %mul3A_370 = arith.muli %add3A_368, %mul3A_369 : i32
        %add3A_371 = arith.constant 0 : i32
        %add3A_372 = arith.addi %mul3A_370, %add3A_371 : i32
        %get3A_373 = arith.index_cast %add3A_372 : i32 to index
        %get3A_374 = tpu.vector_load %arg10[%get3A_373] {strides = array<i32>} : memref<20640xi32, #tpu.memory_space<vmem>>, vector<16xi32>,
        %shift_right_logical3A = arith.shrui %get3A_374, %add3A_10 : vector<16xi32>
        %swap3A_375 = arith.constant 0 : index
        %swap3A_376 = tpu.vector_load %arg13[%swap3A_375] {strides = array<i32>} : memref<64xi32, #tpu.memory_space<vmem>>, vector<16xi32>,
        tpu.vector_store %arg13[%swap3A_375], %shift_right_logical3A {strides = array<i32>} : memref<64xi32, #tpu.memory_space<vmem>>, vector<16xi32>,
        %add3A_377 = arith.constant 16 : i32
        %add3A_378 = arith.addi %mul3A_370, %add3A_377 : i32
        %get3A_379 = arith.index_cast %add3A_378 : i32 to index
        %get3A_380 = tpu.vector_load %arg10[%get3A_379] {strides = array<i32>} : memref<20640xi32, #tpu.memory_space<vmem>>, vector<16xi32>,
        %shift_right_logical3A_381 = arith.shrui %get3A_380, %add3A_10 : vector<16xi32>
        %swap3A_382 = arith.constant 16 : index
        %swap3A_383 = tpu.vector_load %arg13[%swap3A_382] {strides = array<i32>} : memref<64xi32, #tpu.memory_space<vmem>>, vector<16xi32>,
        tpu.vector_store %arg13[%swap3A_382], %shift_right_logical3A_381 {strides = array<i32>} : memref<64xi32, #tpu.memory_space<vmem>>, vector<16xi32>,
        %add3A_384 = arith.constant 32 : i32
        %add3A_385 = arith.addi %mul3A_370, %add3A_384 : i32
        %get3A_386 = arith.index_cast %add3A_385 : i32 to index
        %get3A_387 = tpu.vector_load %arg10[%get3A_386] {strides = array<i32>} : memref<20640xi32, #tpu.memory_space<vmem>>, vector<16xi32>,
        %shift_right_logical3A_388 = arith.shrui %get3A_387, %add3A_10 : vector<16xi32>
        %swap3A_389 = arith.constant 32 : index
        %swap3A_390 = tpu.vector_load %arg13[%swap3A_389] {strides = array<i32>} : memref<64xi32, #tpu.memory_space<vmem>>, vector<16xi32>,
        tpu.vector_store %arg13[%swap3A_389], %shift_right_logical3A_388 {strides = array<i32>} : memref<64xi32, #tpu.memory_space<vmem>>, vector<16xi32>,
        %add3A_391 = arith.constant 48 : i32
        %add3A_392 = arith.addi %mul3A_370, %add3A_391 : i32
        %get3A_393 = arith.index_cast %add3A_392 : i32 to index
        %get3A_394 = tpu.vector_load %arg10[%get3A_393] {strides = array<i32>} : memref<20640xi32, #tpu.memory_space<vmem>>, vector<16xi32>,
        %shift_right_logical3A_395 = arith.shrui %get3A_394, %add3A_10 : vector<16xi32>
        %swap3A_396 = arith.constant 48 : index
        %swap3A_397 = tpu.vector_load %arg13[%swap3A_396] {strides = array<i32>} : memref<64xi32, #tpu.memory_space<vmem>>, vector<16xi32>,
        tpu.vector_store %arg13[%swap3A_396], %shift_right_logical3A_395 {strides = array<i32>} : memref<64xi32, #tpu.memory_space<vmem>>, vector<16xi32>,
        %dma_start3A_398 = arith.constant 0 : i32
        %dma_start3A_399 = arith.constant 0 : i32
        %dma_start3A_400 = tpu.memref_slice %arg11[%dma_start3A_398, %dma_start3A_399] : memref<128x128xf32, #tpu.memory_space<vmem>> -> memref<64x128xf32, #tpu.memory_space<vmem>>
        %dma_start3A_401 = arith.constant 0 : i32
        %dma_start3A_402 = arith.constant 0 : i32
        %dma_start3A_403 = tpu.memref_slice %arg2[%dma_start3A_401, %dma_start3A_402] : memref<80000x128xf32, #tpu.memory_space<hbm>> -> memref<80000x128xf32, #tpu.memory_space<hbm>>
        tpu.enqueue_indirect_dma source(%dma_start3A_403 : memref<80000x128xf32, #tpu.memory_space<hbm>>) target(%dma_start3A_400 : memref<64x128xf32, #tpu.memory_space<vmem>>) offsets(%arg13 : memref<64xi32, #tpu.memory_space<vmem>>) semaphore(%arg22 : memref<!tpu.dma_semaphore, #tpu.memory_space<semaphore_mem>>)
        %dma_start3A_404 = arith.constant 0 : i32
        %dma_start3A_405 = tpu.memref_slice %arg3[%dma_start3A_404] : memref<80000xf32, #tpu.memory_space<hbm>> -> memref<80000xf32, #tpu.memory_space<hbm>>
        tpu.enqueue_indirect_dma source(%dma_start3A_405 : memref<80000xf32, #tpu.memory_space<hbm>>) target(%arg19 : memref<64xf32, #tpu.memory_space<vmem>>) offsets(%arg13 : memref<64xi32, #tpu.memory_space<vmem>>) semaphore(%arg24 : memref<!tpu.dma_semaphore, #tpu.memory_space<semaphore_mem>>)
      } else {
      }
      %lt3A_363 = arith.cmpi slt, %add3A_229, %select_n3A : i32
      %convert_element_type3A_364 = arith.extui %lt3A_363 : i1 to i32
      %cond3A_365 = arith.constant 0 : i32
      %cond3A_366 = arith.cmpi ne, %convert_element_type3A_364, %cond3A_365 : i32
      scf.if %cond3A_366 {
        %ge3A_367 = arith.constant 2 : i32
        %ge3A_368 = arith.cmpi sge, %add3A_229, %ge3A_367 : i32
        %convert_element_type3A_369 = arith.extui %ge3A_368 : i1 to i32
        %cond3A_370 = arith.constant 0 : i32
        %cond3A_371 = arith.cmpi ne, %convert_element_type3A_369, %cond3A_370 : i32
        scf.if %cond3A_371 {
          %dma_wait3A_507 = arith.constant 64 : i32
          %dma_wait3A_508 = arith.constant 0 : i32
          %dma_wait3A_509 = tpu.memref_slice %arg12[%dma_wait3A_507, %dma_wait3A_508] : memref<128x128xf32, #tpu.memory_space<vmem>> -> memref<64x128xf32, #tpu.memory_space<vmem>>
          %dma_wait3A_510 = arith.constant 0 : i32
          %dma_wait3A_511 = arith.constant 0 : i32
          %dma_wait3A_512 = tpu.memref_slice %arg30[%dma_wait3A_510, %dma_wait3A_511] : memref<5632x128xf32, #tpu.memory_space<vmem_shared>> -> memref<5632x128xf32, #tpu.memory_space<vmem_shared>>
          tpu.wait_indirect_dma semaphore(%arg27 : memref<!tpu.dma_semaphore, #tpu.memory_space<semaphore_mem>>) src(%dma_wait3A_509 : memref<64x128xf32, #tpu.memory_space<vmem>>) dst(%dma_wait3A_512 : memref<5632x128xf32, #tpu.memory_space<vmem_shared>>)
          %dma_wait3A_513 = arith.constant 0 : i32
          %dma_wait3A_514 = tpu.memref_slice %arg18[%dma_wait3A_513] : memref<80xf32, #tpu.memory_space<vmem>> -> memref<64xf32, #tpu.memory_space<vmem>>
          %dma_wait3A_515 = arith.constant 0 : i32
          %dma_wait3A_516 = tpu.memref_slice %arg31[%dma_wait3A_515] : memref<5632xf32, #tpu.memory_space<vmem_shared>> -> memref<5632xf32, #tpu.memory_space<vmem_shared>>
          tpu.wait_indirect_dma semaphore(%arg29 : memref<!tpu.dma_semaphore, #tpu.memory_space<semaphore_mem>>) src(%dma_wait3A_514 : memref<64xf32, #tpu.memory_space<vmem>>) dst(%dma_wait3A_516 : memref<5632xf32, #tpu.memory_space<vmem_shared>>)
        } else {
        }
        %mul3A_372 = arith.constant 64 : i32
        %mul3A_373 = arith.muli %add3A_229, %mul3A_372 : i32
        %dma_wait3A_374 = arith.constant 0 : i32
        %dma_wait3A_375 = tpu.memref_slice %arg3[%dma_wait3A_374] : memref<80000xf32, #tpu.memory_space<hbm>> -> memref<80000xf32, #tpu.memory_space<hbm>>
        tpu.wait_indirect_dma semaphore(%arg25 : memref<!tpu.dma_semaphore, #tpu.memory_space<semaphore_mem>>) src(%dma_wait3A_375 : memref<80000xf32, #tpu.memory_space<hbm>>) dst(%arg20 : memref<64xf32, #tpu.memory_space<vmem>>)
        %add3A_376 = arith.constant 0 : i32
        %add3A_377 = arith.addi %mul3A_373, %add3A_376 : i32
        %get3A_378 = arith.index_cast %add3A_377 : i32 to index
        %get3A_379 = tpu.vector_load %arg10[%get3A_378] {strides = array<i32>} : memref<20640xi32, #tpu.memory_space<vmem>>, vector<16xi32>,
        %and3A_380 = arith.andi %get3A_379, %add3A_7 : vector<16xi32>
        %sub3A_381 = vector.broadcast %mul3A_0 : i32 to vector<16xi32>
        %sub3A_382 = arith.subi %and3A_380, %sub3A_381 : vector<16xi32>
        %add3A_383 = arith.constant 0 : i32
        %add3A_384 = arith.addi %mul3A_373, %add3A_383 : i32
        %add3A_385 = vector.broadcast %add3A_384 : i32 to vector<16xi32>
        %add3A_386 = arith.addi %broadcast_in_dim3A_5, %add3A_385 : vector<16xi32>
        %add3A_387 = arith.addi %add3A_386, %iota3A : vector<16xi32>
        %lt3A_388 = arith.cmpi slt, %add3A_387, %broadcast_in_dim3A_144 : vector<16xi32>
        %select_n3A_389 = arith.select %lt3A_388, %sub3A_382, %add3A_19 : vector<16xi1>, vector<16xi32>
        %swap3A_390 = arith.constant 0 : index
        %swap3A_391 = tpu.vector_load %arg16[%swap3A_390] {strides = array<i32>} : memref<64xi32, #tpu.memory_space<vmem>>, vector<16xi32>,
        tpu.vector_store %arg16[%swap3A_390], %select_n3A_389 {strides = array<i32>} : memref<64xi32, #tpu.memory_space<vmem>>, vector<16xi32>,
        %gather3A_392 = tpu.vector_load_idx %arg8[%select_n3A_389] : memref<5128xf32, #tpu.memory_space<vmem>>[vector<16xi32>], vector<16xf32>,
        %get3A_393 = arith.constant 0 : index
        %get3A_394 = tpu.vector_load %arg20[%get3A_393] {strides = array<i32>} : memref<64xf32, #tpu.memory_space<vmem>>, vector<16xf32>,
        %add3A_395 = arith.addf %gather3A_392, %get3A_394 : vector<16xf32>
        %ge3A_396 = arith.cmpf oge, %add3A_395, %broadcast_in_dim3A_3 : vector<16xf32>
        %mul3A_397 = arith.mulf %add3A_395, %add3A_22 : vector<16xf32>
        %select_n3A_398 = arith.select %ge3A_396, %add3A_395, %mul3A_397 : vector<16xi1>, vector<16xf32>
        %exp3A_399 = math.exp %select_n3A_398 : vector<16xf32>
        %swap3A_400 = arith.constant 0 : index
        %swap3A_401 = tpu.vector_load %arg18[%swap3A_400] {strides = array<i32>} : memref<80xf32, #tpu.memory_space<vmem>>, vector<16xf32>,
        tpu.vector_store %arg18[%swap3A_400], %exp3A_399 {strides = array<i32>} : memref<80xf32, #tpu.memory_space<vmem>>, vector<16xf32>,
        %add3A_402 = arith.constant 16 : i32
        %add3A_403 = arith.addi %mul3A_373, %add3A_402 : i32
        %get3A_404 = arith.index_cast %add3A_403 : i32 to index
        %get3A_405 = tpu.vector_load %arg10[%get3A_404] {strides = array<i32>} : memref<20640xi32, #tpu.memory_space<vmem>>, vector<16xi32>,
        %and3A_406 = arith.andi %get3A_405, %add3A_7 : vector<16xi32>
        %sub3A_407 = vector.broadcast %mul3A_0 : i32 to vector<16xi32>
        %sub3A_408 = arith.subi %and3A_406, %sub3A_407 : vector<16xi32>
        %add3A_409 = arith.constant 16 : i32
        %add3A_410 = arith.addi %mul3A_373, %add3A_409 : i32
        %add3A_411 = vector.broadcast %add3A_410 : i32 to vector<16xi32>
        %add3A_412 = arith.addi %broadcast_in_dim3A_5, %add3A_411 : vector<16xi32>
        %add3A_413 = arith.addi %add3A_412, %iota3A : vector<16xi32>
        %lt3A_414 = arith.cmpi slt, %add3A_413, %broadcast_in_dim3A_144 : vector<16xi32>
        %select_n3A_415 = arith.select %lt3A_414, %sub3A_408, %add3A_19 : vector<16xi1>, vector<16xi32>
        %swap3A_416 = arith.constant 16 : index
        %swap3A_417 = tpu.vector_load %arg16[%swap3A_416] {strides = array<i32>} : memref<64xi32, #tpu.memory_space<vmem>>, vector<16xi32>,
        tpu.vector_store %arg16[%swap3A_416], %select_n3A_415 {strides = array<i32>} : memref<64xi32, #tpu.memory_space<vmem>>, vector<16xi32>,
        %gather3A_418 = tpu.vector_load_idx %arg8[%select_n3A_415] : memref<5128xf32, #tpu.memory_space<vmem>>[vector<16xi32>], vector<16xf32>,
        %get3A_419 = arith.constant 16 : index
        %get3A_420 = tpu.vector_load %arg20[%get3A_419] {strides = array<i32>} : memref<64xf32, #tpu.memory_space<vmem>>, vector<16xf32>,
        %add3A_421 = arith.addf %gather3A_418, %get3A_420 : vector<16xf32>
        %ge3A_422 = arith.cmpf oge, %add3A_421, %broadcast_in_dim3A_3 : vector<16xf32>
        %mul3A_423 = arith.mulf %add3A_421, %add3A_22 : vector<16xf32>
        %select_n3A_424 = arith.select %ge3A_422, %add3A_421, %mul3A_423 : vector<16xi1>, vector<16xf32>
        %exp3A_425 = math.exp %select_n3A_424 : vector<16xf32>
        %swap3A_426 = arith.constant 16 : index
        %swap3A_427 = tpu.vector_load %arg18[%swap3A_426] {strides = array<i32>} : memref<80xf32, #tpu.memory_space<vmem>>, vector<16xf32>,
        tpu.vector_store %arg18[%swap3A_426], %exp3A_425 {strides = array<i32>} : memref<80xf32, #tpu.memory_space<vmem>>, vector<16xf32>,
        %add3A_428 = arith.constant 32 : i32
        %add3A_429 = arith.addi %mul3A_373, %add3A_428 : i32
        %get3A_430 = arith.index_cast %add3A_429 : i32 to index
        %get3A_431 = tpu.vector_load %arg10[%get3A_430] {strides = array<i32>} : memref<20640xi32, #tpu.memory_space<vmem>>, vector<16xi32>,
        %and3A_432 = arith.andi %get3A_431, %add3A_7 : vector<16xi32>
        %sub3A_433 = vector.broadcast %mul3A_0 : i32 to vector<16xi32>
        %sub3A_434 = arith.subi %and3A_432, %sub3A_433 : vector<16xi32>
        %add3A_435 = arith.constant 32 : i32
        %add3A_436 = arith.addi %mul3A_373, %add3A_435 : i32
        %add3A_437 = vector.broadcast %add3A_436 : i32 to vector<16xi32>
        %add3A_438 = arith.addi %broadcast_in_dim3A_5, %add3A_437 : vector<16xi32>
        %add3A_439 = arith.addi %add3A_438, %iota3A : vector<16xi32>
        %lt3A_440 = arith.cmpi slt, %add3A_439, %broadcast_in_dim3A_144 : vector<16xi32>
        %select_n3A_441 = arith.select %lt3A_440, %sub3A_434, %add3A_19 : vector<16xi1>, vector<16xi32>
        %swap3A_442 = arith.constant 32 : index
        %swap3A_443 = tpu.vector_load %arg16[%swap3A_442] {strides = array<i32>} : memref<64xi32, #tpu.memory_space<vmem>>, vector<16xi32>,
        tpu.vector_store %arg16[%swap3A_442], %select_n3A_441 {strides = array<i32>} : memref<64xi32, #tpu.memory_space<vmem>>, vector<16xi32>,
        %gather3A_444 = tpu.vector_load_idx %arg8[%select_n3A_441] : memref<5128xf32, #tpu.memory_space<vmem>>[vector<16xi32>], vector<16xf32>,
        %get3A_445 = arith.constant 32 : index
        %get3A_446 = tpu.vector_load %arg20[%get3A_445] {strides = array<i32>} : memref<64xf32, #tpu.memory_space<vmem>>, vector<16xf32>,
        %add3A_447 = arith.addf %gather3A_444, %get3A_446 : vector<16xf32>
        %ge3A_448 = arith.cmpf oge, %add3A_447, %broadcast_in_dim3A_3 : vector<16xf32>
        %mul3A_449 = arith.mulf %add3A_447, %add3A_22 : vector<16xf32>
        %select_n3A_450 = arith.select %ge3A_448, %add3A_447, %mul3A_449 : vector<16xi1>, vector<16xf32>
        %exp3A_451 = math.exp %select_n3A_450 : vector<16xf32>
        %swap3A_452 = arith.constant 32 : index
        %swap3A_453 = tpu.vector_load %arg18[%swap3A_452] {strides = array<i32>} : memref<80xf32, #tpu.memory_space<vmem>>, vector<16xf32>,
        tpu.vector_store %arg18[%swap3A_452], %exp3A_451 {strides = array<i32>} : memref<80xf32, #tpu.memory_space<vmem>>, vector<16xf32>,
        %add3A_454 = arith.constant 48 : i32
        %add3A_455 = arith.addi %mul3A_373, %add3A_454 : i32
        %get3A_456 = arith.index_cast %add3A_455 : i32 to index
        %get3A_457 = tpu.vector_load %arg10[%get3A_456] {strides = array<i32>} : memref<20640xi32, #tpu.memory_space<vmem>>, vector<16xi32>,
        %and3A_458 = arith.andi %get3A_457, %add3A_7 : vector<16xi32>
        %sub3A_459 = vector.broadcast %mul3A_0 : i32 to vector<16xi32>
        %sub3A_460 = arith.subi %and3A_458, %sub3A_459 : vector<16xi32>
        %add3A_461 = arith.constant 48 : i32
        %add3A_462 = arith.addi %mul3A_373, %add3A_461 : i32
        %add3A_463 = vector.broadcast %add3A_462 : i32 to vector<16xi32>
        %add3A_464 = arith.addi %broadcast_in_dim3A_5, %add3A_463 : vector<16xi32>
        %add3A_465 = arith.addi %add3A_464, %iota3A : vector<16xi32>
        %lt3A_466 = arith.cmpi slt, %add3A_465, %broadcast_in_dim3A_144 : vector<16xi32>
        %select_n3A_467 = arith.select %lt3A_466, %sub3A_460, %add3A_19 : vector<16xi1>, vector<16xi32>
        %swap3A_468 = arith.constant 48 : index
        %swap3A_469 = tpu.vector_load %arg16[%swap3A_468] {strides = array<i32>} : memref<64xi32, #tpu.memory_space<vmem>>, vector<16xi32>,
        tpu.vector_store %arg16[%swap3A_468], %select_n3A_467 {strides = array<i32>} : memref<64xi32, #tpu.memory_space<vmem>>, vector<16xi32>,
        %gather3A_470 = tpu.vector_load_idx %arg8[%select_n3A_467] : memref<5128xf32, #tpu.memory_space<vmem>>[vector<16xi32>], vector<16xf32>,
        %get3A_471 = arith.constant 48 : index
        %get3A_472 = tpu.vector_load %arg20[%get3A_471] {strides = array<i32>} : memref<64xf32, #tpu.memory_space<vmem>>, vector<16xf32>,
        %add3A_473 = arith.addf %gather3A_470, %get3A_472 : vector<16xf32>
        %ge3A_474 = arith.cmpf oge, %add3A_473, %broadcast_in_dim3A_3 : vector<16xf32>
        %mul3A_475 = arith.mulf %add3A_473, %add3A_22 : vector<16xf32>
        %select_n3A_476 = arith.select %ge3A_474, %add3A_473, %mul3A_475 : vector<16xi1>, vector<16xf32>
        %exp3A_477 = math.exp %select_n3A_476 : vector<16xf32>
        %swap3A_478 = arith.constant 48 : index
        %swap3A_479 = tpu.vector_load %arg18[%swap3A_478] {strides = array<i32>} : memref<80xf32, #tpu.memory_space<vmem>>, vector<16xf32>,
        tpu.vector_store %arg18[%swap3A_478], %exp3A_477 {strides = array<i32>} : memref<80xf32, #tpu.memory_space<vmem>>, vector<16xf32>,
        %dma_wait3A_480 = arith.constant 64 : i32
        %dma_wait3A_481 = arith.constant 0 : i32
        %dma_wait3A_482 = tpu.memref_slice %arg11[%dma_wait3A_480, %dma_wait3A_481] : memref<128x128xf32, #tpu.memory_space<vmem>> -> memref<64x128xf32, #tpu.memory_space<vmem>>
        %dma_wait3A_483 = arith.constant 0 : i32
        %dma_wait3A_484 = arith.constant 0 : i32
        %dma_wait3A_485 = tpu.memref_slice %arg2[%dma_wait3A_483, %dma_wait3A_484] : memref<80000x128xf32, #tpu.memory_space<hbm>> -> memref<80000x128xf32, #tpu.memory_space<hbm>>
        tpu.wait_indirect_dma semaphore(%arg23 : memref<!tpu.dma_semaphore, #tpu.memory_space<semaphore_mem>>) src(%dma_wait3A_485 : memref<80000x128xf32, #tpu.memory_space<hbm>>) dst(%dma_wait3A_482 : memref<64x128xf32, #tpu.memory_space<vmem>>)
        %scan3A_486 = arith.constant 0 : i32
        %scan3A_487 = arith.constant 32 : i32
        %scan3A_488 = arith.addi %scan3A_486, %scan3A_487 : i32
        %scan3A_489 = arith.constant 2 : i32
        scf.for %scan3A_507 = %scan3A_486 to %scan3A_488 step %scan3A_489  : i32 {
          %mul3A_508 = arith.constant 1 : i32
          %mul3A_509 = arith.muli %scan3A_507, %mul3A_508 : i32
          %add3A_510 = arith.constant 0 : i32
          %add3A_511 = arith.addi %add3A_510, %mul3A_509 : i32
          %mul3A_512 = arith.constant 2 : i32
          %mul3A_513 = arith.muli %mul3A_512, %add3A_511 : i32
          %get3A_514 = arith.index_cast %mul3A_513 : i32 to index
          %get3A_515 = tpu.vector_load %arg18[%get3A_514] {strides = array<i32>} : memref<80xf32, #tpu.memory_space<vmem>>, vector<16xf32>,
          %slice3A = vector.extract_strided_slice %get3A_515 {offsets = [0], sizes = [1], strides = [1]} : vector<16xf32> to vector<1xf32>
          %squeeze3A = vector.extract %slice3A[0] : f32 from vector<1xf32>
          %broadcast_in_dim3A_516 = vector.broadcast %squeeze3A : f32 to vector<16xf32>
          %add3A_517 = arith.constant 1 : i32
          %add3A_518 = arith.addi %mul3A_513, %add3A_517 : i32
          %get3A_519 = arith.index_cast %add3A_518 : i32 to index
          %get3A_520 = tpu.vector_load %arg18[%get3A_519] {strides = array<i32>} : memref<80xf32, #tpu.memory_space<vmem>>, vector<16xf32>,
          %slice3A_521 = vector.extract_strided_slice %get3A_520 {offsets = [0], sizes = [1], strides = [1]} : vector<16xf32> to vector<1xf32>
          %squeeze3A_522 = vector.extract %slice3A_521[0] : f32 from vector<1xf32>
          %broadcast_in_dim3A_523 = vector.broadcast %squeeze3A_522 : f32 to vector<16xf32>
          %add3A_524 = arith.constant 64 : i32
          %add3A_525 = arith.addi %add3A_524, %mul3A_513 : i32
          %get3A_526 = arith.index_cast %add3A_525 : i32 to index
          %get3A_527 = arith.constant 0 : index
          %get3A_528 = tpu.vector_load %arg11[%get3A_526, %get3A_527] {strides = array<i32>} : memref<128x128xf32, #tpu.memory_space<vmem>>, vector<16xf32>,
          %add3A_529 = arith.constant 64 : i32
          %add3A_530 = arith.addi %add3A_529, %mul3A_513 : i32
          %get3A_531 = arith.index_cast %add3A_530 : i32 to index
          %get3A_532 = arith.constant 16 : index
          %get3A_533 = tpu.vector_load %arg11[%get3A_531, %get3A_532] {strides = array<i32>} : memref<128x128xf32, #tpu.memory_space<vmem>>, vector<16xf32>,
          %add3A_534 = arith.constant 64 : i32
          %add3A_535 = arith.addi %add3A_534, %mul3A_513 : i32
          %get3A_536 = arith.index_cast %add3A_535 : i32 to index
          %get3A_537 = arith.constant 32 : index
          %get3A_538 = tpu.vector_load %arg11[%get3A_536, %get3A_537] {strides = array<i32>} : memref<128x128xf32, #tpu.memory_space<vmem>>, vector<16xf32>,
          %add3A_539 = arith.constant 64 : i32
          %add3A_540 = arith.addi %add3A_539, %mul3A_513 : i32
          %get3A_541 = arith.index_cast %add3A_540 : i32 to index
          %get3A_542 = arith.constant 48 : index
          %get3A_543 = tpu.vector_load %arg11[%get3A_541, %get3A_542] {strides = array<i32>} : memref<128x128xf32, #tpu.memory_space<vmem>>, vector<16xf32>,
          %add3A_544 = arith.constant 64 : i32
          %add3A_545 = arith.addi %add3A_544, %mul3A_513 : i32
          %get3A_546 = arith.index_cast %add3A_545 : i32 to index
          %get3A_547 = arith.constant 64 : index
          %get3A_548 = tpu.vector_load %arg11[%get3A_546, %get3A_547] {strides = array<i32>} : memref<128x128xf32, #tpu.memory_space<vmem>>, vector<16xf32>,
          %add3A_549 = arith.constant 64 : i32
          %add3A_550 = arith.addi %add3A_549, %mul3A_513 : i32
          %get3A_551 = arith.index_cast %add3A_550 : i32 to index
          %get3A_552 = arith.constant 80 : index
          %get3A_553 = tpu.vector_load %arg11[%get3A_551, %get3A_552] {strides = array<i32>} : memref<128x128xf32, #tpu.memory_space<vmem>>, vector<16xf32>,
          %add3A_554 = arith.constant 64 : i32
          %add3A_555 = arith.addi %add3A_554, %mul3A_513 : i32
          %get3A_556 = arith.index_cast %add3A_555 : i32 to index
          %get3A_557 = arith.constant 96 : index
          %get3A_558 = tpu.vector_load %arg11[%get3A_556, %get3A_557] {strides = array<i32>} : memref<128x128xf32, #tpu.memory_space<vmem>>, vector<16xf32>,
          %add3A_559 = arith.constant 64 : i32
          %add3A_560 = arith.addi %add3A_559, %mul3A_513 : i32
          %get3A_561 = arith.index_cast %add3A_560 : i32 to index
          %get3A_562 = arith.constant 112 : index
          %get3A_563 = tpu.vector_load %arg11[%get3A_561, %get3A_562] {strides = array<i32>} : memref<128x128xf32, #tpu.memory_space<vmem>>, vector<16xf32>,
          %add3A_564 = arith.constant 64 : i32
          %add3A_565 = arith.addi %add3A_564, %mul3A_513 : i32
          %add3A_566 = arith.constant 1 : i32
          %add3A_567 = arith.addi %add3A_565, %add3A_566 : i32
          %get3A_568 = arith.index_cast %add3A_567 : i32 to index
          %get3A_569 = arith.constant 0 : index
          %get3A_570 = tpu.vector_load %arg11[%get3A_568, %get3A_569] {strides = array<i32>} : memref<128x128xf32, #tpu.memory_space<vmem>>, vector<16xf32>,
          %add3A_571 = arith.constant 64 : i32
          %add3A_572 = arith.addi %add3A_571, %mul3A_513 : i32
          %add3A_573 = arith.constant 1 : i32
          %add3A_574 = arith.addi %add3A_572, %add3A_573 : i32
          %get3A_575 = arith.index_cast %add3A_574 : i32 to index
          %get3A_576 = arith.constant 16 : index
          %get3A_577 = tpu.vector_load %arg11[%get3A_575, %get3A_576] {strides = array<i32>} : memref<128x128xf32, #tpu.memory_space<vmem>>, vector<16xf32>,
          %add3A_578 = arith.constant 64 : i32
          %add3A_579 = arith.addi %add3A_578, %mul3A_513 : i32
          %add3A_580 = arith.constant 1 : i32
          %add3A_581 = arith.addi %add3A_579, %add3A_580 : i32
          %get3A_582 = arith.index_cast %add3A_581 : i32 to index
          %get3A_583 = arith.constant 32 : index
          %get3A_584 = tpu.vector_load %arg11[%get3A_582, %get3A_583] {strides = array<i32>} : memref<128x128xf32, #tpu.memory_space<vmem>>, vector<16xf32>,
          %add3A_585 = arith.constant 64 : i32
          %add3A_586 = arith.addi %add3A_585, %mul3A_513 : i32
          %add3A_587 = arith.constant 1 : i32
          %add3A_588 = arith.addi %add3A_586, %add3A_587 : i32
          %get3A_589 = arith.index_cast %add3A_588 : i32 to index
          %get3A_590 = arith.constant 48 : index
          %get3A_591 = tpu.vector_load %arg11[%get3A_589, %get3A_590] {strides = array<i32>} : memref<128x128xf32, #tpu.memory_space<vmem>>, vector<16xf32>,
          %add3A_592 = arith.constant 64 : i32
          %add3A_593 = arith.addi %add3A_592, %mul3A_513 : i32
          %add3A_594 = arith.constant 1 : i32
          %add3A_595 = arith.addi %add3A_593, %add3A_594 : i32
          %get3A_596 = arith.index_cast %add3A_595 : i32 to index
          %get3A_597 = arith.constant 64 : index
          %get3A_598 = tpu.vector_load %arg11[%get3A_596, %get3A_597] {strides = array<i32>} : memref<128x128xf32, #tpu.memory_space<vmem>>, vector<16xf32>,
          %add3A_599 = arith.constant 64 : i32
          %add3A_600 = arith.addi %add3A_599, %mul3A_513 : i32
          %add3A_601 = arith.constant 1 : i32
          %add3A_602 = arith.addi %add3A_600, %add3A_601 : i32
          %get3A_603 = arith.index_cast %add3A_602 : i32 to index
          %get3A_604 = arith.constant 80 : index
          %get3A_605 = tpu.vector_load %arg11[%get3A_603, %get3A_604] {strides = array<i32>} : memref<128x128xf32, #tpu.memory_space<vmem>>, vector<16xf32>,
          %add3A_606 = arith.constant 64 : i32
          %add3A_607 = arith.addi %add3A_606, %mul3A_513 : i32
          %add3A_608 = arith.constant 1 : i32
          %add3A_609 = arith.addi %add3A_607, %add3A_608 : i32
          %get3A_610 = arith.index_cast %add3A_609 : i32 to index
          %get3A_611 = arith.constant 96 : index
          %get3A_612 = tpu.vector_load %arg11[%get3A_610, %get3A_611] {strides = array<i32>} : memref<128x128xf32, #tpu.memory_space<vmem>>, vector<16xf32>,
          %add3A_613 = arith.constant 64 : i32
          %add3A_614 = arith.addi %add3A_613, %mul3A_513 : i32
          %add3A_615 = arith.constant 1 : i32
          %add3A_616 = arith.addi %add3A_614, %add3A_615 : i32
          %get3A_617 = arith.index_cast %add3A_616 : i32 to index
          %get3A_618 = arith.constant 112 : index
          %get3A_619 = tpu.vector_load %arg11[%get3A_617, %get3A_618] {strides = array<i32>} : memref<128x128xf32, #tpu.memory_space<vmem>>, vector<16xf32>,
          %mul3A_620 = arith.mulf %broadcast_in_dim3A_516, %get3A_528 : vector<16xf32>
          %mul3A_621 = arith.mulf %broadcast_in_dim3A_516, %get3A_533 : vector<16xf32>
          %mul3A_622 = arith.mulf %broadcast_in_dim3A_516, %get3A_538 : vector<16xf32>
          %mul3A_623 = arith.mulf %broadcast_in_dim3A_516, %get3A_543 : vector<16xf32>
          %mul3A_624 = arith.mulf %broadcast_in_dim3A_516, %get3A_548 : vector<16xf32>
          %mul3A_625 = arith.mulf %broadcast_in_dim3A_516, %get3A_553 : vector<16xf32>
          %mul3A_626 = arith.mulf %broadcast_in_dim3A_516, %get3A_558 : vector<16xf32>
          %mul3A_627 = arith.mulf %broadcast_in_dim3A_516, %get3A_563 : vector<16xf32>
          %mul3A_628 = arith.mulf %broadcast_in_dim3A_523, %get3A_570 : vector<16xf32>
          %mul3A_629 = arith.mulf %broadcast_in_dim3A_523, %get3A_577 : vector<16xf32>
          %mul3A_630 = arith.mulf %broadcast_in_dim3A_523, %get3A_584 : vector<16xf32>
          %mul3A_631 = arith.mulf %broadcast_in_dim3A_523, %get3A_591 : vector<16xf32>
          %mul3A_632 = arith.mulf %broadcast_in_dim3A_523, %get3A_598 : vector<16xf32>
          %mul3A_633 = arith.mulf %broadcast_in_dim3A_523, %get3A_605 : vector<16xf32>
          %mul3A_634 = arith.mulf %broadcast_in_dim3A_523, %get3A_612 : vector<16xf32>
          %mul3A_635 = arith.mulf %broadcast_in_dim3A_523, %get3A_619 : vector<16xf32>
          %add3A_636 = arith.constant 64 : i32
          %add3A_637 = arith.addi %add3A_636, %mul3A_513 : i32
          %swap3A_638 = arith.index_cast %add3A_637 : i32 to index
          %swap3A_639 = arith.constant 0 : index
          %swap3A_640 = tpu.vector_load %arg12[%swap3A_638, %swap3A_639] {strides = array<i32>} : memref<128x128xf32, #tpu.memory_space<vmem>>, vector<16xf32>,
          tpu.vector_store %arg12[%swap3A_638, %swap3A_639], %mul3A_620 {strides = array<i32>} : memref<128x128xf32, #tpu.memory_space<vmem>>, vector<16xf32>,
          %add3A_641 = arith.constant 64 : i32
          %add3A_642 = arith.addi %add3A_641, %mul3A_513 : i32
          %swap3A_643 = arith.index_cast %add3A_642 : i32 to index
          %swap3A_644 = arith.constant 16 : index
          %swap3A_645 = tpu.vector_load %arg12[%swap3A_643, %swap3A_644] {strides = array<i32>} : memref<128x128xf32, #tpu.memory_space<vmem>>, vector<16xf32>,
          tpu.vector_store %arg12[%swap3A_643, %swap3A_644], %mul3A_621 {strides = array<i32>} : memref<128x128xf32, #tpu.memory_space<vmem>>, vector<16xf32>,
          %add3A_646 = arith.constant 64 : i32
          %add3A_647 = arith.addi %add3A_646, %mul3A_513 : i32
          %swap3A_648 = arith.index_cast %add3A_647 : i32 to index
          %swap3A_649 = arith.constant 32 : index
          %swap3A_650 = tpu.vector_load %arg12[%swap3A_648, %swap3A_649] {strides = array<i32>} : memref<128x128xf32, #tpu.memory_space<vmem>>, vector<16xf32>,
          tpu.vector_store %arg12[%swap3A_648, %swap3A_649], %mul3A_622 {strides = array<i32>} : memref<128x128xf32, #tpu.memory_space<vmem>>, vector<16xf32>,
          %add3A_651 = arith.constant 64 : i32
          %add3A_652 = arith.addi %add3A_651, %mul3A_513 : i32
          %swap3A_653 = arith.index_cast %add3A_652 : i32 to index
          %swap3A_654 = arith.constant 48 : index
          %swap3A_655 = tpu.vector_load %arg12[%swap3A_653, %swap3A_654] {strides = array<i32>} : memref<128x128xf32, #tpu.memory_space<vmem>>, vector<16xf32>,
          tpu.vector_store %arg12[%swap3A_653, %swap3A_654], %mul3A_623 {strides = array<i32>} : memref<128x128xf32, #tpu.memory_space<vmem>>, vector<16xf32>,
          %add3A_656 = arith.constant 64 : i32
          %add3A_657 = arith.addi %add3A_656, %mul3A_513 : i32
          %swap3A_658 = arith.index_cast %add3A_657 : i32 to index
          %swap3A_659 = arith.constant 64 : index
          %swap3A_660 = tpu.vector_load %arg12[%swap3A_658, %swap3A_659] {strides = array<i32>} : memref<128x128xf32, #tpu.memory_space<vmem>>, vector<16xf32>,
          tpu.vector_store %arg12[%swap3A_658, %swap3A_659], %mul3A_624 {strides = array<i32>} : memref<128x128xf32, #tpu.memory_space<vmem>>, vector<16xf32>,
          %add3A_661 = arith.constant 64 : i32
          %add3A_662 = arith.addi %add3A_661, %mul3A_513 : i32
          %swap3A_663 = arith.index_cast %add3A_662 : i32 to index
          %swap3A_664 = arith.constant 80 : index
          %swap3A_665 = tpu.vector_load %arg12[%swap3A_663, %swap3A_664] {strides = array<i32>} : memref<128x128xf32, #tpu.memory_space<vmem>>, vector<16xf32>,
          tpu.vector_store %arg12[%swap3A_663, %swap3A_664], %mul3A_625 {strides = array<i32>} : memref<128x128xf32, #tpu.memory_space<vmem>>, vector<16xf32>,
          %add3A_666 = arith.constant 64 : i32
          %add3A_667 = arith.addi %add3A_666, %mul3A_513 : i32
          %swap3A_668 = arith.index_cast %add3A_667 : i32 to index
          %swap3A_669 = arith.constant 96 : index
          %swap3A_670 = tpu.vector_load %arg12[%swap3A_668, %swap3A_669] {strides = array<i32>} : memref<128x128xf32, #tpu.memory_space<vmem>>, vector<16xf32>,
          tpu.vector_store %arg12[%swap3A_668, %swap3A_669], %mul3A_626 {strides = array<i32>} : memref<128x128xf32, #tpu.memory_space<vmem>>, vector<16xf32>,
          %add3A_671 = arith.constant 64 : i32
          %add3A_672 = arith.addi %add3A_671, %mul3A_513 : i32
          %swap3A_673 = arith.index_cast %add3A_672 : i32 to index
          %swap3A_674 = arith.constant 112 : index
          %swap3A_675 = tpu.vector_load %arg12[%swap3A_673, %swap3A_674] {strides = array<i32>} : memref<128x128xf32, #tpu.memory_space<vmem>>, vector<16xf32>,
          tpu.vector_store %arg12[%swap3A_673, %swap3A_674], %mul3A_627 {strides = array<i32>} : memref<128x128xf32, #tpu.memory_space<vmem>>, vector<16xf32>,
          %add3A_676 = arith.constant 64 : i32
          %add3A_677 = arith.addi %add3A_676, %mul3A_513 : i32
          %add3A_678 = arith.constant 1 : i32
          %add3A_679 = arith.addi %add3A_677, %add3A_678 : i32
          %swap3A_680 = arith.index_cast %add3A_679 : i32 to index
          %swap3A_681 = arith.constant 0 : index
          %swap3A_682 = tpu.vector_load %arg12[%swap3A_680, %swap3A_681] {strides = array<i32>} : memref<128x128xf32, #tpu.memory_space<vmem>>, vector<16xf32>,
          tpu.vector_store %arg12[%swap3A_680, %swap3A_681], %mul3A_628 {strides = array<i32>} : memref<128x128xf32, #tpu.memory_space<vmem>>, vector<16xf32>,
          %add3A_683 = arith.constant 64 : i32
          %add3A_684 = arith.addi %add3A_683, %mul3A_513 : i32
          %add3A_685 = arith.constant 1 : i32
          %add3A_686 = arith.addi %add3A_684, %add3A_685 : i32
          %swap3A_687 = arith.index_cast %add3A_686 : i32 to index
          %swap3A_688 = arith.constant 16 : index
          %swap3A_689 = tpu.vector_load %arg12[%swap3A_687, %swap3A_688] {strides = array<i32>} : memref<128x128xf32, #tpu.memory_space<vmem>>, vector<16xf32>,
          tpu.vector_store %arg12[%swap3A_687, %swap3A_688], %mul3A_629 {strides = array<i32>} : memref<128x128xf32, #tpu.memory_space<vmem>>, vector<16xf32>,
          %add3A_690 = arith.constant 64 : i32
          %add3A_691 = arith.addi %add3A_690, %mul3A_513 : i32
          %add3A_692 = arith.constant 1 : i32
          %add3A_693 = arith.addi %add3A_691, %add3A_692 : i32
          %swap3A_694 = arith.index_cast %add3A_693 : i32 to index
          %swap3A_695 = arith.constant 32 : index
          %swap3A_696 = tpu.vector_load %arg12[%swap3A_694, %swap3A_695] {strides = array<i32>} : memref<128x128xf32, #tpu.memory_space<vmem>>, vector<16xf32>,
          tpu.vector_store %arg12[%swap3A_694, %swap3A_695], %mul3A_630 {strides = array<i32>} : memref<128x128xf32, #tpu.memory_space<vmem>>, vector<16xf32>,
          %add3A_697 = arith.constant 64 : i32
          %add3A_698 = arith.addi %add3A_697, %mul3A_513 : i32
          %add3A_699 = arith.constant 1 : i32
          %add3A_700 = arith.addi %add3A_698, %add3A_699 : i32
          %swap3A_701 = arith.index_cast %add3A_700 : i32 to index
          %swap3A_702 = arith.constant 48 : index
          %swap3A_703 = tpu.vector_load %arg12[%swap3A_701, %swap3A_702] {strides = array<i32>} : memref<128x128xf32, #tpu.memory_space<vmem>>, vector<16xf32>,
          tpu.vector_store %arg12[%swap3A_701, %swap3A_702], %mul3A_631 {strides = array<i32>} : memref<128x128xf32, #tpu.memory_space<vmem>>, vector<16xf32>,
          %add3A_704 = arith.constant 64 : i32
          %add3A_705 = arith.addi %add3A_704, %mul3A_513 : i32
          %add3A_706 = arith.constant 1 : i32
          %add3A_707 = arith.addi %add3A_705, %add3A_706 : i32
          %swap3A_708 = arith.index_cast %add3A_707 : i32 to index
          %swap3A_709 = arith.constant 64 : index
          %swap3A_710 = tpu.vector_load %arg12[%swap3A_708, %swap3A_709] {strides = array<i32>} : memref<128x128xf32, #tpu.memory_space<vmem>>, vector<16xf32>,
          tpu.vector_store %arg12[%swap3A_708, %swap3A_709], %mul3A_632 {strides = array<i32>} : memref<128x128xf32, #tpu.memory_space<vmem>>, vector<16xf32>,
          %add3A_711 = arith.constant 64 : i32
          %add3A_712 = arith.addi %add3A_711, %mul3A_513 : i32
          %add3A_713 = arith.constant 1 : i32
          %add3A_714 = arith.addi %add3A_712, %add3A_713 : i32
          %swap3A_715 = arith.index_cast %add3A_714 : i32 to index
          %swap3A_716 = arith.constant 80 : index
          %swap3A_717 = tpu.vector_load %arg12[%swap3A_715, %swap3A_716] {strides = array<i32>} : memref<128x128xf32, #tpu.memory_space<vmem>>, vector<16xf32>,
          tpu.vector_store %arg12[%swap3A_715, %swap3A_716], %mul3A_633 {strides = array<i32>} : memref<128x128xf32, #tpu.memory_space<vmem>>, vector<16xf32>,
          %add3A_718 = arith.constant 64 : i32
          %add3A_719 = arith.addi %add3A_718, %mul3A_513 : i32
          %add3A_720 = arith.constant 1 : i32
          %add3A_721 = arith.addi %add3A_719, %add3A_720 : i32
          %swap3A_722 = arith.index_cast %add3A_721 : i32 to index
          %swap3A_723 = arith.constant 96 : index
          %swap3A_724 = tpu.vector_load %arg12[%swap3A_722, %swap3A_723] {strides = array<i32>} : memref<128x128xf32, #tpu.memory_space<vmem>>, vector<16xf32>,
          tpu.vector_store %arg12[%swap3A_722, %swap3A_723], %mul3A_634 {strides = array<i32>} : memref<128x128xf32, #tpu.memory_space<vmem>>, vector<16xf32>,
          %add3A_725 = arith.constant 64 : i32
          %add3A_726 = arith.addi %add3A_725, %mul3A_513 : i32
          %add3A_727 = arith.constant 1 : i32
          %add3A_728 = arith.addi %add3A_726, %add3A_727 : i32
          %swap3A_729 = arith.index_cast %add3A_728 : i32 to index
          %swap3A_730 = arith.constant 112 : index
          %swap3A_731 = tpu.vector_load %arg12[%swap3A_729, %swap3A_730] {strides = array<i32>} : memref<128x128xf32, #tpu.memory_space<vmem>>, vector<16xf32>,
          tpu.vector_store %arg12[%swap3A_729, %swap3A_730], %mul3A_635 {strides = array<i32>} : memref<128x128xf32, #tpu.memory_space<vmem>>, vector<16xf32>,
          %scan3A_732 = arith.constant 1 : i32
          %scan3A_733 = arith.addi %scan3A_507, %scan3A_732 : i32
          %mul3A_734 = arith.constant 1 : i32
          %mul3A_735 = arith.muli %scan3A_733, %mul3A_734 : i32
          %add3A_736 = arith.constant 0 : i32
          %add3A_737 = arith.addi %add3A_736, %mul3A_735 : i32
          %mul3A_738 = arith.constant 2 : i32
          %mul3A_739 = arith.muli %mul3A_738, %add3A_737 : i32
          %get3A_740 = arith.index_cast %mul3A_739 : i32 to index
          %get3A_741 = tpu.vector_load %arg18[%get3A_740] {strides = array<i32>} : memref<80xf32, #tpu.memory_space<vmem>>, vector<16xf32>,
          %slice3A_742 = vector.extract_strided_slice %get3A_741 {offsets = [0], sizes = [1], strides = [1]} : vector<16xf32> to vector<1xf32>
          %squeeze3A_743 = vector.extract %slice3A_742[0] : f32 from vector<1xf32>
          %broadcast_in_dim3A_744 = vector.broadcast %squeeze3A_743 : f32 to vector<16xf32>
          %add3A_745 = arith.constant 1 : i32
          %add3A_746 = arith.addi %mul3A_739, %add3A_745 : i32
          %get3A_747 = arith.index_cast %add3A_746 : i32 to index
          %get3A_748 = tpu.vector_load %arg18[%get3A_747] {strides = array<i32>} : memref<80xf32, #tpu.memory_space<vmem>>, vector<16xf32>,
          %slice3A_749 = vector.extract_strided_slice %get3A_748 {offsets = [0], sizes = [1], strides = [1]} : vector<16xf32> to vector<1xf32>
          %squeeze3A_750 = vector.extract %slice3A_749[0] : f32 from vector<1xf32>
          %broadcast_in_dim3A_751 = vector.broadcast %squeeze3A_750 : f32 to vector<16xf32>
          %add3A_752 = arith.constant 64 : i32
          %add3A_753 = arith.addi %add3A_752, %mul3A_739 : i32
          %get3A_754 = arith.index_cast %add3A_753 : i32 to index
          %get3A_755 = arith.constant 0 : index
          %get3A_756 = tpu.vector_load %arg11[%get3A_754, %get3A_755] {strides = array<i32>} : memref<128x128xf32, #tpu.memory_space<vmem>>, vector<16xf32>,
          %add3A_757 = arith.constant 64 : i32
          %add3A_758 = arith.addi %add3A_757, %mul3A_739 : i32
          %get3A_759 = arith.index_cast %add3A_758 : i32 to index
          %get3A_760 = arith.constant 16 : index
          %get3A_761 = tpu.vector_load %arg11[%get3A_759, %get3A_760] {strides = array<i32>} : memref<128x128xf32, #tpu.memory_space<vmem>>, vector<16xf32>,
          %add3A_762 = arith.constant 64 : i32
          %add3A_763 = arith.addi %add3A_762, %mul3A_739 : i32
          %get3A_764 = arith.index_cast %add3A_763 : i32 to index
          %get3A_765 = arith.constant 32 : index
          %get3A_766 = tpu.vector_load %arg11[%get3A_764, %get3A_765] {strides = array<i32>} : memref<128x128xf32, #tpu.memory_space<vmem>>, vector<16xf32>,
          %add3A_767 = arith.constant 64 : i32
          %add3A_768 = arith.addi %add3A_767, %mul3A_739 : i32
          %get3A_769 = arith.index_cast %add3A_768 : i32 to index
          %get3A_770 = arith.constant 48 : index
          %get3A_771 = tpu.vector_load %arg11[%get3A_769, %get3A_770] {strides = array<i32>} : memref<128x128xf32, #tpu.memory_space<vmem>>, vector<16xf32>,
          %add3A_772 = arith.constant 64 : i32
          %add3A_773 = arith.addi %add3A_772, %mul3A_739 : i32
          %get3A_774 = arith.index_cast %add3A_773 : i32 to index
          %get3A_775 = arith.constant 64 : index
          %get3A_776 = tpu.vector_load %arg11[%get3A_774, %get3A_775] {strides = array<i32>} : memref<128x128xf32, #tpu.memory_space<vmem>>, vector<16xf32>,
          %add3A_777 = arith.constant 64 : i32
          %add3A_778 = arith.addi %add3A_777, %mul3A_739 : i32
          %get3A_779 = arith.index_cast %add3A_778 : i32 to index
          %get3A_780 = arith.constant 80 : index
          %get3A_781 = tpu.vector_load %arg11[%get3A_779, %get3A_780] {strides = array<i32>} : memref<128x128xf32, #tpu.memory_space<vmem>>, vector<16xf32>,
          %add3A_782 = arith.constant 64 : i32
          %add3A_783 = arith.addi %add3A_782, %mul3A_739 : i32
          %get3A_784 = arith.index_cast %add3A_783 : i32 to index
          %get3A_785 = arith.constant 96 : index
          %get3A_786 = tpu.vector_load %arg11[%get3A_784, %get3A_785] {strides = array<i32>} : memref<128x128xf32, #tpu.memory_space<vmem>>, vector<16xf32>,
          %add3A_787 = arith.constant 64 : i32
          %add3A_788 = arith.addi %add3A_787, %mul3A_739 : i32
          %get3A_789 = arith.index_cast %add3A_788 : i32 to index
          %get3A_790 = arith.constant 112 : index
          %get3A_791 = tpu.vector_load %arg11[%get3A_789, %get3A_790] {strides = array<i32>} : memref<128x128xf32, #tpu.memory_space<vmem>>, vector<16xf32>,
          %add3A_792 = arith.constant 64 : i32
          %add3A_793 = arith.addi %add3A_792, %mul3A_739 : i32
          %add3A_794 = arith.constant 1 : i32
          %add3A_795 = arith.addi %add3A_793, %add3A_794 : i32
          %get3A_796 = arith.index_cast %add3A_795 : i32 to index
          %get3A_797 = arith.constant 0 : index
          %get3A_798 = tpu.vector_load %arg11[%get3A_796, %get3A_797] {strides = array<i32>} : memref<128x128xf32, #tpu.memory_space<vmem>>, vector<16xf32>,
          %add3A_799 = arith.constant 64 : i32
          %add3A_800 = arith.addi %add3A_799, %mul3A_739 : i32
          %add3A_801 = arith.constant 1 : i32
          %add3A_802 = arith.addi %add3A_800, %add3A_801 : i32
          %get3A_803 = arith.index_cast %add3A_802 : i32 to index
          %get3A_804 = arith.constant 16 : index
          %get3A_805 = tpu.vector_load %arg11[%get3A_803, %get3A_804] {strides = array<i32>} : memref<128x128xf32, #tpu.memory_space<vmem>>, vector<16xf32>,
          %add3A_806 = arith.constant 64 : i32
          %add3A_807 = arith.addi %add3A_806, %mul3A_739 : i32
          %add3A_808 = arith.constant 1 : i32
          %add3A_809 = arith.addi %add3A_807, %add3A_808 : i32
          %get3A_810 = arith.index_cast %add3A_809 : i32 to index
          %get3A_811 = arith.constant 32 : index
          %get3A_812 = tpu.vector_load %arg11[%get3A_810, %get3A_811] {strides = array<i32>} : memref<128x128xf32, #tpu.memory_space<vmem>>, vector<16xf32>,
          %add3A_813 = arith.constant 64 : i32
          %add3A_814 = arith.addi %add3A_813, %mul3A_739 : i32
          %add3A_815 = arith.constant 1 : i32
          %add3A_816 = arith.addi %add3A_814, %add3A_815 : i32
          %get3A_817 = arith.index_cast %add3A_816 : i32 to index
          %get3A_818 = arith.constant 48 : index
          %get3A_819 = tpu.vector_load %arg11[%get3A_817, %get3A_818] {strides = array<i32>} : memref<128x128xf32, #tpu.memory_space<vmem>>, vector<16xf32>,
          %add3A_820 = arith.constant 64 : i32
          %add3A_821 = arith.addi %add3A_820, %mul3A_739 : i32
          %add3A_822 = arith.constant 1 : i32
          %add3A_823 = arith.addi %add3A_821, %add3A_822 : i32
          %get3A_824 = arith.index_cast %add3A_823 : i32 to index
          %get3A_825 = arith.constant 64 : index
          %get3A_826 = tpu.vector_load %arg11[%get3A_824, %get3A_825] {strides = array<i32>} : memref<128x128xf32, #tpu.memory_space<vmem>>, vector<16xf32>,
          %add3A_827 = arith.constant 64 : i32
          %add3A_828 = arith.addi %add3A_827, %mul3A_739 : i32
          %add3A_829 = arith.constant 1 : i32
          %add3A_830 = arith.addi %add3A_828, %add3A_829 : i32
          %get3A_831 = arith.index_cast %add3A_830 : i32 to index
          %get3A_832 = arith.constant 80 : index
          %get3A_833 = tpu.vector_load %arg11[%get3A_831, %get3A_832] {strides = array<i32>} : memref<128x128xf32, #tpu.memory_space<vmem>>, vector<16xf32>,
          %add3A_834 = arith.constant 64 : i32
          %add3A_835 = arith.addi %add3A_834, %mul3A_739 : i32
          %add3A_836 = arith.constant 1 : i32
          %add3A_837 = arith.addi %add3A_835, %add3A_836 : i32
          %get3A_838 = arith.index_cast %add3A_837 : i32 to index
          %get3A_839 = arith.constant 96 : index
          %get3A_840 = tpu.vector_load %arg11[%get3A_838, %get3A_839] {strides = array<i32>} : memref<128x128xf32, #tpu.memory_space<vmem>>, vector<16xf32>,
          %add3A_841 = arith.constant 64 : i32
          %add3A_842 = arith.addi %add3A_841, %mul3A_739 : i32
          %add3A_843 = arith.constant 1 : i32
          %add3A_844 = arith.addi %add3A_842, %add3A_843 : i32
          %get3A_845 = arith.index_cast %add3A_844 : i32 to index
          %get3A_846 = arith.constant 112 : index
          %get3A_847 = tpu.vector_load %arg11[%get3A_845, %get3A_846] {strides = array<i32>} : memref<128x128xf32, #tpu.memory_space<vmem>>, vector<16xf32>,
          %mul3A_848 = arith.mulf %broadcast_in_dim3A_744, %get3A_756 : vector<16xf32>
          %mul3A_849 = arith.mulf %broadcast_in_dim3A_744, %get3A_761 : vector<16xf32>
          %mul3A_850 = arith.mulf %broadcast_in_dim3A_744, %get3A_766 : vector<16xf32>
          %mul3A_851 = arith.mulf %broadcast_in_dim3A_744, %get3A_771 : vector<16xf32>
          %mul3A_852 = arith.mulf %broadcast_in_dim3A_744, %get3A_776 : vector<16xf32>
          %mul3A_853 = arith.mulf %broadcast_in_dim3A_744, %get3A_781 : vector<16xf32>
          %mul3A_854 = arith.mulf %broadcast_in_dim3A_744, %get3A_786 : vector<16xf32>
          %mul3A_855 = arith.mulf %broadcast_in_dim3A_744, %get3A_791 : vector<16xf32>
          %mul3A_856 = arith.mulf %broadcast_in_dim3A_751, %get3A_798 : vector<16xf32>
          %mul3A_857 = arith.mulf %broadcast_in_dim3A_751, %get3A_805 : vector<16xf32>
          %mul3A_858 = arith.mulf %broadcast_in_dim3A_751, %get3A_812 : vector<16xf32>
          %mul3A_859 = arith.mulf %broadcast_in_dim3A_751, %get3A_819 : vector<16xf32>
          %mul3A_860 = arith.mulf %broadcast_in_dim3A_751, %get3A_826 : vector<16xf32>
          %mul3A_861 = arith.mulf %broadcast_in_dim3A_751, %get3A_833 : vector<16xf32>
          %mul3A_862 = arith.mulf %broadcast_in_dim3A_751, %get3A_840 : vector<16xf32>
          %mul3A_863 = arith.mulf %broadcast_in_dim3A_751, %get3A_847 : vector<16xf32>
          %add3A_864 = arith.constant 64 : i32
          %add3A_865 = arith.addi %add3A_864, %mul3A_739 : i32
          %swap3A_866 = arith.index_cast %add3A_865 : i32 to index
          %swap3A_867 = arith.constant 0 : index
          %swap3A_868 = tpu.vector_load %arg12[%swap3A_866, %swap3A_867] {strides = array<i32>} : memref<128x128xf32, #tpu.memory_space<vmem>>, vector<16xf32>,
          tpu.vector_store %arg12[%swap3A_866, %swap3A_867], %mul3A_848 {strides = array<i32>} : memref<128x128xf32, #tpu.memory_space<vmem>>, vector<16xf32>,
          %add3A_869 = arith.constant 64 : i32
          %add3A_870 = arith.addi %add3A_869, %mul3A_739 : i32
          %swap3A_871 = arith.index_cast %add3A_870 : i32 to index
          %swap3A_872 = arith.constant 16 : index
          %swap3A_873 = tpu.vector_load %arg12[%swap3A_871, %swap3A_872] {strides = array<i32>} : memref<128x128xf32, #tpu.memory_space<vmem>>, vector<16xf32>,
          tpu.vector_store %arg12[%swap3A_871, %swap3A_872], %mul3A_849 {strides = array<i32>} : memref<128x128xf32, #tpu.memory_space<vmem>>, vector<16xf32>,
          %add3A_874 = arith.constant 64 : i32
          %add3A_875 = arith.addi %add3A_874, %mul3A_739 : i32
          %swap3A_876 = arith.index_cast %add3A_875 : i32 to index
          %swap3A_877 = arith.constant 32 : index
          %swap3A_878 = tpu.vector_load %arg12[%swap3A_876, %swap3A_877] {strides = array<i32>} : memref<128x128xf32, #tpu.memory_space<vmem>>, vector<16xf32>,
          tpu.vector_store %arg12[%swap3A_876, %swap3A_877], %mul3A_850 {strides = array<i32>} : memref<128x128xf32, #tpu.memory_space<vmem>>, vector<16xf32>,
          %add3A_879 = arith.constant 64 : i32
          %add3A_880 = arith.addi %add3A_879, %mul3A_739 : i32
          %swap3A_881 = arith.index_cast %add3A_880 : i32 to index
          %swap3A_882 = arith.constant 48 : index
          %swap3A_883 = tpu.vector_load %arg12[%swap3A_881, %swap3A_882] {strides = array<i32>} : memref<128x128xf32, #tpu.memory_space<vmem>>, vector<16xf32>,
          tpu.vector_store %arg12[%swap3A_881, %swap3A_882], %mul3A_851 {strides = array<i32>} : memref<128x128xf32, #tpu.memory_space<vmem>>, vector<16xf32>,
          %add3A_884 = arith.constant 64 : i32
          %add3A_885 = arith.addi %add3A_884, %mul3A_739 : i32
          %swap3A_886 = arith.index_cast %add3A_885 : i32 to index
          %swap3A_887 = arith.constant 64 : index
          %swap3A_888 = tpu.vector_load %arg12[%swap3A_886, %swap3A_887] {strides = array<i32>} : memref<128x128xf32, #tpu.memory_space<vmem>>, vector<16xf32>,
          tpu.vector_store %arg12[%swap3A_886, %swap3A_887], %mul3A_852 {strides = array<i32>} : memref<128x128xf32, #tpu.memory_space<vmem>>, vector<16xf32>,
          %add3A_889 = arith.constant 64 : i32
          %add3A_890 = arith.addi %add3A_889, %mul3A_739 : i32
          %swap3A_891 = arith.index_cast %add3A_890 : i32 to index
          %swap3A_892 = arith.constant 80 : index
          %swap3A_893 = tpu.vector_load %arg12[%swap3A_891, %swap3A_892] {strides = array<i32>} : memref<128x128xf32, #tpu.memory_space<vmem>>, vector<16xf32>,
          tpu.vector_store %arg12[%swap3A_891, %swap3A_892], %mul3A_853 {strides = array<i32>} : memref<128x128xf32, #tpu.memory_space<vmem>>, vector<16xf32>,
          %add3A_894 = arith.constant 64 : i32
          %add3A_895 = arith.addi %add3A_894, %mul3A_739 : i32
          %swap3A_896 = arith.index_cast %add3A_895 : i32 to index
          %swap3A_897 = arith.constant 96 : index
          %swap3A_898 = tpu.vector_load %arg12[%swap3A_896, %swap3A_897] {strides = array<i32>} : memref<128x128xf32, #tpu.memory_space<vmem>>, vector<16xf32>,
          tpu.vector_store %arg12[%swap3A_896, %swap3A_897], %mul3A_854 {strides = array<i32>} : memref<128x128xf32, #tpu.memory_space<vmem>>, vector<16xf32>,
          %add3A_899 = arith.constant 64 : i32
          %add3A_900 = arith.addi %add3A_899, %mul3A_739 : i32
          %swap3A_901 = arith.index_cast %add3A_900 : i32 to index
          %swap3A_902 = arith.constant 112 : index
          %swap3A_903 = tpu.vector_load %arg12[%swap3A_901, %swap3A_902] {strides = array<i32>} : memref<128x128xf32, #tpu.memory_space<vmem>>, vector<16xf32>,
          tpu.vector_store %arg12[%swap3A_901, %swap3A_902], %mul3A_855 {strides = array<i32>} : memref<128x128xf32, #tpu.memory_space<vmem>>, vector<16xf32>,
          %add3A_904 = arith.constant 64 : i32
          %add3A_905 = arith.addi %add3A_904, %mul3A_739 : i32
          %add3A_906 = arith.constant 1 : i32
          %add3A_907 = arith.addi %add3A_905, %add3A_906 : i32
          %swap3A_908 = arith.index_cast %add3A_907 : i32 to index
          %swap3A_909 = arith.constant 0 : index
          %swap3A_910 = tpu.vector_load %arg12[%swap3A_908, %swap3A_909] {strides = array<i32>} : memref<128x128xf32, #tpu.memory_space<vmem>>, vector<16xf32>,
          tpu.vector_store %arg12[%swap3A_908, %swap3A_909], %mul3A_856 {strides = array<i32>} : memref<128x128xf32, #tpu.memory_space<vmem>>, vector<16xf32>,
          %add3A_911 = arith.constant 64 : i32
          %add3A_912 = arith.addi %add3A_911, %mul3A_739 : i32
          %add3A_913 = arith.constant 1 : i32
          %add3A_914 = arith.addi %add3A_912, %add3A_913 : i32
          %swap3A_915 = arith.index_cast %add3A_914 : i32 to index
          %swap3A_916 = arith.constant 16 : index
          %swap3A_917 = tpu.vector_load %arg12[%swap3A_915, %swap3A_916] {strides = array<i32>} : memref<128x128xf32, #tpu.memory_space<vmem>>, vector<16xf32>,
          tpu.vector_store %arg12[%swap3A_915, %swap3A_916], %mul3A_857 {strides = array<i32>} : memref<128x128xf32, #tpu.memory_space<vmem>>, vector<16xf32>,
          %add3A_918 = arith.constant 64 : i32
          %add3A_919 = arith.addi %add3A_918, %mul3A_739 : i32
          %add3A_920 = arith.constant 1 : i32
          %add3A_921 = arith.addi %add3A_919, %add3A_920 : i32
          %swap3A_922 = arith.index_cast %add3A_921 : i32 to index
          %swap3A_923 = arith.constant 32 : index
          %swap3A_924 = tpu.vector_load %arg12[%swap3A_922, %swap3A_923] {strides = array<i32>} : memref<128x128xf32, #tpu.memory_space<vmem>>, vector<16xf32>,
          tpu.vector_store %arg12[%swap3A_922, %swap3A_923], %mul3A_858 {strides = array<i32>} : memref<128x128xf32, #tpu.memory_space<vmem>>, vector<16xf32>,
          %add3A_925 = arith.constant 64 : i32
          %add3A_926 = arith.addi %add3A_925, %mul3A_739 : i32
          %add3A_927 = arith.constant 1 : i32
          %add3A_928 = arith.addi %add3A_926, %add3A_927 : i32
          %swap3A_929 = arith.index_cast %add3A_928 : i32 to index
          %swap3A_930 = arith.constant 48 : index
          %swap3A_931 = tpu.vector_load %arg12[%swap3A_929, %swap3A_930] {strides = array<i32>} : memref<128x128xf32, #tpu.memory_space<vmem>>, vector<16xf32>,
          tpu.vector_store %arg12[%swap3A_929, %swap3A_930], %mul3A_859 {strides = array<i32>} : memref<128x128xf32, #tpu.memory_space<vmem>>, vector<16xf32>,
          %add3A_932 = arith.constant 64 : i32
          %add3A_933 = arith.addi %add3A_932, %mul3A_739 : i32
          %add3A_934 = arith.constant 1 : i32
          %add3A_935 = arith.addi %add3A_933, %add3A_934 : i32
          %swap3A_936 = arith.index_cast %add3A_935 : i32 to index
          %swap3A_937 = arith.constant 64 : index
          %swap3A_938 = tpu.vector_load %arg12[%swap3A_936, %swap3A_937] {strides = array<i32>} : memref<128x128xf32, #tpu.memory_space<vmem>>, vector<16xf32>,
          tpu.vector_store %arg12[%swap3A_936, %swap3A_937], %mul3A_860 {strides = array<i32>} : memref<128x128xf32, #tpu.memory_space<vmem>>, vector<16xf32>,
          %add3A_939 = arith.constant 64 : i32
          %add3A_940 = arith.addi %add3A_939, %mul3A_739 : i32
          %add3A_941 = arith.constant 1 : i32
          %add3A_942 = arith.addi %add3A_940, %add3A_941 : i32
          %swap3A_943 = arith.index_cast %add3A_942 : i32 to index
          %swap3A_944 = arith.constant 80 : index
          %swap3A_945 = tpu.vector_load %arg12[%swap3A_943, %swap3A_944] {strides = array<i32>} : memref<128x128xf32, #tpu.memory_space<vmem>>, vector<16xf32>,
          tpu.vector_store %arg12[%swap3A_943, %swap3A_944], %mul3A_861 {strides = array<i32>} : memref<128x128xf32, #tpu.memory_space<vmem>>, vector<16xf32>,
          %add3A_946 = arith.constant 64 : i32
          %add3A_947 = arith.addi %add3A_946, %mul3A_739 : i32
          %add3A_948 = arith.constant 1 : i32
          %add3A_949 = arith.addi %add3A_947, %add3A_948 : i32
          %swap3A_950 = arith.index_cast %add3A_949 : i32 to index
          %swap3A_951 = arith.constant 96 : index
          %swap3A_952 = tpu.vector_load %arg12[%swap3A_950, %swap3A_951] {strides = array<i32>} : memref<128x128xf32, #tpu.memory_space<vmem>>, vector<16xf32>,
          tpu.vector_store %arg12[%swap3A_950, %swap3A_951], %mul3A_862 {strides = array<i32>} : memref<128x128xf32, #tpu.memory_space<vmem>>, vector<16xf32>,
          %add3A_953 = arith.constant 64 : i32
          %add3A_954 = arith.addi %add3A_953, %mul3A_739 : i32
          %add3A_955 = arith.constant 1 : i32
          %add3A_956 = arith.addi %add3A_954, %add3A_955 : i32
          %swap3A_957 = arith.index_cast %add3A_956 : i32 to index
          %swap3A_958 = arith.constant 112 : index
          %swap3A_959 = tpu.vector_load %arg12[%swap3A_957, %swap3A_958] {strides = array<i32>} : memref<128x128xf32, #tpu.memory_space<vmem>>, vector<16xf32>,
          tpu.vector_store %arg12[%swap3A_957, %swap3A_958], %mul3A_863 {strides = array<i32>} : memref<128x128xf32, #tpu.memory_space<vmem>>, vector<16xf32>,
        }
        %scan3A_490 = arith.constant 32 : i32
        %dma_start3A_491 = arith.constant 64 : i32
        %dma_start3A_492 = arith.constant 0 : i32
        %dma_start3A_493 = tpu.memref_slice %arg12[%dma_start3A_491, %dma_start3A_492] : memref<128x128xf32, #tpu.memory_space<vmem>> -> memref<64x128xf32, #tpu.memory_space<vmem>>
        %dma_start3A_494 = arith.constant 0 : i32
        %dma_start3A_495 = arith.constant 0 : i32
        %dma_start3A_496 = tpu.memref_slice %arg30[%dma_start3A_494, %dma_start3A_495] : memref<5632x128xf32, #tpu.memory_space<vmem_shared>> -> memref<5632x128xf32, #tpu.memory_space<vmem_shared>>
        tpu.enqueue_indirect_dma source(%dma_start3A_493 : memref<64x128xf32, #tpu.memory_space<vmem>>) target(%dma_start3A_496 : memref<5632x128xf32, #tpu.memory_space<vmem_shared>>) offsets(%arg16 : memref<64xi32, #tpu.memory_space<vmem>>) semaphore(%arg27 : memref<!tpu.dma_semaphore, #tpu.memory_space<semaphore_mem>>) {add = true}
        %dma_start3A_497 = arith.constant 0 : i32
        %dma_start3A_498 = tpu.memref_slice %arg18[%dma_start3A_497] : memref<80xf32, #tpu.memory_space<vmem>> -> memref<64xf32, #tpu.memory_space<vmem>>
        %dma_start3A_499 = arith.constant 0 : i32
        %dma_start3A_500 = tpu.memref_slice %arg31[%dma_start3A_499] : memref<5632xf32, #tpu.memory_space<vmem_shared>> -> memref<5632xf32, #tpu.memory_space<vmem_shared>>
        tpu.enqueue_indirect_dma source(%dma_start3A_498 : memref<64xf32, #tpu.memory_space<vmem>>) target(%dma_start3A_500 : memref<5632xf32, #tpu.memory_space<vmem_shared>>) offsets(%arg16 : memref<64xi32, #tpu.memory_space<vmem>>) semaphore(%arg29 : memref<!tpu.dma_semaphore, #tpu.memory_space<semaphore_mem>>) {add = true}
        %add3A_501 = arith.constant 2 : i32
        %add3A_502 = arith.addi %add3A_229, %add3A_501 : i32
        %lt3A_503 = arith.cmpi slt, %add3A_502, %select_n3A : i32
        %convert_element_type3A_504 = arith.extui %lt3A_503 : i1 to i32
        %cond3A_505 = arith.constant 0 : i32
        %cond3A_506 = arith.cmpi ne, %convert_element_type3A_504, %cond3A_505 : i32
        scf.if %cond3A_506 {
          %add3A_507 = arith.constant 2 : i32
          %add3A_508 = arith.addi %add3A_229, %add3A_507 : i32
          %mul3A_509 = arith.constant 64 : i32
          %mul3A_510 = arith.muli %add3A_508, %mul3A_509 : i32
          %add3A_511 = arith.constant 0 : i32
          %add3A_512 = arith.addi %mul3A_510, %add3A_511 : i32
          %get3A_513 = arith.index_cast %add3A_512 : i32 to index
          %get3A_514 = tpu.vector_load %arg10[%get3A_513] {strides = array<i32>} : memref<20640xi32, #tpu.memory_space<vmem>>, vector<16xi32>,
          %shift_right_logical3A = arith.shrui %get3A_514, %add3A_10 : vector<16xi32>
          %swap3A_515 = arith.constant 0 : index
          %swap3A_516 = tpu.vector_load %arg14[%swap3A_515] {strides = array<i32>} : memref<64xi32, #tpu.memory_space<vmem>>, vector<16xi32>,
          tpu.vector_store %arg14[%swap3A_515], %shift_right_logical3A {strides = array<i32>} : memref<64xi32, #tpu.memory_space<vmem>>, vector<16xi32>,
          %add3A_517 = arith.constant 16 : i32
          %add3A_518 = arith.addi %mul3A_510, %add3A_517 : i32
          %get3A_519 = arith.index_cast %add3A_518 : i32 to index
          %get3A_520 = tpu.vector_load %arg10[%get3A_519] {strides = array<i32>} : memref<20640xi32, #tpu.memory_space<vmem>>, vector<16xi32>,
          %shift_right_logical3A_521 = arith.shrui %get3A_520, %add3A_10 : vector<16xi32>
          %swap3A_522 = arith.constant 16 : index
          %swap3A_523 = tpu.vector_load %arg14[%swap3A_522] {strides = array<i32>} : memref<64xi32, #tpu.memory_space<vmem>>, vector<16xi32>,
          tpu.vector_store %arg14[%swap3A_522], %shift_right_logical3A_521 {strides = array<i32>} : memref<64xi32, #tpu.memory_space<vmem>>, vector<16xi32>,
          %add3A_524 = arith.constant 32 : i32
          %add3A_525 = arith.addi %mul3A_510, %add3A_524 : i32
          %get3A_526 = arith.index_cast %add3A_525 : i32 to index
          %get3A_527 = tpu.vector_load %arg10[%get3A_526] {strides = array<i32>} : memref<20640xi32, #tpu.memory_space<vmem>>, vector<16xi32>,
          %shift_right_logical3A_528 = arith.shrui %get3A_527, %add3A_10 : vector<16xi32>
          %swap3A_529 = arith.constant 32 : index
          %swap3A_530 = tpu.vector_load %arg14[%swap3A_529] {strides = array<i32>} : memref<64xi32, #tpu.memory_space<vmem>>, vector<16xi32>,
          tpu.vector_store %arg14[%swap3A_529], %shift_right_logical3A_528 {strides = array<i32>} : memref<64xi32, #tpu.memory_space<vmem>>, vector<16xi32>,
          %add3A_531 = arith.constant 48 : i32
          %add3A_532 = arith.addi %mul3A_510, %add3A_531 : i32
          %get3A_533 = arith.index_cast %add3A_532 : i32 to index
          %get3A_534 = tpu.vector_load %arg10[%get3A_533] {strides = array<i32>} : memref<20640xi32, #tpu.memory_space<vmem>>, vector<16xi32>,
          %shift_right_logical3A_535 = arith.shrui %get3A_534, %add3A_10 : vector<16xi32>
          %swap3A_536 = arith.constant 48 : index
          %swap3A_537 = tpu.vector_load %arg14[%swap3A_536] {strides = array<i32>} : memref<64xi32, #tpu.memory_space<vmem>>, vector<16xi32>,
          tpu.vector_store %arg14[%swap3A_536], %shift_right_logical3A_535 {strides = array<i32>} : memref<64xi32, #tpu.memory_space<vmem>>, vector<16xi32>,
          %dma_start3A_538 = arith.constant 64 : i32
          %dma_start3A_539 = arith.constant 0 : i32
          %dma_start3A_540 = tpu.memref_slice %arg11[%dma_start3A_538, %dma_start3A_539] : memref<128x128xf32, #tpu.memory_space<vmem>> -> memref<64x128xf32, #tpu.memory_space<vmem>>
          %dma_start3A_541 = arith.constant 0 : i32
          %dma_start3A_542 = arith.constant 0 : i32
          %dma_start3A_543 = tpu.memref_slice %arg2[%dma_start3A_541, %dma_start3A_542] : memref<80000x128xf32, #tpu.memory_space<hbm>> -> memref<80000x128xf32, #tpu.memory_space<hbm>>
          tpu.enqueue_indirect_dma source(%dma_start3A_543 : memref<80000x128xf32, #tpu.memory_space<hbm>>) target(%dma_start3A_540 : memref<64x128xf32, #tpu.memory_space<vmem>>) offsets(%arg14 : memref<64xi32, #tpu.memory_space<vmem>>) semaphore(%arg23 : memref<!tpu.dma_semaphore, #tpu.memory_space<semaphore_mem>>)
          %dma_start3A_544 = arith.constant 0 : i32
          %dma_start3A_545 = tpu.memref_slice %arg3[%dma_start3A_544] : memref<80000xf32, #tpu.memory_space<hbm>> -> memref<80000xf32, #tpu.memory_space<hbm>>
          tpu.enqueue_indirect_dma source(%dma_start3A_545 : memref<80000xf32, #tpu.memory_space<hbm>>) target(%arg20 : memref<64xf32, #tpu.memory_space<vmem>>) offsets(%arg14 : memref<64xi32, #tpu.memory_space<vmem>>) semaphore(%arg25 : memref<!tpu.dma_semaphore, #tpu.memory_space<semaphore_mem>>)
        } else {
        }
      } else {
      }
    }
    %while3A_200 = arith.constant 1 : i32
    scf.for %while3A_221 = %while3A_198 to %while3A_194 step %while3A_200  : i32 {
      %mul3A_222 = arith.muli %while3A_221, %while3A : i32
      %add3A_223 = arith.addi %while3A_191, %mul3A_222 : i32
      %mul3A_224 = arith.constant 2 : i32
      %mul3A_225 = arith.muli %mul3A_224, %add3A_223 : i32
      %mul3A_226 = arith.constant 2 : i32
      %mul3A_227 = arith.muli %mul3A_226, %add3A_223 : i32
      %add3A_228 = arith.constant 1 : i32
      %add3A_229 = arith.addi %mul3A_227, %add3A_228 : i32
      %ge3A = arith.constant 2 : i32
      %ge3A_230 = arith.cmpi sge, %mul3A_225, %ge3A : i32
      %convert_element_type3A_231 = arith.extui %ge3A_230 : i1 to i32
      %cond3A_232 = arith.constant 0 : i32
      %cond3A_233 = arith.cmpi ne, %convert_element_type3A_231, %cond3A_232 : i32
      scf.if %cond3A_233 {
        %dma_wait3A_367 = arith.constant 0 : i32
        %dma_wait3A_368 = arith.constant 0 : i32
        %dma_wait3A_369 = tpu.memref_slice %arg12[%dma_wait3A_367, %dma_wait3A_368] : memref<128x128xf32, #tpu.memory_space<vmem>> -> memref<64x128xf32, #tpu.memory_space<vmem>>
        %dma_wait3A_370 = arith.constant 0 : i32
        %dma_wait3A_371 = arith.constant 0 : i32
        %dma_wait3A_372 = tpu.memref_slice %arg30[%dma_wait3A_370, %dma_wait3A_371] : memref<5632x128xf32, #tpu.memory_space<vmem_shared>> -> memref<5632x128xf32, #tpu.memory_space<vmem_shared>>
        tpu.wait_indirect_dma semaphore(%arg26 : memref<!tpu.dma_semaphore, #tpu.memory_space<semaphore_mem>>) src(%dma_wait3A_369 : memref<64x128xf32, #tpu.memory_space<vmem>>) dst(%dma_wait3A_372 : memref<5632x128xf32, #tpu.memory_space<vmem_shared>>)
        %dma_wait3A_373 = arith.constant 0 : i32
        %dma_wait3A_374 = tpu.memref_slice %arg17[%dma_wait3A_373] : memref<80xf32, #tpu.memory_space<vmem>> -> memref<64xf32, #tpu.memory_space<vmem>>
        %dma_wait3A_375 = arith.constant 0 : i32
        %dma_wait3A_376 = tpu.memref_slice %arg31[%dma_wait3A_375] : memref<5632xf32, #tpu.memory_space<vmem_shared>> -> memref<5632xf32, #tpu.memory_space<vmem_shared>>
        tpu.wait_indirect_dma semaphore(%arg28 : memref<!tpu.dma_semaphore, #tpu.memory_space<semaphore_mem>>) src(%dma_wait3A_374 : memref<64xf32, #tpu.memory_space<vmem>>) dst(%dma_wait3A_376 : memref<5632xf32, #tpu.memory_space<vmem_shared>>)
      } else {
      }
      %mul3A_234 = arith.constant 64 : i32
      %mul3A_235 = arith.muli %mul3A_225, %mul3A_234 : i32
      %dma_wait3A = arith.constant 0 : i32
      %dma_wait3A_236 = tpu.memref_slice %arg3[%dma_wait3A] : memref<80000xf32, #tpu.memory_space<hbm>> -> memref<80000xf32, #tpu.memory_space<hbm>>
      tpu.wait_indirect_dma semaphore(%arg24 : memref<!tpu.dma_semaphore, #tpu.memory_space<semaphore_mem>>) src(%dma_wait3A_236 : memref<80000xf32, #tpu.memory_space<hbm>>) dst(%arg19 : memref<64xf32, #tpu.memory_space<vmem>>)
      %add3A_237 = arith.constant 0 : i32
      %add3A_238 = arith.addi %mul3A_235, %add3A_237 : i32
      %get3A = arith.index_cast %add3A_238 : i32 to index
      %get3A_239 = tpu.vector_load %arg10[%get3A] {strides = array<i32>} : memref<20640xi32, #tpu.memory_space<vmem>>, vector<16xi32>,
      %and3A_240 = arith.andi %get3A_239, %add3A_7 : vector<16xi32>
      %sub3A_241 = vector.broadcast %mul3A_0 : i32 to vector<16xi32>
      %sub3A_242 = arith.subi %and3A_240, %sub3A_241 : vector<16xi32>
      %add3A_243 = arith.constant 0 : i32
      %add3A_244 = arith.addi %mul3A_235, %add3A_243 : i32
      %add3A_245 = vector.broadcast %add3A_244 : i32 to vector<16xi32>
      %add3A_246 = arith.addi %broadcast_in_dim3A_5, %add3A_245 : vector<16xi32>
      %add3A_247 = arith.addi %add3A_246, %iota3A : vector<16xi32>
      %lt3A = arith.cmpi slt, %add3A_247, %broadcast_in_dim3A_144 : vector<16xi32>
      %select_n3A_248 = arith.select %lt3A, %sub3A_242, %add3A_19 : vector<16xi1>, vector<16xi32>
      %swap3A_249 = arith.constant 0 : index
      %swap3A_250 = tpu.vector_load %arg15[%swap3A_249] {strides = array<i32>} : memref<64xi32, #tpu.memory_space<vmem>>, vector<16xi32>,
      tpu.vector_store %arg15[%swap3A_249], %select_n3A_248 {strides = array<i32>} : memref<64xi32, #tpu.memory_space<vmem>>, vector<16xi32>,
      %gather3A = tpu.vector_load_idx %arg8[%select_n3A_248] : memref<5128xf32, #tpu.memory_space<vmem>>[vector<16xi32>], vector<16xf32>,
      %get3A_251 = arith.constant 0 : index
      %get3A_252 = tpu.vector_load %arg19[%get3A_251] {strides = array<i32>} : memref<64xf32, #tpu.memory_space<vmem>>, vector<16xf32>,
      %add3A_253 = arith.addf %gather3A, %get3A_252 : vector<16xf32>
      %ge3A_254 = arith.cmpf oge, %add3A_253, %broadcast_in_dim3A_3 : vector<16xf32>
      %mul3A_255 = arith.mulf %add3A_253, %add3A_22 : vector<16xf32>
      %select_n3A_256 = arith.select %ge3A_254, %add3A_253, %mul3A_255 : vector<16xi1>, vector<16xf32>
      %exp3A = math.exp %select_n3A_256 : vector<16xf32>
      %swap3A_257 = arith.constant 0 : index
      %swap3A_258 = tpu.vector_load %arg17[%swap3A_257] {strides = array<i32>} : memref<80xf32, #tpu.memory_space<vmem>>, vector<16xf32>,
      tpu.vector_store %arg17[%swap3A_257], %exp3A {strides = array<i32>} : memref<80xf32, #tpu.memory_space<vmem>>, vector<16xf32>,
      %add3A_259 = arith.constant 16 : i32
      %add3A_260 = arith.addi %mul3A_235, %add3A_259 : i32
      %get3A_261 = arith.index_cast %add3A_260 : i32 to index
      %get3A_262 = tpu.vector_load %arg10[%get3A_261] {strides = array<i32>} : memref<20640xi32, #tpu.memory_space<vmem>>, vector<16xi32>,
      %and3A_263 = arith.andi %get3A_262, %add3A_7 : vector<16xi32>
      %sub3A_264 = vector.broadcast %mul3A_0 : i32 to vector<16xi32>
      %sub3A_265 = arith.subi %and3A_263, %sub3A_264 : vector<16xi32>
      %add3A_266 = arith.constant 16 : i32
      %add3A_267 = arith.addi %mul3A_235, %add3A_266 : i32
      %add3A_268 = vector.broadcast %add3A_267 : i32 to vector<16xi32>
      %add3A_269 = arith.addi %broadcast_in_dim3A_5, %add3A_268 : vector<16xi32>
      %add3A_270 = arith.addi %add3A_269, %iota3A : vector<16xi32>
      %lt3A_271 = arith.cmpi slt, %add3A_270, %broadcast_in_dim3A_144 : vector<16xi32>
      %select_n3A_272 = arith.select %lt3A_271, %sub3A_265, %add3A_19 : vector<16xi1>, vector<16xi32>
      %swap3A_273 = arith.constant 16 : index
      %swap3A_274 = tpu.vector_load %arg15[%swap3A_273] {strides = array<i32>} : memref<64xi32, #tpu.memory_space<vmem>>, vector<16xi32>,
      tpu.vector_store %arg15[%swap3A_273], %select_n3A_272 {strides = array<i32>} : memref<64xi32, #tpu.memory_space<vmem>>, vector<16xi32>,
      %gather3A_275 = tpu.vector_load_idx %arg8[%select_n3A_272] : memref<5128xf32, #tpu.memory_space<vmem>>[vector<16xi32>], vector<16xf32>,
      %get3A_276 = arith.constant 16 : index
      %get3A_277 = tpu.vector_load %arg19[%get3A_276] {strides = array<i32>} : memref<64xf32, #tpu.memory_space<vmem>>, vector<16xf32>,
      %add3A_278 = arith.addf %gather3A_275, %get3A_277 : vector<16xf32>
      %ge3A_279 = arith.cmpf oge, %add3A_278, %broadcast_in_dim3A_3 : vector<16xf32>
      %mul3A_280 = arith.mulf %add3A_278, %add3A_22 : vector<16xf32>
      %select_n3A_281 = arith.select %ge3A_279, %add3A_278, %mul3A_280 : vector<16xi1>, vector<16xf32>
      %exp3A_282 = math.exp %select_n3A_281 : vector<16xf32>
      %swap3A_283 = arith.constant 16 : index
      %swap3A_284 = tpu.vector_load %arg17[%swap3A_283] {strides = array<i32>} : memref<80xf32, #tpu.memory_space<vmem>>, vector<16xf32>,
      tpu.vector_store %arg17[%swap3A_283], %exp3A_282 {strides = array<i32>} : memref<80xf32, #tpu.memory_space<vmem>>, vector<16xf32>,
      %add3A_285 = arith.constant 32 : i32
      %add3A_286 = arith.addi %mul3A_235, %add3A_285 : i32
      %get3A_287 = arith.index_cast %add3A_286 : i32 to index
      %get3A_288 = tpu.vector_load %arg10[%get3A_287] {strides = array<i32>} : memref<20640xi32, #tpu.memory_space<vmem>>, vector<16xi32>,
      %and3A_289 = arith.andi %get3A_288, %add3A_7 : vector<16xi32>
      %sub3A_290 = vector.broadcast %mul3A_0 : i32 to vector<16xi32>
      %sub3A_291 = arith.subi %and3A_289, %sub3A_290 : vector<16xi32>
      %add3A_292 = arith.constant 32 : i32
      %add3A_293 = arith.addi %mul3A_235, %add3A_292 : i32
      %add3A_294 = vector.broadcast %add3A_293 : i32 to vector<16xi32>
      %add3A_295 = arith.addi %broadcast_in_dim3A_5, %add3A_294 : vector<16xi32>
      %add3A_296 = arith.addi %add3A_295, %iota3A : vector<16xi32>
      %lt3A_297 = arith.cmpi slt, %add3A_296, %broadcast_in_dim3A_144 : vector<16xi32>
      %select_n3A_298 = arith.select %lt3A_297, %sub3A_291, %add3A_19 : vector<16xi1>, vector<16xi32>
      %swap3A_299 = arith.constant 32 : index
      %swap3A_300 = tpu.vector_load %arg15[%swap3A_299] {strides = array<i32>} : memref<64xi32, #tpu.memory_space<vmem>>, vector<16xi32>,
      tpu.vector_store %arg15[%swap3A_299], %select_n3A_298 {strides = array<i32>} : memref<64xi32, #tpu.memory_space<vmem>>, vector<16xi32>,
      %gather3A_301 = tpu.vector_load_idx %arg8[%select_n3A_298] : memref<5128xf32, #tpu.memory_space<vmem>>[vector<16xi32>], vector<16xf32>,
      %get3A_302 = arith.constant 32 : index
      %get3A_303 = tpu.vector_load %arg19[%get3A_302] {strides = array<i32>} : memref<64xf32, #tpu.memory_space<vmem>>, vector<16xf32>,
      %add3A_304 = arith.addf %gather3A_301, %get3A_303 : vector<16xf32>
      %ge3A_305 = arith.cmpf oge, %add3A_304, %broadcast_in_dim3A_3 : vector<16xf32>
      %mul3A_306 = arith.mulf %add3A_304, %add3A_22 : vector<16xf32>
      %select_n3A_307 = arith.select %ge3A_305, %add3A_304, %mul3A_306 : vector<16xi1>, vector<16xf32>
      %exp3A_308 = math.exp %select_n3A_307 : vector<16xf32>
      %swap3A_309 = arith.constant 32 : index
      %swap3A_310 = tpu.vector_load %arg17[%swap3A_309] {strides = array<i32>} : memref<80xf32, #tpu.memory_space<vmem>>, vector<16xf32>,
      tpu.vector_store %arg17[%swap3A_309], %exp3A_308 {strides = array<i32>} : memref<80xf32, #tpu.memory_space<vmem>>, vector<16xf32>,
      %add3A_311 = arith.constant 48 : i32
      %add3A_312 = arith.addi %mul3A_235, %add3A_311 : i32
      %get3A_313 = arith.index_cast %add3A_312 : i32 to index
      %get3A_314 = tpu.vector_load %arg10[%get3A_313] {strides = array<i32>} : memref<20640xi32, #tpu.memory_space<vmem>>, vector<16xi32>,
      %and3A_315 = arith.andi %get3A_314, %add3A_7 : vector<16xi32>
      %sub3A_316 = vector.broadcast %mul3A_0 : i32 to vector<16xi32>
      %sub3A_317 = arith.subi %and3A_315, %sub3A_316 : vector<16xi32>
      %add3A_318 = arith.constant 48 : i32
      %add3A_319 = arith.addi %mul3A_235, %add3A_318 : i32
      %add3A_320 = vector.broadcast %add3A_319 : i32 to vector<16xi32>
      %add3A_321 = arith.addi %broadcast_in_dim3A_5, %add3A_320 : vector<16xi32>
      %add3A_322 = arith.addi %add3A_321, %iota3A : vector<16xi32>
      %lt3A_323 = arith.cmpi slt, %add3A_322, %broadcast_in_dim3A_144 : vector<16xi32>
      %select_n3A_324 = arith.select %lt3A_323, %sub3A_317, %add3A_19 : vector<16xi1>, vector<16xi32>
      %swap3A_325 = arith.constant 48 : index
      %swap3A_326 = tpu.vector_load %arg15[%swap3A_325] {strides = array<i32>} : memref<64xi32, #tpu.memory_space<vmem>>, vector<16xi32>,
      tpu.vector_store %arg15[%swap3A_325], %select_n3A_324 {strides = array<i32>} : memref<64xi32, #tpu.memory_space<vmem>>, vector<16xi32>,
      %gather3A_327 = tpu.vector_load_idx %arg8[%select_n3A_324] : memref<5128xf32, #tpu.memory_space<vmem>>[vector<16xi32>], vector<16xf32>,
      %get3A_328 = arith.constant 48 : index
      %get3A_329 = tpu.vector_load %arg19[%get3A_328] {strides = array<i32>} : memref<64xf32, #tpu.memory_space<vmem>>, vector<16xf32>,
      %add3A_330 = arith.addf %gather3A_327, %get3A_329 : vector<16xf32>
      %ge3A_331 = arith.cmpf oge, %add3A_330, %broadcast_in_dim3A_3 : vector<16xf32>
      %mul3A_332 = arith.mulf %add3A_330, %add3A_22 : vector<16xf32>
      %select_n3A_333 = arith.select %ge3A_331, %add3A_330, %mul3A_332 : vector<16xi1>, vector<16xf32>
      %exp3A_334 = math.exp %select_n3A_333 : vector<16xf32>
      %swap3A_335 = arith.constant 48 : index
      %swap3A_336 = tpu.vector_load %arg17[%swap3A_335] {strides = array<i32>} : memref<80xf32, #tpu.memory_space<vmem>>, vector<16xf32>,
      tpu.vector_store %arg17[%swap3A_335], %exp3A_334 {strides = array<i32>} : memref<80xf32, #tpu.memory_space<vmem>>, vector<16xf32>,
      %dma_wait3A_337 = arith.constant 0 : i32
      %dma_wait3A_338 = arith.constant 0 : i32
      %dma_wait3A_339 = tpu.memref_slice %arg11[%dma_wait3A_337, %dma_wait3A_338] : memref<128x128xf32, #tpu.memory_space<vmem>> -> memref<64x128xf32, #tpu.memory_space<vmem>>
      %dma_wait3A_340 = arith.constant 0 : i32
      %dma_wait3A_341 = arith.constant 0 : i32
      %dma_wait3A_342 = tpu.memref_slice %arg2[%dma_wait3A_340, %dma_wait3A_341] : memref<80000x128xf32, #tpu.memory_space<hbm>> -> memref<80000x128xf32, #tpu.memory_space<hbm>>
      tpu.wait_indirect_dma semaphore(%arg22 : memref<!tpu.dma_semaphore, #tpu.memory_space<semaphore_mem>>) src(%dma_wait3A_342 : memref<80000x128xf32, #tpu.memory_space<hbm>>) dst(%dma_wait3A_339 : memref<64x128xf32, #tpu.memory_space<vmem>>)
      %scan3A_343 = arith.constant 0 : i32
      %scan3A_344 = arith.constant 32 : i32
      %scan3A_345 = arith.addi %scan3A_343, %scan3A_344 : i32
      %scan3A_346 = arith.constant 2 : i32
      scf.for %scan3A_367 = %scan3A_343 to %scan3A_345 step %scan3A_346  : i32 {
        %mul3A_368 = arith.constant 1 : i32
        %mul3A_369 = arith.muli %scan3A_367, %mul3A_368 : i32
        %add3A_370 = arith.constant 0 : i32
        %add3A_371 = arith.addi %add3A_370, %mul3A_369 : i32
        %mul3A_372 = arith.constant 2 : i32
        %mul3A_373 = arith.muli %mul3A_372, %add3A_371 : i32
        %get3A_374 = arith.index_cast %mul3A_373 : i32 to index
        %get3A_375 = tpu.vector_load %arg17[%get3A_374] {strides = array<i32>} : memref<80xf32, #tpu.memory_space<vmem>>, vector<16xf32>,
        %slice3A = vector.extract_strided_slice %get3A_375 {offsets = [0], sizes = [1], strides = [1]} : vector<16xf32> to vector<1xf32>
        %squeeze3A = vector.extract %slice3A[0] : f32 from vector<1xf32>
        %broadcast_in_dim3A_376 = vector.broadcast %squeeze3A : f32 to vector<16xf32>
        %add3A_377 = arith.constant 1 : i32
        %add3A_378 = arith.addi %mul3A_373, %add3A_377 : i32
        %get3A_379 = arith.index_cast %add3A_378 : i32 to index
        %get3A_380 = tpu.vector_load %arg17[%get3A_379] {strides = array<i32>} : memref<80xf32, #tpu.memory_space<vmem>>, vector<16xf32>,
        %slice3A_381 = vector.extract_strided_slice %get3A_380 {offsets = [0], sizes = [1], strides = [1]} : vector<16xf32> to vector<1xf32>
        %squeeze3A_382 = vector.extract %slice3A_381[0] : f32 from vector<1xf32>
        %broadcast_in_dim3A_383 = vector.broadcast %squeeze3A_382 : f32 to vector<16xf32>
        %add3A_384 = arith.constant 0 : i32
        %add3A_385 = arith.addi %add3A_384, %mul3A_373 : i32
        %get3A_386 = arith.index_cast %add3A_385 : i32 to index
        %get3A_387 = arith.constant 0 : index
        %get3A_388 = tpu.vector_load %arg11[%get3A_386, %get3A_387] {strides = array<i32>} : memref<128x128xf32, #tpu.memory_space<vmem>>, vector<16xf32>,
        %add3A_389 = arith.constant 0 : i32
        %add3A_390 = arith.addi %add3A_389, %mul3A_373 : i32
        %get3A_391 = arith.index_cast %add3A_390 : i32 to index
        %get3A_392 = arith.constant 16 : index
        %get3A_393 = tpu.vector_load %arg11[%get3A_391, %get3A_392] {strides = array<i32>} : memref<128x128xf32, #tpu.memory_space<vmem>>, vector<16xf32>,
        %add3A_394 = arith.constant 0 : i32
        %add3A_395 = arith.addi %add3A_394, %mul3A_373 : i32
        %get3A_396 = arith.index_cast %add3A_395 : i32 to index
        %get3A_397 = arith.constant 32 : index
        %get3A_398 = tpu.vector_load %arg11[%get3A_396, %get3A_397] {strides = array<i32>} : memref<128x128xf32, #tpu.memory_space<vmem>>, vector<16xf32>,
        %add3A_399 = arith.constant 0 : i32
        %add3A_400 = arith.addi %add3A_399, %mul3A_373 : i32
        %get3A_401 = arith.index_cast %add3A_400 : i32 to index
        %get3A_402 = arith.constant 48 : index
        %get3A_403 = tpu.vector_load %arg11[%get3A_401, %get3A_402] {strides = array<i32>} : memref<128x128xf32, #tpu.memory_space<vmem>>, vector<16xf32>,
        %add3A_404 = arith.constant 0 : i32
        %add3A_405 = arith.addi %add3A_404, %mul3A_373 : i32
        %get3A_406 = arith.index_cast %add3A_405 : i32 to index
        %get3A_407 = arith.constant 64 : index
        %get3A_408 = tpu.vector_load %arg11[%get3A_406, %get3A_407] {strides = array<i32>} : memref<128x128xf32, #tpu.memory_space<vmem>>, vector<16xf32>,
        %add3A_409 = arith.constant 0 : i32
        %add3A_410 = arith.addi %add3A_409, %mul3A_373 : i32
        %get3A_411 = arith.index_cast %add3A_410 : i32 to index
        %get3A_412 = arith.constant 80 : index
        %get3A_413 = tpu.vector_load %arg11[%get3A_411, %get3A_412] {strides = array<i32>} : memref<128x128xf32, #tpu.memory_space<vmem>>, vector<16xf32>,
        %add3A_414 = arith.constant 0 : i32
        %add3A_415 = arith.addi %add3A_414, %mul3A_373 : i32
        %get3A_416 = arith.index_cast %add3A_415 : i32 to index
        %get3A_417 = arith.constant 96 : index
        %get3A_418 = tpu.vector_load %arg11[%get3A_416, %get3A_417] {strides = array<i32>} : memref<128x128xf32, #tpu.memory_space<vmem>>, vector<16xf32>,
        %add3A_419 = arith.constant 0 : i32
        %add3A_420 = arith.addi %add3A_419, %mul3A_373 : i32
        %get3A_421 = arith.index_cast %add3A_420 : i32 to index
        %get3A_422 = arith.constant 112 : index
        %get3A_423 = tpu.vector_load %arg11[%get3A_421, %get3A_422] {strides = array<i32>} : memref<128x128xf32, #tpu.memory_space<vmem>>, vector<16xf32>,
        %add3A_424 = arith.constant 0 : i32
        %add3A_425 = arith.addi %add3A_424, %mul3A_373 : i32
        %add3A_426 = arith.constant 1 : i32
        %add3A_427 = arith.addi %add3A_425, %add3A_426 : i32
        %get3A_428 = arith.index_cast %add3A_427 : i32 to index
        %get3A_429 = arith.constant 0 : index
        %get3A_430 = tpu.vector_load %arg11[%get3A_428, %get3A_429] {strides = array<i32>} : memref<128x128xf32, #tpu.memory_space<vmem>>, vector<16xf32>,
        %add3A_431 = arith.constant 0 : i32
        %add3A_432 = arith.addi %add3A_431, %mul3A_373 : i32
        %add3A_433 = arith.constant 1 : i32
        %add3A_434 = arith.addi %add3A_432, %add3A_433 : i32
        %get3A_435 = arith.index_cast %add3A_434 : i32 to index
        %get3A_436 = arith.constant 16 : index
        %get3A_437 = tpu.vector_load %arg11[%get3A_435, %get3A_436] {strides = array<i32>} : memref<128x128xf32, #tpu.memory_space<vmem>>, vector<16xf32>,
        %add3A_438 = arith.constant 0 : i32
        %add3A_439 = arith.addi %add3A_438, %mul3A_373 : i32
        %add3A_440 = arith.constant 1 : i32
        %add3A_441 = arith.addi %add3A_439, %add3A_440 : i32
        %get3A_442 = arith.index_cast %add3A_441 : i32 to index
        %get3A_443 = arith.constant 32 : index
        %get3A_444 = tpu.vector_load %arg11[%get3A_442, %get3A_443] {strides = array<i32>} : memref<128x128xf32, #tpu.memory_space<vmem>>, vector<16xf32>,
        %add3A_445 = arith.constant 0 : i32
        %add3A_446 = arith.addi %add3A_445, %mul3A_373 : i32
        %add3A_447 = arith.constant 1 : i32
        %add3A_448 = arith.addi %add3A_446, %add3A_447 : i32
        %get3A_449 = arith.index_cast %add3A_448 : i32 to index
        %get3A_450 = arith.constant 48 : index
        %get3A_451 = tpu.vector_load %arg11[%get3A_449, %get3A_450] {strides = array<i32>} : memref<128x128xf32, #tpu.memory_space<vmem>>, vector<16xf32>,
        %add3A_452 = arith.constant 0 : i32
        %add3A_453 = arith.addi %add3A_452, %mul3A_373 : i32
        %add3A_454 = arith.constant 1 : i32
        %add3A_455 = arith.addi %add3A_453, %add3A_454 : i32
        %get3A_456 = arith.index_cast %add3A_455 : i32 to index
        %get3A_457 = arith.constant 64 : index
        %get3A_458 = tpu.vector_load %arg11[%get3A_456, %get3A_457] {strides = array<i32>} : memref<128x128xf32, #tpu.memory_space<vmem>>, vector<16xf32>,
        %add3A_459 = arith.constant 0 : i32
        %add3A_460 = arith.addi %add3A_459, %mul3A_373 : i32
        %add3A_461 = arith.constant 1 : i32
        %add3A_462 = arith.addi %add3A_460, %add3A_461 : i32
        %get3A_463 = arith.index_cast %add3A_462 : i32 to index
        %get3A_464 = arith.constant 80 : index
        %get3A_465 = tpu.vector_load %arg11[%get3A_463, %get3A_464] {strides = array<i32>} : memref<128x128xf32, #tpu.memory_space<vmem>>, vector<16xf32>,
        %add3A_466 = arith.constant 0 : i32
        %add3A_467 = arith.addi %add3A_466, %mul3A_373 : i32
        %add3A_468 = arith.constant 1 : i32
        %add3A_469 = arith.addi %add3A_467, %add3A_468 : i32
        %get3A_470 = arith.index_cast %add3A_469 : i32 to index
        %get3A_471 = arith.constant 96 : index
        %get3A_472 = tpu.vector_load %arg11[%get3A_470, %get3A_471] {strides = array<i32>} : memref<128x128xf32, #tpu.memory_space<vmem>>, vector<16xf32>,
        %add3A_473 = arith.constant 0 : i32
        %add3A_474 = arith.addi %add3A_473, %mul3A_373 : i32
        %add3A_475 = arith.constant 1 : i32
        %add3A_476 = arith.addi %add3A_474, %add3A_475 : i32
        %get3A_477 = arith.index_cast %add3A_476 : i32 to index
        %get3A_478 = arith.constant 112 : index
        %get3A_479 = tpu.vector_load %arg11[%get3A_477, %get3A_478] {strides = array<i32>} : memref<128x128xf32, #tpu.memory_space<vmem>>, vector<16xf32>,
        %mul3A_480 = arith.mulf %broadcast_in_dim3A_376, %get3A_388 : vector<16xf32>
        %mul3A_481 = arith.mulf %broadcast_in_dim3A_376, %get3A_393 : vector<16xf32>
        %mul3A_482 = arith.mulf %broadcast_in_dim3A_376, %get3A_398 : vector<16xf32>
        %mul3A_483 = arith.mulf %broadcast_in_dim3A_376, %get3A_403 : vector<16xf32>
        %mul3A_484 = arith.mulf %broadcast_in_dim3A_376, %get3A_408 : vector<16xf32>
        %mul3A_485 = arith.mulf %broadcast_in_dim3A_376, %get3A_413 : vector<16xf32>
        %mul3A_486 = arith.mulf %broadcast_in_dim3A_376, %get3A_418 : vector<16xf32>
        %mul3A_487 = arith.mulf %broadcast_in_dim3A_376, %get3A_423 : vector<16xf32>
        %mul3A_488 = arith.mulf %broadcast_in_dim3A_383, %get3A_430 : vector<16xf32>
        %mul3A_489 = arith.mulf %broadcast_in_dim3A_383, %get3A_437 : vector<16xf32>
        %mul3A_490 = arith.mulf %broadcast_in_dim3A_383, %get3A_444 : vector<16xf32>
        %mul3A_491 = arith.mulf %broadcast_in_dim3A_383, %get3A_451 : vector<16xf32>
        %mul3A_492 = arith.mulf %broadcast_in_dim3A_383, %get3A_458 : vector<16xf32>
        %mul3A_493 = arith.mulf %broadcast_in_dim3A_383, %get3A_465 : vector<16xf32>
        %mul3A_494 = arith.mulf %broadcast_in_dim3A_383, %get3A_472 : vector<16xf32>
        %mul3A_495 = arith.mulf %broadcast_in_dim3A_383, %get3A_479 : vector<16xf32>
        %add3A_496 = arith.constant 0 : i32
        %add3A_497 = arith.addi %add3A_496, %mul3A_373 : i32
        %swap3A_498 = arith.index_cast %add3A_497 : i32 to index
        %swap3A_499 = arith.constant 0 : index
        %swap3A_500 = tpu.vector_load %arg12[%swap3A_498, %swap3A_499] {strides = array<i32>} : memref<128x128xf32, #tpu.memory_space<vmem>>, vector<16xf32>,
        tpu.vector_store %arg12[%swap3A_498, %swap3A_499], %mul3A_480 {strides = array<i32>} : memref<128x128xf32, #tpu.memory_space<vmem>>, vector<16xf32>,
        %add3A_501 = arith.constant 0 : i32
        %add3A_502 = arith.addi %add3A_501, %mul3A_373 : i32
        %swap3A_503 = arith.index_cast %add3A_502 : i32 to index
        %swap3A_504 = arith.constant 16 : index
        %swap3A_505 = tpu.vector_load %arg12[%swap3A_503, %swap3A_504] {strides = array<i32>} : memref<128x128xf32, #tpu.memory_space<vmem>>, vector<16xf32>,
        tpu.vector_store %arg12[%swap3A_503, %swap3A_504], %mul3A_481 {strides = array<i32>} : memref<128x128xf32, #tpu.memory_space<vmem>>, vector<16xf32>,
        %add3A_506 = arith.constant 0 : i32
        %add3A_507 = arith.addi %add3A_506, %mul3A_373 : i32
        %swap3A_508 = arith.index_cast %add3A_507 : i32 to index
        %swap3A_509 = arith.constant 32 : index
        %swap3A_510 = tpu.vector_load %arg12[%swap3A_508, %swap3A_509] {strides = array<i32>} : memref<128x128xf32, #tpu.memory_space<vmem>>, vector<16xf32>,
        tpu.vector_store %arg12[%swap3A_508, %swap3A_509], %mul3A_482 {strides = array<i32>} : memref<128x128xf32, #tpu.memory_space<vmem>>, vector<16xf32>,
        %add3A_511 = arith.constant 0 : i32
        %add3A_512 = arith.addi %add3A_511, %mul3A_373 : i32
        %swap3A_513 = arith.index_cast %add3A_512 : i32 to index
        %swap3A_514 = arith.constant 48 : index
        %swap3A_515 = tpu.vector_load %arg12[%swap3A_513, %swap3A_514] {strides = array<i32>} : memref<128x128xf32, #tpu.memory_space<vmem>>, vector<16xf32>,
        tpu.vector_store %arg12[%swap3A_513, %swap3A_514], %mul3A_483 {strides = array<i32>} : memref<128x128xf32, #tpu.memory_space<vmem>>, vector<16xf32>,
        %add3A_516 = arith.constant 0 : i32
        %add3A_517 = arith.addi %add3A_516, %mul3A_373 : i32
        %swap3A_518 = arith.index_cast %add3A_517 : i32 to index
        %swap3A_519 = arith.constant 64 : index
        %swap3A_520 = tpu.vector_load %arg12[%swap3A_518, %swap3A_519] {strides = array<i32>} : memref<128x128xf32, #tpu.memory_space<vmem>>, vector<16xf32>,
        tpu.vector_store %arg12[%swap3A_518, %swap3A_519], %mul3A_484 {strides = array<i32>} : memref<128x128xf32, #tpu.memory_space<vmem>>, vector<16xf32>,
        %add3A_521 = arith.constant 0 : i32
        %add3A_522 = arith.addi %add3A_521, %mul3A_373 : i32
        %swap3A_523 = arith.index_cast %add3A_522 : i32 to index
        %swap3A_524 = arith.constant 80 : index
        %swap3A_525 = tpu.vector_load %arg12[%swap3A_523, %swap3A_524] {strides = array<i32>} : memref<128x128xf32, #tpu.memory_space<vmem>>, vector<16xf32>,
        tpu.vector_store %arg12[%swap3A_523, %swap3A_524], %mul3A_485 {strides = array<i32>} : memref<128x128xf32, #tpu.memory_space<vmem>>, vector<16xf32>,
        %add3A_526 = arith.constant 0 : i32
        %add3A_527 = arith.addi %add3A_526, %mul3A_373 : i32
        %swap3A_528 = arith.index_cast %add3A_527 : i32 to index
        %swap3A_529 = arith.constant 96 : index
        %swap3A_530 = tpu.vector_load %arg12[%swap3A_528, %swap3A_529] {strides = array<i32>} : memref<128x128xf32, #tpu.memory_space<vmem>>, vector<16xf32>,
        tpu.vector_store %arg12[%swap3A_528, %swap3A_529], %mul3A_486 {strides = array<i32>} : memref<128x128xf32, #tpu.memory_space<vmem>>, vector<16xf32>,
        %add3A_531 = arith.constant 0 : i32
        %add3A_532 = arith.addi %add3A_531, %mul3A_373 : i32
        %swap3A_533 = arith.index_cast %add3A_532 : i32 to index
        %swap3A_534 = arith.constant 112 : index
        %swap3A_535 = tpu.vector_load %arg12[%swap3A_533, %swap3A_534] {strides = array<i32>} : memref<128x128xf32, #tpu.memory_space<vmem>>, vector<16xf32>,
        tpu.vector_store %arg12[%swap3A_533, %swap3A_534], %mul3A_487 {strides = array<i32>} : memref<128x128xf32, #tpu.memory_space<vmem>>, vector<16xf32>,
        %add3A_536 = arith.constant 0 : i32
        %add3A_537 = arith.addi %add3A_536, %mul3A_373 : i32
        %add3A_538 = arith.constant 1 : i32
        %add3A_539 = arith.addi %add3A_537, %add3A_538 : i32
        %swap3A_540 = arith.index_cast %add3A_539 : i32 to index
        %swap3A_541 = arith.constant 0 : index
        %swap3A_542 = tpu.vector_load %arg12[%swap3A_540, %swap3A_541] {strides = array<i32>} : memref<128x128xf32, #tpu.memory_space<vmem>>, vector<16xf32>,
        tpu.vector_store %arg12[%swap3A_540, %swap3A_541], %mul3A_488 {strides = array<i32>} : memref<128x128xf32, #tpu.memory_space<vmem>>, vector<16xf32>,
        %add3A_543 = arith.constant 0 : i32
        %add3A_544 = arith.addi %add3A_543, %mul3A_373 : i32
        %add3A_545 = arith.constant 1 : i32
        %add3A_546 = arith.addi %add3A_544, %add3A_545 : i32
        %swap3A_547 = arith.index_cast %add3A_546 : i32 to index
        %swap3A_548 = arith.constant 16 : index
        %swap3A_549 = tpu.vector_load %arg12[%swap3A_547, %swap3A_548] {strides = array<i32>} : memref<128x128xf32, #tpu.memory_space<vmem>>, vector<16xf32>,
        tpu.vector_store %arg12[%swap3A_547, %swap3A_548], %mul3A_489 {strides = array<i32>} : memref<128x128xf32, #tpu.memory_space<vmem>>, vector<16xf32>,
        %add3A_550 = arith.constant 0 : i32
        %add3A_551 = arith.addi %add3A_550, %mul3A_373 : i32
        %add3A_552 = arith.constant 1 : i32
        %add3A_553 = arith.addi %add3A_551, %add3A_552 : i32
        %swap3A_554 = arith.index_cast %add3A_553 : i32 to index
        %swap3A_555 = arith.constant 32 : index
        %swap3A_556 = tpu.vector_load %arg12[%swap3A_554, %swap3A_555] {strides = array<i32>} : memref<128x128xf32, #tpu.memory_space<vmem>>, vector<16xf32>,
        tpu.vector_store %arg12[%swap3A_554, %swap3A_555], %mul3A_490 {strides = array<i32>} : memref<128x128xf32, #tpu.memory_space<vmem>>, vector<16xf32>,
        %add3A_557 = arith.constant 0 : i32
        %add3A_558 = arith.addi %add3A_557, %mul3A_373 : i32
        %add3A_559 = arith.constant 1 : i32
        %add3A_560 = arith.addi %add3A_558, %add3A_559 : i32
        %swap3A_561 = arith.index_cast %add3A_560 : i32 to index
        %swap3A_562 = arith.constant 48 : index
        %swap3A_563 = tpu.vector_load %arg12[%swap3A_561, %swap3A_562] {strides = array<i32>} : memref<128x128xf32, #tpu.memory_space<vmem>>, vector<16xf32>,
        tpu.vector_store %arg12[%swap3A_561, %swap3A_562], %mul3A_491 {strides = array<i32>} : memref<128x128xf32, #tpu.memory_space<vmem>>, vector<16xf32>,
        %add3A_564 = arith.constant 0 : i32
        %add3A_565 = arith.addi %add3A_564, %mul3A_373 : i32
        %add3A_566 = arith.constant 1 : i32
        %add3A_567 = arith.addi %add3A_565, %add3A_566 : i32
        %swap3A_568 = arith.index_cast %add3A_567 : i32 to index
        %swap3A_569 = arith.constant 64 : index
        %swap3A_570 = tpu.vector_load %arg12[%swap3A_568, %swap3A_569] {strides = array<i32>} : memref<128x128xf32, #tpu.memory_space<vmem>>, vector<16xf32>,
        tpu.vector_store %arg12[%swap3A_568, %swap3A_569], %mul3A_492 {strides = array<i32>} : memref<128x128xf32, #tpu.memory_space<vmem>>, vector<16xf32>,
        %add3A_571 = arith.constant 0 : i32
        %add3A_572 = arith.addi %add3A_571, %mul3A_373 : i32
        %add3A_573 = arith.constant 1 : i32
        %add3A_574 = arith.addi %add3A_572, %add3A_573 : i32
        %swap3A_575 = arith.index_cast %add3A_574 : i32 to index
        %swap3A_576 = arith.constant 80 : index
        %swap3A_577 = tpu.vector_load %arg12[%swap3A_575, %swap3A_576] {strides = array<i32>} : memref<128x128xf32, #tpu.memory_space<vmem>>, vector<16xf32>,
        tpu.vector_store %arg12[%swap3A_575, %swap3A_576], %mul3A_493 {strides = array<i32>} : memref<128x128xf32, #tpu.memory_space<vmem>>, vector<16xf32>,
        %add3A_578 = arith.constant 0 : i32
        %add3A_579 = arith.addi %add3A_578, %mul3A_373 : i32
        %add3A_580 = arith.constant 1 : i32
        %add3A_581 = arith.addi %add3A_579, %add3A_580 : i32
        %swap3A_582 = arith.index_cast %add3A_581 : i32 to index
        %swap3A_583 = arith.constant 96 : index
        %swap3A_584 = tpu.vector_load %arg12[%swap3A_582, %swap3A_583] {strides = array<i32>} : memref<128x128xf32, #tpu.memory_space<vmem>>, vector<16xf32>,
        tpu.vector_store %arg12[%swap3A_582, %swap3A_583], %mul3A_494 {strides = array<i32>} : memref<128x128xf32, #tpu.memory_space<vmem>>, vector<16xf32>,
        %add3A_585 = arith.constant 0 : i32
        %add3A_586 = arith.addi %add3A_585, %mul3A_373 : i32
        %add3A_587 = arith.constant 1 : i32
        %add3A_588 = arith.addi %add3A_586, %add3A_587 : i32
        %swap3A_589 = arith.index_cast %add3A_588 : i32 to index
        %swap3A_590 = arith.constant 112 : index
        %swap3A_591 = tpu.vector_load %arg12[%swap3A_589, %swap3A_590] {strides = array<i32>} : memref<128x128xf32, #tpu.memory_space<vmem>>, vector<16xf32>,
        tpu.vector_store %arg12[%swap3A_589, %swap3A_590], %mul3A_495 {strides = array<i32>} : memref<128x128xf32, #tpu.memory_space<vmem>>, vector<16xf32>,
        %scan3A_592 = arith.constant 1 : i32
        %scan3A_593 = arith.addi %scan3A_367, %scan3A_592 : i32
        %mul3A_594 = arith.constant 1 : i32
        %mul3A_595 = arith.muli %scan3A_593, %mul3A_594 : i32
        %add3A_596 = arith.constant 0 : i32
        %add3A_597 = arith.addi %add3A_596, %mul3A_595 : i32
        %mul3A_598 = arith.constant 2 : i32
        %mul3A_599 = arith.muli %mul3A_598, %add3A_597 : i32
        %get3A_600 = arith.index_cast %mul3A_599 : i32 to index
        %get3A_601 = tpu.vector_load %arg17[%get3A_600] {strides = array<i32>} : memref<80xf32, #tpu.memory_space<vmem>>, vector<16xf32>,
        %slice3A_602 = vector.extract_strided_slice %get3A_601 {offsets = [0], sizes = [1], strides = [1]} : vector<16xf32> to vector<1xf32>
        %squeeze3A_603 = vector.extract %slice3A_602[0] : f32 from vector<1xf32>
        %broadcast_in_dim3A_604 = vector.broadcast %squeeze3A_603 : f32 to vector<16xf32>
        %add3A_605 = arith.constant 1 : i32
        %add3A_606 = arith.addi %mul3A_599, %add3A_605 : i32
        %get3A_607 = arith.index_cast %add3A_606 : i32 to index
        %get3A_608 = tpu.vector_load %arg17[%get3A_607] {strides = array<i32>} : memref<80xf32, #tpu.memory_space<vmem>>, vector<16xf32>,
        %slice3A_609 = vector.extract_strided_slice %get3A_608 {offsets = [0], sizes = [1], strides = [1]} : vector<16xf32> to vector<1xf32>
        %squeeze3A_610 = vector.extract %slice3A_609[0] : f32 from vector<1xf32>
        %broadcast_in_dim3A_611 = vector.broadcast %squeeze3A_610 : f32 to vector<16xf32>
        %add3A_612 = arith.constant 0 : i32
        %add3A_613 = arith.addi %add3A_612, %mul3A_599 : i32
        %get3A_614 = arith.index_cast %add3A_613 : i32 to index
        %get3A_615 = arith.constant 0 : index
        %get3A_616 = tpu.vector_load %arg11[%get3A_614, %get3A_615] {strides = array<i32>} : memref<128x128xf32, #tpu.memory_space<vmem>>, vector<16xf32>,
        %add3A_617 = arith.constant 0 : i32
        %add3A_618 = arith.addi %add3A_617, %mul3A_599 : i32
        %get3A_619 = arith.index_cast %add3A_618 : i32 to index
        %get3A_620 = arith.constant 16 : index
        %get3A_621 = tpu.vector_load %arg11[%get3A_619, %get3A_620] {strides = array<i32>} : memref<128x128xf32, #tpu.memory_space<vmem>>, vector<16xf32>,
        %add3A_622 = arith.constant 0 : i32
        %add3A_623 = arith.addi %add3A_622, %mul3A_599 : i32
        %get3A_624 = arith.index_cast %add3A_623 : i32 to index
        %get3A_625 = arith.constant 32 : index
        %get3A_626 = tpu.vector_load %arg11[%get3A_624, %get3A_625] {strides = array<i32>} : memref<128x128xf32, #tpu.memory_space<vmem>>, vector<16xf32>,
        %add3A_627 = arith.constant 0 : i32
        %add3A_628 = arith.addi %add3A_627, %mul3A_599 : i32
        %get3A_629 = arith.index_cast %add3A_628 : i32 to index
        %get3A_630 = arith.constant 48 : index
        %get3A_631 = tpu.vector_load %arg11[%get3A_629, %get3A_630] {strides = array<i32>} : memref<128x128xf32, #tpu.memory_space<vmem>>, vector<16xf32>,
        %add3A_632 = arith.constant 0 : i32
        %add3A_633 = arith.addi %add3A_632, %mul3A_599 : i32
        %get3A_634 = arith.index_cast %add3A_633 : i32 to index
        %get3A_635 = arith.constant 64 : index
        %get3A_636 = tpu.vector_load %arg11[%get3A_634, %get3A_635] {strides = array<i32>} : memref<128x128xf32, #tpu.memory_space<vmem>>, vector<16xf32>,
        %add3A_637 = arith.constant 0 : i32
        %add3A_638 = arith.addi %add3A_637, %mul3A_599 : i32
        %get3A_639 = arith.index_cast %add3A_638 : i32 to index
        %get3A_640 = arith.constant 80 : index
        %get3A_641 = tpu.vector_load %arg11[%get3A_639, %get3A_640] {strides = array<i32>} : memref<128x128xf32, #tpu.memory_space<vmem>>, vector<16xf32>,
        %add3A_642 = arith.constant 0 : i32
        %add3A_643 = arith.addi %add3A_642, %mul3A_599 : i32
        %get3A_644 = arith.index_cast %add3A_643 : i32 to index
        %get3A_645 = arith.constant 96 : index
        %get3A_646 = tpu.vector_load %arg11[%get3A_644, %get3A_645] {strides = array<i32>} : memref<128x128xf32, #tpu.memory_space<vmem>>, vector<16xf32>,
        %add3A_647 = arith.constant 0 : i32
        %add3A_648 = arith.addi %add3A_647, %mul3A_599 : i32
        %get3A_649 = arith.index_cast %add3A_648 : i32 to index
        %get3A_650 = arith.constant 112 : index
        %get3A_651 = tpu.vector_load %arg11[%get3A_649, %get3A_650] {strides = array<i32>} : memref<128x128xf32, #tpu.memory_space<vmem>>, vector<16xf32>,
        %add3A_652 = arith.constant 0 : i32
        %add3A_653 = arith.addi %add3A_652, %mul3A_599 : i32
        %add3A_654 = arith.constant 1 : i32
        %add3A_655 = arith.addi %add3A_653, %add3A_654 : i32
        %get3A_656 = arith.index_cast %add3A_655 : i32 to index
        %get3A_657 = arith.constant 0 : index
        %get3A_658 = tpu.vector_load %arg11[%get3A_656, %get3A_657] {strides = array<i32>} : memref<128x128xf32, #tpu.memory_space<vmem>>, vector<16xf32>,
        %add3A_659 = arith.constant 0 : i32
        %add3A_660 = arith.addi %add3A_659, %mul3A_599 : i32
        %add3A_661 = arith.constant 1 : i32
        %add3A_662 = arith.addi %add3A_660, %add3A_661 : i32
        %get3A_663 = arith.index_cast %add3A_662 : i32 to index
        %get3A_664 = arith.constant 16 : index
        %get3A_665 = tpu.vector_load %arg11[%get3A_663, %get3A_664] {strides = array<i32>} : memref<128x128xf32, #tpu.memory_space<vmem>>, vector<16xf32>,
        %add3A_666 = arith.constant 0 : i32
        %add3A_667 = arith.addi %add3A_666, %mul3A_599 : i32
        %add3A_668 = arith.constant 1 : i32
        %add3A_669 = arith.addi %add3A_667, %add3A_668 : i32
        %get3A_670 = arith.index_cast %add3A_669 : i32 to index
        %get3A_671 = arith.constant 32 : index
        %get3A_672 = tpu.vector_load %arg11[%get3A_670, %get3A_671] {strides = array<i32>} : memref<128x128xf32, #tpu.memory_space<vmem>>, vector<16xf32>,
        %add3A_673 = arith.constant 0 : i32
        %add3A_674 = arith.addi %add3A_673, %mul3A_599 : i32
        %add3A_675 = arith.constant 1 : i32
        %add3A_676 = arith.addi %add3A_674, %add3A_675 : i32
        %get3A_677 = arith.index_cast %add3A_676 : i32 to index
        %get3A_678 = arith.constant 48 : index
        %get3A_679 = tpu.vector_load %arg11[%get3A_677, %get3A_678] {strides = array<i32>} : memref<128x128xf32, #tpu.memory_space<vmem>>, vector<16xf32>,
        %add3A_680 = arith.constant 0 : i32
        %add3A_681 = arith.addi %add3A_680, %mul3A_599 : i32
        %add3A_682 = arith.constant 1 : i32
        %add3A_683 = arith.addi %add3A_681, %add3A_682 : i32
        %get3A_684 = arith.index_cast %add3A_683 : i32 to index
        %get3A_685 = arith.constant 64 : index
        %get3A_686 = tpu.vector_load %arg11[%get3A_684, %get3A_685] {strides = array<i32>} : memref<128x128xf32, #tpu.memory_space<vmem>>, vector<16xf32>,
        %add3A_687 = arith.constant 0 : i32
        %add3A_688 = arith.addi %add3A_687, %mul3A_599 : i32
        %add3A_689 = arith.constant 1 : i32
        %add3A_690 = arith.addi %add3A_688, %add3A_689 : i32
        %get3A_691 = arith.index_cast %add3A_690 : i32 to index
        %get3A_692 = arith.constant 80 : index
        %get3A_693 = tpu.vector_load %arg11[%get3A_691, %get3A_692] {strides = array<i32>} : memref<128x128xf32, #tpu.memory_space<vmem>>, vector<16xf32>,
        %add3A_694 = arith.constant 0 : i32
        %add3A_695 = arith.addi %add3A_694, %mul3A_599 : i32
        %add3A_696 = arith.constant 1 : i32
        %add3A_697 = arith.addi %add3A_695, %add3A_696 : i32
        %get3A_698 = arith.index_cast %add3A_697 : i32 to index
        %get3A_699 = arith.constant 96 : index
        %get3A_700 = tpu.vector_load %arg11[%get3A_698, %get3A_699] {strides = array<i32>} : memref<128x128xf32, #tpu.memory_space<vmem>>, vector<16xf32>,
        %add3A_701 = arith.constant 0 : i32
        %add3A_702 = arith.addi %add3A_701, %mul3A_599 : i32
        %add3A_703 = arith.constant 1 : i32
        %add3A_704 = arith.addi %add3A_702, %add3A_703 : i32
        %get3A_705 = arith.index_cast %add3A_704 : i32 to index
        %get3A_706 = arith.constant 112 : index
        %get3A_707 = tpu.vector_load %arg11[%get3A_705, %get3A_706] {strides = array<i32>} : memref<128x128xf32, #tpu.memory_space<vmem>>, vector<16xf32>,
        %mul3A_708 = arith.mulf %broadcast_in_dim3A_604, %get3A_616 : vector<16xf32>
        %mul3A_709 = arith.mulf %broadcast_in_dim3A_604, %get3A_621 : vector<16xf32>
        %mul3A_710 = arith.mulf %broadcast_in_dim3A_604, %get3A_626 : vector<16xf32>
        %mul3A_711 = arith.mulf %broadcast_in_dim3A_604, %get3A_631 : vector<16xf32>
        %mul3A_712 = arith.mulf %broadcast_in_dim3A_604, %get3A_636 : vector<16xf32>
        %mul3A_713 = arith.mulf %broadcast_in_dim3A_604, %get3A_641 : vector<16xf32>
        %mul3A_714 = arith.mulf %broadcast_in_dim3A_604, %get3A_646 : vector<16xf32>
        %mul3A_715 = arith.mulf %broadcast_in_dim3A_604, %get3A_651 : vector<16xf32>
        %mul3A_716 = arith.mulf %broadcast_in_dim3A_611, %get3A_658 : vector<16xf32>
        %mul3A_717 = arith.mulf %broadcast_in_dim3A_611, %get3A_665 : vector<16xf32>
        %mul3A_718 = arith.mulf %broadcast_in_dim3A_611, %get3A_672 : vector<16xf32>
        %mul3A_719 = arith.mulf %broadcast_in_dim3A_611, %get3A_679 : vector<16xf32>
        %mul3A_720 = arith.mulf %broadcast_in_dim3A_611, %get3A_686 : vector<16xf32>
        %mul3A_721 = arith.mulf %broadcast_in_dim3A_611, %get3A_693 : vector<16xf32>
        %mul3A_722 = arith.mulf %broadcast_in_dim3A_611, %get3A_700 : vector<16xf32>
        %mul3A_723 = arith.mulf %broadcast_in_dim3A_611, %get3A_707 : vector<16xf32>
        %add3A_724 = arith.constant 0 : i32
        %add3A_725 = arith.addi %add3A_724, %mul3A_599 : i32
        %swap3A_726 = arith.index_cast %add3A_725 : i32 to index
        %swap3A_727 = arith.constant 0 : index
        %swap3A_728 = tpu.vector_load %arg12[%swap3A_726, %swap3A_727] {strides = array<i32>} : memref<128x128xf32, #tpu.memory_space<vmem>>, vector<16xf32>,
        tpu.vector_store %arg12[%swap3A_726, %swap3A_727], %mul3A_708 {strides = array<i32>} : memref<128x128xf32, #tpu.memory_space<vmem>>, vector<16xf32>,
        %add3A_729 = arith.constant 0 : i32
        %add3A_730 = arith.addi %add3A_729, %mul3A_599 : i32
        %swap3A_731 = arith.index_cast %add3A_730 : i32 to index
        %swap3A_732 = arith.constant 16 : index
        %swap3A_733 = tpu.vector_load %arg12[%swap3A_731, %swap3A_732] {strides = array<i32>} : memref<128x128xf32, #tpu.memory_space<vmem>>, vector<16xf32>,
        tpu.vector_store %arg12[%swap3A_731, %swap3A_732], %mul3A_709 {strides = array<i32>} : memref<128x128xf32, #tpu.memory_space<vmem>>, vector<16xf32>,
        %add3A_734 = arith.constant 0 : i32
        %add3A_735 = arith.addi %add3A_734, %mul3A_599 : i32
        %swap3A_736 = arith.index_cast %add3A_735 : i32 to index
        %swap3A_737 = arith.constant 32 : index
        %swap3A_738 = tpu.vector_load %arg12[%swap3A_736, %swap3A_737] {strides = array<i32>} : memref<128x128xf32, #tpu.memory_space<vmem>>, vector<16xf32>,
        tpu.vector_store %arg12[%swap3A_736, %swap3A_737], %mul3A_710 {strides = array<i32>} : memref<128x128xf32, #tpu.memory_space<vmem>>, vector<16xf32>,
        %add3A_739 = arith.constant 0 : i32
        %add3A_740 = arith.addi %add3A_739, %mul3A_599 : i32
        %swap3A_741 = arith.index_cast %add3A_740 : i32 to index
        %swap3A_742 = arith.constant 48 : index
        %swap3A_743 = tpu.vector_load %arg12[%swap3A_741, %swap3A_742] {strides = array<i32>} : memref<128x128xf32, #tpu.memory_space<vmem>>, vector<16xf32>,
        tpu.vector_store %arg12[%swap3A_741, %swap3A_742], %mul3A_711 {strides = array<i32>} : memref<128x128xf32, #tpu.memory_space<vmem>>, vector<16xf32>,
        %add3A_744 = arith.constant 0 : i32
        %add3A_745 = arith.addi %add3A_744, %mul3A_599 : i32
        %swap3A_746 = arith.index_cast %add3A_745 : i32 to index
        %swap3A_747 = arith.constant 64 : index
        %swap3A_748 = tpu.vector_load %arg12[%swap3A_746, %swap3A_747] {strides = array<i32>} : memref<128x128xf32, #tpu.memory_space<vmem>>, vector<16xf32>,
        tpu.vector_store %arg12[%swap3A_746, %swap3A_747], %mul3A_712 {strides = array<i32>} : memref<128x128xf32, #tpu.memory_space<vmem>>, vector<16xf32>,
        %add3A_749 = arith.constant 0 : i32
        %add3A_750 = arith.addi %add3A_749, %mul3A_599 : i32
        %swap3A_751 = arith.index_cast %add3A_750 : i32 to index
        %swap3A_752 = arith.constant 80 : index
        %swap3A_753 = tpu.vector_load %arg12[%swap3A_751, %swap3A_752] {strides = array<i32>} : memref<128x128xf32, #tpu.memory_space<vmem>>, vector<16xf32>,
        tpu.vector_store %arg12[%swap3A_751, %swap3A_752], %mul3A_713 {strides = array<i32>} : memref<128x128xf32, #tpu.memory_space<vmem>>, vector<16xf32>,
        %add3A_754 = arith.constant 0 : i32
        %add3A_755 = arith.addi %add3A_754, %mul3A_599 : i32
        %swap3A_756 = arith.index_cast %add3A_755 : i32 to index
        %swap3A_757 = arith.constant 96 : index
        %swap3A_758 = tpu.vector_load %arg12[%swap3A_756, %swap3A_757] {strides = array<i32>} : memref<128x128xf32, #tpu.memory_space<vmem>>, vector<16xf32>,
        tpu.vector_store %arg12[%swap3A_756, %swap3A_757], %mul3A_714 {strides = array<i32>} : memref<128x128xf32, #tpu.memory_space<vmem>>, vector<16xf32>,
        %add3A_759 = arith.constant 0 : i32
        %add3A_760 = arith.addi %add3A_759, %mul3A_599 : i32
        %swap3A_761 = arith.index_cast %add3A_760 : i32 to index
        %swap3A_762 = arith.constant 112 : index
        %swap3A_763 = tpu.vector_load %arg12[%swap3A_761, %swap3A_762] {strides = array<i32>} : memref<128x128xf32, #tpu.memory_space<vmem>>, vector<16xf32>,
        tpu.vector_store %arg12[%swap3A_761, %swap3A_762], %mul3A_715 {strides = array<i32>} : memref<128x128xf32, #tpu.memory_space<vmem>>, vector<16xf32>,
        %add3A_764 = arith.constant 0 : i32
        %add3A_765 = arith.addi %add3A_764, %mul3A_599 : i32
        %add3A_766 = arith.constant 1 : i32
        %add3A_767 = arith.addi %add3A_765, %add3A_766 : i32
        %swap3A_768 = arith.index_cast %add3A_767 : i32 to index
        %swap3A_769 = arith.constant 0 : index
        %swap3A_770 = tpu.vector_load %arg12[%swap3A_768, %swap3A_769] {strides = array<i32>} : memref<128x128xf32, #tpu.memory_space<vmem>>, vector<16xf32>,
        tpu.vector_store %arg12[%swap3A_768, %swap3A_769], %mul3A_716 {strides = array<i32>} : memref<128x128xf32, #tpu.memory_space<vmem>>, vector<16xf32>,
        %add3A_771 = arith.constant 0 : i32
        %add3A_772 = arith.addi %add3A_771, %mul3A_599 : i32
        %add3A_773 = arith.constant 1 : i32
        %add3A_774 = arith.addi %add3A_772, %add3A_773 : i32
        %swap3A_775 = arith.index_cast %add3A_774 : i32 to index
        %swap3A_776 = arith.constant 16 : index
        %swap3A_777 = tpu.vector_load %arg12[%swap3A_775, %swap3A_776] {strides = array<i32>} : memref<128x128xf32, #tpu.memory_space<vmem>>, vector<16xf32>,
        tpu.vector_store %arg12[%swap3A_775, %swap3A_776], %mul3A_717 {strides = array<i32>} : memref<128x128xf32, #tpu.memory_space<vmem>>, vector<16xf32>,
        %add3A_778 = arith.constant 0 : i32
        %add3A_779 = arith.addi %add3A_778, %mul3A_599 : i32
        %add3A_780 = arith.constant 1 : i32
        %add3A_781 = arith.addi %add3A_779, %add3A_780 : i32
        %swap3A_782 = arith.index_cast %add3A_781 : i32 to index
        %swap3A_783 = arith.constant 32 : index
        %swap3A_784 = tpu.vector_load %arg12[%swap3A_782, %swap3A_783] {strides = array<i32>} : memref<128x128xf32, #tpu.memory_space<vmem>>, vector<16xf32>,
        tpu.vector_store %arg12[%swap3A_782, %swap3A_783], %mul3A_718 {strides = array<i32>} : memref<128x128xf32, #tpu.memory_space<vmem>>, vector<16xf32>,
        %add3A_785 = arith.constant 0 : i32
        %add3A_786 = arith.addi %add3A_785, %mul3A_599 : i32
        %add3A_787 = arith.constant 1 : i32
        %add3A_788 = arith.addi %add3A_786, %add3A_787 : i32
        %swap3A_789 = arith.index_cast %add3A_788 : i32 to index
        %swap3A_790 = arith.constant 48 : index
        %swap3A_791 = tpu.vector_load %arg12[%swap3A_789, %swap3A_790] {strides = array<i32>} : memref<128x128xf32, #tpu.memory_space<vmem>>, vector<16xf32>,
        tpu.vector_store %arg12[%swap3A_789, %swap3A_790], %mul3A_719 {strides = array<i32>} : memref<128x128xf32, #tpu.memory_space<vmem>>, vector<16xf32>,
        %add3A_792 = arith.constant 0 : i32
        %add3A_793 = arith.addi %add3A_792, %mul3A_599 : i32
        %add3A_794 = arith.constant 1 : i32
        %add3A_795 = arith.addi %add3A_793, %add3A_794 : i32
        %swap3A_796 = arith.index_cast %add3A_795 : i32 to index
        %swap3A_797 = arith.constant 64 : index
        %swap3A_798 = tpu.vector_load %arg12[%swap3A_796, %swap3A_797] {strides = array<i32>} : memref<128x128xf32, #tpu.memory_space<vmem>>, vector<16xf32>,
        tpu.vector_store %arg12[%swap3A_796, %swap3A_797], %mul3A_720 {strides = array<i32>} : memref<128x128xf32, #tpu.memory_space<vmem>>, vector<16xf32>,
        %add3A_799 = arith.constant 0 : i32
        %add3A_800 = arith.addi %add3A_799, %mul3A_599 : i32
        %add3A_801 = arith.constant 1 : i32
        %add3A_802 = arith.addi %add3A_800, %add3A_801 : i32
        %swap3A_803 = arith.index_cast %add3A_802 : i32 to index
        %swap3A_804 = arith.constant 80 : index
        %swap3A_805 = tpu.vector_load %arg12[%swap3A_803, %swap3A_804] {strides = array<i32>} : memref<128x128xf32, #tpu.memory_space<vmem>>, vector<16xf32>,
        tpu.vector_store %arg12[%swap3A_803, %swap3A_804], %mul3A_721 {strides = array<i32>} : memref<128x128xf32, #tpu.memory_space<vmem>>, vector<16xf32>,
        %add3A_806 = arith.constant 0 : i32
        %add3A_807 = arith.addi %add3A_806, %mul3A_599 : i32
        %add3A_808 = arith.constant 1 : i32
        %add3A_809 = arith.addi %add3A_807, %add3A_808 : i32
        %swap3A_810 = arith.index_cast %add3A_809 : i32 to index
        %swap3A_811 = arith.constant 96 : index
        %swap3A_812 = tpu.vector_load %arg12[%swap3A_810, %swap3A_811] {strides = array<i32>} : memref<128x128xf32, #tpu.memory_space<vmem>>, vector<16xf32>,
        tpu.vector_store %arg12[%swap3A_810, %swap3A_811], %mul3A_722 {strides = array<i32>} : memref<128x128xf32, #tpu.memory_space<vmem>>, vector<16xf32>,
        %add3A_813 = arith.constant 0 : i32
        %add3A_814 = arith.addi %add3A_813, %mul3A_599 : i32
        %add3A_815 = arith.constant 1 : i32
        %add3A_816 = arith.addi %add3A_814, %add3A_815 : i32
        %swap3A_817 = arith.index_cast %add3A_816 : i32 to index
        %swap3A_818 = arith.constant 112 : index
        %swap3A_819 = tpu.vector_load %arg12[%swap3A_817, %swap3A_818] {strides = array<i32>} : memref<128x128xf32, #tpu.memory_space<vmem>>, vector<16xf32>,
        tpu.vector_store %arg12[%swap3A_817, %swap3A_818], %mul3A_723 {strides = array<i32>} : memref<128x128xf32, #tpu.memory_space<vmem>>, vector<16xf32>,
      }
      %scan3A_347 = arith.constant 32 : i32
      %dma_start3A = arith.constant 0 : i32
      %dma_start3A_348 = arith.constant 0 : i32
      %dma_start3A_349 = tpu.memref_slice %arg12[%dma_start3A, %dma_start3A_348] : memref<128x128xf32, #tpu.memory_space<vmem>> -> memref<64x128xf32, #tpu.memory_space<vmem>>
      %dma_start3A_350 = arith.constant 0 : i32
      %dma_start3A_351 = arith.constant 0 : i32
      %dma_start3A_352 = tpu.memref_slice %arg30[%dma_start3A_350, %dma_start3A_351] : memref<5632x128xf32, #tpu.memory_space<vmem_shared>> -> memref<5632x128xf32, #tpu.memory_space<vmem_shared>>
      tpu.enqueue_indirect_dma source(%dma_start3A_349 : memref<64x128xf32, #tpu.memory_space<vmem>>) target(%dma_start3A_352 : memref<5632x128xf32, #tpu.memory_space<vmem_shared>>) offsets(%arg15 : memref<64xi32, #tpu.memory_space<vmem>>) semaphore(%arg26 : memref<!tpu.dma_semaphore, #tpu.memory_space<semaphore_mem>>) {add = true}
      %dma_start3A_353 = arith.constant 0 : i32
      %dma_start3A_354 = tpu.memref_slice %arg17[%dma_start3A_353] : memref<80xf32, #tpu.memory_space<vmem>> -> memref<64xf32, #tpu.memory_space<vmem>>
      %dma_start3A_355 = arith.constant 0 : i32
      %dma_start3A_356 = tpu.memref_slice %arg31[%dma_start3A_355] : memref<5632xf32, #tpu.memory_space<vmem_shared>> -> memref<5632xf32, #tpu.memory_space<vmem_shared>>
      tpu.enqueue_indirect_dma source(%dma_start3A_354 : memref<64xf32, #tpu.memory_space<vmem>>) target(%dma_start3A_356 : memref<5632xf32, #tpu.memory_space<vmem_shared>>) offsets(%arg15 : memref<64xi32, #tpu.memory_space<vmem>>) semaphore(%arg28 : memref<!tpu.dma_semaphore, #tpu.memory_space<semaphore_mem>>) {add = true}
      %add3A_357 = arith.constant 2 : i32
      %add3A_358 = arith.addi %mul3A_225, %add3A_357 : i32
      %lt3A_359 = arith.cmpi slt, %add3A_358, %select_n3A : i32
      %convert_element_type3A_360 = arith.extui %lt3A_359 : i1 to i32
      %cond3A_361 = arith.constant 0 : i32
      %cond3A_362 = arith.cmpi ne, %convert_element_type3A_360, %cond3A_361 : i32
      scf.if %cond3A_362 {
        %add3A_367 = arith.constant 2 : i32
        %add3A_368 = arith.addi %mul3A_225, %add3A_367 : i32
        %mul3A_369 = arith.constant 64 : i32
        %mul3A_370 = arith.muli %add3A_368, %mul3A_369 : i32
        %add3A_371 = arith.constant 0 : i32
        %add3A_372 = arith.addi %mul3A_370, %add3A_371 : i32
        %get3A_373 = arith.index_cast %add3A_372 : i32 to index
        %get3A_374 = tpu.vector_load %arg10[%get3A_373] {strides = array<i32>} : memref<20640xi32, #tpu.memory_space<vmem>>, vector<16xi32>,
        %shift_right_logical3A = arith.shrui %get3A_374, %add3A_10 : vector<16xi32>
        %swap3A_375 = arith.constant 0 : index
        %swap3A_376 = tpu.vector_load %arg13[%swap3A_375] {strides = array<i32>} : memref<64xi32, #tpu.memory_space<vmem>>, vector<16xi32>,
        tpu.vector_store %arg13[%swap3A_375], %shift_right_logical3A {strides = array<i32>} : memref<64xi32, #tpu.memory_space<vmem>>, vector<16xi32>,
        %add3A_377 = arith.constant 16 : i32
        %add3A_378 = arith.addi %mul3A_370, %add3A_377 : i32
        %get3A_379 = arith.index_cast %add3A_378 : i32 to index
        %get3A_380 = tpu.vector_load %arg10[%get3A_379] {strides = array<i32>} : memref<20640xi32, #tpu.memory_space<vmem>>, vector<16xi32>,
        %shift_right_logical3A_381 = arith.shrui %get3A_380, %add3A_10 : vector<16xi32>
        %swap3A_382 = arith.constant 16 : index
        %swap3A_383 = tpu.vector_load %arg13[%swap3A_382] {strides = array<i32>} : memref<64xi32, #tpu.memory_space<vmem>>, vector<16xi32>,
        tpu.vector_store %arg13[%swap3A_382], %shift_right_logical3A_381 {strides = array<i32>} : memref<64xi32, #tpu.memory_space<vmem>>, vector<16xi32>,
        %add3A_384 = arith.constant 32 : i32
        %add3A_385 = arith.addi %mul3A_370, %add3A_384 : i32
        %get3A_386 = arith.index_cast %add3A_385 : i32 to index
        %get3A_387 = tpu.vector_load %arg10[%get3A_386] {strides = array<i32>} : memref<20640xi32, #tpu.memory_space<vmem>>, vector<16xi32>,
        %shift_right_logical3A_388 = arith.shrui %get3A_387, %add3A_10 : vector<16xi32>
        %swap3A_389 = arith.constant 32 : index
        %swap3A_390 = tpu.vector_load %arg13[%swap3A_389] {strides = array<i32>} : memref<64xi32, #tpu.memory_space<vmem>>, vector<16xi32>,
        tpu.vector_store %arg13[%swap3A_389], %shift_right_logical3A_388 {strides = array<i32>} : memref<64xi32, #tpu.memory_space<vmem>>, vector<16xi32>,
        %add3A_391 = arith.constant 48 : i32
        %add3A_392 = arith.addi %mul3A_370, %add3A_391 : i32
        %get3A_393 = arith.index_cast %add3A_392 : i32 to index
        %get3A_394 = tpu.vector_load %arg10[%get3A_393] {strides = array<i32>} : memref<20640xi32, #tpu.memory_space<vmem>>, vector<16xi32>,
        %shift_right_logical3A_395 = arith.shrui %get3A_394, %add3A_10 : vector<16xi32>
        %swap3A_396 = arith.constant 48 : index
        %swap3A_397 = tpu.vector_load %arg13[%swap3A_396] {strides = array<i32>} : memref<64xi32, #tpu.memory_space<vmem>>, vector<16xi32>,
        tpu.vector_store %arg13[%swap3A_396], %shift_right_logical3A_395 {strides = array<i32>} : memref<64xi32, #tpu.memory_space<vmem>>, vector<16xi32>,
        %dma_start3A_398 = arith.constant 0 : i32
        %dma_start3A_399 = arith.constant 0 : i32
        %dma_start3A_400 = tpu.memref_slice %arg11[%dma_start3A_398, %dma_start3A_399] : memref<128x128xf32, #tpu.memory_space<vmem>> -> memref<64x128xf32, #tpu.memory_space<vmem>>
        %dma_start3A_401 = arith.constant 0 : i32
        %dma_start3A_402 = arith.constant 0 : i32
        %dma_start3A_403 = tpu.memref_slice %arg2[%dma_start3A_401, %dma_start3A_402] : memref<80000x128xf32, #tpu.memory_space<hbm>> -> memref<80000x128xf32, #tpu.memory_space<hbm>>
        tpu.enqueue_indirect_dma source(%dma_start3A_403 : memref<80000x128xf32, #tpu.memory_space<hbm>>) target(%dma_start3A_400 : memref<64x128xf32, #tpu.memory_space<vmem>>) offsets(%arg13 : memref<64xi32, #tpu.memory_space<vmem>>) semaphore(%arg22 : memref<!tpu.dma_semaphore, #tpu.memory_space<semaphore_mem>>)
        %dma_start3A_404 = arith.constant 0 : i32
        %dma_start3A_405 = tpu.memref_slice %arg3[%dma_start3A_404] : memref<80000xf32, #tpu.memory_space<hbm>> -> memref<80000xf32, #tpu.memory_space<hbm>>
        tpu.enqueue_indirect_dma source(%dma_start3A_405 : memref<80000xf32, #tpu.memory_space<hbm>>) target(%arg19 : memref<64xf32, #tpu.memory_space<vmem>>) offsets(%arg13 : memref<64xi32, #tpu.memory_space<vmem>>) semaphore(%arg24 : memref<!tpu.dma_semaphore, #tpu.memory_space<semaphore_mem>>)
      } else {
      }
      %lt3A_363 = arith.cmpi slt, %add3A_229, %select_n3A : i32
      %convert_element_type3A_364 = arith.extui %lt3A_363 : i1 to i32
      %cond3A_365 = arith.constant 0 : i32
      %cond3A_366 = arith.cmpi ne, %convert_element_type3A_364, %cond3A_365 : i32
      scf.if %cond3A_366 {
        %ge3A_367 = arith.constant 2 : i32
        %ge3A_368 = arith.cmpi sge, %add3A_229, %ge3A_367 : i32
        %convert_element_type3A_369 = arith.extui %ge3A_368 : i1 to i32
        %cond3A_370 = arith.constant 0 : i32
        %cond3A_371 = arith.cmpi ne, %convert_element_type3A_369, %cond3A_370 : i32
        scf.if %cond3A_371 {
          %dma_wait3A_507 = arith.constant 64 : i32
          %dma_wait3A_508 = arith.constant 0 : i32
          %dma_wait3A_509 = tpu.memref_slice %arg12[%dma_wait3A_507, %dma_wait3A_508] : memref<128x128xf32, #tpu.memory_space<vmem>> -> memref<64x128xf32, #tpu.memory_space<vmem>>
          %dma_wait3A_510 = arith.constant 0 : i32
          %dma_wait3A_511 = arith.constant 0 : i32
          %dma_wait3A_512 = tpu.memref_slice %arg30[%dma_wait3A_510, %dma_wait3A_511] : memref<5632x128xf32, #tpu.memory_space<vmem_shared>> -> memref<5632x128xf32, #tpu.memory_space<vmem_shared>>
          tpu.wait_indirect_dma semaphore(%arg27 : memref<!tpu.dma_semaphore, #tpu.memory_space<semaphore_mem>>) src(%dma_wait3A_509 : memref<64x128xf32, #tpu.memory_space<vmem>>) dst(%dma_wait3A_512 : memref<5632x128xf32, #tpu.memory_space<vmem_shared>>)
          %dma_wait3A_513 = arith.constant 0 : i32
          %dma_wait3A_514 = tpu.memref_slice %arg18[%dma_wait3A_513] : memref<80xf32, #tpu.memory_space<vmem>> -> memref<64xf32, #tpu.memory_space<vmem>>
          %dma_wait3A_515 = arith.constant 0 : i32
          %dma_wait3A_516 = tpu.memref_slice %arg31[%dma_wait3A_515] : memref<5632xf32, #tpu.memory_space<vmem_shared>> -> memref<5632xf32, #tpu.memory_space<vmem_shared>>
          tpu.wait_indirect_dma semaphore(%arg29 : memref<!tpu.dma_semaphore, #tpu.memory_space<semaphore_mem>>) src(%dma_wait3A_514 : memref<64xf32, #tpu.memory_space<vmem>>) dst(%dma_wait3A_516 : memref<5632xf32, #tpu.memory_space<vmem_shared>>)
        } else {
        }
        %mul3A_372 = arith.constant 64 : i32
        %mul3A_373 = arith.muli %add3A_229, %mul3A_372 : i32
        %dma_wait3A_374 = arith.constant 0 : i32
        %dma_wait3A_375 = tpu.memref_slice %arg3[%dma_wait3A_374] : memref<80000xf32, #tpu.memory_space<hbm>> -> memref<80000xf32, #tpu.memory_space<hbm>>
        tpu.wait_indirect_dma semaphore(%arg25 : memref<!tpu.dma_semaphore, #tpu.memory_space<semaphore_mem>>) src(%dma_wait3A_375 : memref<80000xf32, #tpu.memory_space<hbm>>) dst(%arg20 : memref<64xf32, #tpu.memory_space<vmem>>)
        %add3A_376 = arith.constant 0 : i32
        %add3A_377 = arith.addi %mul3A_373, %add3A_376 : i32
        %get3A_378 = arith.index_cast %add3A_377 : i32 to index
        %get3A_379 = tpu.vector_load %arg10[%get3A_378] {strides = array<i32>} : memref<20640xi32, #tpu.memory_space<vmem>>, vector<16xi32>,
        %and3A_380 = arith.andi %get3A_379, %add3A_7 : vector<16xi32>
        %sub3A_381 = vector.broadcast %mul3A_0 : i32 to vector<16xi32>
        %sub3A_382 = arith.subi %and3A_380, %sub3A_381 : vector<16xi32>
        %add3A_383 = arith.constant 0 : i32
        %add3A_384 = arith.addi %mul3A_373, %add3A_383 : i32
        %add3A_385 = vector.broadcast %add3A_384 : i32 to vector<16xi32>
        %add3A_386 = arith.addi %broadcast_in_dim3A_5, %add3A_385 : vector<16xi32>
        %add3A_387 = arith.addi %add3A_386, %iota3A : vector<16xi32>
        %lt3A_388 = arith.cmpi slt, %add3A_387, %broadcast_in_dim3A_144 : vector<16xi32>
        %select_n3A_389 = arith.select %lt3A_388, %sub3A_382, %add3A_19 : vector<16xi1>, vector<16xi32>
        %swap3A_390 = arith.constant 0 : index
        %swap3A_391 = tpu.vector_load %arg16[%swap3A_390] {strides = array<i32>} : memref<64xi32, #tpu.memory_space<vmem>>, vector<16xi32>,
        tpu.vector_store %arg16[%swap3A_390], %select_n3A_389 {strides = array<i32>} : memref<64xi32, #tpu.memory_space<vmem>>, vector<16xi32>,
        %gather3A_392 = tpu.vector_load_idx %arg8[%select_n3A_389] : memref<5128xf32, #tpu.memory_space<vmem>>[vector<16xi32>], vector<16xf32>,
        %get3A_393 = arith.constant 0 : index
        %get3A_394 = tpu.vector_load %arg20[%get3A_393] {strides = array<i32>} : memref<64xf32, #tpu.memory_space<vmem>>, vector<16xf32>,
        %add3A_395 = arith.addf %gather3A_392, %get3A_394 : vector<16xf32>
        %ge3A_396 = arith.cmpf oge, %add3A_395, %broadcast_in_dim3A_3 : vector<16xf32>
        %mul3A_397 = arith.mulf %add3A_395, %add3A_22 : vector<16xf32>
        %select_n3A_398 = arith.select %ge3A_396, %add3A_395, %mul3A_397 : vector<16xi1>, vector<16xf32>
        %exp3A_399 = math.exp %select_n3A_398 : vector<16xf32>
        %swap3A_400 = arith.constant 0 : index
        %swap3A_401 = tpu.vector_load %arg18[%swap3A_400] {strides = array<i32>} : memref<80xf32, #tpu.memory_space<vmem>>, vector<16xf32>,
        tpu.vector_store %arg18[%swap3A_400], %exp3A_399 {strides = array<i32>} : memref<80xf32, #tpu.memory_space<vmem>>, vector<16xf32>,
        %add3A_402 = arith.constant 16 : i32
        %add3A_403 = arith.addi %mul3A_373, %add3A_402 : i32
        %get3A_404 = arith.index_cast %add3A_403 : i32 to index
        %get3A_405 = tpu.vector_load %arg10[%get3A_404] {strides = array<i32>} : memref<20640xi32, #tpu.memory_space<vmem>>, vector<16xi32>,
        %and3A_406 = arith.andi %get3A_405, %add3A_7 : vector<16xi32>
        %sub3A_407 = vector.broadcast %mul3A_0 : i32 to vector<16xi32>
        %sub3A_408 = arith.subi %and3A_406, %sub3A_407 : vector<16xi32>
        %add3A_409 = arith.constant 16 : i32
        %add3A_410 = arith.addi %mul3A_373, %add3A_409 : i32
        %add3A_411 = vector.broadcast %add3A_410 : i32 to vector<16xi32>
        %add3A_412 = arith.addi %broadcast_in_dim3A_5, %add3A_411 : vector<16xi32>
        %add3A_413 = arith.addi %add3A_412, %iota3A : vector<16xi32>
        %lt3A_414 = arith.cmpi slt, %add3A_413, %broadcast_in_dim3A_144 : vector<16xi32>
        %select_n3A_415 = arith.select %lt3A_414, %sub3A_408, %add3A_19 : vector<16xi1>, vector<16xi32>
        %swap3A_416 = arith.constant 16 : index
        %swap3A_417 = tpu.vector_load %arg16[%swap3A_416] {strides = array<i32>} : memref<64xi32, #tpu.memory_space<vmem>>, vector<16xi32>,
        tpu.vector_store %arg16[%swap3A_416], %select_n3A_415 {strides = array<i32>} : memref<64xi32, #tpu.memory_space<vmem>>, vector<16xi32>,
        %gather3A_418 = tpu.vector_load_idx %arg8[%select_n3A_415] : memref<5128xf32, #tpu.memory_space<vmem>>[vector<16xi32>], vector<16xf32>,
        %get3A_419 = arith.constant 16 : index
        %get3A_420 = tpu.vector_load %arg20[%get3A_419] {strides = array<i32>} : memref<64xf32, #tpu.memory_space<vmem>>, vector<16xf32>,
        %add3A_421 = arith.addf %gather3A_418, %get3A_420 : vector<16xf32>
        %ge3A_422 = arith.cmpf oge, %add3A_421, %broadcast_in_dim3A_3 : vector<16xf32>
        %mul3A_423 = arith.mulf %add3A_421, %add3A_22 : vector<16xf32>
        %select_n3A_424 = arith.select %ge3A_422, %add3A_421, %mul3A_423 : vector<16xi1>, vector<16xf32>
        %exp3A_425 = math.exp %select_n3A_424 : vector<16xf32>
        %swap3A_426 = arith.constant 16 : index
        %swap3A_427 = tpu.vector_load %arg18[%swap3A_426] {strides = array<i32>} : memref<80xf32, #tpu.memory_space<vmem>>, vector<16xf32>,
        tpu.vector_store %arg18[%swap3A_426], %exp3A_425 {strides = array<i32>} : memref<80xf32, #tpu.memory_space<vmem>>, vector<16xf32>,
        %add3A_428 = arith.constant 32 : i32
        %add3A_429 = arith.addi %mul3A_373, %add3A_428 : i32
        %get3A_430 = arith.index_cast %add3A_429 : i32 to index
        %get3A_431 = tpu.vector_load %arg10[%get3A_430] {strides = array<i32>} : memref<20640xi32, #tpu.memory_space<vmem>>, vector<16xi32>,
        %and3A_432 = arith.andi %get3A_431, %add3A_7 : vector<16xi32>
        %sub3A_433 = vector.broadcast %mul3A_0 : i32 to vector<16xi32>
        %sub3A_434 = arith.subi %and3A_432, %sub3A_433 : vector<16xi32>
        %add3A_435 = arith.constant 32 : i32
        %add3A_436 = arith.addi %mul3A_373, %add3A_435 : i32
        %add3A_437 = vector.broadcast %add3A_436 : i32 to vector<16xi32>
        %add3A_438 = arith.addi %broadcast_in_dim3A_5, %add3A_437 : vector<16xi32>
        %add3A_439 = arith.addi %add3A_438, %iota3A : vector<16xi32>
        %lt3A_440 = arith.cmpi slt, %add3A_439, %broadcast_in_dim3A_144 : vector<16xi32>
        %select_n3A_441 = arith.select %lt3A_440, %sub3A_434, %add3A_19 : vector<16xi1>, vector<16xi32>
        %swap3A_442 = arith.constant 32 : index
        %swap3A_443 = tpu.vector_load %arg16[%swap3A_442] {strides = array<i32>} : memref<64xi32, #tpu.memory_space<vmem>>, vector<16xi32>,
        tpu.vector_store %arg16[%swap3A_442], %select_n3A_441 {strides = array<i32>} : memref<64xi32, #tpu.memory_space<vmem>>, vector<16xi32>,
        %gather3A_444 = tpu.vector_load_idx %arg8[%select_n3A_441] : memref<5128xf32, #tpu.memory_space<vmem>>[vector<16xi32>], vector<16xf32>,
        %get3A_445 = arith.constant 32 : index
        %get3A_446 = tpu.vector_load %arg20[%get3A_445] {strides = array<i32>} : memref<64xf32, #tpu.memory_space<vmem>>, vector<16xf32>,
        %add3A_447 = arith.addf %gather3A_444, %get3A_446 : vector<16xf32>
        %ge3A_448 = arith.cmpf oge, %add3A_447, %broadcast_in_dim3A_3 : vector<16xf32>
        %mul3A_449 = arith.mulf %add3A_447, %add3A_22 : vector<16xf32>
        %select_n3A_450 = arith.select %ge3A_448, %add3A_447, %mul3A_449 : vector<16xi1>, vector<16xf32>
        %exp3A_451 = math.exp %select_n3A_450 : vector<16xf32>
        %swap3A_452 = arith.constant 32 : index
        %swap3A_453 = tpu.vector_load %arg18[%swap3A_452] {strides = array<i32>} : memref<80xf32, #tpu.memory_space<vmem>>, vector<16xf32>,
        tpu.vector_store %arg18[%swap3A_452], %exp3A_451 {strides = array<i32>} : memref<80xf32, #tpu.memory_space<vmem>>, vector<16xf32>,
        %add3A_454 = arith.constant 48 : i32
        %add3A_455 = arith.addi %mul3A_373, %add3A_454 : i32
        %get3A_456 = arith.index_cast %add3A_455 : i32 to index
        %get3A_457 = tpu.vector_load %arg10[%get3A_456] {strides = array<i32>} : memref<20640xi32, #tpu.memory_space<vmem>>, vector<16xi32>,
        %and3A_458 = arith.andi %get3A_457, %add3A_7 : vector<16xi32>
        %sub3A_459 = vector.broadcast %mul3A_0 : i32 to vector<16xi32>
        %sub3A_460 = arith.subi %and3A_458, %sub3A_459 : vector<16xi32>
        %add3A_461 = arith.constant 48 : i32
        %add3A_462 = arith.addi %mul3A_373, %add3A_461 : i32
        %add3A_463 = vector.broadcast %add3A_462 : i32 to vector<16xi32>
        %add3A_464 = arith.addi %broadcast_in_dim3A_5, %add3A_463 : vector<16xi32>
        %add3A_465 = arith.addi %add3A_464, %iota3A : vector<16xi32>
        %lt3A_466 = arith.cmpi slt, %add3A_465, %broadcast_in_dim3A_144 : vector<16xi32>
        %select_n3A_467 = arith.select %lt3A_466, %sub3A_460, %add3A_19 : vector<16xi1>, vector<16xi32>
        %swap3A_468 = arith.constant 48 : index
        %swap3A_469 = tpu.vector_load %arg16[%swap3A_468] {strides = array<i32>} : memref<64xi32, #tpu.memory_space<vmem>>, vector<16xi32>,
        tpu.vector_store %arg16[%swap3A_468], %select_n3A_467 {strides = array<i32>} : memref<64xi32, #tpu.memory_space<vmem>>, vector<16xi32>,
        %gather3A_470 = tpu.vector_load_idx %arg8[%select_n3A_467] : memref<5128xf32, #tpu.memory_space<vmem>>[vector<16xi32>], vector<16xf32>,
        %get3A_471 = arith.constant 48 : index
        %get3A_472 = tpu.vector_load %arg20[%get3A_471] {strides = array<i32>} : memref<64xf32, #tpu.memory_space<vmem>>, vector<16xf32>,
        %add3A_473 = arith.addf %gather3A_470, %get3A_472 : vector<16xf32>
        %ge3A_474 = arith.cmpf oge, %add3A_473, %broadcast_in_dim3A_3 : vector<16xf32>
        %mul3A_475 = arith.mulf %add3A_473, %add3A_22 : vector<16xf32>
        %select_n3A_476 = arith.select %ge3A_474, %add3A_473, %mul3A_475 : vector<16xi1>, vector<16xf32>
        %exp3A_477 = math.exp %select_n3A_476 : vector<16xf32>
        %swap3A_478 = arith.constant 48 : index
        %swap3A_479 = tpu.vector_load %arg18[%swap3A_478] {strides = array<i32>} : memref<80xf32, #tpu.memory_space<vmem>>, vector<16xf32>,
        tpu.vector_store %arg18[%swap3A_478], %exp3A_477 {strides = array<i32>} : memref<80xf32, #tpu.memory_space<vmem>>, vector<16xf32>,
        %dma_wait3A_480 = arith.constant 64 : i32
        %dma_wait3A_481 = arith.constant 0 : i32
        %dma_wait3A_482 = tpu.memref_slice %arg11[%dma_wait3A_480, %dma_wait3A_481] : memref<128x128xf32, #tpu.memory_space<vmem>> -> memref<64x128xf32, #tpu.memory_space<vmem>>
        %dma_wait3A_483 = arith.constant 0 : i32
        %dma_wait3A_484 = arith.constant 0 : i32
        %dma_wait3A_485 = tpu.memref_slice %arg2[%dma_wait3A_483, %dma_wait3A_484] : memref<80000x128xf32, #tpu.memory_space<hbm>> -> memref<80000x128xf32, #tpu.memory_space<hbm>>
        tpu.wait_indirect_dma semaphore(%arg23 : memref<!tpu.dma_semaphore, #tpu.memory_space<semaphore_mem>>) src(%dma_wait3A_485 : memref<80000x128xf32, #tpu.memory_space<hbm>>) dst(%dma_wait3A_482 : memref<64x128xf32, #tpu.memory_space<vmem>>)
        %scan3A_486 = arith.constant 0 : i32
        %scan3A_487 = arith.constant 32 : i32
        %scan3A_488 = arith.addi %scan3A_486, %scan3A_487 : i32
        %scan3A_489 = arith.constant 2 : i32
        scf.for %scan3A_507 = %scan3A_486 to %scan3A_488 step %scan3A_489  : i32 {
          %mul3A_508 = arith.constant 1 : i32
          %mul3A_509 = arith.muli %scan3A_507, %mul3A_508 : i32
          %add3A_510 = arith.constant 0 : i32
          %add3A_511 = arith.addi %add3A_510, %mul3A_509 : i32
          %mul3A_512 = arith.constant 2 : i32
          %mul3A_513 = arith.muli %mul3A_512, %add3A_511 : i32
          %get3A_514 = arith.index_cast %mul3A_513 : i32 to index
          %get3A_515 = tpu.vector_load %arg18[%get3A_514] {strides = array<i32>} : memref<80xf32, #tpu.memory_space<vmem>>, vector<16xf32>,
          %slice3A = vector.extract_strided_slice %get3A_515 {offsets = [0], sizes = [1], strides = [1]} : vector<16xf32> to vector<1xf32>
          %squeeze3A = vector.extract %slice3A[0] : f32 from vector<1xf32>
          %broadcast_in_dim3A_516 = vector.broadcast %squeeze3A : f32 to vector<16xf32>
          %add3A_517 = arith.constant 1 : i32
          %add3A_518 = arith.addi %mul3A_513, %add3A_517 : i32
          %get3A_519 = arith.index_cast %add3A_518 : i32 to index
          %get3A_520 = tpu.vector_load %arg18[%get3A_519] {strides = array<i32>} : memref<80xf32, #tpu.memory_space<vmem>>, vector<16xf32>,
          %slice3A_521 = vector.extract_strided_slice %get3A_520 {offsets = [0], sizes = [1], strides = [1]} : vector<16xf32> to vector<1xf32>
          %squeeze3A_522 = vector.extract %slice3A_521[0] : f32 from vector<1xf32>
          %broadcast_in_dim3A_523 = vector.broadcast %squeeze3A_522 : f32 to vector<16xf32>
          %add3A_524 = arith.constant 64 : i32
          %add3A_525 = arith.addi %add3A_524, %mul3A_513 : i32
          %get3A_526 = arith.index_cast %add3A_525 : i32 to index
          %get3A_527 = arith.constant 0 : index
          %get3A_528 = tpu.vector_load %arg11[%get3A_526, %get3A_527] {strides = array<i32>} : memref<128x128xf32, #tpu.memory_space<vmem>>, vector<16xf32>,
          %add3A_529 = arith.constant 64 : i32
          %add3A_530 = arith.addi %add3A_529, %mul3A_513 : i32
          %get3A_531 = arith.index_cast %add3A_530 : i32 to index
          %get3A_532 = arith.constant 16 : index
          %get3A_533 = tpu.vector_load %arg11[%get3A_531, %get3A_532] {strides = array<i32>} : memref<128x128xf32, #tpu.memory_space<vmem>>, vector<16xf32>,
          %add3A_534 = arith.constant 64 : i32
          %add3A_535 = arith.addi %add3A_534, %mul3A_513 : i32
          %get3A_536 = arith.index_cast %add3A_535 : i32 to index
          %get3A_537 = arith.constant 32 : index
          %get3A_538 = tpu.vector_load %arg11[%get3A_536, %get3A_537] {strides = array<i32>} : memref<128x128xf32, #tpu.memory_space<vmem>>, vector<16xf32>,
          %add3A_539 = arith.constant 64 : i32
          %add3A_540 = arith.addi %add3A_539, %mul3A_513 : i32
          %get3A_541 = arith.index_cast %add3A_540 : i32 to index
          %get3A_542 = arith.constant 48 : index
          %get3A_543 = tpu.vector_load %arg11[%get3A_541, %get3A_542] {strides = array<i32>} : memref<128x128xf32, #tpu.memory_space<vmem>>, vector<16xf32>,
          %add3A_544 = arith.constant 64 : i32
          %add3A_545 = arith.addi %add3A_544, %mul3A_513 : i32
          %get3A_546 = arith.index_cast %add3A_545 : i32 to index
          %get3A_547 = arith.constant 64 : index
          %get3A_548 = tpu.vector_load %arg11[%get3A_546, %get3A_547] {strides = array<i32>} : memref<128x128xf32, #tpu.memory_space<vmem>>, vector<16xf32>,
          %add3A_549 = arith.constant 64 : i32
          %add3A_550 = arith.addi %add3A_549, %mul3A_513 : i32
          %get3A_551 = arith.index_cast %add3A_550 : i32 to index
          %get3A_552 = arith.constant 80 : index
          %get3A_553 = tpu.vector_load %arg11[%get3A_551, %get3A_552] {strides = array<i32>} : memref<128x128xf32, #tpu.memory_space<vmem>>, vector<16xf32>,
          %add3A_554 = arith.constant 64 : i32
          %add3A_555 = arith.addi %add3A_554, %mul3A_513 : i32
          %get3A_556 = arith.index_cast %add3A_555 : i32 to index
          %get3A_557 = arith.constant 96 : index
          %get3A_558 = tpu.vector_load %arg11[%get3A_556, %get3A_557] {strides = array<i32>} : memref<128x128xf32, #tpu.memory_space<vmem>>, vector<16xf32>,
          %add3A_559 = arith.constant 64 : i32
          %add3A_560 = arith.addi %add3A_559, %mul3A_513 : i32
          %get3A_561 = arith.index_cast %add3A_560 : i32 to index
          %get3A_562 = arith.constant 112 : index
          %get3A_563 = tpu.vector_load %arg11[%get3A_561, %get3A_562] {strides = array<i32>} : memref<128x128xf32, #tpu.memory_space<vmem>>, vector<16xf32>,
          %add3A_564 = arith.constant 64 : i32
          %add3A_565 = arith.addi %add3A_564, %mul3A_513 : i32
          %add3A_566 = arith.constant 1 : i32
          %add3A_567 = arith.addi %add3A_565, %add3A_566 : i32
          %get3A_568 = arith.index_cast %add3A_567 : i32 to index
          %get3A_569 = arith.constant 0 : index
          %get3A_570 = tpu.vector_load %arg11[%get3A_568, %get3A_569] {strides = array<i32>} : memref<128x128xf32, #tpu.memory_space<vmem>>, vector<16xf32>,
          %add3A_571 = arith.constant 64 : i32
          %add3A_572 = arith.addi %add3A_571, %mul3A_513 : i32
          %add3A_573 = arith.constant 1 : i32
          %add3A_574 = arith.addi %add3A_572, %add3A_573 : i32
          %get3A_575 = arith.index_cast %add3A_574 : i32 to index
          %get3A_576 = arith.constant 16 : index
          %get3A_577 = tpu.vector_load %arg11[%get3A_575, %get3A_576] {strides = array<i32>} : memref<128x128xf32, #tpu.memory_space<vmem>>, vector<16xf32>,
          %add3A_578 = arith.constant 64 : i32
          %add3A_579 = arith.addi %add3A_578, %mul3A_513 : i32
          %add3A_580 = arith.constant 1 : i32
          %add3A_581 = arith.addi %add3A_579, %add3A_580 : i32
          %get3A_582 = arith.index_cast %add3A_581 : i32 to index
          %get3A_583 = arith.constant 32 : index
          %get3A_584 = tpu.vector_load %arg11[%get3A_582, %get3A_583] {strides = array<i32>} : memref<128x128xf32, #tpu.memory_space<vmem>>, vector<16xf32>,
          %add3A_585 = arith.constant 64 : i32
          %add3A_586 = arith.addi %add3A_585, %mul3A_513 : i32
          %add3A_587 = arith.constant 1 : i32
          %add3A_588 = arith.addi %add3A_586, %add3A_587 : i32
          %get3A_589 = arith.index_cast %add3A_588 : i32 to index
          %get3A_590 = arith.constant 48 : index
          %get3A_591 = tpu.vector_load %arg11[%get3A_589, %get3A_590] {strides = array<i32>} : memref<128x128xf32, #tpu.memory_space<vmem>>, vector<16xf32>,
          %add3A_592 = arith.constant 64 : i32
          %add3A_593 = arith.addi %add3A_592, %mul3A_513 : i32
          %add3A_594 = arith.constant 1 : i32
          %add3A_595 = arith.addi %add3A_593, %add3A_594 : i32
          %get3A_596 = arith.index_cast %add3A_595 : i32 to index
          %get3A_597 = arith.constant 64 : index
          %get3A_598 = tpu.vector_load %arg11[%get3A_596, %get3A_597] {strides = array<i32>} : memref<128x128xf32, #tpu.memory_space<vmem>>, vector<16xf32>,
          %add3A_599 = arith.constant 64 : i32
          %add3A_600 = arith.addi %add3A_599, %mul3A_513 : i32
          %add3A_601 = arith.constant 1 : i32
          %add3A_602 = arith.addi %add3A_600, %add3A_601 : i32
          %get3A_603 = arith.index_cast %add3A_602 : i32 to index
          %get3A_604 = arith.constant 80 : index
          %get3A_605 = tpu.vector_load %arg11[%get3A_603, %get3A_604] {strides = array<i32>} : memref<128x128xf32, #tpu.memory_space<vmem>>, vector<16xf32>,
          %add3A_606 = arith.constant 64 : i32
          %add3A_607 = arith.addi %add3A_606, %mul3A_513 : i32
          %add3A_608 = arith.constant 1 : i32
          %add3A_609 = arith.addi %add3A_607, %add3A_608 : i32
          %get3A_610 = arith.index_cast %add3A_609 : i32 to index
          %get3A_611 = arith.constant 96 : index
          %get3A_612 = tpu.vector_load %arg11[%get3A_610, %get3A_611] {strides = array<i32>} : memref<128x128xf32, #tpu.memory_space<vmem>>, vector<16xf32>,
          %add3A_613 = arith.constant 64 : i32
          %add3A_614 = arith.addi %add3A_613, %mul3A_513 : i32
          %add3A_615 = arith.constant 1 : i32
          %add3A_616 = arith.addi %add3A_614, %add3A_615 : i32
          %get3A_617 = arith.index_cast %add3A_616 : i32 to index
          %get3A_618 = arith.constant 112 : index
          %get3A_619 = tpu.vector_load %arg11[%get3A_617, %get3A_618] {strides = array<i32>} : memref<128x128xf32, #tpu.memory_space<vmem>>, vector<16xf32>,
          %mul3A_620 = arith.mulf %broadcast_in_dim3A_516, %get3A_528 : vector<16xf32>
          %mul3A_621 = arith.mulf %broadcast_in_dim3A_516, %get3A_533 : vector<16xf32>
          %mul3A_622 = arith.mulf %broadcast_in_dim3A_516, %get3A_538 : vector<16xf32>
          %mul3A_623 = arith.mulf %broadcast_in_dim3A_516, %get3A_543 : vector<16xf32>
          %mul3A_624 = arith.mulf %broadcast_in_dim3A_516, %get3A_548 : vector<16xf32>
          %mul3A_625 = arith.mulf %broadcast_in_dim3A_516, %get3A_553 : vector<16xf32>
          %mul3A_626 = arith.mulf %broadcast_in_dim3A_516, %get3A_558 : vector<16xf32>
          %mul3A_627 = arith.mulf %broadcast_in_dim3A_516, %get3A_563 : vector<16xf32>
          %mul3A_628 = arith.mulf %broadcast_in_dim3A_523, %get3A_570 : vector<16xf32>
          %mul3A_629 = arith.mulf %broadcast_in_dim3A_523, %get3A_577 : vector<16xf32>
          %mul3A_630 = arith.mulf %broadcast_in_dim3A_523, %get3A_584 : vector<16xf32>
          %mul3A_631 = arith.mulf %broadcast_in_dim3A_523, %get3A_591 : vector<16xf32>
          %mul3A_632 = arith.mulf %broadcast_in_dim3A_523, %get3A_598 : vector<16xf32>
          %mul3A_633 = arith.mulf %broadcast_in_dim3A_523, %get3A_605 : vector<16xf32>
          %mul3A_634 = arith.mulf %broadcast_in_dim3A_523, %get3A_612 : vector<16xf32>
          %mul3A_635 = arith.mulf %broadcast_in_dim3A_523, %get3A_619 : vector<16xf32>
          %add3A_636 = arith.constant 64 : i32
          %add3A_637 = arith.addi %add3A_636, %mul3A_513 : i32
          %swap3A_638 = arith.index_cast %add3A_637 : i32 to index
          %swap3A_639 = arith.constant 0 : index
          %swap3A_640 = tpu.vector_load %arg12[%swap3A_638, %swap3A_639] {strides = array<i32>} : memref<128x128xf32, #tpu.memory_space<vmem>>, vector<16xf32>,
          tpu.vector_store %arg12[%swap3A_638, %swap3A_639], %mul3A_620 {strides = array<i32>} : memref<128x128xf32, #tpu.memory_space<vmem>>, vector<16xf32>,
          %add3A_641 = arith.constant 64 : i32
          %add3A_642 = arith.addi %add3A_641, %mul3A_513 : i32
          %swap3A_643 = arith.index_cast %add3A_642 : i32 to index
          %swap3A_644 = arith.constant 16 : index
          %swap3A_645 = tpu.vector_load %arg12[%swap3A_643, %swap3A_644] {strides = array<i32>} : memref<128x128xf32, #tpu.memory_space<vmem>>, vector<16xf32>,
          tpu.vector_store %arg12[%swap3A_643, %swap3A_644], %mul3A_621 {strides = array<i32>} : memref<128x128xf32, #tpu.memory_space<vmem>>, vector<16xf32>,
          %add3A_646 = arith.constant 64 : i32
          %add3A_647 = arith.addi %add3A_646, %mul3A_513 : i32
          %swap3A_648 = arith.index_cast %add3A_647 : i32 to index
          %swap3A_649 = arith.constant 32 : index
          %swap3A_650 = tpu.vector_load %arg12[%swap3A_648, %swap3A_649] {strides = array<i32>} : memref<128x128xf32, #tpu.memory_space<vmem>>, vector<16xf32>,
          tpu.vector_store %arg12[%swap3A_648, %swap3A_649], %mul3A_622 {strides = array<i32>} : memref<128x128xf32, #tpu.memory_space<vmem>>, vector<16xf32>,
          %add3A_651 = arith.constant 64 : i32
          %add3A_652 = arith.addi %add3A_651, %mul3A_513 : i32
          %swap3A_653 = arith.index_cast %add3A_652 : i32 to index
          %swap3A_654 = arith.constant 48 : index
          %swap3A_655 = tpu.vector_load %arg12[%swap3A_653, %swap3A_654] {strides = array<i32>} : memref<128x128xf32, #tpu.memory_space<vmem>>, vector<16xf32>,
          tpu.vector_store %arg12[%swap3A_653, %swap3A_654], %mul3A_623 {strides = array<i32>} : memref<128x128xf32, #tpu.memory_space<vmem>>, vector<16xf32>,
          %add3A_656 = arith.constant 64 : i32
          %add3A_657 = arith.addi %add3A_656, %mul3A_513 : i32
          %swap3A_658 = arith.index_cast %add3A_657 : i32 to index
          %swap3A_659 = arith.constant 64 : index
          %swap3A_660 = tpu.vector_load %arg12[%swap3A_658, %swap3A_659] {strides = array<i32>} : memref<128x128xf32, #tpu.memory_space<vmem>>, vector<16xf32>,
          tpu.vector_store %arg12[%swap3A_658, %swap3A_659], %mul3A_624 {strides = array<i32>} : memref<128x128xf32, #tpu.memory_space<vmem>>, vector<16xf32>,
          %add3A_661 = arith.constant 64 : i32
          %add3A_662 = arith.addi %add3A_661, %mul3A_513 : i32
          %swap3A_663 = arith.index_cast %add3A_662 : i32 to index
          %swap3A_664 = arith.constant 80 : index
          %swap3A_665 = tpu.vector_load %arg12[%swap3A_663, %swap3A_664] {strides = array<i32>} : memref<128x128xf32, #tpu.memory_space<vmem>>, vector<16xf32>,
          tpu.vector_store %arg12[%swap3A_663, %swap3A_664], %mul3A_625 {strides = array<i32>} : memref<128x128xf32, #tpu.memory_space<vmem>>, vector<16xf32>,
          %add3A_666 = arith.constant 64 : i32
          %add3A_667 = arith.addi %add3A_666, %mul3A_513 : i32
          %swap3A_668 = arith.index_cast %add3A_667 : i32 to index
          %swap3A_669 = arith.constant 96 : index
          %swap3A_670 = tpu.vector_load %arg12[%swap3A_668, %swap3A_669] {strides = array<i32>} : memref<128x128xf32, #tpu.memory_space<vmem>>, vector<16xf32>,
          tpu.vector_store %arg12[%swap3A_668, %swap3A_669], %mul3A_626 {strides = array<i32>} : memref<128x128xf32, #tpu.memory_space<vmem>>, vector<16xf32>,
          %add3A_671 = arith.constant 64 : i32
          %add3A_672 = arith.addi %add3A_671, %mul3A_513 : i32
          %swap3A_673 = arith.index_cast %add3A_672 : i32 to index
          %swap3A_674 = arith.constant 112 : index
          %swap3A_675 = tpu.vector_load %arg12[%swap3A_673, %swap3A_674] {strides = array<i32>} : memref<128x128xf32, #tpu.memory_space<vmem>>, vector<16xf32>,
          tpu.vector_store %arg12[%swap3A_673, %swap3A_674], %mul3A_627 {strides = array<i32>} : memref<128x128xf32, #tpu.memory_space<vmem>>, vector<16xf32>,
          %add3A_676 = arith.constant 64 : i32
          %add3A_677 = arith.addi %add3A_676, %mul3A_513 : i32
          %add3A_678 = arith.constant 1 : i32
          %add3A_679 = arith.addi %add3A_677, %add3A_678 : i32
          %swap3A_680 = arith.index_cast %add3A_679 : i32 to index
          %swap3A_681 = arith.constant 0 : index
          %swap3A_682 = tpu.vector_load %arg12[%swap3A_680, %swap3A_681] {strides = array<i32>} : memref<128x128xf32, #tpu.memory_space<vmem>>, vector<16xf32>,
          tpu.vector_store %arg12[%swap3A_680, %swap3A_681], %mul3A_628 {strides = array<i32>} : memref<128x128xf32, #tpu.memory_space<vmem>>, vector<16xf32>,
          %add3A_683 = arith.constant 64 : i32
          %add3A_684 = arith.addi %add3A_683, %mul3A_513 : i32
          %add3A_685 = arith.constant 1 : i32
          %add3A_686 = arith.addi %add3A_684, %add3A_685 : i32
          %swap3A_687 = arith.index_cast %add3A_686 : i32 to index
          %swap3A_688 = arith.constant 16 : index
          %swap3A_689 = tpu.vector_load %arg12[%swap3A_687, %swap3A_688] {strides = array<i32>} : memref<128x128xf32, #tpu.memory_space<vmem>>, vector<16xf32>,
          tpu.vector_store %arg12[%swap3A_687, %swap3A_688], %mul3A_629 {strides = array<i32>} : memref<128x128xf32, #tpu.memory_space<vmem>>, vector<16xf32>,
          %add3A_690 = arith.constant 64 : i32
          %add3A_691 = arith.addi %add3A_690, %mul3A_513 : i32
          %add3A_692 = arith.constant 1 : i32
          %add3A_693 = arith.addi %add3A_691, %add3A_692 : i32
          %swap3A_694 = arith.index_cast %add3A_693 : i32 to index
          %swap3A_695 = arith.constant 32 : index
          %swap3A_696 = tpu.vector_load %arg12[%swap3A_694, %swap3A_695] {strides = array<i32>} : memref<128x128xf32, #tpu.memory_space<vmem>>, vector<16xf32>,
          tpu.vector_store %arg12[%swap3A_694, %swap3A_695], %mul3A_630 {strides = array<i32>} : memref<128x128xf32, #tpu.memory_space<vmem>>, vector<16xf32>,
          %add3A_697 = arith.constant 64 : i32
          %add3A_698 = arith.addi %add3A_697, %mul3A_513 : i32
          %add3A_699 = arith.constant 1 : i32
          %add3A_700 = arith.addi %add3A_698, %add3A_699 : i32
          %swap3A_701 = arith.index_cast %add3A_700 : i32 to index
          %swap3A_702 = arith.constant 48 : index
          %swap3A_703 = tpu.vector_load %arg12[%swap3A_701, %swap3A_702] {strides = array<i32>} : memref<128x128xf32, #tpu.memory_space<vmem>>, vector<16xf32>,
          tpu.vector_store %arg12[%swap3A_701, %swap3A_702], %mul3A_631 {strides = array<i32>} : memref<128x128xf32, #tpu.memory_space<vmem>>, vector<16xf32>,
          %add3A_704 = arith.constant 64 : i32
          %add3A_705 = arith.addi %add3A_704, %mul3A_513 : i32
          %add3A_706 = arith.constant 1 : i32
          %add3A_707 = arith.addi %add3A_705, %add3A_706 : i32
          %swap3A_708 = arith.index_cast %add3A_707 : i32 to index
          %swap3A_709 = arith.constant 64 : index
          %swap3A_710 = tpu.vector_load %arg12[%swap3A_708, %swap3A_709] {strides = array<i32>} : memref<128x128xf32, #tpu.memory_space<vmem>>, vector<16xf32>,
          tpu.vector_store %arg12[%swap3A_708, %swap3A_709], %mul3A_632 {strides = array<i32>} : memref<128x128xf32, #tpu.memory_space<vmem>>, vector<16xf32>,
          %add3A_711 = arith.constant 64 : i32
          %add3A_712 = arith.addi %add3A_711, %mul3A_513 : i32
          %add3A_713 = arith.constant 1 : i32
          %add3A_714 = arith.addi %add3A_712, %add3A_713 : i32
          %swap3A_715 = arith.index_cast %add3A_714 : i32 to index
          %swap3A_716 = arith.constant 80 : index
          %swap3A_717 = tpu.vector_load %arg12[%swap3A_715, %swap3A_716] {strides = array<i32>} : memref<128x128xf32, #tpu.memory_space<vmem>>, vector<16xf32>,
          tpu.vector_store %arg12[%swap3A_715, %swap3A_716], %mul3A_633 {strides = array<i32>} : memref<128x128xf32, #tpu.memory_space<vmem>>, vector<16xf32>,
          %add3A_718 = arith.constant 64 : i32
          %add3A_719 = arith.addi %add3A_718, %mul3A_513 : i32
          %add3A_720 = arith.constant 1 : i32
          %add3A_721 = arith.addi %add3A_719, %add3A_720 : i32
          %swap3A_722 = arith.index_cast %add3A_721 : i32 to index
          %swap3A_723 = arith.constant 96 : index
          %swap3A_724 = tpu.vector_load %arg12[%swap3A_722, %swap3A_723] {strides = array<i32>} : memref<128x128xf32, #tpu.memory_space<vmem>>, vector<16xf32>,
          tpu.vector_store %arg12[%swap3A_722, %swap3A_723], %mul3A_634 {strides = array<i32>} : memref<128x128xf32, #tpu.memory_space<vmem>>, vector<16xf32>,
          %add3A_725 = arith.constant 64 : i32
          %add3A_726 = arith.addi %add3A_725, %mul3A_513 : i32
          %add3A_727 = arith.constant 1 : i32
          %add3A_728 = arith.addi %add3A_726, %add3A_727 : i32
          %swap3A_729 = arith.index_cast %add3A_728 : i32 to index
          %swap3A_730 = arith.constant 112 : index
          %swap3A_731 = tpu.vector_load %arg12[%swap3A_729, %swap3A_730] {strides = array<i32>} : memref<128x128xf32, #tpu.memory_space<vmem>>, vector<16xf32>,
          tpu.vector_store %arg12[%swap3A_729, %swap3A_730], %mul3A_635 {strides = array<i32>} : memref<128x128xf32, #tpu.memory_space<vmem>>, vector<16xf32>,
          %scan3A_732 = arith.constant 1 : i32
          %scan3A_733 = arith.addi %scan3A_507, %scan3A_732 : i32
          %mul3A_734 = arith.constant 1 : i32
          %mul3A_735 = arith.muli %scan3A_733, %mul3A_734 : i32
          %add3A_736 = arith.constant 0 : i32
          %add3A_737 = arith.addi %add3A_736, %mul3A_735 : i32
          %mul3A_738 = arith.constant 2 : i32
          %mul3A_739 = arith.muli %mul3A_738, %add3A_737 : i32
          %get3A_740 = arith.index_cast %mul3A_739 : i32 to index
          %get3A_741 = tpu.vector_load %arg18[%get3A_740] {strides = array<i32>} : memref<80xf32, #tpu.memory_space<vmem>>, vector<16xf32>,
          %slice3A_742 = vector.extract_strided_slice %get3A_741 {offsets = [0], sizes = [1], strides = [1]} : vector<16xf32> to vector<1xf32>
          %squeeze3A_743 = vector.extract %slice3A_742[0] : f32 from vector<1xf32>
          %broadcast_in_dim3A_744 = vector.broadcast %squeeze3A_743 : f32 to vector<16xf32>
          %add3A_745 = arith.constant 1 : i32
          %add3A_746 = arith.addi %mul3A_739, %add3A_745 : i32
          %get3A_747 = arith.index_cast %add3A_746 : i32 to index
          %get3A_748 = tpu.vector_load %arg18[%get3A_747] {strides = array<i32>} : memref<80xf32, #tpu.memory_space<vmem>>, vector<16xf32>,
          %slice3A_749 = vector.extract_strided_slice %get3A_748 {offsets = [0], sizes = [1], strides = [1]} : vector<16xf32> to vector<1xf32>
          %squeeze3A_750 = vector.extract %slice3A_749[0] : f32 from vector<1xf32>
          %broadcast_in_dim3A_751 = vector.broadcast %squeeze3A_750 : f32 to vector<16xf32>
          %add3A_752 = arith.constant 64 : i32
          %add3A_753 = arith.addi %add3A_752, %mul3A_739 : i32
          %get3A_754 = arith.index_cast %add3A_753 : i32 to index
          %get3A_755 = arith.constant 0 : index
          %get3A_756 = tpu.vector_load %arg11[%get3A_754, %get3A_755] {strides = array<i32>} : memref<128x128xf32, #tpu.memory_space<vmem>>, vector<16xf32>,
          %add3A_757 = arith.constant 64 : i32
          %add3A_758 = arith.addi %add3A_757, %mul3A_739 : i32
          %get3A_759 = arith.index_cast %add3A_758 : i32 to index
          %get3A_760 = arith.constant 16 : index
          %get3A_761 = tpu.vector_load %arg11[%get3A_759, %get3A_760] {strides = array<i32>} : memref<128x128xf32, #tpu.memory_space<vmem>>, vector<16xf32>,
          %add3A_762 = arith.constant 64 : i32
          %add3A_763 = arith.addi %add3A_762, %mul3A_739 : i32
          %get3A_764 = arith.index_cast %add3A_763 : i32 to index
          %get3A_765 = arith.constant 32 : index
          %get3A_766 = tpu.vector_load %arg11[%get3A_764, %get3A_765] {strides = array<i32>} : memref<128x128xf32, #tpu.memory_space<vmem>>, vector<16xf32>,
          %add3A_767 = arith.constant 64 : i32
          %add3A_768 = arith.addi %add3A_767, %mul3A_739 : i32
          %get3A_769 = arith.index_cast %add3A_768 : i32 to index
          %get3A_770 = arith.constant 48 : index
          %get3A_771 = tpu.vector_load %arg11[%get3A_769, %get3A_770] {strides = array<i32>} : memref<128x128xf32, #tpu.memory_space<vmem>>, vector<16xf32>,
          %add3A_772 = arith.constant 64 : i32
          %add3A_773 = arith.addi %add3A_772, %mul3A_739 : i32
          %get3A_774 = arith.index_cast %add3A_773 : i32 to index
          %get3A_775 = arith.constant 64 : index
          %get3A_776 = tpu.vector_load %arg11[%get3A_774, %get3A_775] {strides = array<i32>} : memref<128x128xf32, #tpu.memory_space<vmem>>, vector<16xf32>,
          %add3A_777 = arith.constant 64 : i32
          %add3A_778 = arith.addi %add3A_777, %mul3A_739 : i32
          %get3A_779 = arith.index_cast %add3A_778 : i32 to index
          %get3A_780 = arith.constant 80 : index
          %get3A_781 = tpu.vector_load %arg11[%get3A_779, %get3A_780] {strides = array<i32>} : memref<128x128xf32, #tpu.memory_space<vmem>>, vector<16xf32>,
          %add3A_782 = arith.constant 64 : i32
          %add3A_783 = arith.addi %add3A_782, %mul3A_739 : i32
          %get3A_784 = arith.index_cast %add3A_783 : i32 to index
          %get3A_785 = arith.constant 96 : index
          %get3A_786 = tpu.vector_load %arg11[%get3A_784, %get3A_785] {strides = array<i32>} : memref<128x128xf32, #tpu.memory_space<vmem>>, vector<16xf32>,
          %add3A_787 = arith.constant 64 : i32
          %add3A_788 = arith.addi %add3A_787, %mul3A_739 : i32
          %get3A_789 = arith.index_cast %add3A_788 : i32 to index
          %get3A_790 = arith.constant 112 : index
          %get3A_791 = tpu.vector_load %arg11[%get3A_789, %get3A_790] {strides = array<i32>} : memref<128x128xf32, #tpu.memory_space<vmem>>, vector<16xf32>,
          %add3A_792 = arith.constant 64 : i32
          %add3A_793 = arith.addi %add3A_792, %mul3A_739 : i32
          %add3A_794 = arith.constant 1 : i32
          %add3A_795 = arith.addi %add3A_793, %add3A_794 : i32
          %get3A_796 = arith.index_cast %add3A_795 : i32 to index
          %get3A_797 = arith.constant 0 : index
          %get3A_798 = tpu.vector_load %arg11[%get3A_796, %get3A_797] {strides = array<i32>} : memref<128x128xf32, #tpu.memory_space<vmem>>, vector<16xf32>,
          %add3A_799 = arith.constant 64 : i32
          %add3A_800 = arith.addi %add3A_799, %mul3A_739 : i32
          %add3A_801 = arith.constant 1 : i32
          %add3A_802 = arith.addi %add3A_800, %add3A_801 : i32
          %get3A_803 = arith.index_cast %add3A_802 : i32 to index
          %get3A_804 = arith.constant 16 : index
          %get3A_805 = tpu.vector_load %arg11[%get3A_803, %get3A_804] {strides = array<i32>} : memref<128x128xf32, #tpu.memory_space<vmem>>, vector<16xf32>,
          %add3A_806 = arith.constant 64 : i32
          %add3A_807 = arith.addi %add3A_806, %mul3A_739 : i32
          %add3A_808 = arith.constant 1 : i32
          %add3A_809 = arith.addi %add3A_807, %add3A_808 : i32
          %get3A_810 = arith.index_cast %add3A_809 : i32 to index
          %get3A_811 = arith.constant 32 : index
          %get3A_812 = tpu.vector_load %arg11[%get3A_810, %get3A_811] {strides = array<i32>} : memref<128x128xf32, #tpu.memory_space<vmem>>, vector<16xf32>,
          %add3A_813 = arith.constant 64 : i32
          %add3A_814 = arith.addi %add3A_813, %mul3A_739 : i32
          %add3A_815 = arith.constant 1 : i32
          %add3A_816 = arith.addi %add3A_814, %add3A_815 : i32
          %get3A_817 = arith.index_cast %add3A_816 : i32 to index
          %get3A_818 = arith.constant 48 : index
          %get3A_819 = tpu.vector_load %arg11[%get3A_817, %get3A_818] {strides = array<i32>} : memref<128x128xf32, #tpu.memory_space<vmem>>, vector<16xf32>,
          %add3A_820 = arith.constant 64 : i32
          %add3A_821 = arith.addi %add3A_820, %mul3A_739 : i32
          %add3A_822 = arith.constant 1 : i32
          %add3A_823 = arith.addi %add3A_821, %add3A_822 : i32
          %get3A_824 = arith.index_cast %add3A_823 : i32 to index
          %get3A_825 = arith.constant 64 : index
          %get3A_826 = tpu.vector_load %arg11[%get3A_824, %get3A_825] {strides = array<i32>} : memref<128x128xf32, #tpu.memory_space<vmem>>, vector<16xf32>,
          %add3A_827 = arith.constant 64 : i32
          %add3A_828 = arith.addi %add3A_827, %mul3A_739 : i32
          %add3A_829 = arith.constant 1 : i32
          %add3A_830 = arith.addi %add3A_828, %add3A_829 : i32
          %get3A_831 = arith.index_cast %add3A_830 : i32 to index
          %get3A_832 = arith.constant 80 : index
          %get3A_833 = tpu.vector_load %arg11[%get3A_831, %get3A_832] {strides = array<i32>} : memref<128x128xf32, #tpu.memory_space<vmem>>, vector<16xf32>,
          %add3A_834 = arith.constant 64 : i32
          %add3A_835 = arith.addi %add3A_834, %mul3A_739 : i32
          %add3A_836 = arith.constant 1 : i32
          %add3A_837 = arith.addi %add3A_835, %add3A_836 : i32
          %get3A_838 = arith.index_cast %add3A_837 : i32 to index
          %get3A_839 = arith.constant 96 : index
          %get3A_840 = tpu.vector_load %arg11[%get3A_838, %get3A_839] {strides = array<i32>} : memref<128x128xf32, #tpu.memory_space<vmem>>, vector<16xf32>,
          %add3A_841 = arith.constant 64 : i32
          %add3A_842 = arith.addi %add3A_841, %mul3A_739 : i32
          %add3A_843 = arith.constant 1 : i32
          %add3A_844 = arith.addi %add3A_842, %add3A_843 : i32
          %get3A_845 = arith.index_cast %add3A_844 : i32 to index
          %get3A_846 = arith.constant 112 : index
          %get3A_847 = tpu.vector_load %arg11[%get3A_845, %get3A_846] {strides = array<i32>} : memref<128x128xf32, #tpu.memory_space<vmem>>, vector<16xf32>,
          %mul3A_848 = arith.mulf %broadcast_in_dim3A_744, %get3A_756 : vector<16xf32>
          %mul3A_849 = arith.mulf %broadcast_in_dim3A_744, %get3A_761 : vector<16xf32>
          %mul3A_850 = arith.mulf %broadcast_in_dim3A_744, %get3A_766 : vector<16xf32>
          %mul3A_851 = arith.mulf %broadcast_in_dim3A_744, %get3A_771 : vector<16xf32>
          %mul3A_852 = arith.mulf %broadcast_in_dim3A_744, %get3A_776 : vector<16xf32>
          %mul3A_853 = arith.mulf %broadcast_in_dim3A_744, %get3A_781 : vector<16xf32>
          %mul3A_854 = arith.mulf %broadcast_in_dim3A_744, %get3A_786 : vector<16xf32>
          %mul3A_855 = arith.mulf %broadcast_in_dim3A_744, %get3A_791 : vector<16xf32>
          %mul3A_856 = arith.mulf %broadcast_in_dim3A_751, %get3A_798 : vector<16xf32>
          %mul3A_857 = arith.mulf %broadcast_in_dim3A_751, %get3A_805 : vector<16xf32>
          %mul3A_858 = arith.mulf %broadcast_in_dim3A_751, %get3A_812 : vector<16xf32>
          %mul3A_859 = arith.mulf %broadcast_in_dim3A_751, %get3A_819 : vector<16xf32>
          %mul3A_860 = arith.mulf %broadcast_in_dim3A_751, %get3A_826 : vector<16xf32>
          %mul3A_861 = arith.mulf %broadcast_in_dim3A_751, %get3A_833 : vector<16xf32>
          %mul3A_862 = arith.mulf %broadcast_in_dim3A_751, %get3A_840 : vector<16xf32>
          %mul3A_863 = arith.mulf %broadcast_in_dim3A_751, %get3A_847 : vector<16xf32>
          %add3A_864 = arith.constant 64 : i32
          %add3A_865 = arith.addi %add3A_864, %mul3A_739 : i32
          %swap3A_866 = arith.index_cast %add3A_865 : i32 to index
          %swap3A_867 = arith.constant 0 : index
          %swap3A_868 = tpu.vector_load %arg12[%swap3A_866, %swap3A_867] {strides = array<i32>} : memref<128x128xf32, #tpu.memory_space<vmem>>, vector<16xf32>,
          tpu.vector_store %arg12[%swap3A_866, %swap3A_867], %mul3A_848 {strides = array<i32>} : memref<128x128xf32, #tpu.memory_space<vmem>>, vector<16xf32>,
          %add3A_869 = arith.constant 64 : i32
          %add3A_870 = arith.addi %add3A_869, %mul3A_739 : i32
          %swap3A_871 = arith.index_cast %add3A_870 : i32 to index
          %swap3A_872 = arith.constant 16 : index
          %swap3A_873 = tpu.vector_load %arg12[%swap3A_871, %swap3A_872] {strides = array<i32>} : memref<128x128xf32, #tpu.memory_space<vmem>>, vector<16xf32>,
          tpu.vector_store %arg12[%swap3A_871, %swap3A_872], %mul3A_849 {strides = array<i32>} : memref<128x128xf32, #tpu.memory_space<vmem>>, vector<16xf32>,
          %add3A_874 = arith.constant 64 : i32
          %add3A_875 = arith.addi %add3A_874, %mul3A_739 : i32
          %swap3A_876 = arith.index_cast %add3A_875 : i32 to index
          %swap3A_877 = arith.constant 32 : index
          %swap3A_878 = tpu.vector_load %arg12[%swap3A_876, %swap3A_877] {strides = array<i32>} : memref<128x128xf32, #tpu.memory_space<vmem>>, vector<16xf32>,
          tpu.vector_store %arg12[%swap3A_876, %swap3A_877], %mul3A_850 {strides = array<i32>} : memref<128x128xf32, #tpu.memory_space<vmem>>, vector<16xf32>,
          %add3A_879 = arith.constant 64 : i32
          %add3A_880 = arith.addi %add3A_879, %mul3A_739 : i32
          %swap3A_881 = arith.index_cast %add3A_880 : i32 to index
          %swap3A_882 = arith.constant 48 : index
          %swap3A_883 = tpu.vector_load %arg12[%swap3A_881, %swap3A_882] {strides = array<i32>} : memref<128x128xf32, #tpu.memory_space<vmem>>, vector<16xf32>,
          tpu.vector_store %arg12[%swap3A_881, %swap3A_882], %mul3A_851 {strides = array<i32>} : memref<128x128xf32, #tpu.memory_space<vmem>>, vector<16xf32>,
          %add3A_884 = arith.constant 64 : i32
          %add3A_885 = arith.addi %add3A_884, %mul3A_739 : i32
          %swap3A_886 = arith.index_cast %add3A_885 : i32 to index
          %swap3A_887 = arith.constant 64 : index
          %swap3A_888 = tpu.vector_load %arg12[%swap3A_886, %swap3A_887] {strides = array<i32>} : memref<128x128xf32, #tpu.memory_space<vmem>>, vector<16xf32>,
          tpu.vector_store %arg12[%swap3A_886, %swap3A_887], %mul3A_852 {strides = array<i32>} : memref<128x128xf32, #tpu.memory_space<vmem>>, vector<16xf32>,
          %add3A_889 = arith.constant 64 : i32
          %add3A_890 = arith.addi %add3A_889, %mul3A_739 : i32
          %swap3A_891 = arith.index_cast %add3A_890 : i32 to index
          %swap3A_892 = arith.constant 80 : index
          %swap3A_893 = tpu.vector_load %arg12[%swap3A_891, %swap3A_892] {strides = array<i32>} : memref<128x128xf32, #tpu.memory_space<vmem>>, vector<16xf32>,
          tpu.vector_store %arg12[%swap3A_891, %swap3A_892], %mul3A_853 {strides = array<i32>} : memref<128x128xf32, #tpu.memory_space<vmem>>, vector<16xf32>,
          %add3A_894 = arith.constant 64 : i32
          %add3A_895 = arith.addi %add3A_894, %mul3A_739 : i32
          %swap3A_896 = arith.index_cast %add3A_895 : i32 to index
          %swap3A_897 = arith.constant 96 : index
          %swap3A_898 = tpu.vector_load %arg12[%swap3A_896, %swap3A_897] {strides = array<i32>} : memref<128x128xf32, #tpu.memory_space<vmem>>, vector<16xf32>,
          tpu.vector_store %arg12[%swap3A_896, %swap3A_897], %mul3A_854 {strides = array<i32>} : memref<128x128xf32, #tpu.memory_space<vmem>>, vector<16xf32>,
          %add3A_899 = arith.constant 64 : i32
          %add3A_900 = arith.addi %add3A_899, %mul3A_739 : i32
          %swap3A_901 = arith.index_cast %add3A_900 : i32 to index
          %swap3A_902 = arith.constant 112 : index
          %swap3A_903 = tpu.vector_load %arg12[%swap3A_901, %swap3A_902] {strides = array<i32>} : memref<128x128xf32, #tpu.memory_space<vmem>>, vector<16xf32>,
          tpu.vector_store %arg12[%swap3A_901, %swap3A_902], %mul3A_855 {strides = array<i32>} : memref<128x128xf32, #tpu.memory_space<vmem>>, vector<16xf32>,
          %add3A_904 = arith.constant 64 : i32
          %add3A_905 = arith.addi %add3A_904, %mul3A_739 : i32
          %add3A_906 = arith.constant 1 : i32
          %add3A_907 = arith.addi %add3A_905, %add3A_906 : i32
          %swap3A_908 = arith.index_cast %add3A_907 : i32 to index
          %swap3A_909 = arith.constant 0 : index
          %swap3A_910 = tpu.vector_load %arg12[%swap3A_908, %swap3A_909] {strides = array<i32>} : memref<128x128xf32, #tpu.memory_space<vmem>>, vector<16xf32>,
          tpu.vector_store %arg12[%swap3A_908, %swap3A_909], %mul3A_856 {strides = array<i32>} : memref<128x128xf32, #tpu.memory_space<vmem>>, vector<16xf32>,
          %add3A_911 = arith.constant 64 : i32
          %add3A_912 = arith.addi %add3A_911, %mul3A_739 : i32
          %add3A_913 = arith.constant 1 : i32
          %add3A_914 = arith.addi %add3A_912, %add3A_913 : i32
          %swap3A_915 = arith.index_cast %add3A_914 : i32 to index
          %swap3A_916 = arith.constant 16 : index
          %swap3A_917 = tpu.vector_load %arg12[%swap3A_915, %swap3A_916] {strides = array<i32>} : memref<128x128xf32, #tpu.memory_space<vmem>>, vector<16xf32>,
          tpu.vector_store %arg12[%swap3A_915, %swap3A_916], %mul3A_857 {strides = array<i32>} : memref<128x128xf32, #tpu.memory_space<vmem>>, vector<16xf32>,
          %add3A_918 = arith.constant 64 : i32
          %add3A_919 = arith.addi %add3A_918, %mul3A_739 : i32
          %add3A_920 = arith.constant 1 : i32
          %add3A_921 = arith.addi %add3A_919, %add3A_920 : i32
          %swap3A_922 = arith.index_cast %add3A_921 : i32 to index
          %swap3A_923 = arith.constant 32 : index
          %swap3A_924 = tpu.vector_load %arg12[%swap3A_922, %swap3A_923] {strides = array<i32>} : memref<128x128xf32, #tpu.memory_space<vmem>>, vector<16xf32>,
          tpu.vector_store %arg12[%swap3A_922, %swap3A_923], %mul3A_858 {strides = array<i32>} : memref<128x128xf32, #tpu.memory_space<vmem>>, vector<16xf32>,
          %add3A_925 = arith.constant 64 : i32
          %add3A_926 = arith.addi %add3A_925, %mul3A_739 : i32
          %add3A_927 = arith.constant 1 : i32
          %add3A_928 = arith.addi %add3A_926, %add3A_927 : i32
          %swap3A_929 = arith.index_cast %add3A_928 : i32 to index
          %swap3A_930 = arith.constant 48 : index
          %swap3A_931 = tpu.vector_load %arg12[%swap3A_929, %swap3A_930] {strides = array<i32>} : memref<128x128xf32, #tpu.memory_space<vmem>>, vector<16xf32>,
          tpu.vector_store %arg12[%swap3A_929, %swap3A_930], %mul3A_859 {strides = array<i32>} : memref<128x128xf32, #tpu.memory_space<vmem>>, vector<16xf32>,
          %add3A_932 = arith.constant 64 : i32
          %add3A_933 = arith.addi %add3A_932, %mul3A_739 : i32
          %add3A_934 = arith.constant 1 : i32
          %add3A_935 = arith.addi %add3A_933, %add3A_934 : i32
          %swap3A_936 = arith.index_cast %add3A_935 : i32 to index
          %swap3A_937 = arith.constant 64 : index
          %swap3A_938 = tpu.vector_load %arg12[%swap3A_936, %swap3A_937] {strides = array<i32>} : memref<128x128xf32, #tpu.memory_space<vmem>>, vector<16xf32>,
          tpu.vector_store %arg12[%swap3A_936, %swap3A_937], %mul3A_860 {strides = array<i32>} : memref<128x128xf32, #tpu.memory_space<vmem>>, vector<16xf32>,
          %add3A_939 = arith.constant 64 : i32
          %add3A_940 = arith.addi %add3A_939, %mul3A_739 : i32
          %add3A_941 = arith.constant 1 : i32
          %add3A_942 = arith.addi %add3A_940, %add3A_941 : i32
          %swap3A_943 = arith.index_cast %add3A_942 : i32 to index
          %swap3A_944 = arith.constant 80 : index
          %swap3A_945 = tpu.vector_load %arg12[%swap3A_943, %swap3A_944] {strides = array<i32>} : memref<128x128xf32, #tpu.memory_space<vmem>>, vector<16xf32>,
          tpu.vector_store %arg12[%swap3A_943, %swap3A_944], %mul3A_861 {strides = array<i32>} : memref<128x128xf32, #tpu.memory_space<vmem>>, vector<16xf32>,
          %add3A_946 = arith.constant 64 : i32
          %add3A_947 = arith.addi %add3A_946, %mul3A_739 : i32
          %add3A_948 = arith.constant 1 : i32
          %add3A_949 = arith.addi %add3A_947, %add3A_948 : i32
          %swap3A_950 = arith.index_cast %add3A_949 : i32 to index
          %swap3A_951 = arith.constant 96 : index
          %swap3A_952 = tpu.vector_load %arg12[%swap3A_950, %swap3A_951] {strides = array<i32>} : memref<128x128xf32, #tpu.memory_space<vmem>>, vector<16xf32>,
          tpu.vector_store %arg12[%swap3A_950, %swap3A_951], %mul3A_862 {strides = array<i32>} : memref<128x128xf32, #tpu.memory_space<vmem>>, vector<16xf32>,
          %add3A_953 = arith.constant 64 : i32
          %add3A_954 = arith.addi %add3A_953, %mul3A_739 : i32
          %add3A_955 = arith.constant 1 : i32
          %add3A_956 = arith.addi %add3A_954, %add3A_955 : i32
          %swap3A_957 = arith.index_cast %add3A_956 : i32 to index
          %swap3A_958 = arith.constant 112 : index
          %swap3A_959 = tpu.vector_load %arg12[%swap3A_957, %swap3A_958] {strides = array<i32>} : memref<128x128xf32, #tpu.memory_space<vmem>>, vector<16xf32>,
          tpu.vector_store %arg12[%swap3A_957, %swap3A_958], %mul3A_863 {strides = array<i32>} : memref<128x128xf32, #tpu.memory_space<vmem>>, vector<16xf32>,
        }
        %scan3A_490 = arith.constant 32 : i32
        %dma_start3A_491 = arith.constant 64 : i32
        %dma_start3A_492 = arith.constant 0 : i32
        %dma_start3A_493 = tpu.memref_slice %arg12[%dma_start3A_491, %dma_start3A_492] : memref<128x128xf32, #tpu.memory_space<vmem>> -> memref<64x128xf32, #tpu.memory_space<vmem>>
        %dma_start3A_494 = arith.constant 0 : i32
        %dma_start3A_495 = arith.constant 0 : i32
        %dma_start3A_496 = tpu.memref_slice %arg30[%dma_start3A_494, %dma_start3A_495] : memref<5632x128xf32, #tpu.memory_space<vmem_shared>> -> memref<5632x128xf32, #tpu.memory_space<vmem_shared>>
        tpu.enqueue_indirect_dma source(%dma_start3A_493 : memref<64x128xf32, #tpu.memory_space<vmem>>) target(%dma_start3A_496 : memref<5632x128xf32, #tpu.memory_space<vmem_shared>>) offsets(%arg16 : memref<64xi32, #tpu.memory_space<vmem>>) semaphore(%arg27 : memref<!tpu.dma_semaphore, #tpu.memory_space<semaphore_mem>>) {add = true}
        %dma_start3A_497 = arith.constant 0 : i32
        %dma_start3A_498 = tpu.memref_slice %arg18[%dma_start3A_497] : memref<80xf32, #tpu.memory_space<vmem>> -> memref<64xf32, #tpu.memory_space<vmem>>
        %dma_start3A_499 = arith.constant 0 : i32
        %dma_start3A_500 = tpu.memref_slice %arg31[%dma_start3A_499] : memref<5632xf32, #tpu.memory_space<vmem_shared>> -> memref<5632xf32, #tpu.memory_space<vmem_shared>>
        tpu.enqueue_indirect_dma source(%dma_start3A_498 : memref<64xf32, #tpu.memory_space<vmem>>) target(%dma_start3A_500 : memref<5632xf32, #tpu.memory_space<vmem_shared>>) offsets(%arg16 : memref<64xi32, #tpu.memory_space<vmem>>) semaphore(%arg29 : memref<!tpu.dma_semaphore, #tpu.memory_space<semaphore_mem>>) {add = true}
        %add3A_501 = arith.constant 2 : i32
        %add3A_502 = arith.addi %add3A_229, %add3A_501 : i32
        %lt3A_503 = arith.cmpi slt, %add3A_502, %select_n3A : i32
        %convert_element_type3A_504 = arith.extui %lt3A_503 : i1 to i32
        %cond3A_505 = arith.constant 0 : i32
        %cond3A_506 = arith.cmpi ne, %convert_element_type3A_504, %cond3A_505 : i32
        scf.if %cond3A_506 {
          %add3A_507 = arith.constant 2 : i32
          %add3A_508 = arith.addi %add3A_229, %add3A_507 : i32
          %mul3A_509 = arith.constant 64 : i32
          %mul3A_510 = arith.muli %add3A_508, %mul3A_509 : i32
          %add3A_511 = arith.constant 0 : i32
          %add3A_512 = arith.addi %mul3A_510, %add3A_511 : i32
          %get3A_513 = arith.index_cast %add3A_512 : i32 to index
          %get3A_514 = tpu.vector_load %arg10[%get3A_513] {strides = array<i32>} : memref<20640xi32, #tpu.memory_space<vmem>>, vector<16xi32>,
          %shift_right_logical3A = arith.shrui %get3A_514, %add3A_10 : vector<16xi32>
          %swap3A_515 = arith.constant 0 : index
          %swap3A_516 = tpu.vector_load %arg14[%swap3A_515] {strides = array<i32>} : memref<64xi32, #tpu.memory_space<vmem>>, vector<16xi32>,
          tpu.vector_store %arg14[%swap3A_515], %shift_right_logical3A {strides = array<i32>} : memref<64xi32, #tpu.memory_space<vmem>>, vector<16xi32>,
          %add3A_517 = arith.constant 16 : i32
          %add3A_518 = arith.addi %mul3A_510, %add3A_517 : i32
          %get3A_519 = arith.index_cast %add3A_518 : i32 to index
          %get3A_520 = tpu.vector_load %arg10[%get3A_519] {strides = array<i32>} : memref<20640xi32, #tpu.memory_space<vmem>>, vector<16xi32>,
          %shift_right_logical3A_521 = arith.shrui %get3A_520, %add3A_10 : vector<16xi32>
          %swap3A_522 = arith.constant 16 : index
          %swap3A_523 = tpu.vector_load %arg14[%swap3A_522] {strides = array<i32>} : memref<64xi32, #tpu.memory_space<vmem>>, vector<16xi32>,
          tpu.vector_store %arg14[%swap3A_522], %shift_right_logical3A_521 {strides = array<i32>} : memref<64xi32, #tpu.memory_space<vmem>>, vector<16xi32>,
          %add3A_524 = arith.constant 32 : i32
          %add3A_525 = arith.addi %mul3A_510, %add3A_524 : i32
          %get3A_526 = arith.index_cast %add3A_525 : i32 to index
          %get3A_527 = tpu.vector_load %arg10[%get3A_526] {strides = array<i32>} : memref<20640xi32, #tpu.memory_space<vmem>>, vector<16xi32>,
          %shift_right_logical3A_528 = arith.shrui %get3A_527, %add3A_10 : vector<16xi32>
          %swap3A_529 = arith.constant 32 : index
          %swap3A_530 = tpu.vector_load %arg14[%swap3A_529] {strides = array<i32>} : memref<64xi32, #tpu.memory_space<vmem>>, vector<16xi32>,
          tpu.vector_store %arg14[%swap3A_529], %shift_right_logical3A_528 {strides = array<i32>} : memref<64xi32, #tpu.memory_space<vmem>>, vector<16xi32>,
          %add3A_531 = arith.constant 48 : i32
          %add3A_532 = arith.addi %mul3A_510, %add3A_531 : i32
          %get3A_533 = arith.index_cast %add3A_532 : i32 to index
          %get3A_534 = tpu.vector_load %arg10[%get3A_533] {strides = array<i32>} : memref<20640xi32, #tpu.memory_space<vmem>>, vector<16xi32>,
          %shift_right_logical3A_535 = arith.shrui %get3A_534, %add3A_10 : vector<16xi32>
          %swap3A_536 = arith.constant 48 : index
          %swap3A_537 = tpu.vector_load %arg14[%swap3A_536] {strides = array<i32>} : memref<64xi32, #tpu.memory_space<vmem>>, vector<16xi32>,
          tpu.vector_store %arg14[%swap3A_536], %shift_right_logical3A_535 {strides = array<i32>} : memref<64xi32, #tpu.memory_space<vmem>>, vector<16xi32>,
          %dma_start3A_538 = arith.constant 64 : i32
          %dma_start3A_539 = arith.constant 0 : i32
          %dma_start3A_540 = tpu.memref_slice %arg11[%dma_start3A_538, %dma_start3A_539] : memref<128x128xf32, #tpu.memory_space<vmem>> -> memref<64x128xf32, #tpu.memory_space<vmem>>
          %dma_start3A_541 = arith.constant 0 : i32
          %dma_start3A_542 = arith.constant 0 : i32
          %dma_start3A_543 = tpu.memref_slice %arg2[%dma_start3A_541, %dma_start3A_542] : memref<80000x128xf32, #tpu.memory_space<hbm>> -> memref<80000x128xf32, #tpu.memory_space<hbm>>
          tpu.enqueue_indirect_dma source(%dma_start3A_543 : memref<80000x128xf32, #tpu.memory_space<hbm>>) target(%dma_start3A_540 : memref<64x128xf32, #tpu.memory_space<vmem>>) offsets(%arg14 : memref<64xi32, #tpu.memory_space<vmem>>) semaphore(%arg23 : memref<!tpu.dma_semaphore, #tpu.memory_space<semaphore_mem>>)
          %dma_start3A_544 = arith.constant 0 : i32
          %dma_start3A_545 = tpu.memref_slice %arg3[%dma_start3A_544] : memref<80000xf32, #tpu.memory_space<hbm>> -> memref<80000xf32, #tpu.memory_space<hbm>>
          tpu.enqueue_indirect_dma source(%dma_start3A_545 : memref<80000xf32, #tpu.memory_space<hbm>>) target(%arg20 : memref<64xf32, #tpu.memory_space<vmem>>) offsets(%arg14 : memref<64xi32, #tpu.memory_space<vmem>>) semaphore(%arg25 : memref<!tpu.dma_semaphore, #tpu.memory_space<semaphore_mem>>)
        } else {
        }
      } else {
      }
    }
    %gt3A_201 = arith.constant 0 : i32
    %gt3A_202 = arith.cmpi sgt, %select_n3A, %gt3A_201 : i32
    %convert_element_type3A_203 = arith.extui %gt3A_202 : i1 to i32
    %cond3A_204 = arith.constant 0 : i32
    %cond3A_205 = arith.cmpi ne, %convert_element_type3A_203, %cond3A_204 : i32
    scf.if %cond3A_205 {
      %dma_wait3A = arith.constant 0 : i32
      %dma_wait3A_221 = arith.constant 0 : i32
      %dma_wait3A_222 = tpu.memref_slice %arg12[%dma_wait3A, %dma_wait3A_221] : memref<128x128xf32, #tpu.memory_space<vmem>> -> memref<64x128xf32, #tpu.memory_space<vmem>>
      %dma_wait3A_223 = arith.constant 0 : i32
      %dma_wait3A_224 = arith.constant 0 : i32
      %dma_wait3A_225 = tpu.memref_slice %arg30[%dma_wait3A_223, %dma_wait3A_224] : memref<5632x128xf32, #tpu.memory_space<vmem_shared>> -> memref<5632x128xf32, #tpu.memory_space<vmem_shared>>
      tpu.wait_indirect_dma semaphore(%arg26 : memref<!tpu.dma_semaphore, #tpu.memory_space<semaphore_mem>>) src(%dma_wait3A_222 : memref<64x128xf32, #tpu.memory_space<vmem>>) dst(%dma_wait3A_225 : memref<5632x128xf32, #tpu.memory_space<vmem_shared>>)
      %dma_wait3A_226 = arith.constant 0 : i32
      %dma_wait3A_227 = tpu.memref_slice %arg17[%dma_wait3A_226] : memref<80xf32, #tpu.memory_space<vmem>> -> memref<64xf32, #tpu.memory_space<vmem>>
      %dma_wait3A_228 = arith.constant 0 : i32
      %dma_wait3A_229 = tpu.memref_slice %arg31[%dma_wait3A_228] : memref<5632xf32, #tpu.memory_space<vmem_shared>> -> memref<5632xf32, #tpu.memory_space<vmem_shared>>
      tpu.wait_indirect_dma semaphore(%arg28 : memref<!tpu.dma_semaphore, #tpu.memory_space<semaphore_mem>>) src(%dma_wait3A_227 : memref<64xf32, #tpu.memory_space<vmem>>) dst(%dma_wait3A_229 : memref<5632xf32, #tpu.memory_space<vmem_shared>>)
    } else {
    }
    %gt3A_206 = arith.constant 1 : i32
    %gt3A_207 = arith.cmpi sgt, %select_n3A, %gt3A_206 : i32
    %convert_element_type3A_208 = arith.extui %gt3A_207 : i1 to i32
    %cond3A_209 = arith.constant 0 : i32
    %cond3A_210 = arith.cmpi ne, %convert_element_type3A_208, %cond3A_209 : i32
    scf.if %cond3A_210 {
      %dma_wait3A = arith.constant 64 : i32
      %dma_wait3A_221 = arith.constant 0 : i32
      %dma_wait3A_222 = tpu.memref_slice %arg12[%dma_wait3A, %dma_wait3A_221] : memref<128x128xf32, #tpu.memory_space<vmem>> -> memref<64x128xf32, #tpu.memory_space<vmem>>
      %dma_wait3A_223 = arith.constant 0 : i32
      %dma_wait3A_224 = arith.constant 0 : i32
      %dma_wait3A_225 = tpu.memref_slice %arg30[%dma_wait3A_223, %dma_wait3A_224] : memref<5632x128xf32, #tpu.memory_space<vmem_shared>> -> memref<5632x128xf32, #tpu.memory_space<vmem_shared>>
      tpu.wait_indirect_dma semaphore(%arg27 : memref<!tpu.dma_semaphore, #tpu.memory_space<semaphore_mem>>) src(%dma_wait3A_222 : memref<64x128xf32, #tpu.memory_space<vmem>>) dst(%dma_wait3A_225 : memref<5632x128xf32, #tpu.memory_space<vmem_shared>>)
      %dma_wait3A_226 = arith.constant 0 : i32
      %dma_wait3A_227 = tpu.memref_slice %arg18[%dma_wait3A_226] : memref<80xf32, #tpu.memory_space<vmem>> -> memref<64xf32, #tpu.memory_space<vmem>>
      %dma_wait3A_228 = arith.constant 0 : i32
      %dma_wait3A_229 = tpu.memref_slice %arg31[%dma_wait3A_228] : memref<5632xf32, #tpu.memory_space<vmem_shared>> -> memref<5632xf32, #tpu.memory_space<vmem_shared>>
      tpu.wait_indirect_dma semaphore(%arg29 : memref<!tpu.dma_semaphore, #tpu.memory_space<semaphore_mem>>) src(%dma_wait3A_227 : memref<64xf32, #tpu.memory_space<vmem>>) dst(%dma_wait3A_229 : memref<5632xf32, #tpu.memory_space<vmem_shared>>)
    } else {
    }
    %barrier3A_211 = arith.constant 0 : index
    tpu.barrier barrier_id(%barrier3A_211)
    %mul3A_212 = arith.constant 5632 : i32
    %mul3A_213 = arith.muli %arg0, %mul3A_212 : i32
    %mul3A_214 = arith.constant 352 : i32
    %mul3A_215 = arith.muli %arg1, %mul3A_214 : i32
    %add3A_216 = arith.addi %mul3A_213, %mul3A_215 : i32
    %mul3A_217 = arith.constant 352 : i32
    %mul3A_218 = arith.muli %arg1, %mul3A_217 : i32
    "tpu.region"() ({
      %run_scoped3A = tpu.sem_alloc : memref<!tpu.dma_semaphore, #tpu.memory_space<semaphore_mem>>
      %dma_start3A = arith.constant 0 : i32
      %dma_start3A_221 = tpu.memref_slice %arg6[%add3A_216, %dma_start3A] : memref<11264x128xf32, #tpu.memory_space<hbm>> -> memref<352x128xf32, #tpu.memory_space<hbm>>
      %dma_start3A_222 = arith.constant 0 : i32
      %dma_start3A_223 = tpu.memref_slice %arg30[%mul3A_218, %dma_start3A_222] : memref<5632x128xf32, #tpu.memory_space<vmem_shared>> -> memref<352x128xf32, #tpu.memory_space<vmem_shared>>
      tpu.enqueue_dma source(%dma_start3A_223 : memref<352x128xf32, #tpu.memory_space<vmem_shared>>) target(%dma_start3A_221 : memref<352x128xf32, #tpu.memory_space<hbm>>) target_semaphore(%run_scoped3A : memref<!tpu.dma_semaphore, #tpu.memory_space<semaphore_mem>>)
      %dma_wait3A = arith.constant 0 : i32
      %dma_wait3A_224 = tpu.memref_slice %arg6[%add3A_216, %dma_wait3A] : memref<11264x128xf32, #tpu.memory_space<hbm>> -> memref<352x128xf32, #tpu.memory_space<hbm>>
      %dma_wait3A_225 = arith.constant 0 : i32
      %dma_wait3A_226 = tpu.memref_slice %arg30[%mul3A_218, %dma_wait3A_225] : memref<5632x128xf32, #tpu.memory_space<vmem_shared>> -> memref<352x128xf32, #tpu.memory_space<vmem_shared>>
      tpu.wait_dma2 semaphore(%run_scoped3A : memref<!tpu.dma_semaphore, #tpu.memory_space<semaphore_mem>>) src(%dma_wait3A_226 : memref<352x128xf32, #tpu.memory_space<vmem_shared>>) dst(%dma_wait3A_224 : memref<352x128xf32, #tpu.memory_space<hbm>>)
      tpu.yield
    }) : () -> ()
    %mul3A_219 = arith.constant 352 : i32
    %mul3A_220 = arith.muli %arg1, %mul3A_219 : i32
    "tpu.region"() ({
      %run_scoped3A = tpu.sem_alloc : memref<!tpu.dma_semaphore, #tpu.memory_space<semaphore_mem>>
      %dma_start3A = tpu.memref_slice %arg31[%mul3A_220] : memref<5632xf32, #tpu.memory_space<vmem_shared>> -> memref<352xf32, #tpu.memory_space<vmem_shared>>
      %dma_start3A_221 = tpu.memref_slice %arg31[%mul3A_220] : memref<5632xf32, #tpu.memory_space<vmem_shared>> -> memref<352xf32, #tpu.memory_space<vmem_shared>>
      tpu.enqueue_dma source(%dma_start3A_221 : memref<352xf32, #tpu.memory_space<vmem_shared>>) target(%arg21 : memref<352xf32, #tpu.memory_space<vmem>>) target_semaphore(%run_scoped3A : memref<!tpu.dma_semaphore, #tpu.memory_space<semaphore_mem>>)
      %dma_wait3A = tpu.memref_slice %arg31[%mul3A_220] : memref<5632xf32, #tpu.memory_space<vmem_shared>> -> memref<352xf32, #tpu.memory_space<vmem_shared>>
      %dma_wait3A_222 = tpu.memref_slice %arg31[%mul3A_220] : memref<5632xf32, #tpu.memory_space<vmem_shared>> -> memref<352xf32, #tpu.memory_space<vmem_shared>>
      tpu.wait_dma2 semaphore(%run_scoped3A : memref<!tpu.dma_semaphore, #tpu.memory_space<semaphore_mem>>) src(%dma_wait3A_222 : memref<352xf32, #tpu.memory_space<vmem_shared>>) dst(%arg21 : memref<352xf32, #tpu.memory_space<vmem>>)
      tpu.yield
    }) : () -> ()
    "tpu.region"() ({
      %run_scoped3A = tpu.sem_alloc : memref<!tpu.dma_semaphore, #tpu.memory_space<semaphore_mem>>
      %dma_start3A = tpu.memref_slice %arg7[%add3A_216] : memref<11264xf32, #tpu.memory_space<hbm>> -> memref<352xf32, #tpu.memory_space<hbm>>
      %dma_start3A_221 = tpu.memref_slice %arg7[%add3A_216] : memref<11264xf32, #tpu.memory_space<hbm>> -> memref<352xf32, #tpu.memory_space<hbm>>
      tpu.enqueue_dma source(%arg21 : memref<352xf32, #tpu.memory_space<vmem>>) target(%dma_start3A_221 : memref<352xf32, #tpu.memory_space<hbm>>) target_semaphore(%run_scoped3A : memref<!tpu.dma_semaphore, #tpu.memory_space<semaphore_mem>>)
      %dma_wait3A = tpu.memref_slice %arg7[%add3A_216] : memref<11264xf32, #tpu.memory_space<hbm>> -> memref<352xf32, #tpu.memory_space<hbm>>
      %dma_wait3A_222 = tpu.memref_slice %arg7[%add3A_216] : memref<11264xf32, #tpu.memory_space<hbm>> -> memref<352xf32, #tpu.memory_space<hbm>>
      tpu.wait_dma2 semaphore(%run_scoped3A : memref<!tpu.dma_semaphore, #tpu.memory_space<semaphore_mem>>) src(%arg21 : memref<352xf32, #tpu.memory_space<vmem>>) dst(%dma_wait3A_222 : memref<352xf32, #tpu.memory_space<hbm>>)
      tpu.yield
    }) : () -> ()
    return
  }
}

module attributes {stable_mosaic.version = 14 : i64} {
  func.func @_tc_pre_body(%arg0: i32, %arg1: i32, %arg2: memref<1000x128xf32, #tpu.memory_space<vmem>>, %arg3: memref<1x128x128xf32, #tpu.memory_space<vmem>>, %arg4: memref<128xf32, #tpu.memory_space<vmem>>, %arg5: memref<128xf32, #tpu.memory_space<vmem>>, %arg6: memref<1000x128xf32, #tpu.memory_space<vmem>>, %arg7: memref<1000x1xf32, #tpu.memory_space<vmem>>, %arg8: memref<1000x1xf32, #tpu.memory_space<vmem>>) attributes {dimension_semantics = [#tpu.dimension_semantics<arbitrary>, #tpu.dimension_semantics<arbitrary>], iteration_bounds = array<i64: 8, 10>, scalar_prefetch = 0 : i64, scratch_operands = 0 : i64, tpu.core_type = #tpu.core_type<tc>, window_params = [{transform_indices = @transform_0, window_bounds = array<i64: 1000, 128>}, {transform_indices = @transform_1, window_bounds = array<i64: 1, 128, 128>}, {pipeline_mode = #tpu.pipeline_mode<synchronous>, transform_indices = @transform_2, window_bounds = array<i64: 128>}, {pipeline_mode = #tpu.pipeline_mode<synchronous>, transform_indices = @transform_3, window_bounds = array<i64: 128>}, {transform_indices = @transform_4, window_bounds = array<i64: 1000, 128>}, {transform_indices = @transform_5, window_bounds = array<i64: 1000, 1>}, {transform_indices = @transform_6, window_bounds = array<i64: 1000, 1>}]} {
    %get3A = arith.constant 0 : index
    %get3A_0 = arith.constant 0 : index
    %get3A_1 = vector.load %arg2[%get3A, %get3A_0] : memref<1000x128xf32, #tpu.memory_space<vmem>>, vector<1000x128xf32>
    %get3A_2 = arith.constant 0 : index
    %get3A_3 = arith.constant 0 : index
    %get3A_4 = arith.constant 0 : index
    %get3A_5 = vector.load %arg3[%get3A_2, %get3A_3, %get3A_4] : memref<1x128x128xf32, #tpu.memory_space<vmem>>, vector<1x128x128xf32>
    %get3A_6 = vector.shape_cast %get3A_5 : vector<1x128x128xf32> to vector<128x128xf32>
    %dot_general3A = arith.constant dense<0.000000e+00> : vector<1000x128xf32>
    %dot_general3A_7 = tpu.matmul %get3A_1, %get3A_6, %dot_general3A {dimension_numbers = #tpu.dot_dimension_numbers<[1], [0], [0], [1], [0, 0, 1, 1], [], []>, transpose_lhs_hint = false} : vector<1000x128xf32>, vector<128x128xf32>, vector<1000x128xf32> -> vector<1000x128xf32>
    %swap3A = arith.constant 0 : index
    %swap3A_8 = arith.constant 0 : index
    %swap3A_9 = vector.load %arg6[%swap3A, %swap3A_8] : memref<1000x128xf32, #tpu.memory_space<vmem>>, vector<1000x128xf32>
    tpu.vector_store %arg6[%swap3A, %swap3A_8], %dot_general3A_7 {strides = array<i32>} : memref<1000x128xf32, #tpu.memory_space<vmem>>, vector<1000x128xf32>,
    %get3A_10 = arith.constant 0 : index
    %get3A_11 = vector.load %arg5[%get3A_10] : memref<128xf32, #tpu.memory_space<vmem>>, vector<128xf32>
    %dot_general3A_12 = arith.constant dense<0.000000e+00> : vector<1000xf32>
    %dot_general3A_13 = tpu.matmul %dot_general3A_7, %get3A_11, %dot_general3A_12 {dimension_numbers = #tpu.dot_dimension_numbers<[1], [0], [0], [], [0, 0], [], []>, transpose_lhs_hint = false} : vector<1000x128xf32>, vector<128xf32>, vector<1000xf32> -> vector<1000xf32>
    %reshape3A = vector.shape_cast %dot_general3A_13 : vector<1000xf32> to vector<1000x1xf32>
    %swap3A_14 = arith.constant 0 : index
    %swap3A_15 = arith.constant 0 : index
    %swap3A_16 = vector.load %arg7[%swap3A_14, %swap3A_15] : memref<1000x1xf32, #tpu.memory_space<vmem>>, vector<1000x1xf32>
    tpu.vector_store %arg7[%swap3A_14, %swap3A_15], %reshape3A {strides = array<i32>} : memref<1000x1xf32, #tpu.memory_space<vmem>>, vector<1000x1xf32>,
    %get3A_17 = arith.constant 0 : index
    %get3A_18 = vector.load %arg4[%get3A_17] : memref<128xf32, #tpu.memory_space<vmem>>, vector<128xf32>
    %dot_general3A_19 = arith.constant dense<0.000000e+00> : vector<1000xf32>
    %dot_general3A_20 = tpu.matmul %get3A_1, %get3A_18, %dot_general3A_19 {dimension_numbers = #tpu.dot_dimension_numbers<[1], [0], [0], [], [0, 0], [], []>, transpose_lhs_hint = false} : vector<1000x128xf32>, vector<128xf32>, vector<1000xf32> -> vector<1000xf32>
    %reshape3A_21 = vector.shape_cast %dot_general3A_20 : vector<1000xf32> to vector<1000x1xf32>
    %swap3A_22 = arith.constant 0 : index
    %swap3A_23 = arith.constant 0 : index
    %swap3A_24 = vector.load %arg8[%swap3A_22, %swap3A_23] : memref<1000x1xf32, #tpu.memory_space<vmem>>, vector<1000x1xf32>
    tpu.vector_store %arg8[%swap3A_22, %swap3A_23], %reshape3A_21 {strides = array<i32>} : memref<1000x1xf32, #tpu.memory_space<vmem>>, vector<1000x1xf32>,
    return
  }
  func.func @transform_0(%arg0: i32, %arg1: i32) -> (i32, i32) {
    %c0_i32 = arith.constant 0 : i32
    %c0_i32_0 = arith.constant 0 : i32
    return %arg1, %c0_i32 : i32, i32
  }
  func.func @transform_1(%arg0: i32, %arg1: i32) -> (i32, i32, i32) {
    %c0_i32 = arith.constant 0 : i32
    %c0_i32_0 = arith.constant 0 : i32
    %c0_i32_1 = arith.constant 0 : i32
    return %arg0, %c0_i32, %c0_i32_0 : i32, i32, i32
  }
  func.func @transform_2(%arg0: i32, %arg1: i32) -> i32 {
    %c0_i32 = arith.constant 0 : i32
    %c0_i32_0 = arith.constant 0 : i32
    return %c0_i32 : i32
  }
  func.func @transform_3(%arg0: i32, %arg1: i32) -> i32 {
    %c0_i32 = arith.constant 0 : i32
    %c0_i32_0 = arith.constant 0 : i32
    return %c0_i32 : i32
  }
  func.func @transform_4(%arg0: i32, %arg1: i32) -> (i32, i32) {
    %mul3A = arith.constant 10 : i32
    %mul3A_0 = arith.muli %arg0, %mul3A : i32
    %add3A = arith.addi %mul3A_0, %arg1 : i32
    %c0_i32 = arith.constant 0 : i32
    %c0_i32_1 = arith.constant 0 : i32
    return %add3A, %c0_i32 : i32, i32
  }
  func.func @transform_5(%arg0: i32, %arg1: i32) -> (i32, i32) {
    %mul3A = arith.constant 10 : i32
    %mul3A_0 = arith.muli %arg0, %mul3A : i32
    %add3A = arith.addi %mul3A_0, %arg1 : i32
    %c0_i32 = arith.constant 0 : i32
    %c0_i32_1 = arith.constant 0 : i32
    return %add3A, %c0_i32 : i32, i32
  }
  func.func @transform_6(%arg0: i32, %arg1: i32) -> (i32, i32) {
    %c0_i32 = arith.constant 0 : i32
    %c0_i32_0 = arith.constant 0 : i32
    return %arg1, %c0_i32 : i32, i32
  }
}

module attributes {stable_mosaic.version = 14 : i64} {
  func.func @_tc_pack_body(%arg0: memref<2500x128xi32, #tpu.memory_space<vmem>>, %arg1: memref<2500x128xi32, #tpu.memory_space<vmem>>, %arg2: memref<2500x128xi32, #tpu.memory_space<vmem>>, %arg3: memref<2500x128xi32, #tpu.memory_space<vmem>>) attributes {dimension_semantics = [], scalar_prefetch = 0 : i64, scratch_operands = 0 : i64, tpu.core_type = #tpu.core_type<tc>} {
    %get3A = arith.constant 0 : index
    %get3A_0 = arith.constant 0 : index
    %get3A_1 = vector.load %arg2[%get3A, %get3A_0] : memref<2500x128xi32, #tpu.memory_space<vmem>>, vector<2500x128xi32>
    %mul3A = arith.constant 10000 : i32
    %mul3A_2 = vector.broadcast %mul3A : i32 to vector<2500x128xi32>
    %mul3A_3 = arith.muli %get3A_1, %mul3A_2 : vector<2500x128xi32>
    %get3A_4 = arith.constant 0 : index
    %get3A_5 = arith.constant 0 : index
    %get3A_6 = vector.load %arg0[%get3A_4, %get3A_5] : memref<2500x128xi32, #tpu.memory_space<vmem>>, vector<2500x128xi32>
    %add3A = arith.addi %mul3A_3, %get3A_6 : vector<2500x128xi32>
    %mul3A_7 = arith.constant 16384 : i32
    %mul3A_8 = vector.broadcast %mul3A_7 : i32 to vector<2500x128xi32>
    %mul3A_9 = arith.muli %add3A, %mul3A_8 : vector<2500x128xi32>
    %get3A_10 = arith.constant 0 : index
    %get3A_11 = arith.constant 0 : index
    %get3A_12 = vector.load %arg1[%get3A_10, %get3A_11] : memref<2500x128xi32, #tpu.memory_space<vmem>>, vector<2500x128xi32>
    %add3A_13 = arith.addi %mul3A_9, %get3A_12 : vector<2500x128xi32>
    %swap3A = arith.constant 0 : index
    %swap3A_14 = arith.constant 0 : index
    %swap3A_15 = vector.load %arg3[%swap3A, %swap3A_14] : memref<2500x128xi32, #tpu.memory_space<vmem>>, vector<2500x128xi32>
    tpu.vector_store %arg3[%swap3A, %swap3A_14], %add3A_13 {strides = array<i32>} : memref<2500x128xi32, #tpu.memory_space<vmem>>, vector<2500x128xi32>,
    return
  }
}

module attributes {stable_mosaic.version = 14 : i64} {
  func.func @_tc_gru_body(%arg0: i32, %arg1: memref<1000x128xf32, #tpu.memory_space<vmem>>, %arg2: memref<1000x128xf32, #tpu.memory_space<vmem>>, %arg3: memref<1000x1xf32, #tpu.memory_space<vmem>>, %arg4: memref<1x128xf32, #tpu.memory_space<vmem>>, %arg5: memref<128x128xf32, #tpu.memory_space<vmem>>, %arg6: memref<128x128xf32, #tpu.memory_space<vmem>>, %arg7: memref<1x128xf32, #tpu.memory_space<vmem>>, %arg8: memref<128x128xf32, #tpu.memory_space<vmem>>, %arg9: memref<128x128xf32, #tpu.memory_space<vmem>>, %arg10: memref<1x128xf32, #tpu.memory_space<vmem>>, %arg11: memref<128x128xf32, #tpu.memory_space<vmem>>, %arg12: memref<128x128xf32, #tpu.memory_space<vmem>>, %arg13: memref<1x128xf32, #tpu.memory_space<vmem>>, %arg14: memref<1000x128xf32, #tpu.memory_space<vmem>>) attributes {dimension_semantics = [#tpu.dimension_semantics<arbitrary>], iteration_bounds = array<i64: 10>, scalar_prefetch = 0 : i64, scratch_operands = 0 : i64, tpu.core_type = #tpu.core_type<tc>, window_params = [{transform_indices = @transform_0, window_bounds = array<i64: 1000, 128>}, {transform_indices = @transform_1, window_bounds = array<i64: 1000, 128>}, {transform_indices = @transform_2, window_bounds = array<i64: 1000, 1>}, {pipeline_mode = #tpu.pipeline_mode<synchronous>, transform_indices = @transform_3, window_bounds = array<i64: 1, 128>}, {pipeline_mode = #tpu.pipeline_mode<synchronous>, transform_indices = @transform_4, window_bounds = array<i64: 128, 128>}, {pipeline_mode = #tpu.pipeline_mode<synchronous>, transform_indices = @transform_5, window_bounds = array<i64: 128, 128>}, {pipeline_mode = #tpu.pipeline_mode<synchronous>, transform_indices = @transform_6, window_bounds = array<i64: 1, 128>}, {pipeline_mode = #tpu.pipeline_mode<synchronous>, transform_indices = @transform_7, window_bounds = array<i64: 128, 128>}, {pipeline_mode = #tpu.pipeline_mode<synchronous>, transform_indices = @transform_8, window_bounds = array<i64: 128, 128>}, {pipeline_mode = #tpu.pipeline_mode<synchronous>, transform_indices = @transform_9, window_bounds = array<i64: 1, 128>}, {pipeline_mode = #tpu.pipeline_mode<synchronous>, transform_indices = @transform_10, window_bounds = array<i64: 128, 128>}, {pipeline_mode = #tpu.pipeline_mode<synchronous>, transform_indices = @transform_11, window_bounds = array<i64: 128, 128>}, {pipeline_mode = #tpu.pipeline_mode<synchronous>, transform_indices = @transform_12, window_bounds = array<i64: 1, 128>}, {transform_indices = @transform_13, window_bounds = array<i64: 1000, 128>}]} {
    %get3A = arith.constant 0 : index
    %get3A_0 = arith.constant 0 : index
    %get3A_1 = vector.load %arg1[%get3A, %get3A_0] : memref<1000x128xf32, #tpu.memory_space<vmem>>, vector<1000x128xf32>
    %get3A_2 = arith.constant 0 : index
    %get3A_3 = arith.constant 0 : index
    %get3A_4 = vector.load %arg2[%get3A_2, %get3A_3] : memref<1000x128xf32, #tpu.memory_space<vmem>>, vector<1000x128xf32>
    %get3A_5 = arith.constant 0 : index
    %get3A_6 = arith.constant 0 : index
    %get3A_7 = vector.load %arg3[%get3A_5, %get3A_6] : memref<1000x1xf32, #tpu.memory_space<vmem>>, vector<1000x1xf32>
    %add3A = arith.constant 9.99999971E-10 : f32
    %add3A_8 = vector.broadcast %add3A : f32 to vector<1000x1xf32>
    %add3A_9 = arith.addf %get3A_7, %add3A_8 : vector<1000x1xf32>
    %div3A = vector.broadcast %add3A_9 : vector<1000x1xf32> to vector<1000x128xf32>
    %div3A_10 = arith.divf %get3A_4, %div3A : vector<1000x128xf32>
    %get3A_11 = arith.constant 0 : index
    %get3A_12 = arith.constant 0 : index
    %get3A_13 = vector.load %arg4[%get3A_11, %get3A_12] : memref<1x128xf32, #tpu.memory_space<vmem>>, vector<1x128xf32>
    %mul3A = vector.broadcast %get3A_13 : vector<1x128xf32> to vector<1000x128xf32>
    %mul3A_14 = arith.mulf %get3A_1, %mul3A : vector<1000x128xf32>
    %get3A_15 = arith.constant 0 : index
    %get3A_16 = arith.constant 0 : index
    %get3A_17 = vector.load %arg5[%get3A_15, %get3A_16] : memref<128x128xf32, #tpu.memory_space<vmem>>, vector<128x128xf32>
    %dot_general3A = arith.constant dense<0.000000e+00> : vector<1000x128xf32>
    %dot_general3A_18 = tpu.matmul %mul3A_14, %get3A_17, %dot_general3A {dimension_numbers = #tpu.dot_dimension_numbers<[1], [0], [0], [1], [0, 0, 1, 1], [], []>, transpose_lhs_hint = false} : vector<1000x128xf32>, vector<128x128xf32>, vector<1000x128xf32> -> vector<1000x128xf32>
    %get3A_19 = arith.constant 0 : index
    %get3A_20 = arith.constant 0 : index
    %get3A_21 = vector.load %arg6[%get3A_19, %get3A_20] : memref<128x128xf32, #tpu.memory_space<vmem>>, vector<128x128xf32>
    %dot_general3A_22 = arith.constant dense<0.000000e+00> : vector<1000x128xf32>
    %dot_general3A_23 = tpu.matmul %div3A_10, %get3A_21, %dot_general3A_22 {dimension_numbers = #tpu.dot_dimension_numbers<[1], [0], [0], [1], [0, 0, 1, 1], [], []>, transpose_lhs_hint = false} : vector<1000x128xf32>, vector<128x128xf32>, vector<1000x128xf32> -> vector<1000x128xf32>
    %add3A_24 = arith.addf %dot_general3A_18, %dot_general3A_23 : vector<1000x128xf32>
    %get3A_25 = arith.constant 0 : index
    %get3A_26 = arith.constant 0 : index
    %get3A_27 = vector.load %arg7[%get3A_25, %get3A_26] : memref<1x128xf32, #tpu.memory_space<vmem>>, vector<1x128xf32>
    %add3A_28 = vector.broadcast %get3A_27 : vector<1x128xf32> to vector<1000x128xf32>
    %add3A_29 = arith.addf %add3A_24, %add3A_28 : vector<1000x128xf32>
    %logistic3A = arith.negf %add3A_29 : vector<1000x128xf32>
    %logistic3A_30 = math.exp %logistic3A : vector<1000x128xf32>
    %logistic3A_31 = arith.constant 1.000000e+00 : f32
    %logistic3A_32 = vector.broadcast %logistic3A_31 : f32 to vector<1000x128xf32>
    %logistic3A_33 = arith.addf %logistic3A_32, %logistic3A_30 : vector<1000x128xf32>
    %logistic3A_34 = arith.divf %logistic3A_32, %logistic3A_33 : vector<1000x128xf32>
    %get3A_35 = arith.constant 0 : index
    %get3A_36 = arith.constant 0 : index
    %get3A_37 = vector.load %arg8[%get3A_35, %get3A_36] : memref<128x128xf32, #tpu.memory_space<vmem>>, vector<128x128xf32>
    %dot_general3A_38 = arith.constant dense<0.000000e+00> : vector<1000x128xf32>
    %dot_general3A_39 = tpu.matmul %mul3A_14, %get3A_37, %dot_general3A_38 {dimension_numbers = #tpu.dot_dimension_numbers<[1], [0], [0], [1], [0, 0, 1, 1], [], []>, transpose_lhs_hint = false} : vector<1000x128xf32>, vector<128x128xf32>, vector<1000x128xf32> -> vector<1000x128xf32>
    %get3A_40 = arith.constant 0 : index
    %get3A_41 = arith.constant 0 : index
    %get3A_42 = vector.load %arg9[%get3A_40, %get3A_41] : memref<128x128xf32, #tpu.memory_space<vmem>>, vector<128x128xf32>
    %dot_general3A_43 = arith.constant dense<0.000000e+00> : vector<1000x128xf32>
    %dot_general3A_44 = tpu.matmul %div3A_10, %get3A_42, %dot_general3A_43 {dimension_numbers = #tpu.dot_dimension_numbers<[1], [0], [0], [1], [0, 0, 1, 1], [], []>, transpose_lhs_hint = false} : vector<1000x128xf32>, vector<128x128xf32>, vector<1000x128xf32> -> vector<1000x128xf32>
    %add3A_45 = arith.addf %dot_general3A_39, %dot_general3A_44 : vector<1000x128xf32>
    %get3A_46 = arith.constant 0 : index
    %get3A_47 = arith.constant 0 : index
    %get3A_48 = vector.load %arg10[%get3A_46, %get3A_47] : memref<1x128xf32, #tpu.memory_space<vmem>>, vector<1x128xf32>
    %add3A_49 = vector.broadcast %get3A_48 : vector<1x128xf32> to vector<1000x128xf32>
    %add3A_50 = arith.addf %add3A_45, %add3A_49 : vector<1000x128xf32>
    %logistic3A_51 = arith.negf %add3A_50 : vector<1000x128xf32>
    %logistic3A_52 = math.exp %logistic3A_51 : vector<1000x128xf32>
    %logistic3A_53 = arith.constant 1.000000e+00 : f32
    %logistic3A_54 = vector.broadcast %logistic3A_53 : f32 to vector<1000x128xf32>
    %logistic3A_55 = arith.addf %logistic3A_54, %logistic3A_52 : vector<1000x128xf32>
    %logistic3A_56 = arith.divf %logistic3A_54, %logistic3A_55 : vector<1000x128xf32>
    %mul3A_57 = arith.mulf %mul3A_14, %logistic3A_56 : vector<1000x128xf32>
    %get3A_58 = arith.constant 0 : index
    %get3A_59 = arith.constant 0 : index
    %get3A_60 = vector.load %arg11[%get3A_58, %get3A_59] : memref<128x128xf32, #tpu.memory_space<vmem>>, vector<128x128xf32>
    %dot_general3A_61 = arith.constant dense<0.000000e+00> : vector<1000x128xf32>
    %dot_general3A_62 = tpu.matmul %mul3A_57, %get3A_60, %dot_general3A_61 {dimension_numbers = #tpu.dot_dimension_numbers<[1], [0], [0], [1], [0, 0, 1, 1], [], []>, transpose_lhs_hint = false} : vector<1000x128xf32>, vector<128x128xf32>, vector<1000x128xf32> -> vector<1000x128xf32>
    %get3A_63 = arith.constant 0 : index
    %get3A_64 = arith.constant 0 : index
    %get3A_65 = vector.load %arg12[%get3A_63, %get3A_64] : memref<128x128xf32, #tpu.memory_space<vmem>>, vector<128x128xf32>
    %dot_general3A_66 = arith.constant dense<0.000000e+00> : vector<1000x128xf32>
    %dot_general3A_67 = tpu.matmul %div3A_10, %get3A_65, %dot_general3A_66 {dimension_numbers = #tpu.dot_dimension_numbers<[1], [0], [0], [1], [0, 0, 1, 1], [], []>, transpose_lhs_hint = false} : vector<1000x128xf32>, vector<128x128xf32>, vector<1000x128xf32> -> vector<1000x128xf32>
    %add3A_68 = arith.addf %dot_general3A_62, %dot_general3A_67 : vector<1000x128xf32>
    %get3A_69 = arith.constant 0 : index
    %get3A_70 = arith.constant 0 : index
    %get3A_71 = vector.load %arg13[%get3A_69, %get3A_70] : memref<1x128xf32, #tpu.memory_space<vmem>>, vector<1x128xf32>
    %add3A_72 = vector.broadcast %get3A_71 : vector<1x128xf32> to vector<1000x128xf32>
    %add3A_73 = arith.addf %add3A_68, %add3A_72 : vector<1000x128xf32>
    %tanh3A = math.tanh %add3A_73 : vector<1000x128xf32>
    %sub3A = arith.constant 1.000000e+00 : f32
    %sub3A_74 = vector.broadcast %sub3A : f32 to vector<1000x128xf32>
    %sub3A_75 = arith.subf %sub3A_74, %logistic3A_34 : vector<1000x128xf32>
    %mul3A_76 = arith.mulf %sub3A_75, %get3A_1 : vector<1000x128xf32>
    %mul3A_77 = arith.mulf %logistic3A_34, %tanh3A : vector<1000x128xf32>
    %add3A_78 = arith.addf %mul3A_76, %mul3A_77 : vector<1000x128xf32>
    %swap3A = arith.constant 0 : index
    %swap3A_79 = arith.constant 0 : index
    %swap3A_80 = vector.load %arg14[%swap3A, %swap3A_79] : memref<1000x128xf32, #tpu.memory_space<vmem>>, vector<1000x128xf32>
    tpu.vector_store %arg14[%swap3A, %swap3A_79], %add3A_78 {strides = array<i32>} : memref<1000x128xf32, #tpu.memory_space<vmem>>, vector<1000x128xf32>,
    return
  }
  func.func @transform_0(%arg0: i32) -> (i32, i32) {
    %c0_i32 = arith.constant 0 : i32
    %c0_i32_0 = arith.constant 0 : i32
    return %arg0, %c0_i32 : i32, i32
  }
  func.func @transform_1(%arg0: i32) -> (i32, i32) {
    %c0_i32 = arith.constant 0 : i32
    %c0_i32_0 = arith.constant 0 : i32
    return %arg0, %c0_i32 : i32, i32
  }
  func.func @transform_2(%arg0: i32) -> (i32, i32) {
    %c0_i32 = arith.constant 0 : i32
    %c0_i32_0 = arith.constant 0 : i32
    return %arg0, %c0_i32 : i32, i32
  }
  func.func @transform_3(%arg0: i32) -> (i32, i32) {
    %c0_i32 = arith.constant 0 : i32
    %c0_i32_0 = arith.constant 0 : i32
    %c0_i32_1 = arith.constant 0 : i32
    return %c0_i32, %c0_i32_0 : i32, i32
  }
  func.func @transform_4(%arg0: i32) -> (i32, i32) {
    %c0_i32 = arith.constant 0 : i32
    %c0_i32_0 = arith.constant 0 : i32
    %c0_i32_1 = arith.constant 0 : i32
    return %c0_i32, %c0_i32_0 : i32, i32
  }
  func.func @transform_5(%arg0: i32) -> (i32, i32) {
    %c0_i32 = arith.constant 0 : i32
    %c0_i32_0 = arith.constant 0 : i32
    %c0_i32_1 = arith.constant 0 : i32
    return %c0_i32, %c0_i32_0 : i32, i32
  }
  func.func @transform_6(%arg0: i32) -> (i32, i32) {
    %c0_i32 = arith.constant 0 : i32
    %c0_i32_0 = arith.constant 0 : i32
    %c0_i32_1 = arith.constant 0 : i32
    return %c0_i32, %c0_i32_0 : i32, i32
  }
  func.func @transform_7(%arg0: i32) -> (i32, i32) {
    %c0_i32 = arith.constant 0 : i32
    %c0_i32_0 = arith.constant 0 : i32
    %c0_i32_1 = arith.constant 0 : i32
    return %c0_i32, %c0_i32_0 : i32, i32
  }
  func.func @transform_8(%arg0: i32) -> (i32, i32) {
    %c0_i32 = arith.constant 0 : i32
    %c0_i32_0 = arith.constant 0 : i32
    %c0_i32_1 = arith.constant 0 : i32
    return %c0_i32, %c0_i32_0 : i32, i32
  }
  func.func @transform_9(%arg0: i32) -> (i32, i32) {
    %c0_i32 = arith.constant 0 : i32
    %c0_i32_0 = arith.constant 0 : i32
    %c0_i32_1 = arith.constant 0 : i32
    return %c0_i32, %c0_i32_0 : i32, i32
  }
  func.func @transform_10(%arg0: i32) -> (i32, i32) {
    %c0_i32 = arith.constant 0 : i32
    %c0_i32_0 = arith.constant 0 : i32
    %c0_i32_1 = arith.constant 0 : i32
    return %c0_i32, %c0_i32_0 : i32, i32
  }
  func.func @transform_11(%arg0: i32) -> (i32, i32) {
    %c0_i32 = arith.constant 0 : i32
    %c0_i32_0 = arith.constant 0 : i32
    %c0_i32_1 = arith.constant 0 : i32
    return %c0_i32, %c0_i32_0 : i32, i32
  }
  func.func @transform_12(%arg0: i32) -> (i32, i32) {
    %c0_i32 = arith.constant 0 : i32
    %c0_i32_0 = arith.constant 0 : i32
    %c0_i32_1 = arith.constant 0 : i32
    return %c0_i32, %c0_i32_0 : i32, i32
  }
  func.func @transform_13(%arg0: i32) -> (i32, i32) {
    %c0_i32 = arith.constant 0 : i32
    %c0_i32_0 = arith.constant 0 : i32
    return %arg0, %c0_i32 : i32, i32
  }
}

</mosaic_0001>

<sc_bundles>
// kernel: kernel.6.cloned.1.call-start
scs
__scs_entry_jumppad:
0x0: {  	(pc) =	sbr.rel $0x88, $3  }
0x1: {  	(tag) =	ssettag $0x0;
	lr =	simm.s32 $0x1  }
0x2: {  	[smem:$0x3F91] =	sst lr;
	_ =	strace $0xD0000000  }
0x3: {  	_ = 	snop  }
0x4: {  	_ = 	snop  }
0x5: {  	_ = 	snop  }
0x6: {  	_ = 	snop  }
0x7: {  	_ = 	snop  }
__scs_overlays_trampoline_lowered:
0x8: {  	[smem:$0x3FA0] =	sst s0  }
0x9: {  	[smem:$0x3FA1] =	sst s1  }
0xa: {  	[smem:$0x3FA2] =	sst s2  }
0xb: {  	[smem:$0x3FA3] =	sst s3  }
0xc: {  	[smem:$0x3FA4] =	sst s4  }
0xd: {  	[smem:$0x3FA5] =	sst s5  }
0xe: {  	[smem:$0x3FA6] =	sst s6  }
0xf: {  	[smem:$0x3FA7] =	sst s7  }
0x10: {  	[smem:$0x3FA8] =	sst s8  }
0x11: {  	[smem:$0x3FA9] =	sst s9;
	s0 =	simm.s32 @!p0 $0x0  }
0x12: {  	s1 =	sld [smem:$0x3F8F];
	s0 =	simm.s32 @p0 $0x1  }
0x13: {  	[smem:$0x3FAA] =	sst s0;
	s0 =	simm.s32 @!p1 $0x0  }
0x14: {  	s2 =	sld [smem:$0x3F8E];
	s0 =	simm.s32 @p1 $0x1  }
0x15: {  	[smem:$0x3FAB] =	sst s0;
	s0 =	simm.s32 @!p2 $0x0  }
0x16: {  	s3 =	sld [smem:$0x3FDB];
	s0 =	simm.s32 @p2 $0x1  }
0x17: {  	s4 =	simm.s32 $0x1BF5;
	[smem:$0x3FAD] =	sst s0  }
0x18: {  	s0 =	sld [smem:$0x3F90];
	_ =	swait.ge [sflag:s4], $0x0  }
0x19: {  	s7 =	sld [smem:$0x3F91]  }
0x1a: {  	s8 =	sadd.s32 $0xFFFFE003, lr  }
0x1b: {  	s9 =	sadd.s32 $0xFFFFFEF7, lr;
	s5 =	simm.s32 $0xFFFFFFFF;
	p2 =	slt.u32 s8, $0xFFFFF086  }
0x1c: {  	p1 =	slt.u32 s9, $0xF7A;
	s5 =	simm.s32 @!p2 $0x0  }
0x1d: {  	s5 =	simm.s32 @p1 $0x1;
	p0 =	seq.s32 s7, s2  }
0x1e: {  	s7 =	smul.u32 @!p0 $0xF7A, s2;
	p2 =	seq.s32 @!p0 s5, $0x0  }
0x1f: {  	s9 =	smul.u32 $0xF7A, s1;
	s8 =	simm.s32 @!p0 $0x1BF5;
	p2 =	por !p2, p0  }
0x20: {  	[sflag:s8] =	ssyncset.s32 @!p0 $0xFFFFF086;
	s6 =	sadd.s32 @!p0 s3, s7;
	s7 =	simm.s32 @!p0 $0x108  }
0x21: {  	s3 =	sadd.s32 s3, s9;
	s6 =	sadd.s32 @!p0 $0x88, s6;
	s7 =	simm.s32 @p2 $0x1082  }
0x22: {  	[simem:s7], [sflag:s8] =	dma.local @!p0 [hbm:s6], $0xF7A  }
0x23: {  	s9 =	sor.u32 $0xD0000000, s2;
	s6 =	simm.s32 $0x108;
	_ =	swait.ge @!p0 [sflag:s8], $0x0  }
0x24: {  	s3 =	sadd.s32 $0x88, s3;
	s6 =	simm.s32 @!p1 $0x1082;
	[sflag:s4] =	ssyncset.s32 $0xFFFFF086  }
0x25: {  	[simem:s6], [sflag:s4] =	dma.local [hbm:s3], $0xF7A  }
0x26: {  	[smem:$0x3F91] =	sst s1;
	(tag) =	ssettag s2;
	_ =	strace s9  }
0x27: {  	s1 =	sld [smem:$0x3FA1]  }
0x28: {  	s2 =	sld [smem:$0x3FA2]  }
0x29: {  	s4 =	sld [smem:$0x3FA4]  }
0x2a: {  	p0 =	seq.s32 s5, $0x0;
	s5 =	sld [smem:$0x3FA5]  }
0x2b: {  	s6 =	sld [smem:$0x3FA6]  }
0x2c: {  	s7 =	sld [smem:$0x3FA7]  }
0x2d: {  	s3 =	simm.s32 $0x108;
	s8 =	sld [smem:$0x3FA8]  }
0x2e: {  	s3 =	simm.s32 @!p0 $0x1082;
	s9 =	sld [smem:$0x3FA9]  }
0x2f: {  	lr =	sadd.s32 s0, s3;
	s0 =	sld [smem:$0x3FA0]  }
0x30: {  	s3 =	sld [smem:$0x3FA3]  }
0x31: {  	[smem:$0x3FAC] =	sst s10  }
0x32: {  	s10 =	sld [smem:$0x3FAA];
	_ =	sdelay $0x3  }
0x33: {  	p0 =	seq.s32 s10, $0x1;
	s10 =	sld [smem:$0x3FAC];
	_ =	sdelay $0x3  }
0x34: {  	[smem:$0x3FAC] =	sst s10  }
0x35: {  	s10 =	sld [smem:$0x3FAB];
	_ =	sdelay $0x3  }
0x36: {  	p1 =	seq.s32 s10, $0x1;
	s10 =	sld [smem:$0x3FAC];
	_ =	sdelay $0x3  }
0x37: {  	[smem:$0x3FAC] =	sst s10  }
0x38: {  	s10 =	sld [smem:$0x3FAD]  }
0x39: {  	_ = 	snop;
	(pc) =	sbr.ind lr, $3  }
0x3a: {  	_ = 	snop  }
0x3b: {  	_ = 	snop  }
0x3c: {  	p2 =	seq.s32 s10, $0x1;
	s10 =	sld [smem:$0x3FAC]  }
0x3d: {  	_ =	shalt  }
0x3e: {  	_ =	shalt  }
0x3f: {  	_ =	shalt  }
0x40: {  	_ =	shalt  }
0x41: {  	_ =	shalt  }
0x42: {  	_ =	shalt  }
0x43: {  	_ =	shalt  }
0x44: {  	_ =	shalt  }
0x45: {  	_ =	shalt  }
0x46: {  	_ =	shalt  }
0x47: {  	_ =	shalt  }
0x48: {  	_ =	shalt  }
0x49: {  	_ =	shalt  }
0x4a: {  	_ =	shalt  }
0x4b: {  	_ =	shalt  }
0x4c: {  	_ =	shalt  }
0x4d: {  	_ =	shalt  }
0x4e: {  	_ =	shalt  }
0x4f: {  	_ =	shalt  }
0x50: {  	_ =	shalt  }
0x51: {  	_ =	shalt  }
0x52: {  	_ =	shalt  }
0x53: {  	_ =	shalt  }
0x54: {  	_ =	shalt  }
0x55: {  	_ =	shalt  }
0x56: {  	_ =	shalt  }
0x57: {  	_ =	shalt  }
0x58: {  	_ =	shalt  }
0x59: {  	_ =	shalt  }
0x5a: {  	_ =	shalt  }
0x5b: {  	_ =	shalt  }
0x5c: {  	_ =	shalt  }
0x5d: {  	_ =	shalt  }
0x5e: {  	_ =	shalt  }
0x5f: {  	_ =	shalt  }
0x60: {  	_ =	shalt  }
0x61: {  	_ =	shalt  }
0x62: {  	_ =	shalt  }
0x63: {  	_ =	shalt  }
0x64: {  	_ =	shalt  }
0x65: {  	_ =	shalt  }
0x66: {  	_ =	shalt  }
0x67: {  	_ =	shalt  }
0x68: {  	_ =	shalt  }
0x69: {  	_ =	shalt  }
0x6a: {  	_ =	shalt  }
0x6b: {  	_ =	shalt  }
0x6c: {  	_ =	shalt  }
0x6d: {  	_ =	shalt  }
0x6e: {  	_ =	shalt  }
0x6f: {  	_ =	shalt  }
0x70: {  	_ =	shalt  }
0x71: {  	_ =	shalt  }
0x72: {  	_ =	shalt  }
0x73: {  	_ =	shalt  }
0x74: {  	_ =	shalt  }
0x75: {  	_ =	shalt  }
0x76: {  	_ =	shalt  }
0x77: {  	_ =	shalt  }
0x78: {  	_ =	shalt  }
0x79: {  	_ =	shalt  }
0x7a: {  	_ =	shalt  }
0x7b: {  	_ =	shalt  }
0x7c: {  	_ =	shalt  }
0x7d: {  	_ =	shalt  }
0x7e: {  	_ =	shalt  }
0x7f: {  	_ =	shalt  }
0x80: {  	_ =	shalt  }
0x81: {  	_ =	shalt  }
0x82: {  	_ =	shalt  }
0x83: {  	_ =	shalt  }
0x84: {  	_ =	shalt  }
0x85: {  	_ =	shalt  }
0x86: {  	_ =	shalt  }
0x87: {  	_ =	shalt  }
.Lfunc_end0:
.L_simem_size_0:
called_computation_lowered:
.L_overlay_start_0:
0x88: {  	s2 =	sld [smem:$0x3FD9]  }
0x89: {  	s3 =	sld [smem:$0x3FFE];
	_ =	sdelay $0x1  }
0x8a: {  	s1 =	srdreg.scid  }
0x8b: {  	s0 =	sand.u32 $0x1, s1  }
0x8c: {  	s17 =	sshll.u32 s0, $0xA;
	s2 =	sadd.s32 s3, s2  }
0x8d: {  	s2 =	sadd.s32 s2, s17  }
0x8e: {  	[smem:$0x3FB8] =	sst s2  }
0x8f: {  	_ = 	snop  }
0x90: {  	s2 =	sld [smem:$0x3FD0];
	(tm) =	ssettm $0x1  }
0x91: {  	s18 =	sld [smem:$0x3FFB];
	_ =	sdelay $0x3  }
0x92: {  	_ =	strace s18  }
0x93: {  	s3 =	sld [smem:$0x3FFC];
	_ =	sdelay $0x3  }
0x94: {  	_ =	strace s3  }
0x95: {  	s3 =	sld [smem:$0x3FFD];
	_ =	sdelay $0x3  }
0x96: {  	_ =	strace s3  }
0x97: {  	_ =	strace $0x8FFFFFFF  }
0x98: {  	s19 =	sld [smem:$0x3FDB];
	_ =	sdelay $0x1  }
0x99: {  	s4 =	simm.s32 $_scs_section_size  }
0x9a: {  	s5 =	simm.s32 $_size__tile_overlayer_lowered;
	s6 =	simm.s32 $_tile_overlayer_lowered  }
0x9b: {  	s22 =	simm.s32 $0x1BFF;
	s21 =	sshll.u32 s6, $0x1;
	s3 =	sadd.s32 s4, s19  }
0x9c: {  	s7 =	simm.s32 $0x0;
	s20 =	sshll.u32 s5, $0x1;
	s5 =	sadd.s32 s21, s3  }
0x9d: {  	[timem:s7], [sflag:s22] =	dma.local [hbm:s5], s20  }
0x9e: {  	_ =	swait.ge [sflag:s22], s20  }
0x9f: {  	s4 =	ssub.s32 $0x0, s20;
	[sflag:s22] =	ssyncset.done $0x0  }
0xa0: {  	[sflag:s22] =	ssyncadd.s32 s4;
	_ =	sdelay $0x1  }
0xa1: {  	s23 =	simm.s32 $0x1B8B  }
0xa2: {  	_ =	swait.ge [sflag:s23], $0x1  }
0xa3: {  	[sflag:s23] =	ssyncset.done $0x0  }
0xa4: {  	s25 =	simm.s32 $0x1B8E;
	s24 =	sld [smem:$0x3FFE];
	[sflag:s23] =	ssyncadd.s32 $0xFFFFFFFF  }
0xa5: {  	s26 =	simm.s32 $execute0_lowered;
	[smem:$0x3FD2] =	sst s25  }
0xa6: {  	s5 =	sshll.u32 s26, $0x1;
	_ =	strace $0x80000046;
	[dreg:$0x1] =	wrdreg $0xFFFFFFFF  }
0xa7: {  	s28 =	simm.s32 $_size_execute0_lowered;
	s3 =	sadd.s32 s3, s5;
	[dreg:$0x0] =	wrdreg $0x0  }
0xa8: {  	s5 =	sshll.u32 s28, $0x1;
	[dreg:$0x2] =	wrdreg s3  }
0xa9: {  	[dreg:$0x3] =	wrdreg s5  }
0xaa: {  	[dreg:$0x4] =	wrdreg $0xC0  }
0xab: {  	_ =	task [dreg:s7], $0x5FFFF  }
0xac: {  	[dreg:$0x1] =	wrdreg $0xFFFFFFFF  }
0xad: {  	[dreg:$0x0] =	wrdreg $0x60  }
0xae: {  	[dreg:$0x2] =	wrdreg s24  }
0xaf: {  	[dreg:$0x3] =	wrdreg s2  }
0xb0: {  	[dreg:$0x4] =	wrdreg $0x1E8280  }
0xb1: {  	[dreg:$0x5] =	wrdreg $0x138280  }
0xb2: {  	[dreg:$0x6] =	wrdreg $0x9  }
0xb3: {  	_ =	task.clear_ibuf [dreg:s7], $0x7FFFF;
	_ =	strace $0x90000046  }
0xb4: {  	s29 =	simm.s32 $0x9;
	_ =	strace $0x80000048  }
0xb5: {  	_ =	swait.ge [sflag:s29], $0x1  }
0xb6: {  	[sflag:s29] =	ssyncadd.s32 $0xFFFFFFFF  }
0xb7: {  	_ =	strace $0x90000048  }
0xb8: {  	_ =	sfence  }
0xb9: {  	s30 =	sld [smem:$0x0];
	_ =	sdelay $0x2  }
0xba: {  	s31 =	sshll.u32 s1, $0xD;
	s1 =	sshrl.u32 s1, $0x2  }
0xbb: {  	s3 =	sand.u32 $0x4000, s31;
	s1 =	sadd.s32 s1, s30  }
0xbc: {  	s0 =	sor.u32 s3, s0;
	s1 =	sshll.u32 s1, $0x11  }
0xbd: {  	s0 =	sor.u32 s1, s0  }
0xbe: {  	s0 =	sadd.s32 $0x8F2B, s0  }
0xbf: {  	[sflag:s0] =	ssyncadd.remote.s32 $0x1  }
0xc0: {  	_ =	sfence.sel $0xFFFF  }
0xc1: {  	[dreg:$0x0] =	wrdreg $0xFFFFFFFF;
	(pc) =	sbr.abs _section_cstart, $3  }
0xc2: {  	[dreg:$0x1] =	wrdreg $0xFFFFFFFF  }
0xc3: {  	_ =	task.clear_ibuf [dreg:s7], $0x2FFFF;
	_ =	strace $0x9FFFFFFF  }
0xc4: {  	(tm) =	ssettm $0x7FFFFFFF  }
0xc5: {  	_ =	shalt  }
tec
execute0_lowered:
.L_overlay_start_1:
0x0: {  	(tag) =	ssettag $0x1  }
0x1: {  	s0 =	rddreg [dreg:$0x0]  }
0x2: {  	s2 =	rddreg [dreg:$0x1]  }
0x3: {  	s1 =	rddreg [dreg:$0x2]  }
0x4: {  	s4 =	srdreg.scid;
	s13 =	stileid.u32  }
0x5: {  	s3 =	rddreg [dreg:$0x3];
	s28 =	simm.s32 $0x13528;
	s9 =	smul.u32 $0x160, s13  }
0x6: {  	s29 =	simm.s32 $0x135A8;
	s30 =	simm.s32 $0x4;
	s14 =	smul.u32 $0x5000, s13  }
0x7: {  	s31 =	simm.s32 $0x2;
	s7 =	sand.u32 $0x1, s4;
	s13 =	smul.u32 $0x2C000, s13  }
0x8: {  	s4 =	simm.s32 $0x0;
	s5 =	sadd.s32 $0x13A600, s0;
	s8 =	smul.u32 $0x1400, s7  }
0x9: {  	[smem:$0x7FF] =	sst s4;
	s10 =	smul.u32 $0x1600, s7;
	s7 =	ssub.s32 $0x2, s7  }
0xa: {  	s6 =	sadd.s32 $0x272E00, s0;
	_ =	strace $0x80000047;
	s18 =	sshrl.u32 s7, $0x1  }
0xb: {  	[dreg:$0x5] =	wrdreg s14;
	s19 =	sshrl.u32 s14, $0x3;
	s13 =	sshrl.u32 s13, $0x2  }
0xc: {  	s11 =	sshrl.u32 s8, $0x3;
	s10 =	sadd.s32 s9, s10;
	s7 =	ssub.s32 s7, s18  }
0xd: {  	s2 =	sadd.s32 s2, s19;
	s13 =	sadd.s32 s13, s3;
	v0 =	vmov s8;
	s8 =	simm.s32 $0x0  }
0xe: {  	s11 =	sadd.s32 s11, s0;
	[dreg:$0x7] =	wrdreg s2;
	s20 =	sadd.s32 $0x2000, s13  }
0xf: {  	s12 =	sshll.u32 s10, $0x4;
	s21 =	sadd.s32 $0x4000, s13;
	[dreg:$0x9] =	wrdreg s20  }
0x10: {  	s10 =	sshrl.u32 s10, $0x3;
	s22 =	sadd.s32 $0x6000, s13;
	[dreg:$0xa] =	wrdreg s21  }
0x11: {  	s23 =	sadd.s32 $0x8000, s13;
	s24 =	sadd.s32 $0xA000, s13;
	[dreg:$0xb] =	wrdreg s22  }
0x12: {  	s26 =	smax.u32 s7, $0x1;
	s2 =	simm.s32 $0x135F8;
	[dreg:$0xc] =	wrdreg s23  }
0x13: {  	s12 =	sadd.s32 s12, s0;
	s0 =	sadd.s32 s10, s0;
	[dreg:$0xd] =	wrdreg s24  }
0x14: {  	s11 =	sadd.s32 $0x1E00, s11;
	[dreg:$0x10] =	wrdreg s26;
	s20 =	simm.s32 $0x9  }
.Ltmp0:
0x15: {  	s10 =	simm.s32 $0x136C8;
	s23 =	simm.s32 $0xF4A8;
	(pc) =	sbr.rel .LBB2_1-.Ltmp0, $4  }
0x16: {  	s24 =	simm.s32 $0x1;
	[dreg:$0x6] =	wrdreg s11;
	s25 =	sadd.s32 $0x2A00, s12  }
0x17: {  	s26 =	simm.s32 $0x40;
	s0 =	sadd.s32 $0x2400, s0;
	[dreg:$0xe] =	wrdreg s25  }
0x18: {  	v1 =	vimm.f32 $0.0e+00;
	s21 =	simm.s32 $0x114A8;
	s11 =	sadd.s32 s9, s1;
	[dreg:$0xf] =	wrdreg s0  }
0x19: {  	vm0 =	vmxor vm0, vm0;
	v2 =	vimm.s32 $0x0;
	v3 =	vlaneseq.u32;
	s25 =	simm.s32 $0x3;
	s0 =	simm.s32 $0x13568;
	[dreg:$0x8] =	wrdreg s11  }
.LBB2_14:
0x1a: {  	s7 =	simm.s32 @!p0 $0x5  }
0x1b: {  	_ =	swait.ge @!p0 [sflag:s7], $0x2000  }
0x1c: {  	p3 =	por @!p0 $0x0, $0x0;
	p2 =	por @!p2 $0x1, $0x1;
	[sflag:s7] =	ssyncset.done @!p0 $0x0  }
0x1d: {  	p1 =	por !p1, p0;
	[sflag:s7] =	ssyncadd.s32 @!p0 $0xFFFFE000;
	s7 =	simm.s32 @!p0 $0x7  }
0x1e: {  	p2 =	por @!p1 p3, p3;
	p1 =	por $0x0, $0x0;
	_ =	swait.ge @!p0 [sflag:s7], $0x40  }
0x1f: {  	p1 =	por @!p0 p2, p2;
	[sflag:s7] =	ssyncset.done @!p0 $0x0  }
0x20: {  	[sflag:s7] =	ssyncadd.s32 @!p0 $0xFFFFFFC0;
	s7 =	simm.s32 @p1 $0x6  }
0x21: {  	_ =	swait.ge @p1 [sflag:s7], $0x2000  }
0x22: {  	[sflag:s7] =	ssyncset.done @p1 $0x0  }
0x23: {  	[sflag:s7] =	ssyncadd.s32 @p1 $0xFFFFE000;
	s7 =	simm.s32 @p1 $0x8  }
0x24: {  	_ =	swait.ge @p1 [sflag:s7], $0x40  }
0x25: {  	[sflag:s7] =	ssyncset.done @p1 $0x0  }
0x26: {  	s17 =	stileid.u32;
	[sflag:s7] =	ssyncadd.s32 @p1 $0xFFFFFFC0  }
0x27: {  	s7 =	sshll.u32 s17, $0x6;
	[bflag:$0x0] =	sbarrier.arrive $0xFFFF  }
0x28: {  	s9 =	sshrl.u32 s10, $0x3;
	s7 =	sor.u32 $0x1C09, s7;
	s18 =	rddreg [dreg:$0xe]  }
0x29: {  	[hbm:s18], [sflag:s7] =	dma.local [spmem:s9], $0x1600  }
0x2a: {  	_ =	swait.ge [sflag:s20], $0x1600  }
0x2b: {  	s13 =	smov.u32 s10;
	[sflag:s20] =	ssyncset.done $0x0  }
0x2c: {  	s10 =	simm.s32 $0x136C8;
	s11 =	rddreg [dreg:$0x8];
	[sflag:s20] =	ssyncadd.s32 $0xFFFFEA00  }
0x2d: {  	[tilespmem:s10], [sflag:$0x9] =	stream.linear.gather [spmem:s11], $0x160, $0x38;
	[tilespmem:$0x1E988] =	vst v63  }
0x2e: {  	_ =	swait.ge [sflag:s20], $0x160  }
0x2f: {  	[sflag:s20] =	ssyncset.done $0x0  }
0x30: {  	s19 =	rddreg [dreg:$0xf];
	[sflag:s20] =	ssyncadd.s32 $0xFFFFFEA0  }
0x31: {  	[hbm4b:s19+s4] =	stream.linear.scatter [tilespmem:s10], [sflag:$0x9], $0x160, $0x38;
	[tilespmem:$0x1E988] =	vst v63  }
0x32: {  	_ =	swait.ge [sflag:s20], $0x160  }
0x33: {  	s8 =	sadd.s32 $0x1, s8;
	s22 =	rddreg [dreg:$0x10]  }
0x34: {  	p0 =	sne.s32 s8, s22  }
.Ltmp1:
0x35: {  	_ = 	snop;
	(pc) =	sbr.rel @!p0 .LBB2_15-.Ltmp1, $3  }
0x36: {  	_ =	sdelay $0x1  }
0x37: {  	[sflag:s20] =	ssyncset.done $0x0  }
0x38: {  	[sflag:s20] =	ssyncadd.s32 $0xFFFFFEA0  }
.LBB2_1:
0x39: {  	s7 =	rddreg [dreg:$0x6]  }
0x3a: {  	[tilespmem:s4], [sflag:$0x9] =	stream.linear.gather [hbm4b:s7+s4], $0x1408, $0x38;
	[tilespmem:$0x1E988] =	vst v63  }
0x3b: {  	_ =	swait.ge [sflag:s20], $0x1408  }
0x3c: {  	[sflag:s20] =	ssyncset.done $0x0  }
0x3d: {  	s9 =	simm.s32 $0x1408;
	s22 =	rddreg [dreg:$0x7];
	[sflag:s20] =	ssyncadd.s32 $0xFFFFEBF8  }
0x3e: {  	[tilespmem:s9], [sflag:$0x9] =	stream.linear.gather [hbm4b:s22+s4], $0x5000, $0x38;
	[tilespmem:$0x1E988] =	vst v63  }
0x3f: {  	_ =	swait.ge [sflag:s20], $0x5000  }
0x40: {  	[sflag:s20] =	ssyncset.done $0x0  }
0x41: {  	s9 =	simm.s32 $0xF6A8;
	[sflag:s20] =	ssyncadd.s32 $0xFFFFB000  }
0x42: {  	[tilespmem:s9+$0xFFFFFE00] =	vst v1  }
0x43: {  	[tilespmem:s9+$0x1F0] =	vst v1  }
0x44: {  	[tilespmem:s9+$0x1E0] =	vst v1  }
0x45: {  	[tilespmem:s9+$0x1D0] =	vst v1  }
0x46: {  	[tilespmem:s9+$0x1C0] =	vst v1  }
0x47: {  	[tilespmem:s9+$0x1B0] =	vst v1  }
0x48: {  	[tilespmem:s9+$0x1A0] =	vst v1  }
0x49: {  	[tilespmem:s9+$0x190] =	vst v1  }
0x4a: {  	[tilespmem:s9+$0x180] =	vst v1  }
0x4b: {  	[tilespmem:s9+$0x170] =	vst v1  }
0x4c: {  	[tilespmem:s9+$0x160] =	vst v1  }
0x4d: {  	[tilespmem:s9+$0x150] =	vst v1  }
0x4e: {  	[tilespmem:s9+$0x140] =	vst v1  }
0x4f: {  	[tilespmem:s9+$0x130] =	vst v1  }
0x50: {  	[tilespmem:s9+$0x120] =	vst v1  }
0x51: {  	[tilespmem:s9+$0x110] =	vst v1  }
0x52: {  	[tilespmem:s9+$0x100] =	vst v1  }
0x53: {  	[tilespmem:s9+$0xF0] =	vst v1  }
0x54: {  	[tilespmem:s9+$0xE0] =	vst v1  }
0x55: {  	[tilespmem:s9+$0xD0] =	vst v1  }
0x56: {  	[tilespmem:s9+$0xC0] =	vst v1  }
0x57: {  	[tilespmem:s9+$0xB0] =	vst v1  }
0x58: {  	[tilespmem:s9+$0xA0] =	vst v1  }
0x59: {  	[tilespmem:s9+$0x90] =	vst v1  }
0x5a: {  	[tilespmem:s9+$0x80] =	vst v1  }
0x5b: {  	[tilespmem:s9+$0x70] =	vst v1  }
0x5c: {  	[tilespmem:s9+$0x60] =	vst v1  }
0x5d: {  	[tilespmem:s9+$0x50] =	vst v1  }
0x5e: {  	[tilespmem:s9+$0x40] =	vst v1  }
0x5f: {  	[tilespmem:s9+$0x30] =	vst v1  }
0x60: {  	[tilespmem:s9+$0x20] =	vst v1  }
0x61: {  	[tilespmem:s9+$0x10] =	vst v1  }
0x62: {  	[tilespmem:s9+$0x0] =	vst v1  }
0x63: {  	[tilespmem:s9+$0xFFFFFFF0] =	vst v1  }
0x64: {  	[tilespmem:s9+$0xFFFFFFE0] =	vst v1  }
0x65: {  	[tilespmem:s9+$0xFFFFFFD0] =	vst v1  }
0x66: {  	[tilespmem:s9+$0xFFFFFFC0] =	vst v1  }
0x67: {  	[tilespmem:s9+$0xFFFFFFB0] =	vst v1  }
0x68: {  	[tilespmem:s9+$0xFFFFFFA0] =	vst v1  }
0x69: {  	[tilespmem:s9+$0xFFFFFF90] =	vst v1  }
0x6a: {  	[tilespmem:s9+$0xFFFFFF80] =	vst v1  }
0x6b: {  	[tilespmem:s9+$0xFFFFFF70] =	vst v1  }
0x6c: {  	[tilespmem:s9+$0xFFFFFF60] =	vst v1  }
0x6d: {  	[tilespmem:s9+$0xFFFFFF50] =	vst v1  }
0x6e: {  	[tilespmem:s9+$0xFFFFFF40] =	vst v1  }
0x6f: {  	[tilespmem:s9+$0xFFFFFF30] =	vst v1  }
0x70: {  	[tilespmem:s9+$0xFFFFFF20] =	vst v1  }
0x71: {  	[tilespmem:s9+$0xFFFFFF10] =	vst v1  }
0x72: {  	[tilespmem:s9+$0xFFFFFF00] =	vst v1  }
0x73: {  	[tilespmem:s9+$0xFFFFFEF0] =	vst v1  }
0x74: {  	[tilespmem:s9+$0xFFFFFEE0] =	vst v1  }
0x75: {  	[tilespmem:s9+$0xFFFFFED0] =	vst v1  }
0x76: {  	[tilespmem:s9+$0xFFFFFEC0] =	vst v1  }
0x77: {  	[tilespmem:s9+$0xFFFFFEB0] =	vst v1  }
0x78: {  	[tilespmem:s9+$0xFFFFFEA0] =	vst v1  }
0x79: {  	[tilespmem:s9+$0xFFFFFE90] =	vst v1  }
0x7a: {  	[tilespmem:s9+$0xFFFFFE80] =	vst v1  }
0x7b: {  	[tilespmem:s9+$0xFFFFFE70] =	vst v1  }
0x7c: {  	[tilespmem:s9+$0xFFFFFE60] =	vst v1  }
0x7d: {  	[tilespmem:s9+$0xFFFFFE50] =	vst v1  }
0x7e: {  	[tilespmem:s9+$0xFFFFFE40] =	vst v1  }
0x7f: {  	[tilespmem:s9+$0xFFFFFE30] =	vst v1  }
0x80: {  	s7 =	simm.s32 $0x0;
	[tilespmem:s9+$0xFFFFFE20] =	vst v1  }
.LBB2_2:
0x81: {  	s7 =	sadd.s32 $0x8, s7;
	[tilespmem:s9+$0xFFFFFE10] =	vst v1;
	s9 =	sadd.s32 $0x400, s9  }
0x82: {  	[tilespmem:s9+$0xFFFFFE00] =	vst v1;
	p0 =	slt.u32 s7, $0x38  }
0x83: {  	[tilespmem:s9+$0x1F0] =	vst v1  }
0x84: {  	[tilespmem:s9+$0x1E0] =	vst v1  }
0x85: {  	[tilespmem:s9+$0x1D0] =	vst v1  }
0x86: {  	[tilespmem:s9+$0x1C0] =	vst v1  }
0x87: {  	[tilespmem:s9+$0x1B0] =	vst v1  }
0x88: {  	[tilespmem:s9+$0x1A0] =	vst v1  }
0x89: {  	[tilespmem:s9+$0x190] =	vst v1  }
0x8a: {  	[tilespmem:s9+$0x180] =	vst v1  }
0x8b: {  	[tilespmem:s9+$0x170] =	vst v1  }
0x8c: {  	[tilespmem:s9+$0x160] =	vst v1  }
0x8d: {  	[tilespmem:s9+$0x150] =	vst v1  }
0x8e: {  	[tilespmem:s9+$0x140] =	vst v1  }
0x8f: {  	[tilespmem:s9+$0x130] =	vst v1  }
0x90: {  	[tilespmem:s9+$0x120] =	vst v1  }
0x91: {  	[tilespmem:s9+$0x110] =	vst v1  }
0x92: {  	[tilespmem:s9+$0x100] =	vst v1  }
0x93: {  	[tilespmem:s9+$0xF0] =	vst v1  }
0x94: {  	[tilespmem:s9+$0xE0] =	vst v1  }
0x95: {  	[tilespmem:s9+$0xD0] =	vst v1  }
0x96: {  	[tilespmem:s9+$0xC0] =	vst v1  }
0x97: {  	[tilespmem:s9+$0xB0] =	vst v1  }
0x98: {  	[tilespmem:s9+$0xA0] =	vst v1  }
0x99: {  	[tilespmem:s9+$0x90] =	vst v1  }
0x9a: {  	[tilespmem:s9+$0x80] =	vst v1  }
0x9b: {  	[tilespmem:s9+$0x70] =	vst v1  }
0x9c: {  	[tilespmem:s9+$0x60] =	vst v1  }
0x9d: {  	[tilespmem:s9+$0x50] =	vst v1  }
0x9e: {  	[tilespmem:s9+$0x40] =	vst v1  }
0x9f: {  	[tilespmem:s9+$0x30] =	vst v1  }
0xa0: {  	[tilespmem:s9+$0x20] =	vst v1  }
0xa1: {  	[tilespmem:s9+$0x10] =	vst v1  }
0xa2: {  	[tilespmem:s9+$0x0] =	vst v1  }
0xa3: {  	[tilespmem:s9+$0xFFFFFFF0] =	vst v1  }
0xa4: {  	[tilespmem:s9+$0xFFFFFFE0] =	vst v1  }
0xa5: {  	[tilespmem:s9+$0xFFFFFFD0] =	vst v1  }
0xa6: {  	[tilespmem:s9+$0xFFFFFFC0] =	vst v1  }
0xa7: {  	[tilespmem:s9+$0xFFFFFFB0] =	vst v1  }
0xa8: {  	[tilespmem:s9+$0xFFFFFFA0] =	vst v1  }
0xa9: {  	[tilespmem:s9+$0xFFFFFF90] =	vst v1  }
0xaa: {  	[tilespmem:s9+$0xFFFFFF80] =	vst v1  }
0xab: {  	[tilespmem:s9+$0xFFFFFF70] =	vst v1  }
0xac: {  	[tilespmem:s9+$0xFFFFFF60] =	vst v1  }
0xad: {  	[tilespmem:s9+$0xFFFFFF50] =	vst v1  }
0xae: {  	[tilespmem:s9+$0xFFFFFF40] =	vst v1  }
0xaf: {  	[tilespmem:s9+$0xFFFFFF30] =	vst v1  }
0xb0: {  	[tilespmem:s9+$0xFFFFFF20] =	vst v1  }
0xb1: {  	[tilespmem:s9+$0xFFFFFF10] =	vst v1  }
0xb2: {  	[tilespmem:s9+$0xFFFFFF00] =	vst v1  }
0xb3: {  	[tilespmem:s9+$0xFFFFFEF0] =	vst v1  }
0xb4: {  	[tilespmem:s9+$0xFFFFFEE0] =	vst v1  }
0xb5: {  	[tilespmem:s9+$0xFFFFFED0] =	vst v1  }
0xb6: {  	[tilespmem:s9+$0xFFFFFEC0] =	vst v1  }
0xb7: {  	[tilespmem:s9+$0xFFFFFEB0] =	vst v1  }
0xb8: {  	[tilespmem:s9+$0xFFFFFEA0] =	vst v1  }
0xb9: {  	[tilespmem:s9+$0xFFFFFE90] =	vst v1  }
0xba: {  	[tilespmem:s9+$0xFFFFFE80] =	vst v1  }
0xbb: {  	[tilespmem:s9+$0xFFFFFE70] =	vst v1  }
.Ltmp2:
0xbc: {  	[tilespmem:s9+$0xFFFFFE60] =	vst v1;
	(pc) =	sbr.rel @p0 .LBB2_2-.Ltmp2, $4  }
0xbd: {  	[tilespmem:s9+$0xFFFFFE50] =	vst v1  }
0xbe: {  	[tilespmem:s9+$0xFFFFFE40] =	vst v1  }
0xbf: {  	[tilespmem:s9+$0xFFFFFE30] =	vst v1  }
0xc0: {  	[tilespmem:s9+$0xFFFFFE20] =	vst v1  }
0xc1: {  	[tilespmem:s9+$0xFFFFFE10] =	vst v1  }
0xc2: {  	[tilespmem:$0x136C8] =	vst v1  }
0xc3: {  	[tilespmem:$0x136D8] =	vst v1  }
0xc4: {  	[tilespmem:$0x136E8] =	vst v1  }
0xc5: {  	[tilespmem:$0x136F8] =	vst v1  }
0xc6: {  	[tilespmem:$0x13708] =	vst v1  }
0xc7: {  	[tilespmem:$0x13718] =	vst v1  }
0xc8: {  	[tilespmem:$0x13728] =	vst v1  }
0xc9: {  	[tilespmem:$0x13738] =	vst v1  }
0xca: {  	[tilespmem:$0x13748] =	vst v1  }
0xcb: {  	[tilespmem:$0x13758] =	vst v1  }
0xcc: {  	[tilespmem:$0x13768] =	vst v1  }
0xcd: {  	[tilespmem:$0x13778] =	vst v1  }
0xce: {  	[tilespmem:$0x13788] =	vst v1  }
0xcf: {  	[tilespmem:$0x13798] =	vst v1  }
0xd0: {  	[tilespmem:$0x137A8] =	vst v1  }
0xd1: {  	[tilespmem:$0x137B8] =	vst v1  }
0xd2: {  	[tilespmem:$0x137C8] =	vst v1  }
0xd3: {  	[tilespmem:$0x137D8] =	vst v1  }
0xd4: {  	[tilespmem:$0x137E8] =	vst v1  }
0xd5: {  	[tilespmem:$0x137F8] =	vst v1  }
0xd6: {  	[tilespmem:$0x13808] =	vst v1  }
0xd7: {  	[tilespmem:$0x13818] =	vst v1  }
0xd8: {  	[spmem:s11] =	stream.linear.scatter [tilespmem:s10], [sflag:$0x9], $0x160, $0x38;
	[tilespmem:$0x1E988] =	vst v63  }
0xd9: {  	_ =	swait.ge [sflag:s20], $0x160  }
0xda: {  	[sflag:s20] =	ssyncset.done $0x0  }
0xdb: {  	[sflag:s20] =	ssyncadd.s32 $0xFFFFFEA0  }
0xdc: {  	[spmem:s13] =	stream.linear.scatter [tilespmem:s23], [sflag:$0x9], $0x2000, $0x38;
	[tilespmem:$0x1E988] =	vst v63  }
0xdd: {  	_ =	swait.ge [sflag:s20], $0x2000  }
0xde: {  	[sflag:s20] =	ssyncset.done $0x0  }
0xdf: {  	s7 =	rddreg [dreg:$0x9];
	[sflag:s20] =	ssyncadd.s32 $0xFFFFE000  }
0xe0: {  	[spmem:s7] =	stream.linear.scatter [tilespmem:s23], [sflag:$0x9], $0x2000, $0x38;
	[tilespmem:$0x1E988] =	vst v63  }
0xe1: {  	_ =	swait.ge [sflag:s20], $0x2000  }
0xe2: {  	[sflag:s20] =	ssyncset.done $0x0  }
0xe3: {  	s16 =	rddreg [dreg:$0xa];
	[sflag:s20] =	ssyncadd.s32 $0xFFFFE000  }
0xe4: {  	[spmem:s16] =	stream.linear.scatter [tilespmem:s23], [sflag:$0x9], $0x2000, $0x38;
	[tilespmem:$0x1E988] =	vst v63  }
0xe5: {  	_ =	swait.ge [sflag:s20], $0x2000  }
0xe6: {  	[sflag:s20] =	ssyncset.done $0x0  }
0xe7: {  	s17 =	rddreg [dreg:$0xb];
	[sflag:s20] =	ssyncadd.s32 $0xFFFFE000  }
0xe8: {  	[spmem:s17] =	stream.linear.scatter [tilespmem:s23], [sflag:$0x9], $0x2000, $0x38;
	[tilespmem:$0x1E988] =	vst v63  }
0xe9: {  	_ =	swait.ge [sflag:s20], $0x2000  }
0xea: {  	[sflag:s20] =	ssyncset.done $0x0  }
0xeb: {  	s18 =	rddreg [dreg:$0xc];
	[sflag:s20] =	ssyncadd.s32 $0xFFFFE000  }
0xec: {  	[spmem:s18] =	stream.linear.scatter [tilespmem:s23], [sflag:$0x9], $0x2000, $0x38;
	[tilespmem:$0x1E988] =	vst v63  }
0xed: {  	_ =	swait.ge [sflag:s20], $0x2000  }
0xee: {  	[sflag:s20] =	ssyncset.done $0x0  }
0xef: {  	s19 =	rddreg [dreg:$0xd];
	[sflag:s20] =	ssyncadd.s32 $0xFFFFE000  }
0xf0: {  	[spmem:s19] =	stream.linear.scatter [tilespmem:s23], [sflag:$0x9], $0x1000, $0x38;
	[tilespmem:$0x1E988] =	vst v63  }
0xf1: {  	_ =	swait.ge [sflag:s20], $0x1000  }
0xf2: {  	[sflag:s20] =	ssyncset.done $0x0  }
0xf3: {  	[sflag:s20] =	ssyncadd.s32 $0xFFFFF000  }
0xf4: {  	s22 =	simm.s32 $0x0;
	[bflag:$0x0] =	sbarrier.arrive $0xFFFF  }
0xf5: {  	v4 =	vld [tilespmem:s22+$0x1408];
	_ =	sdelay $0x4  }
0xf6: {  	s9 =	rddreg [dreg:$0x5];
	v5 =	vand.u32 $0x3C00, v4  }
0xf7: {  	vm1 =	vmmov vm0;
	p0 =	slt.u32 s9, $0x4E200;
	v5 =	vsub.s32 v5, v0  }
0xf8: {  	vm1 =	vmneg @p0 vm1;
	vm2 =	vlt.u32 v5, $0x1400  }
0xf9: {  	vm1 =	vmand vm1, vm2  }
0xfa: {  	v5 =	vmpcnt.ones.xlane vm1;
	_ =	sdelay $0x1  }
0xfb: {  	(v2sf) =	vpush v5, $0x0;
	_ =	sdelay $0x2  }
0xfc: {  	s7 =	simm.s32 $0x0  }
0xfd: {  	s12 =	simm.s32 $0x10;
	s10 =	smov.u32 s13;
	s11 =	simm.s32 $0x80;
	[tilespmem:s7+$0x6408] =	vst.msk vm1, v4  }
.LBB2_4:
0xfe: {  	p0 =	sne.s32 s11, $0x13FC0;
	v4 =	vld [tilespmem:s12+$0x1408];
	_ =	sdelay $0x4  }
0xff: {  	s9 =	sadd.s32 $0x10, s9;
	v5 =	vand.u32 $0x3C00, v4  }
0x100: {  	vm2 =	vmmov vm0;
	p1 =	slt.u32 s9, $0x4E200;
	v5 =	vsub.s32 v5, v0  }
0x101: {  	vm2 =	vmneg @p1 vm2;
	vm1 =	vlt.u32 v5, $0x1400  }
0x102: {  	vm1 =	vmand vm2, vm1  }
0x103: {  	v5 =	vmpcnt.ones.xlane vm1  }
0x104: {  	s12 =	spop (v2sf)  }
.Ltmp3:
0x105: {  	(v2sf) =	vpush v5, $0x0;
	s7 =	sadd.s32 s7, s12;
	(pc) =	sbr.rel @p0 .LBB2_4-.Ltmp3, $2  }
0x106: {  	[tilespmem:s7+$0x6408] =	vst.msk vm1, v4;
	_ =	sdelay $0x2  }
0x107: {  	s12 =	sshra.s32 s11, $0x2;
	s11 =	sadd.s32 $0x40, s11  }
0x108: {  	v4 =	vld [tilespmem:s12+$0x1408];
	_ =	sdelay $0x4  }
0x109: {  	s9 =	sadd.s32 $0x10, s9;
	v5 =	vand.u32 $0x3C00, v4  }
0x10a: {  	vm1 =	vmmov vm0;
	p0 =	slt.u32 s9, $0x4E200;
	v5 =	vsub.s32 v5, v0  }
0x10b: {  	vm1 =	vmneg @p0 vm1;
	vm2 =	vlt.u32 v5, $0x1400  }
0x10c: {  	vm1 =	vmand vm1, vm2  }
0x10d: {  	v5 =	vmpcnt.ones.xlane vm1;
	_ =	sdelay $0x1  }
0x10e: {  	(v2sf) =	vpush v5, $0x0;
	_ =	sdelay $0xd  }
0x10f: {  	s14 =	spop (v2sf)  }
0x110: {  	s7 =	sadd.s32 s7, s14;
	s15 =	spop (v2sf)  }
0x111: {  	[tilespmem:s7+$0x6408] =	vst.msk vm1, v4;
	s7 =	sadd.s32 s7, s15  }
0x112: {  	[tilespmem:s7+$0x6408] =	vst v2  }
0x113: {  	[tilespmem:s7+$0x6418] =	vst v2;
	s9 =	sadd.s32 $0x3F, s7  }
0x114: {  	[tilespmem:s7+$0x6428] =	vst v2;
	s11 =	sand.u32 $0x3F, s9  }
0x115: {  	[tilespmem:s7+$0x6438] =	vst v2;
	s16 =	sshra.s32 s9, $0x1F;
	p6 =	slt.s32 s9, $0x1;
	p1 =	sne.s32 s11, $0x0  }
0x116: {  	[tilespmem:s7+$0x6448] =	vst v2;
	s17 =	sshrl.u32 s16, $0x1A;
	p0 =	por !p6, !p1  }
0x117: {  	[tilespmem:s7+$0x6458] =	vst v2;
	s11 =	simm.s32 $0x1;
	s9 =	sadd.s32 s17, s9;
	p0 =	por !p0, !p0  }
0x118: {  	[tilespmem:s7+$0x6468] =	vst v2;
	s9 =	sshra.s32 s9, $0x6;
	s11 =	simm.s32 @!p0 $0x0  }
0x119: {  	[tilespmem:s7+$0x6478] =	vst v2;
	s9 =	ssub.s32 s9, s11  }
0x11a: {  	[tilespmem:s7+$0x6488] =	vst v2;
	p0 =	slt.s32 s9, $0x1  }
0x11b: {  	v4 =	vld @!p0 [tilespmem:$0x6408]  }
0x11c: {  	v5 =	vld @!p0 [tilespmem:$0x6418]  }
0x11d: {  	v6 =	vld @!p0 [tilespmem:$0x6428]  }
0x11e: {  	v7 =	vld @!p0 [tilespmem:$0x6438];
	_ =	sdelay $0x1  }
0x11f: {  	v4 =	vshrl.u32 @!p0 v4, $0xE  }
0x120: {  	[tilespmem:$0x134A8] =	vst @!p0 v4;
	v4 =	vshrl.u32 @!p0 v5, $0xE  }
0x121: {  	[tilespmem:$0x134B8] =	vst @!p0 v4;
	v4 =	vshrl.u32 @!p0 v6, $0xE  }
0x122: {  	s11 =	simm.s32 @!p0 $0x40;
	[tilespmem:$0x134C8] =	vst @!p0 v4;
	v4 =	vshrl.u32 @!p0 v7, $0xE  }
0x123: {  	s12 =	simm.s32 @!p0 $0x134A8;
	s13 =	simm.s32 @!p0 $0xB4A8;
	p1 =	seq.s32 @!p0 s9, $0x1;
	[tilespmem:$0x134D8] =	vst @!p0 v4  }
0x124: {  	[tilespmem:s13], [sflag:$0x1] =	stream.indirect.gather @!p0 [hbm4b:s5+s11], $0x80, s12, s11, $0xb8;
	[tilespmem:$0x1E988] =	vst v63  }
0x125: {  	p2 =	por p1, p0;
	s13 =	simm.s32 @!p0 $0x13648  }
0x126: {  	[tilespmem:s13], [sflag:$0x3] =	stream.indirect.gather @!p0 [hbm4b:s6+s11], $0x1, s12, s11, $0xb8;
	[tilespmem:$0x1E988] =	vst v63  }
0x127: {  	v4 =	vld @!p2 [tilespmem:$0x6448]  }
0x128: {  	v5 =	vld @!p2 [tilespmem:$0x6458]  }
0x129: {  	v6 =	vld @!p2 [tilespmem:$0x6468]  }
0x12a: {  	v7 =	vld @!p2 [tilespmem:$0x6478];
	_ =	sdelay $0x1  }
0x12b: {  	v4 =	vshrl.u32 @!p2 v4, $0xE  }
0x12c: {  	s18 =	sadd.s32 $0x1, s9;
	[tilespmem:$0x134E8] =	vst @!p2 v4;
	v4 =	vshrl.u32 @!p2 v5, $0xE  }
0x12d: {  	s19 =	sand.u32 $0x1, s18;
	[tilespmem:$0x134F8] =	vst @!p2 v4;
	v4 =	vshrl.u32 @!p2 v6, $0xE  }
0x12e: {  	p3 =	slt.s32 s9, $0x0;
	p4 =	seq.s32 s19, $0x1;
	[tilespmem:$0x13508] =	vst @!p2 v4;
	v4 =	vshrl.u32 @!p2 v7, $0xE  }
0x12f: {  	s11 =	simm.s32 @!p2 $0x40;
	s12 =	simm.s32 @!p2 $0x134E8;
	s13 =	simm.s32 @!p2 $0xD4A8;
	[tilespmem:$0x13518] =	vst @!p2 v4  }
0x130: {  	[tilespmem:s13], [sflag:$0x2] =	stream.indirect.gather @!p2 [hbm4b:s5+s11], $0x80, s12, s11, $0xb8;
	[tilespmem:$0x1E988] =	vst v63  }
0x131: {  	s22 =	sshrl.u32 s18, $0x1F;
	p3 =	por !p3, !p4;
	s13 =	simm.s32 @!p2 $0x13688  }
0x132: {  	[tilespmem:s13], [sflag:$0x4] =	stream.indirect.gather @!p2 [hbm4b:s6+s11], $0x1, s12, s11, $0xb8;
	[tilespmem:$0x1E988] =	vst v63  }
0x133: {  	p3 =	por !p3, !p3;
	s11 =	sadd.s32 s22, s18;
	s12 =	simm.s32 $0x1  }
0x134: {  	s11 =	sshra.s32 s11, $0x1;
	s12 =	simm.s32 @!p3 $0x0  }
0x135: {  	s12 =	ssub.s32 s11, s12  }
0x136: {  	p3 =	slt.s32 s12, $0x1  }
.Ltmp4:
0x137: {  	_ = 	snop;
	(pc) =	sbr.rel @p3 .LBB2_14-.Ltmp4, $1  }
0x138: {  	_ =	sdelay $0x3  }
.Ltmp5:
0x139: {  	(pc) =	sbr.rel .LBB2_7-.Ltmp5, $2  }
0x13a: {  	_ =	sdelay $0x2  }
0x13b: {  	v4 =	vmov s7;
	s13 =	simm.s32 $0x0  }
.LBB2_13:
0x13c: {  	s13 =	sadd.s32 $0x1, s13  }
0x13d: {  	p3 =	sne.s32 s13, s12  }
.Ltmp6:
0x13e: {  	_ = 	snop;
	(pc) =	sbr.rel @!p3 .LBB2_14-.Ltmp6, $1  }
0x13f: {  	_ =	sdelay $0x3  }
.LBB2_7:
0x140: {  	p3 =	seq.s32 s13, $0x0  }
0x141: {  	s7 =	simm.s32 @!p3 $0x5  }
0x142: {  	_ =	swait.ge @!p3 [sflag:s7], $0x2000  }
0x143: {  	[sflag:s7] =	ssyncset.done @!p3 $0x0  }
0x144: {  	[sflag:s7] =	ssyncadd.s32 @!p3 $0xFFFFE000;
	s7 =	simm.s32 @!p3 $0x7  }
0x145: {  	_ =	swait.ge @!p3 [sflag:s7], $0x40  }
0x146: {  	[sflag:s7] =	ssyncset.done @!p3 $0x0  }
0x147: {  	[sflag:s7] =	ssyncadd.s32 @!p3 $0xFFFFFFC0  }
0x148: {  	_ =	swait.ge [sflag:s25], $0x40  }
0x149: {  	[sflag:s25] =	ssyncset.done $0x0  }
0x14a: {  	s19 =	sshll.u32 s13, $0x7;
	[sflag:s25] =	ssyncadd.s32 $0xFFFFFFC0  }
0x14b: {  	v5 =	vld [tilespmem:s19+$0x6408];
	_ =	sdelay $0x4  }
0x14c: {  	v6 =	vor.u32 s19, v3;
	v5 =	vand.u32 $0x3FFF, v5  }
0x14d: {  	vm1 =	vlt.s32 v6, v4;
	v5 =	vsub.s32 v5, v0  }
0x14e: {  	v5 =	vnsel vm1, $0x1400, v5;
	_ =	sdelay $0x3  }
0x14f: {  	v6 =	vld [tilespmem:$0x13648];
	[tilespmem:$0x13528] =	vst v5  }
0x150: {  	v5 =	vld.idx.msk [tilespmem:v5+s4+$0x0], $0xffff;
	_ =	sdelay $0x4  }
0x151: {  	v5 =	vadd.f32 v6, v5;
	_ =	sdelay $0x1  }
0x152: {  	v6 =	vmul.f32 $2.000000030e-01, v5  }
0x153: {  	vm1 =	vge.f32 v5, $0.0e+00  }
0x154: {  	v5 =	vsel vm1, v5, v6  }
0x155: {  	v5 =	vmul.f32 $1.442695020e+00, v5;
	_ =	sdelay $0x1  }
0x156: {  	(erf) = vpow2.f32 v5;
	_ =	sdelay $0x8  }
0x157: {  	v5 =	vpop (erf)  }
0x158: {  	[tilespmem:$0x135A8] =	vst v5  }
0x159: {  	v5 =	vld [tilespmem:s19+$0x6418];
	_ =	sdelay $0x3  }
0x15a: {  	s11 =	sor.u32 $0x10, s19  }
0x15b: {  	v6 =	vor.u32 s11, v3;
	v5 =	vand.u32 $0x3FFF, v5  }
0x15c: {  	vm1 =	vlt.s32 v6, v4;
	v5 =	vsub.s32 v5, v0  }
0x15d: {  	v5 =	vnsel vm1, $0x1400, v5;
	_ =	sdelay $0x3  }
0x15e: {  	v6 =	vld [tilespmem:$0x13658];
	[tilespmem:$0x13538] =	vst v5  }
0x15f: {  	v5 =	vld.idx.msk [tilespmem:v5+s4+$0x0], $0xffff;
	_ =	sdelay $0x4  }
0x160: {  	v5 =	vadd.f32 v6, v5;
	_ =	sdelay $0x1  }
0x161: {  	v6 =	vmul.f32 $2.000000030e-01, v5  }
0x162: {  	vm1 =	vge.f32 v5, $0.0e+00  }
0x163: {  	v5 =	vsel vm1, v5, v6  }
0x164: {  	v5 =	vmul.f32 $1.442695020e+00, v5;
	_ =	sdelay $0x1  }
0x165: {  	(erf) = vpow2.f32 v5;
	_ =	sdelay $0x8  }
0x166: {  	v5 =	vpop (erf)  }
0x167: {  	[tilespmem:$0x135B8] =	vst v5  }
0x168: {  	v5 =	vld [tilespmem:s19+$0x6428];
	_ =	sdelay $0x3  }
0x169: {  	s22 =	sor.u32 $0x20, s19  }
0x16a: {  	v6 =	vor.u32 s22, v3;
	v5 =	vand.u32 $0x3FFF, v5  }
0x16b: {  	vm1 =	vlt.s32 v6, v4;
	v5 =	vsub.s32 v5, v0  }
0x16c: {  	v5 =	vnsel vm1, $0x1400, v5;
	_ =	sdelay $0x3  }
0x16d: {  	v6 =	vld [tilespmem:$0x13668];
	[tilespmem:$0x13548] =	vst v5  }
0x16e: {  	v5 =	vld.idx.msk [tilespmem:v5+s4+$0x0], $0xffff;
	_ =	sdelay $0x4  }
0x16f: {  	v5 =	vadd.f32 v6, v5;
	_ =	sdelay $0x1  }
0x170: {  	v6 =	vmul.f32 $2.000000030e-01, v5  }
0x171: {  	vm1 =	vge.f32 v5, $0.0e+00  }
0x172: {  	v5 =	vsel vm1, v5, v6  }
0x173: {  	v5 =	vmul.f32 $1.442695020e+00, v5;
	_ =	sdelay $0x1  }
0x174: {  	(erf) = vpow2.f32 v5;
	_ =	sdelay $0x8  }
0x175: {  	v5 =	vpop (erf)  }
0x176: {  	[tilespmem:$0x135C8] =	vst v5  }
0x177: {  	v5 =	vld [tilespmem:s19+$0x6438];
	_ =	sdelay $0x3  }
0x178: {  	s7 =	sor.u32 $0x30, s19  }
0x179: {  	v6 =	vor.u32 s7, v3;
	v5 =	vand.u32 $0x3FFF, v5  }
0x17a: {  	vm1 =	vlt.s32 v6, v4;
	v5 =	vsub.s32 v5, v0  }
0x17b: {  	v5 =	vnsel vm1, $0x1400, v5;
	_ =	sdelay $0x3  }
0x17c: {  	v6 =	vld [tilespmem:$0x13678];
	[tilespmem:$0x13558] =	vst v5  }
0x17d: {  	v5 =	vld.idx.msk [tilespmem:v5+s4+$0x0], $0xffff;
	_ =	sdelay $0x4  }
0x17e: {  	v5 =	vadd.f32 v6, v5;
	_ =	sdelay $0x1  }
0x17f: {  	v6 =	vmul.f32 $2.000000030e-01, v5  }
0x180: {  	vm1 =	vge.f32 v5, $0.0e+00  }
0x181: {  	v5 =	vsel vm1, v5, v6  }
0x182: {  	v5 =	vmul.f32 $1.442695020e+00, v5;
	_ =	sdelay $0x1  }
0x183: {  	(erf) = vpow2.f32 v5;
	_ =	sdelay $0x8  }
0x184: {  	v5 =	vpop (erf)  }
0x185: {  	[tilespmem:$0x135D8] =	vst v5  }
0x186: {  	_ =	swait.ge [sflag:s24], $0x2000  }
0x187: {  	[sflag:s24] =	ssyncset.done $0x0  }
0x188: {  	s17 =	simm.s32 $0xB5A8;
	[sflag:s24] =	ssyncadd.s32 $0xFFFFE000  }
0x189: {  	v5 =	vld [tilespmem:s17+$0xFFFFFF10]  }
0x18a: {  	s18 =	simm.s32 $0x135AA;
	v6 =	vld [tilespmem:s17+$0xFFFFFF60]  }
0x18b: {  	v7 =	vld.msk [tilespmem:s18+$0xFFFFFFFF ss:$0x0], $0xffff  }
0x18c: {  	v8 =	vld [tilespmem:s17+$0xFFFFFFE0]  }
0x18d: {  	v9 =	vld [tilespmem:s17+$0xFFFFFF00]  }
0x18e: {  	v10 =	vld.msk [tilespmem:s18+$0xFFFFFFFE ss:$0x0], $0xffff  }
0x18f: {  	v11 =	vld [tilespmem:s17+$0xFFFFFF70]  }
0x190: {  	v12 =	vld [tilespmem:s17+$0xFFFFFF80]  }
0x191: {  	v13 =	vld [tilespmem:s17+$0xFFFFFF90]  }
0x192: {  	v14 =	vld [tilespmem:s17+$0xFFFFFFA0]  }
0x193: {  	v15 =	vld [tilespmem:s17+$0xFFFFFFB0]  }
0x194: {  	v16 =	vld [tilespmem:s17+$0xFFFFFFC0]  }
0x195: {  	v17 =	vld [tilespmem:s17+$0xFFFFFFD0]  }
0x196: {  	v19 =	vld [tilespmem:s17+$0xFFFFFFF0]  }
0x197: {  	v18 =	vld [tilespmem:s17+$0xFFFFFF50]  }
0x198: {  	v20 =	vld [tilespmem:s17+$0xFFFFFF40];
	v5 =	vmul.f32 v5, v10  }
0x199: {  	s16 =	simm.s32 $0xF5A8;
	v21 =	vld [tilespmem:s17+$0xFFFFFF30];
	v6 =	vmul.f32 v6, v10  }
0x19a: {  	v22 =	vld [tilespmem:s17+$0xFFFFFF20];
	v17 =	vmul.f32 v17, v7;
	[tilespmem:s16+$0xFFFFFF10] =	vst v5  }
0x19b: {  	v63 =	vmul.f32 v19, v7;
	[tilespmem:s16+$0xFFFFFF60] =	vst v6  }
0x19c: {  	v5 =	vmul.f32 v8, v7;
	[tilespmem:s16+$0xFFFFFFD0] =	vst v17  }
0x19d: {  	v6 =	vmul.f32 v11, v10;
	[tilespmem:s16+$0xFFFFFFF0] =	vst v63  }
0x19e: {  	v8 =	vmul.f32 v9, v10;
	v9 =	vmul.f32 v12, v7;
	[tilespmem:s16+$0xFFFFFFE0] =	vst v5  }
0x19f: {  	v11 =	vmul.f32 v20, v10;
	v5 =	vmul.f32 v16, v7;
	[tilespmem:s16+$0xFFFFFF70] =	vst v6  }
0x1a0: {  	v6 =	vmul.f32 v13, v7;
	[tilespmem:s16+$0xFFFFFF00] =	vst v8;
	v8 =	vmul.f32 v14, v7  }
0x1a1: {  	s14 =	sshll.u32 s13, $0x1;
	s15 =	sshllo.u32 s13, $0x1;
	s11 =	simm.s32 $0x0;
	v7 =	vmul.f32 v15, v7;
	[tilespmem:s16+$0xFFFFFF40] =	vst v11;
	v11 =	vmul.f32 v21, v10  }
0x1a2: {  	s22 =	simm.s32 $0x135AA;
	s7 =	simm.s32 $0xF7A8;
	s19 =	simm.s32 $0xB5A8;
	[tilespmem:s16+$0xFFFFFF80] =	vst v9;
	v9 =	vmul.f32 v18, v10;
	v10 =	vmul.f32 v22, v10  }
.LBB2_8:
0x1a3: {  	s11 =	sadd.s32 $0x2, s11;
	[tilespmem:s16+$0xFFFFFF30] =	vst v11;
	s18 =	sadd.s32 $0x4, s18;
	s17 =	sadd.s32 $0x200, s17  }
0x1a4: {  	p4 =	slt.u32 s11, $0x1E;
	[tilespmem:s16+$0xFFFFFFA0] =	vst v8  }
0x1a5: {  	[tilespmem:s16+$0xFFFFFF20] =	vst v10  }
0x1a6: {  	[tilespmem:s16+$0xFFFFFF90] =	vst v6  }
0x1a7: {  	[tilespmem:s16+$0xFFFFFFC0] =	vst v5  }
0x1a8: {  	[tilespmem:s16+$0xFFFFFF50] =	vst v9  }
0x1a9: {  	[tilespmem:s16+$0xFFFFFFB0] =	vst v7  }
0x1aa: {  	v5 =	vld [tilespmem:s19+$0xF0]  }
0x1ab: {  	v6 =	vld [tilespmem:s19+$0x10]  }
0x1ac: {  	v7 =	vld [tilespmem:s19+$0xE0]  }
0x1ad: {  	v8 =	vld [tilespmem:s19+$0xA0]  }
0x1ae: {  	v9 =	vld [tilespmem:s19+$0xD0]  }
0x1af: {  	v10 =	vld [tilespmem:s19+$0xB0]  }
0x1b0: {  	v11 =	vld [tilespmem:s19+$0x50]  }
0x1b1: {  	v12 =	vld [tilespmem:s19+$0x90]  }
0x1b2: {  	v13 =	vld [tilespmem:s19+$0xC0]  }
0x1b3: {  	v14 =	vld [tilespmem:s19+$0x80]  }
0x1b4: {  	v15 =	vld.msk [tilespmem:s22+$0x0 ss:$0x0], $0xffff  }
0x1b5: {  	v16 =	vld [tilespmem:s19+$0x0]  }
0x1b6: {  	v17 =	vld.msk [tilespmem:s22+$0x1 ss:$0x0], $0xffff;
	s22 =	smov.u32 s18  }
0x1b7: {  	v18 =	vld [tilespmem:s19+$0x20]  }
0x1b8: {  	v19 =	vld [tilespmem:s19+$0x30]  }
0x1b9: {  	v20 =	vld [tilespmem:s19+$0x40]  }
0x1ba: {  	v11 =	vmul.f32 v11, v15;
	v21 =	vld [tilespmem:s19+$0x60];
	v16 =	vmul.f32 v16, v15  }
0x1bb: {  	v6 =	vmul.f32 v6, v15;
	v22 =	vld [tilespmem:s19+$0x70];
	s19 =	smov.u32 s17  }
0x1bc: {  	v14 =	vmul.f32 v14, v17;
	v18 =	vmul.f32 v18, v15;
	[tilespmem:s16+$0x0] =	vst v16  }
0x1bd: {  	v12 =	vmul.f32 v12, v17;
	v16 =	vmul.f32 v19, v15;
	[tilespmem:s16+$0x10] =	vst v6  }
0x1be: {  	v8 =	vmul.f32 v8, v17;
	v6 =	vmul.f32 v20, v15;
	[tilespmem:s16+$0x20] =	vst v18  }
0x1bf: {  	v10 =	vmul.f32 v10, v17;
	v18 =	vmul.f32 v21, v15;
	[tilespmem:s16+$0x30] =	vst v16  }
0x1c0: {  	v13 =	vmul.f32 v13, v17;
	v15 =	vmul.f32 v22, v15;
	[tilespmem:s16+$0x40] =	vst v6  }
0x1c1: {  	v7 =	vmul.f32 v7, v17;
	v6 =	vmul.f32 v9, v17;
	[tilespmem:s16+$0x60] =	vst v18  }
0x1c2: {  	v5 =	vmul.f32 v5, v17;
	[tilespmem:s16+$0x70] =	vst v15  }
0x1c3: {  	[tilespmem:s16+$0xD0] =	vst v6  }
0x1c4: {  	[tilespmem:s16+$0xE0] =	vst v7  }
0x1c5: {  	[tilespmem:s16+$0xC0] =	vst v13  }
0x1c6: {  	[tilespmem:s16+$0xB0] =	vst v10  }
0x1c7: {  	[tilespmem:s16+$0x90] =	vst v12  }
0x1c8: {  	[tilespmem:s16+$0xA0] =	vst v8  }
0x1c9: {  	[tilespmem:s16+$0xF0] =	vst v5  }
0x1ca: {  	[tilespmem:s16+$0x80] =	vst v14  }
0x1cb: {  	[tilespmem:s16+$0x50] =	vst v11;
	s16 =	smov.u32 s7  }
0x1cc: {  	v5 =	vld [tilespmem:s17+$0xFFFFFF10]  }
0x1cd: {  	v6 =	vld [tilespmem:s17+$0xFFFFFF60]  }
0x1ce: {  	v9 =	vld.msk [tilespmem:s18+$0xFFFFFFFF ss:$0x0], $0xffff  }
0x1cf: {  	v7 =	vld [tilespmem:s17+$0xFFFFFFE0]  }
0x1d0: {  	v8 =	vld [tilespmem:s17+$0xFFFFFF00]  }
0x1d1: {  	v10 =	vld.msk [tilespmem:s18+$0xFFFFFFFE ss:$0x0], $0xffff  }
0x1d2: {  	v11 =	vld [tilespmem:s17+$0xFFFFFF70]  }
0x1d3: {  	v12 =	vld [tilespmem:s17+$0xFFFFFF80]  }
0x1d4: {  	v13 =	vld [tilespmem:s17+$0xFFFFFF90]  }
0x1d5: {  	v14 =	vld [tilespmem:s17+$0xFFFFFFA0]  }
0x1d6: {  	v15 =	vld [tilespmem:s17+$0xFFFFFFB0]  }
0x1d7: {  	v17 =	vmul.f32 v8, v10;
	v16 =	vld [tilespmem:s17+$0xFFFFFFC0];
	v18 =	vmul.f32 v11, v10  }
0x1d8: {  	v8 =	vld [tilespmem:s17+$0xFFFFFFD0];
	_ =	sdelay $0x1  }
0x1d9: {  	v11 =	vld [tilespmem:s17+$0xFFFFFF50]  }
0x1da: {  	v19 =	vld [tilespmem:s17+$0xFFFFFFF0]  }
0x1db: {  	v21 =	vmul.f32 v5, v10;
	v22 =	vmul.f32 v6, v10;
	v20 =	vld [tilespmem:s17+$0xFFFFFF40]  }
0x1dc: {  	v25 =	vmul.f32 v7, v9;
	v23 =	vld [tilespmem:s17+$0xFFFFFF30];
	v24 =	vmul.f32 v8, v9  }
0x1dd: {  	v12 =	vmul.f32 v12, v9;
	v5 =	vmul.f32 v16, v9;
	v26 =	vld [tilespmem:s17+$0xFFFFFF20]  }
0x1de: {  	v6 =	vmul.f32 v13, v9;
	v8 =	vmul.f32 v14, v9;
	[tilespmem:s7+$0xFFFFFF10] =	vst v21  }
0x1df: {  	v7 =	vmul.f32 v15, v9;
	v13 =	vmul.f32 v19, v9;
	[tilespmem:s7+$0xFFFFFF60] =	vst v22  }
0x1e0: {  	v9 =	vmul.f32 v11, v10;
	v14 =	vmul.f32 v20, v10;
	[tilespmem:s7+$0xFFFFFFD0] =	vst v24  }
0x1e1: {  	v11 =	vmul.f32 v23, v10;
	[tilespmem:s7+$0xFFFFFFE0] =	vst v25  }
.Ltmp7:
0x1e2: {  	v10 =	vmul.f32 v26, v10;
	[tilespmem:s7+$0xFFFFFF70] =	vst v18;
	(pc) =	sbr.rel @p4 .LBB2_8-.Ltmp7, $4  }
0x1e3: {  	[tilespmem:s7+$0xFFFFFF00] =	vst v17  }
0x1e4: {  	[tilespmem:s7+$0xFFFFFF80] =	vst v12  }
0x1e5: {  	[tilespmem:s7+$0xFFFFFF40] =	vst v14  }
0x1e6: {  	s7 =	sadd.s32 $0x200, s7;
	[tilespmem:s16+$0xFFFFFFF0] =	vst v13  }
0x1e7: {  	[tilespmem:s16+$0xFFFFFF30] =	vst v11  }
0x1e8: {  	[tilespmem:s16+$0xFFFFFFA0] =	vst v8  }
0x1e9: {  	[tilespmem:s16+$0xFFFFFF20] =	vst v10  }
0x1ea: {  	[tilespmem:s16+$0xFFFFFF90] =	vst v6  }
0x1eb: {  	[tilespmem:s16+$0xFFFFFFC0] =	vst v5  }
0x1ec: {  	[tilespmem:s16+$0xFFFFFF50] =	vst v9  }
0x1ed: {  	[tilespmem:s16+$0xFFFFFFB0] =	vst v7  }
0x1ee: {  	v5 =	vld [tilespmem:s19+$0xF0]  }
0x1ef: {  	v6 =	vld [tilespmem:s19+$0x10]  }
0x1f0: {  	v7 =	vld [tilespmem:s19+$0xE0]  }
0x1f1: {  	v8 =	vld [tilespmem:s19+$0xA0]  }
0x1f2: {  	v9 =	vld [tilespmem:s19+$0xD0]  }
0x1f3: {  	v10 =	vld [tilespmem:s19+$0xB0]  }
0x1f4: {  	v11 =	vld [tilespmem:s19+$0x50]  }
0x1f5: {  	v12 =	vld [tilespmem:s19+$0x90]  }
0x1f6: {  	v13 =	vld [tilespmem:s19+$0xC0]  }
0x1f7: {  	v15 =	vld.msk [tilespmem:s22+$0x0 ss:$0x0], $0xffff  }
0x1f8: {  	v16 =	vld [tilespmem:s19+$0x0]  }
0x1f9: {  	v14 =	vld [tilespmem:s19+$0x80]  }
0x1fa: {  	v18 =	vld [tilespmem:s19+$0x20]  }
0x1fb: {  	v19 =	vld [tilespmem:s19+$0x30]  }
0x1fc: {  	v21 =	vld [tilespmem:s19+$0x60]  }
0x1fd: {  	v22 =	vld [tilespmem:s19+$0x70];
	v16 =	vmul.f32 v16, v15  }
0x1fe: {  	v17 =	vld.msk [tilespmem:s22+$0x1 ss:$0x0], $0xffff;
	v6 =	vmul.f32 v6, v15  }
0x1ff: {  	v20 =	vld [tilespmem:s19+$0x40];
	v18 =	vmul.f32 v18, v15;
	[tilespmem:s16+$0x0] =	vst v16  }
0x200: {  	v60 =	vmul.f32 v19, v15;
	[tilespmem:s16+$0x10] =	vst v6  }
0x201: {  	v61 =	vmul.f32 v21, v15;
	[tilespmem:s16+$0x20] =	vst v18  }
0x202: {  	v62 =	vmul.f32 v22, v15;
	[tilespmem:s16+$0x30] =	vst v60  }
0x203: {  	v7 =	vmul.f32 v7, v17;
	[tilespmem:s16+$0x60] =	vst v61  }
0x204: {  	v63 =	vmul.f32 v13, v17;
	[tilespmem:s16+$0x70] =	vst v62  }
0x205: {  	v8 =	vmul.f32 v8, v17;
	[tilespmem:s16+$0xE0] =	vst v7  }
0x206: {  	v6 =	vmul.f32 v20, v15;
	[tilespmem:s16+$0xC0] =	vst v63  }
0x207: {  	v5 =	vmul.f32 v5, v17;
	[tilespmem:s16+$0xA0] =	vst v8  }
0x208: {  	[tilespmem:s16+$0x40] =	vst v6;
	v6 =	vmul.f32 v9, v17  }
0x209: {  	v7 =	vmul.f32 v12, v17;
	[tilespmem:s16+$0xF0] =	vst v5  }
0x20a: {  	[tilespmem:s16+$0xD0] =	vst v6;
	v6 =	vmul.f32 v10, v17  }
0x20b: {  	[tilespmem:s16+$0x90] =	vst v7;
	v7 =	vmul.f32 v11, v15  }
0x20c: {  	s7 =	sadd.s32 $0x2, s14;
	[tilespmem:s16+$0xB0] =	vst v6;
	v6 =	vmul.f32 v14, v17  }
0x20d: {  	p4 =	sge.s32 s7, s9;
	[tilespmem:s16+$0x50] =	vst v7  }
0x20e: {  	s7 =	sshll.u32 @!p4 s7, $0x8;
	[tilespmem:s16+$0x80] =	vst v6  }
0x20f: {  	[spmem:s3] =	stream.indirect.scatter.add.f32 [tilespmem:s23], [sflag:$0x5], $0x80, s28, s26, $0xb8;
	[tilespmem:$0x1E988] =	vst v63  }
0x210: {  	s7 =	sshra.s32 @!p4 s7, $0x2  }
0x211: {  	[spmem:s1] =	stream.indirect.scatter.add.f32 [tilespmem:s29], [sflag:$0x7], $0x1, s28, s26, $0xb8;
	[tilespmem:$0x1E988] =	vst v63  }
0x212: {  	v5 =	vld @!p4 [tilespmem:s7+$0x6408];
	_ =	sdelay $0x4  }
0x213: {  	v5 =	vshrl.u32 @!p4 v5, $0xE  }
0x214: {  	[tilespmem:$0x134A8] =	vst @!p4 v5  }
0x215: {  	v5 =	vld @!p4 [tilespmem:s7+$0x6418];
	_ =	sdelay $0x4  }
0x216: {  	v5 =	vshrl.u32 @!p4 v5, $0xE  }
0x217: {  	[tilespmem:$0x134B8] =	vst @!p4 v5  }
0x218: {  	v5 =	vld @!p4 [tilespmem:s7+$0x6428];
	_ =	sdelay $0x4  }
0x219: {  	v5 =	vshrl.u32 @!p4 v5, $0xE  }
0x21a: {  	[tilespmem:$0x134C8] =	vst @!p4 v5  }
0x21b: {  	v5 =	vld @!p4 [tilespmem:s7+$0x6438];
	_ =	sdelay $0x4  }
0x21c: {  	v5 =	vshrl.u32 @!p4 v5, $0xE  }
0x21d: {  	s11 =	simm.s32 @!p4 $0x134A8;
	s16 =	simm.s32 @!p4 $0xB4A8;
	s7 =	simm.s32 @!p4 $0x40;
	[tilespmem:$0x134D8] =	vst @!p4 v5  }
0x21e: {  	[tilespmem:s16], [sflag:$0x1] =	stream.indirect.gather @!p4 [hbm4b:s5+s7], $0x80, s11, s7, $0xb8;
	[tilespmem:$0x1E988] =	vst v63  }
0x21f: {  	s16 =	simm.s32 @!p4 $0x13648  }
0x220: {  	[tilespmem:s16], [sflag:$0x3] =	stream.indirect.gather @!p4 [hbm4b:s6+s7], $0x1, s11, s7, $0xb8;
	[tilespmem:$0x1E988] =	vst v63  }
0x221: {  	p4 =	sge.s32 s15, s9  }
.Ltmp8:
0x222: {  	_ = 	snop;
	(pc) =	sbr.rel @p4 .LBB2_13-.Ltmp8, $1  }
0x223: {  	_ =	sdelay $0x3  }
0x224: {  	s7 =	simm.s32 @!p3 $0x6  }
0x225: {  	_ =	swait.ge @!p3 [sflag:s7], $0x2000  }
0x226: {  	[sflag:s7] =	ssyncset.done @!p3 $0x0  }
0x227: {  	[sflag:s7] =	ssyncadd.s32 @!p3 $0xFFFFE000;
	s7 =	simm.s32 @!p3 $0x8  }
0x228: {  	_ =	swait.ge @!p3 [sflag:s7], $0x40  }
0x229: {  	[sflag:s7] =	ssyncset.done @!p3 $0x0  }
0x22a: {  	[sflag:s7] =	ssyncadd.s32 @!p3 $0xFFFFFFC0  }
0x22b: {  	_ =	swait.ge [sflag:s30], $0x40  }
0x22c: {  	[sflag:s30] =	ssyncset.done $0x0  }
0x22d: {  	s19 =	sshll.u32 s15, $0x6;
	[sflag:s30] =	ssyncadd.s32 $0xFFFFFFC0  }
0x22e: {  	v5 =	vld [tilespmem:s19+$0x6408];
	_ =	sdelay $0x4  }
0x22f: {  	v6 =	vor.u32 s19, v3;
	v5 =	vand.u32 $0x3FFF, v5  }
0x230: {  	vm1 =	vlt.s32 v6, v4;
	v5 =	vsub.s32 v5, v0  }
0x231: {  	v5 =	vnsel vm1, $0x1400, v5;
	_ =	sdelay $0x3  }
0x232: {  	v6 =	vld [tilespmem:$0x13688];
	[tilespmem:$0x13568] =	vst v5  }
0x233: {  	v5 =	vld.idx.msk [tilespmem:v5+s4+$0x0], $0xffff;
	_ =	sdelay $0x4  }
0x234: {  	v5 =	vadd.f32 v6, v5;
	_ =	sdelay $0x1  }
0x235: {  	v6 =	vmul.f32 $2.000000030e-01, v5  }
0x236: {  	vm1 =	vge.f32 v5, $0.0e+00  }
0x237: {  	v5 =	vsel vm1, v5, v6  }
0x238: {  	v5 =	vmul.f32 $1.442695020e+00, v5;
	_ =	sdelay $0x1  }
0x239: {  	(erf) = vpow2.f32 v5;
	_ =	sdelay $0x8  }
0x23a: {  	v5 =	vpop (erf)  }
0x23b: {  	[tilespmem:$0x135F8] =	vst v5  }
0x23c: {  	v5 =	vld [tilespmem:s19+$0x6418];
	_ =	sdelay $0x3  }
0x23d: {  	s11 =	sor.u32 $0x10, s19  }
0x23e: {  	v6 =	vor.u32 s11, v3;
	v5 =	vand.u32 $0x3FFF, v5  }
0x23f: {  	vm1 =	vlt.s32 v6, v4;
	v5 =	vsub.s32 v5, v0  }
0x240: {  	v5 =	vnsel vm1, $0x1400, v5;
	_ =	sdelay $0x3  }
0x241: {  	v6 =	vld [tilespmem:$0x13698];
	[tilespmem:$0x13578] =	vst v5  }
0x242: {  	v5 =	vld.idx.msk [tilespmem:v5+s4+$0x0], $0xffff;
	_ =	sdelay $0x4  }
0x243: {  	v5 =	vadd.f32 v6, v5;
	_ =	sdelay $0x1  }
0x244: {  	v6 =	vmul.f32 $2.000000030e-01, v5  }
0x245: {  	vm1 =	vge.f32 v5, $0.0e+00  }
0x246: {  	v5 =	vsel vm1, v5, v6  }
0x247: {  	v5 =	vmul.f32 $1.442695020e+00, v5;
	_ =	sdelay $0x1  }
0x248: {  	(erf) = vpow2.f32 v5;
	_ =	sdelay $0x8  }
0x249: {  	v5 =	vpop (erf)  }
0x24a: {  	[tilespmem:$0x13608] =	vst v5  }
0x24b: {  	v5 =	vld [tilespmem:s19+$0x6428];
	_ =	sdelay $0x3  }
0x24c: {  	s22 =	sor.u32 $0x20, s19  }
0x24d: {  	v6 =	vor.u32 s22, v3;
	v5 =	vand.u32 $0x3FFF, v5  }
0x24e: {  	vm1 =	vlt.s32 v6, v4;
	v5 =	vsub.s32 v5, v0  }
0x24f: {  	v5 =	vnsel vm1, $0x1400, v5;
	_ =	sdelay $0x3  }
0x250: {  	v6 =	vld [tilespmem:$0x136A8];
	[tilespmem:$0x13588] =	vst v5  }
0x251: {  	v5 =	vld.idx.msk [tilespmem:v5+s4+$0x0], $0xffff;
	_ =	sdelay $0x4  }
0x252: {  	v5 =	vadd.f32 v6, v5;
	_ =	sdelay $0x1  }
0x253: {  	v6 =	vmul.f32 $2.000000030e-01, v5  }
0x254: {  	vm1 =	vge.f32 v5, $0.0e+00  }
0x255: {  	v5 =	vsel vm1, v5, v6  }
0x256: {  	v5 =	vmul.f32 $1.442695020e+00, v5;
	_ =	sdelay $0x1  }
0x257: {  	(erf) = vpow2.f32 v5;
	_ =	sdelay $0x8  }
0x258: {  	v5 =	vpop (erf)  }
0x259: {  	[tilespmem:$0x13618] =	vst v5  }
0x25a: {  	v5 =	vld [tilespmem:s19+$0x6438];
	_ =	sdelay $0x3  }
0x25b: {  	s7 =	sor.u32 $0x30, s19  }
0x25c: {  	v6 =	vor.u32 s7, v3;
	v5 =	vand.u32 $0x3FFF, v5  }
0x25d: {  	vm1 =	vlt.s32 v6, v4;
	v5 =	vsub.s32 v5, v0  }
0x25e: {  	v5 =	vnsel vm1, $0x1400, v5;
	_ =	sdelay $0x3  }
0x25f: {  	v6 =	vld [tilespmem:$0x136B8];
	[tilespmem:$0x13598] =	vst v5  }
0x260: {  	v5 =	vld.idx.msk [tilespmem:v5+s4+$0x0], $0xffff;
	_ =	sdelay $0x4  }
0x261: {  	v5 =	vadd.f32 v6, v5;
	_ =	sdelay $0x1  }
0x262: {  	v6 =	vmul.f32 $2.000000030e-01, v5  }
0x263: {  	vm1 =	vge.f32 v5, $0.0e+00  }
0x264: {  	v5 =	vsel vm1, v5, v6  }
0x265: {  	v5 =	vmul.f32 $1.442695020e+00, v5;
	_ =	sdelay $0x1  }
0x266: {  	(erf) = vpow2.f32 v5;
	_ =	sdelay $0x8  }
0x267: {  	v5 =	vpop (erf)  }
0x268: {  	[tilespmem:$0x13628] =	vst v5  }
0x269: {  	_ =	swait.ge [sflag:s31], $0x2000  }
0x26a: {  	[sflag:s31] =	ssyncset.done $0x0  }
0x26b: {  	s16 =	simm.s32 $0xD698;
	[sflag:s31] =	ssyncadd.s32 $0xFFFFE000  }
0x26c: {  	v5 =	vld [tilespmem:s16+$0xFFFFFE20]  }
0x26d: {  	s17 =	simm.s32 $0x135FA;
	v6 =	vld [tilespmem:s16+$0xFFFFFE70]  }
0x26e: {  	v7 =	vld.msk [tilespmem:s17+$0xFFFFFFFF ss:$0x0], $0xffff  }
0x26f: {  	v8 =	vld [tilespmem:s16+$0xFFFFFEF0]  }
0x270: {  	v9 =	vld [tilespmem:s16+$0xFFFFFE10]  }
0x271: {  	v10 =	vld.msk [tilespmem:s17+$0xFFFFFFFE ss:$0x0], $0xffff  }
0x272: {  	v11 =	vld [tilespmem:s16+$0xFFFFFE80]  }
0x273: {  	v12 =	vld [tilespmem:s16+$0xFFFFFE90]  }
0x274: {  	v13 =	vld [tilespmem:s16+$0xFFFFFEA0]  }
0x275: {  	v14 =	vld [tilespmem:s16+$0xFFFFFEB0]  }
0x276: {  	v15 =	vld [tilespmem:s16+$0xFFFFFEC0]  }
0x277: {  	v16 =	vld [tilespmem:s16+$0xFFFFFED0]  }
0x278: {  	v17 =	vld [tilespmem:s16+$0xFFFFFEE0]  }
0x279: {  	v19 =	vld [tilespmem:s16+$0xFFFFFF00]  }
0x27a: {  	v18 =	vld [tilespmem:s16+$0xFFFFFE60]  }
0x27b: {  	v20 =	vld [tilespmem:s16+$0xFFFFFE50];
	v5 =	vmul.f32 v5, v10  }
0x27c: {  	s15 =	simm.s32 $0x11698;
	v21 =	vld [tilespmem:s16+$0xFFFFFE40];
	v6 =	vmul.f32 v6, v10  }
0x27d: {  	v22 =	vld [tilespmem:s16+$0xFFFFFE30];
	v17 =	vmul.f32 v17, v7;
	[tilespmem:s15+$0xFFFFFE20] =	vst v5  }
0x27e: {  	v63 =	vmul.f32 v19, v7;
	[tilespmem:s15+$0xFFFFFE70] =	vst v6  }
0x27f: {  	v5 =	vmul.f32 v8, v7;
	[tilespmem:s15+$0xFFFFFEE0] =	vst v17  }
0x280: {  	v6 =	vmul.f32 v11, v10;
	[tilespmem:s15+$0xFFFFFF00] =	vst v63  }
0x281: {  	v8 =	vmul.f32 v9, v10;
	v9 =	vmul.f32 v12, v7;
	[tilespmem:s15+$0xFFFFFEF0] =	vst v5  }
0x282: {  	v11 =	vmul.f32 v20, v10;
	v5 =	vmul.f32 v16, v7;
	[tilespmem:s15+$0xFFFFFE80] =	vst v6  }
0x283: {  	v6 =	vmul.f32 v13, v7;
	[tilespmem:s15+$0xFFFFFE10] =	vst v8;
	v8 =	vmul.f32 v14, v7  }
0x284: {  	s18 =	simm.s32 $0x135FA;
	v7 =	vmul.f32 v15, v7;
	[tilespmem:s15+$0xFFFFFE50] =	vst v11;
	v11 =	vmul.f32 v21, v10  }
0x285: {  	s11 =	simm.s32 $0x0;
	s7 =	simm.s32 $0xD898;
	s19 =	simm.s32 $0x11698;
	[tilespmem:s15+$0xFFFFFE90] =	vst v9;
	v9 =	vmul.f32 v18, v10;
	v10 =	vmul.f32 v22, v10  }
.LBB2_11:
0x286: {  	s11 =	sadd.s32 $0x2, s11;
	[tilespmem:s15+$0xFFFFFE40] =	vst v11;
	s17 =	sadd.s32 $0x4, s17;
	s19 =	sadd.s32 $0x200, s19  }
0x287: {  	p3 =	slt.u32 s11, $0x1E;
	[tilespmem:s15+$0xFFFFFEB0] =	vst v8  }
0x288: {  	[tilespmem:s15+$0xFFFFFE30] =	vst v10  }
0x289: {  	[tilespmem:s15+$0xFFFFFEA0] =	vst v6  }
0x28a: {  	[tilespmem:s15+$0xFFFFFED0] =	vst v5  }
0x28b: {  	[tilespmem:s15+$0xFFFFFE60] =	vst v9  }
0x28c: {  	[tilespmem:s15+$0xFFFFFEC0] =	vst v7  }
0x28d: {  	v5 =	vld [tilespmem:s16+$0x0]  }
0x28e: {  	v6 =	vld [tilespmem:s16+$0xFFFFFF20]  }
0x28f: {  	v7 =	vld [tilespmem:s16+$0xFFFFFFF0]  }
0x290: {  	v8 =	vld [tilespmem:s16+$0xFFFFFFB0]  }
0x291: {  	v9 =	vld [tilespmem:s16+$0xFFFFFFE0]  }
0x292: {  	v10 =	vld [tilespmem:s16+$0xFFFFFFC0]  }
0x293: {  	v11 =	vld [tilespmem:s16+$0xFFFFFF60]  }
0x294: {  	v12 =	vld [tilespmem:s16+$0xFFFFFFA0]  }
0x295: {  	v13 =	vld [tilespmem:s16+$0xFFFFFFD0]  }
0x296: {  	v14 =	vld [tilespmem:s16+$0xFFFFFF90]  }
0x297: {  	v15 =	vld.msk [tilespmem:s18+$0x0 ss:$0x0], $0xffff  }
0x298: {  	v16 =	vld [tilespmem:s16+$0xFFFFFF10]  }
0x299: {  	v17 =	vld.msk [tilespmem:s18+$0x1 ss:$0x0], $0xffff;
	s18 =	smov.u32 s17  }
0x29a: {  	v18 =	vld [tilespmem:s16+$0xFFFFFF30]  }
0x29b: {  	v19 =	vld [tilespmem:s16+$0xFFFFFF40]  }
0x29c: {  	v20 =	vld [tilespmem:s16+$0xFFFFFF50]  }
0x29d: {  	v11 =	vmul.f32 v11, v15;
	v21 =	vld [tilespmem:s16+$0xFFFFFF70];
	v16 =	vmul.f32 v16, v15  }
0x29e: {  	v6 =	vmul.f32 v6, v15;
	v22 =	vld [tilespmem:s16+$0xFFFFFF80];
	s16 =	smov.u32 s7  }
0x29f: {  	v14 =	vmul.f32 v14, v17;
	v18 =	vmul.f32 v18, v15;
	[tilespmem:s15+$0xFFFFFF10] =	vst v16  }
0x2a0: {  	v12 =	vmul.f32 v12, v17;
	v16 =	vmul.f32 v19, v15;
	[tilespmem:s15+$0xFFFFFF20] =	vst v6  }
0x2a1: {  	v8 =	vmul.f32 v8, v17;
	v6 =	vmul.f32 v20, v15;
	[tilespmem:s15+$0xFFFFFF30] =	vst v18  }
0x2a2: {  	v10 =	vmul.f32 v10, v17;
	v18 =	vmul.f32 v21, v15;
	[tilespmem:s15+$0xFFFFFF40] =	vst v16  }
0x2a3: {  	v13 =	vmul.f32 v13, v17;
	v15 =	vmul.f32 v22, v15;
	[tilespmem:s15+$0xFFFFFF50] =	vst v6  }
0x2a4: {  	v7 =	vmul.f32 v7, v17;
	v6 =	vmul.f32 v9, v17;
	[tilespmem:s15+$0xFFFFFF70] =	vst v18  }
0x2a5: {  	v5 =	vmul.f32 v5, v17;
	[tilespmem:s15+$0xFFFFFF80] =	vst v15  }
0x2a6: {  	[tilespmem:s15+$0xFFFFFFE0] =	vst v6  }
0x2a7: {  	[tilespmem:s15+$0xFFFFFFF0] =	vst v7  }
0x2a8: {  	[tilespmem:s15+$0xFFFFFFD0] =	vst v13  }
0x2a9: {  	[tilespmem:s15+$0xFFFFFFC0] =	vst v10  }
0x2aa: {  	[tilespmem:s15+$0xFFFFFFA0] =	vst v12  }
0x2ab: {  	[tilespmem:s15+$0xFFFFFFB0] =	vst v8  }
0x2ac: {  	[tilespmem:s15+$0x0] =	vst v5  }
0x2ad: {  	[tilespmem:s15+$0xFFFFFF90] =	vst v14  }
0x2ae: {  	[tilespmem:s15+$0xFFFFFF60] =	vst v11;
	s15 =	smov.u32 s19  }
0x2af: {  	v5 =	vld [tilespmem:s7+$0xFFFFFE20]  }
0x2b0: {  	v6 =	vld [tilespmem:s7+$0xFFFFFE70]  }
0x2b1: {  	v9 =	vld.msk [tilespmem:s17+$0xFFFFFFFF ss:$0x0], $0xffff  }
0x2b2: {  	v7 =	vld [tilespmem:s7+$0xFFFFFEF0]  }
0x2b3: {  	v8 =	vld [tilespmem:s7+$0xFFFFFE10]  }
0x2b4: {  	v10 =	vld.msk [tilespmem:s17+$0xFFFFFFFE ss:$0x0], $0xffff  }
0x2b5: {  	v11 =	vld [tilespmem:s7+$0xFFFFFE80]  }
0x2b6: {  	v12 =	vld [tilespmem:s7+$0xFFFFFE90]  }
0x2b7: {  	v13 =	vld [tilespmem:s7+$0xFFFFFEA0]  }
0x2b8: {  	v14 =	vld [tilespmem:s7+$0xFFFFFEB0]  }
0x2b9: {  	v15 =	vld [tilespmem:s7+$0xFFFFFEC0]  }
0x2ba: {  	v17 =	vmul.f32 v8, v10;
	v16 =	vld [tilespmem:s7+$0xFFFFFED0];
	v18 =	vmul.f32 v11, v10  }
0x2bb: {  	v8 =	vld [tilespmem:s7+$0xFFFFFEE0];
	_ =	sdelay $0x1  }
0x2bc: {  	v11 =	vld [tilespmem:s7+$0xFFFFFE60]  }
0x2bd: {  	v19 =	vld [tilespmem:s7+$0xFFFFFF00]  }
0x2be: {  	v21 =	vmul.f32 v5, v10;
	v22 =	vmul.f32 v6, v10;
	v20 =	vld [tilespmem:s7+$0xFFFFFE50]  }
0x2bf: {  	v25 =	vmul.f32 v7, v9;
	v23 =	vld [tilespmem:s7+$0xFFFFFE40];
	v24 =	vmul.f32 v8, v9  }
0x2c0: {  	v12 =	vmul.f32 v12, v9;
	v5 =	vmul.f32 v16, v9;
	v26 =	vld [tilespmem:s7+$0xFFFFFE30]  }
0x2c1: {  	v6 =	vmul.f32 v13, v9;
	v8 =	vmul.f32 v14, v9;
	[tilespmem:s19+$0xFFFFFE20] =	vst v21  }
0x2c2: {  	v7 =	vmul.f32 v15, v9;
	v13 =	vmul.f32 v19, v9;
	[tilespmem:s19+$0xFFFFFE70] =	vst v22  }
0x2c3: {  	v9 =	vmul.f32 v11, v10;
	v14 =	vmul.f32 v20, v10;
	[tilespmem:s19+$0xFFFFFEE0] =	vst v24  }
0x2c4: {  	v11 =	vmul.f32 v23, v10;
	[tilespmem:s19+$0xFFFFFEF0] =	vst v25  }
.Ltmp9:
0x2c5: {  	v10 =	vmul.f32 v26, v10;
	[tilespmem:s19+$0xFFFFFE80] =	vst v18;
	(pc) =	sbr.rel @p3 .LBB2_11-.Ltmp9, $4  }
0x2c6: {  	[tilespmem:s19+$0xFFFFFE10] =	vst v17  }
0x2c7: {  	[tilespmem:s19+$0xFFFFFE90] =	vst v12  }
0x2c8: {  	[tilespmem:s19+$0xFFFFFE50] =	vst v14  }
0x2c9: {  	s7 =	sadd.s32 $0x200, s7;
	[tilespmem:s19+$0xFFFFFF00] =	vst v13  }
0x2ca: {  	[tilespmem:s15+$0xFFFFFE40] =	vst v11  }
0x2cb: {  	[tilespmem:s15+$0xFFFFFEB0] =	vst v8  }
0x2cc: {  	[tilespmem:s15+$0xFFFFFE30] =	vst v10  }
0x2cd: {  	[tilespmem:s15+$0xFFFFFEA0] =	vst v6  }
0x2ce: {  	[tilespmem:s15+$0xFFFFFED0] =	vst v5  }
0x2cf: {  	[tilespmem:s15+$0xFFFFFE60] =	vst v9  }
0x2d0: {  	[tilespmem:s15+$0xFFFFFEC0] =	vst v7  }
0x2d1: {  	v5 =	vld [tilespmem:s16+$0x0]  }
0x2d2: {  	v6 =	vld [tilespmem:s16+$0xFFFFFF20]  }
0x2d3: {  	v7 =	vld [tilespmem:s16+$0xFFFFFFF0]  }
0x2d4: {  	v8 =	vld [tilespmem:s16+$0xFFFFFFB0]  }
0x2d5: {  	v9 =	vld [tilespmem:s16+$0xFFFFFFE0]  }
0x2d6: {  	v10 =	vld [tilespmem:s16+$0xFFFFFFC0]  }
0x2d7: {  	v11 =	vld [tilespmem:s16+$0xFFFFFF60]  }
0x2d8: {  	v12 =	vld [tilespmem:s16+$0xFFFFFFA0]  }
0x2d9: {  	v13 =	vld [tilespmem:s16+$0xFFFFFFD0]  }
0x2da: {  	v15 =	vld.msk [tilespmem:s18+$0x0 ss:$0x0], $0xffff  }
0x2db: {  	v16 =	vld [tilespmem:s16+$0xFFFFFF10]  }
0x2dc: {  	v14 =	vld [tilespmem:s16+$0xFFFFFF90]  }
0x2dd: {  	v18 =	vld [tilespmem:s16+$0xFFFFFF30]  }
0x2de: {  	v19 =	vld [tilespmem:s16+$0xFFFFFF40]  }
0x2df: {  	v21 =	vld [tilespmem:s16+$0xFFFFFF70]  }
0x2e0: {  	v22 =	vld [tilespmem:s16+$0xFFFFFF80];
	v16 =	vmul.f32 v16, v15  }
0x2e1: {  	v17 =	vld.msk [tilespmem:s18+$0x1 ss:$0x0], $0xffff;
	v6 =	vmul.f32 v6, v15  }
0x2e2: {  	v20 =	vld [tilespmem:s16+$0xFFFFFF50];
	v18 =	vmul.f32 v18, v15;
	[tilespmem:s15+$0xFFFFFF10] =	vst v16  }
0x2e3: {  	v60 =	vmul.f32 v19, v15;
	[tilespmem:s15+$0xFFFFFF20] =	vst v6  }
0x2e4: {  	v61 =	vmul.f32 v21, v15;
	[tilespmem:s15+$0xFFFFFF30] =	vst v18  }
0x2e5: {  	v62 =	vmul.f32 v22, v15;
	[tilespmem:s15+$0xFFFFFF40] =	vst v60  }
0x2e6: {  	v7 =	vmul.f32 v7, v17;
	[tilespmem:s15+$0xFFFFFF70] =	vst v61  }
0x2e7: {  	v63 =	vmul.f32 v13, v17;
	[tilespmem:s15+$0xFFFFFF80] =	vst v62  }
0x2e8: {  	v8 =	vmul.f32 v8, v17;
	[tilespmem:s15+$0xFFFFFFF0] =	vst v7  }
0x2e9: {  	v6 =	vmul.f32 v20, v15;
	[tilespmem:s15+$0xFFFFFFD0] =	vst v63  }
0x2ea: {  	v5 =	vmul.f32 v5, v17;
	[tilespmem:s15+$0xFFFFFFB0] =	vst v8  }
0x2eb: {  	[tilespmem:s15+$0xFFFFFF50] =	vst v6;
	v6 =	vmul.f32 v9, v17  }
0x2ec: {  	v7 =	vmul.f32 v12, v17;
	[tilespmem:s15+$0x0] =	vst v5  }
0x2ed: {  	[tilespmem:s15+$0xFFFFFFE0] =	vst v6;
	v6 =	vmul.f32 v10, v17  }
0x2ee: {  	[tilespmem:s15+$0xFFFFFFA0] =	vst v7;
	v7 =	vmul.f32 v11, v15  }
0x2ef: {  	s7 =	sadd.s32 $0x3, s14;
	[tilespmem:s15+$0xFFFFFFC0] =	vst v6;
	v6 =	vmul.f32 v14, v17  }
0x2f0: {  	p3 =	sge.s32 s7, s9;
	[tilespmem:s15+$0xFFFFFF60] =	vst v7  }
0x2f1: {  	s7 =	sshll.u32 @!p3 s7, $0x8;
	[tilespmem:s15+$0xFFFFFF90] =	vst v6  }
0x2f2: {  	[spmem:s3] =	stream.indirect.scatter.add.f32 [tilespmem:s21], [sflag:$0x6], $0x80, s0, s26, $0xb8;
	[tilespmem:$0x1E988] =	vst v63  }
0x2f3: {  	s7 =	sshra.s32 @!p3 s7, $0x2  }
0x2f4: {  	[spmem:s1] =	stream.indirect.scatter.add.f32 [tilespmem:s2], [sflag:$0x8], $0x1, s0, s26, $0xb8;
	[tilespmem:$0x1E988] =	vst v63  }
0x2f5: {  	v5 =	vld @!p3 [tilespmem:s7+$0x6408];
	_ =	sdelay $0x4  }
0x2f6: {  	v5 =	vshrl.u32 @!p3 v5, $0xE  }
0x2f7: {  	[tilespmem:$0x134E8] =	vst @!p3 v5  }
0x2f8: {  	v5 =	vld @!p3 [tilespmem:s7+$0x6418];
	_ =	sdelay $0x4  }
0x2f9: {  	v5 =	vshrl.u32 @!p3 v5, $0xE  }
0x2fa: {  	[tilespmem:$0x134F8] =	vst @!p3 v5  }
0x2fb: {  	v5 =	vld @!p3 [tilespmem:s7+$0x6428];
	_ =	sdelay $0x4  }
0x2fc: {  	v5 =	vshrl.u32 @!p3 v5, $0xE  }
0x2fd: {  	[tilespmem:$0x13508] =	vst @!p3 v5  }
0x2fe: {  	v5 =	vld @!p3 [tilespmem:s7+$0x6438];
	_ =	sdelay $0x4  }
.Ltmp10:
0x2ff: {  	v5 =	vshrl.u32 @!p3 v5, $0xE;
	(pc) =	sbr.rel .LBB2_13-.Ltmp10, $4  }
0x300: {  	s11 =	simm.s32 @!p3 $0x134E8;
	s14 =	simm.s32 @!p3 $0xD4A8;
	s7 =	simm.s32 @!p3 $0x40;
	[tilespmem:$0x13518] =	vst @!p3 v5  }
0x301: {  	[tilespmem:s14], [sflag:$0x2] =	stream.indirect.gather @!p3 [hbm4b:s5+s7], $0x80, s11, s7, $0xb8;
	[tilespmem:$0x1E988] =	vst v63  }
0x302: {  	s14 =	simm.s32 @!p3 $0x13688  }
0x303: {  	[tilespmem:s14], [sflag:$0x4] =	stream.indirect.gather @!p3 [hbm4b:s6+s7], $0x1, s11, s7, $0xb8;
	[tilespmem:$0x1E988] =	vst v63  }
.LBB2_15:
0x304: {  	_ =	sfence.sel $0x180000  }
0x305: {  	[bflag:$0x0] =	sbarrier.arrive $0xFFFF  }
0x306: {  	_ =	strace $0x90000047  }
0x307: {  	s0 =	stileid.u32;
	[bflag:$0x2] =	sbarrier.arrive $0xFFFF  }
0x308: {  	p0 =	sne.s32 s0, $0x0;
	s0 =	rddreg [dreg:$0x4]  }
0x309: {  	s0 =	sadd.s32 @!p0 $0x100000, s0  }
0x30a: {  	[sflag:s0] =	ssyncadd.tile.s32 @!p0 $0x1;
	_ =	shalt  }
.Lfunc_end2:
_tile_overlayer_lowered:
.L_overlay_start_2:
0x30b: {  	(tag) =	ssettag $0x2  }
0x30c: {  	s0 =	rddreg [dreg:$0x0];
	s2 =	stileid.u32  }
0x30d: {  	s1 =	rddreg [dreg:$0x1];
	p0 =	sne.s32 s2, $0x0  }
0x30e: {  	s3 =	rddreg [dreg:$0x2];
	[bflag:$0x3] =	sbarrier.arrive $0xFFFF;
	s2 =	simm.s32 @!p0 $0x1C09  }
0x30f: {  	[timem:s3], [sflag:s2] =	dma.local @!p0 [hbm:s0], s1  }
0x310: {  	s0 =	simm.s32 @!p0 $0x9  }
0x311: {  	_ =	swait.ge @!p0 [sflag:s0], s1  }
0x312: {  	s1 =	ssub.s32 @!p0 $0x0, s1;
	[sflag:s0] =	ssyncset.done @!p0 $0x0  }
0x313: {  	[sflag:s0] =	ssyncadd.s32 @!p0 s1  }
0x314: {  	[bflag:$0x3] =	sbarrier.arrive $0xFFFF  }
0x315: {  	_ =	shalt  }

</sc_bundles>
